<compile_context>
chip_gen: v7x
topology: tpu7x:2x2x1
jax: 0.10.2.dev20260603
libtpu: 0.0.44.dev20260713+nightly
codegen_flags: <defaults>
</compile_context>

<pallas_src>
import functools

import jax
import jax.numpy as jnp
from jax import lax
from jax.experimental import pallas as pl
from jax.experimental.pallas import tpu as pltpu
from jax.experimental.pallas import tpu_sc as plsc

N = 10000
E = 640000
T = 4
D_IN = 64
H = 32
XD = T * H
F = 64
FLAT_D = 64

NB = 10
BN = N // NB

NTILES = 32
EPT = E // NTILES
K = 80
NW = EPT // K
NPAD = 10240
RPT = NPAD // 16
DPT = NPAD // 16


def _tc1_body(x_ref, flat_ref, wih_ref, whh_ref, b_ref, wn_ref, ws_ref,
              wfcf_ref, wfcl_ref, bfc_ref, wlo_ref, blo_ref,
              u_ref, s_ref, p_ref, ylstm_ref):
    x = x_ref[...]
    h = jnp.zeros((BN, H), jnp.float32)
    c = jnp.zeros((BN, H), jnp.float32)
    hs = []
    for t in range(T):
        z = (jnp.dot(x[:, t * D_IN:(t + 1) * D_IN], wih_ref[...],
                     preferred_element_type=jnp.float32)
             + jnp.dot(h, whh_ref[...], preferred_element_type=jnp.float32)
             + b_ref[...])
        i = jax.nn.sigmoid(z[:, 0:H])
        f = jax.nn.sigmoid(z[:, H:2 * H])
        g = jnp.tanh(z[:, 2 * H:3 * H])
        o = jax.nn.sigmoid(z[:, 3 * H:4 * H])
        c = f * c + i * g
        h = o * jnp.tanh(c)
        hs.append(h)
    xf = jnp.concatenate(hs, axis=1)
    last = hs[-1]
    u_ref[...] = jnp.dot(xf, wn_ref[...], preferred_element_type=jnp.float32)
    s_ref[...] = jnp.dot(xf, ws_ref[...], preferred_element_type=jnp.float32)
    p_ref[...] = (jnp.dot(flat_ref[...], wfcf_ref[...],
                          preferred_element_type=jnp.float32)
                  + jnp.dot(last, wfcl_ref[...],
                            preferred_element_type=jnp.float32)
                  + bfc_ref[...])
    ylstm_ref[...] = jax.nn.sigmoid(
        jnp.dot(last, wlo_ref[...], preferred_element_type=jnp.float32)
        + blo_ref[...])


def _tc1(x2, flat, wih_t, whh_t, b2, w_neigh, w_self, wfc_f, wfc_l, bfc2,
         w_lo, blo2):
    full = lambda shape: pl.BlockSpec(shape, lambda i: tuple(0 for _ in shape))
    return pl.pallas_call(
        _tc1_body,
        grid=(NB,),
        in_specs=[
            pl.BlockSpec((BN, T * D_IN), lambda i: (i, 0)),
            pl.BlockSpec((BN, FLAT_D), lambda i: (i, 0)),
            full((D_IN, 4 * H)),
            full((H, 4 * H)),
            full((1, 4 * H)),
            full((XD, F)),
            full((XD, F)),
            full((FLAT_D, 1)),
            full((H, 1)),
            full((1, 1)),
            full((H, 1)),
            full((1, 1)),
        ],
        out_specs=[
            pl.BlockSpec((BN, F), lambda i: (i, 0)),
            pl.BlockSpec((BN, F), lambda i: (i, 0)),
            pl.BlockSpec((BN, 1), lambda i: (i, 0)),
            pl.BlockSpec((BN, 1), lambda i: (i, 0)),
        ],
        out_shape=[
            jax.ShapeDtypeStruct((N, F), jnp.float32),
            jax.ShapeDtypeStruct((N, F), jnp.float32),
            jax.ShapeDtypeStruct((N, 1), jnp.float32),
            jax.ShapeDtypeStruct((N, 1), jnp.float32),
        ],
    )(x2, flat, wih_t, whh_t, b2, w_neigh, w_self, wfc_f, wfc_l, bfc2,
      w_lo, blo2)


def _sc_body(u_hbm, src_hbm, dst_hbm, w_hbm, zf_hbm, zd_hbm,
             acc_out, deg_out,
             src_t, dst_t, w_t, gbuf,
             acc_sp, deg_sp):
    cid = lax.axis_index("c")
    sid = lax.axis_index("s")
    tid = cid * 16 + sid

    pltpu.sync_copy(zf_hbm.at[pl.ds(sid * RPT, RPT)],
                    acc_sp.at[pl.ds(sid * RPT, RPT)])
    pltpu.sync_copy(zd_hbm.at[pl.ds(sid * DPT, DPT)],
                    deg_sp.at[pl.ds(sid * DPT, DPT)])
    pltpu.sync_copy(src_hbm.at[tid], src_t)
    pltpu.sync_copy(dst_hbm.at[tid], dst_t)
    pltpu.sync_copy(w_hbm.at[tid], w_t)
    plsc.subcore_barrier()

    @pl.loop(0, NW)
    def _window(j):
        pltpu.sync_copy(u_hbm.at[src_t.at[j]], gbuf)
        jk = j * K
        for g in range(K // 16):
            w16 = w_t[pl.ds(jk + g * 16, 16)]
            for l in range(16):
                e = g * 16 + l
                wb = lax.gather(
                    w16, jnp.full((16, 1), l, jnp.int32),
                    lax.GatherDimensionNumbers(
                        offset_dims=(), collapsed_slice_dims=(0,),
                        start_index_map=(0,)),
                    (1,), mode=lax.GatherScatterMode.PROMISE_IN_BOUNDS)
                for q in range(F // 16):
                    sl = pl.ds(q * 16, 16)
                    gbuf[e, sl] = gbuf[e, sl] * wb
        pltpu.sync_copy(gbuf, acc_sp.at[dst_t.at[j]], add=True)
        pltpu.sync_copy(w_t.at[pl.ds(jk, K)], deg_sp.at[dst_t.at[j]],
                        add=True)

    plsc.subcore_barrier()
    pltpu.sync_copy(acc_sp.at[pl.ds(sid * RPT, RPT)],
                    acc_out.at[cid, pl.ds(sid * RPT, RPT)])
    pltpu.sync_copy(deg_sp.at[pl.ds(sid * DPT, DPT)],
                    deg_out.at[cid, pl.ds(sid * DPT, DPT)])


@functools.partial(jax.jit, static_argnums=())
def _sc_seg(u, src_r, dst_r, w_r, zf, zd):
    return pl.kernel(
        _sc_body,
        out_type=[
            jax.ShapeDtypeStruct((2, NPAD, F), jnp.float32),
            jax.ShapeDtypeStruct((2, NPAD), jnp.float32),
        ],
        mesh=plsc.VectorSubcoreMesh(core_axis_name="c", subcore_axis_name="s"),
        compiler_params=pltpu.CompilerParams(use_tc_tiling_on_sc=False),
        scratch_types=[
            pltpu.VMEM((NW, K), jnp.int32),
            pltpu.VMEM((NW, K), jnp.int32),
            pltpu.VMEM((EPT,), jnp.float32),
            pltpu.VMEM((K, F), jnp.float32),
            pltpu.VMEM_SHARED((NPAD, F), jnp.float32),
            pltpu.VMEM_SHARED((NPAD,), jnp.float32),
        ],
    )(u, src_r, dst_r, w_r, zf, zd)


def _tc2_body(s_ref, acc_ref, deg_ref, p_ref, bg_ref, wh_ref, y_ref):
    d = jnp.clip(deg_ref[0] + deg_ref[1], 1e-6, None)
    agg = (acc_ref[0] + acc_ref[1]) / d
    hg = jnp.maximum(s_ref[...] + agg + bg_ref[...], 0.0)
    y_ref[...] = jax.nn.sigmoid(
        jnp.dot(hg, wh_ref[...], preferred_element_type=jnp.float32)
        + p_ref[...])


def _tc2(s, acc, deg, p, bg2, wfc_h):
    return pl.pallas_call(
        _tc2_body,
        grid=(NB,),
        in_specs=[
            pl.BlockSpec((BN, F), lambda i: (i, 0)),
            pl.BlockSpec((2, BN, F), lambda i: (0, i, 0)),
            pl.BlockSpec((2, BN, 1), lambda i: (0, i, 0)),
            pl.BlockSpec((BN, 1), lambda i: (i, 0)),
            pl.BlockSpec((1, F), lambda i: (0, 0)),
            pl.BlockSpec((F, 1), lambda i: (0, 0)),
        ],
        out_specs=pl.BlockSpec((BN, 1), lambda i: (i, 0)),
        out_shape=jax.ShapeDtypeStruct((N, 1), jnp.float32),
    )(s, acc, deg, p, bg2, wfc_h)


def kernel(x, flat, adjs, batch_size, edge_weight, Wih, Whh, b_lstm,
           W_self, W_neigh, b_gnn, W_fc, b_fc, W_lo, b_lo):
    x2 = x.reshape(N, T * D_IN)
    u, s, p, ylstm = _tc1(
        x2, flat, Wih.T, Whh.T, b_lstm.reshape(1, 4 * H), W_neigh, W_self,
        W_fc[F:F + FLAT_D], W_fc[F + FLAT_D:], b_fc.reshape(1, 1),
        W_lo, b_lo.reshape(1, 1))
    src_r = adjs[0].astype(jnp.int32).reshape(NTILES, NW, K)
    dst_r = adjs[1].astype(jnp.int32).reshape(NTILES, NW, K)
    w_r = edge_weight.reshape(NTILES, EPT)
    zf = jnp.zeros((NPAD, F), jnp.float32)
    zd = jnp.zeros((NPAD,), jnp.float32)
    u_p = jnp.pad(u, ((0, NPAD - N), (0, 0)))
    acc, deg = _sc_seg(u_p, src_r, dst_r, w_r, zf, zd)
    y = _tc2(s, acc[:, :N], deg[:, :N].reshape(2, N, 1), p,
             b_gnn.reshape(1, F), W_fc[0:F])
    return (y, ylstm)

# --- scband reference (transcript-rebuilt; emitter-appended) ---
"""Pipeline reference for scband-ns-lstm-gnn-30073361007043 (READ-ONLY COPY).

The authoritative reference and input builder live on the scoring server;
editing this copy changes nothing except your own understanding.
"""

import jax, jax.numpy as jnp
import numpy as np
from jax import lax

N_NODES = 10000
N_EDGES = 640000
T = 4
D_IN = 64
H = 32
FLAT_D = 64
GNN_H = 64
OUT_D = 1


def _lstm(seq, Wih, Whh, b):
    # seq: [T, N, D_IN] -> returns [N, T, H] (batch-first outputs)
    n = seq.shape[1]
    dt = jnp.result_type(seq.dtype, Wih.dtype, Whh.dtype, b.dtype)
    h0 = jnp.zeros((n, H), dtype=dt)
    c0 = jnp.zeros((n, H), dtype=dt)

    def step(carry, x_t):
        h, c = carry
        z = x_t @ Wih.T + h @ Whh.T + b
        i, f, g, o = jnp.split(z, 4, axis=-1)
        i = jax.nn.sigmoid(i)
        f = jax.nn.sigmoid(f)
        g = jnp.tanh(g)
        o = jax.nn.sigmoid(o)
        c = f * c + i * g
        h = o * jnp.tanh(c)
        return (h, c), h

    (_, _), hs = lax.scan(step, (h0, c0), seq)
    return jnp.transpose(hs, (1, 0, 2))


def setup_inputs(seed: int = 0) -> dict:
    key = jax.random.key(seed)
    ks = jax.random.split(key, 16)
    x = jax.random.normal(ks[0], (N_NODES, T, D_IN), dtype=jnp.float32)
    flat = jax.random.normal(ks[1], (N_NODES, FLAT_D), dtype=jnp.float32)
    adjs = jax.random.randint(ks[2], (2, N_EDGES), 0, N_NODES, dtype=jnp.int64 if jax.config.jax_enable_x64 else jnp.int32)
    edge_weight = jax.random.uniform(ks[3], (N_EDGES,), dtype=jnp.float32)
    xdim = T * H
    s = lambda *sh: 1.0 / np.sqrt(sh[-1])
    Wih = jax.random.normal(ks[4], (4 * H, D_IN), dtype=jnp.float32) * s(D_IN)
    Whh = jax.random.normal(ks[5], (4 * H, H), dtype=jnp.float32) * s(H)
    b_lstm = jnp.zeros((4 * H,), dtype=jnp.float32)
    W_self = jax.random.normal(ks[6], (xdim, GNN_H), dtype=jnp.float32) * s(xdim)
    W_neigh = jax.random.normal(ks[7], (xdim, GNN_H), dtype=jnp.float32) * s(xdim)
    b_gnn = jnp.zeros((GNN_H,), dtype=jnp.float32)
    W_fc = jax.random.normal(ks[8], (GNN_H + FLAT_D + H, OUT_D), dtype=jnp.float32) * s(GNN_H + FLAT_D + H)
    b_fc = jnp.zeros((OUT_D,), dtype=jnp.float32)
    W_lo = jax.random.normal(ks[9], (H, OUT_D), dtype=jnp.float32) * s(H)
    b_lo = jnp.zeros((OUT_D,), dtype=jnp.float32)
    return {
        'x': x, 'flat': flat, 'adjs': adjs, 'batch_size': N_NODES, 'edge_weight': edge_weight,
        'Wih': Wih, 'Whh': Whh, 'b_lstm': b_lstm,
        'W_self': W_self, 'W_neigh': W_neigh, 'b_gnn': b_gnn,
        'W_fc': W_fc, 'b_fc': b_fc, 'W_lo': W_lo, 'b_lo': b_lo,
    }


def reference(x, flat, adjs, batch_size, edge_weight, Wih, Whh, b_lstm,
              W_self, W_neigh, b_gnn, W_fc, b_fc, W_lo, b_lo):
    # seq = x.permute(1, 0, 2)
    seq = jnp.transpose(x, (1, 0, 2))
    out = _lstm(seq, Wih, Whh, b_lstm)          # [N, T, H]
    n = x.shape[0]
    keep = jnp.arange(n) < batch_size            # batch_size == n always; all-true mask
    last = jnp.where(keep[:, None], out[:, -1, :], jnp.zeros((), out.dtype))  # [B, H]
    xf = out.reshape(out.shape[0], -1)           # [N, T*H]
    # ns-GNN encoder (SAGE-style weighted mean aggregation)
    src = adjs[0]
    dst = adjs[1]
    msg = xf[src] * edge_weight[:, None]
    agg = jax.ops.segment_sum(msg, dst, num_segments=xf.shape[0])
    deg = jax.ops.segment_sum(edge_weight, dst, num_segments=xf.shape[0])
    agg = agg / jnp.clip(deg, 1e-6, None)[:, None]
    h = jax.nn.relu(xf @ W_self + agg @ W_neigh + b_gnn)
    h = jnp.where(keep[:, None], h, jnp.zeros((), h.dtype))
    flat_b = jnp.where(keep[:, None], flat, jnp.zeros((), flat.dtype))
    z = jnp.concatenate([h, flat_b, last], axis=-1)
    y = jax.nn.sigmoid(z @ W_fc + b_fc)
    lstm_y = jax.nn.sigmoid(last @ W_lo + b_lo)
    return (y, lstm_y)

if __name__ == "__main__":
    import jax
    _d = setup_inputs()
    print(jax.jit(kernel)(*tuple(_d.values())))

</pallas_src>

<mosaic_0001>
#map = affine_map<(d0, d1) -> (0, 0)>
#map1 = affine_map<(d0, d1) -> (0, 0, 0)>
#map2 = affine_map<(d0, d1) -> (0)>
module attributes {stable_mosaic.version = 14 : i64} {
  func.func @_sc_body(%arg0: i32, %arg1: i32, %arg2: memref<10240x64xf32, #tpu.memory_space<hbm>>, %arg3: memref<32x250x80xi32, #tpu.memory_space<hbm>>, %arg4: memref<32x250x80xi32, #tpu.memory_space<hbm>>, %arg5: memref<32x20000xf32, #tpu.memory_space<hbm>>, %arg6: memref<10240x64xf32, #tpu.memory_space<hbm>>, %arg7: memref<10240xf32, #tpu.memory_space<hbm>>, %arg8: memref<2x10240x64xf32, #tpu.memory_space<hbm>>, %arg9: memref<2x10240xf32, #tpu.memory_space<hbm>>, %arg10: memref<250x80xi32, #tpu.memory_space<vmem>>, %arg11: memref<250x80xi32, #tpu.memory_space<vmem>>, %arg12: memref<20000xf32, #tpu.memory_space<vmem>>, %arg13: memref<80x64xf32, #tpu.memory_space<vmem>>, %arg14: memref<10240x64xf32, #tpu.memory_space<vmem_shared>>, %arg15: memref<10240xf32, #tpu.memory_space<vmem_shared>>) attributes {dimension_semantics = [#tpu.dimension_semantics<core_parallel>, #tpu.dimension_semantics<subcore_parallel>], iteration_bounds = array<i64: 2, 16>, scalar_prefetch = 0 : i64, scratch_operands = 6 : i64, tpu.core_type = #tpu.core_type<sc_vector_subcore>, window_params = [{transform_indices = #map}, {transform_indices = #map1}, {transform_indices = #map1}, {transform_indices = #map}, {transform_indices = #map}, {transform_indices = #map2}, {transform_indices = #map1}, {transform_indices = #map}]} {
    %mul3A = arith.constant 16 : i32
    %mul3A_0 = arith.muli %arg0, %mul3A : i32
    %add3A = arith.addi %mul3A_0, %arg1 : i32
    %mul3A_1 = arith.constant 640 : i32
    %mul3A_2 = arith.muli %arg1, %mul3A_1 : i32
    %mul3A_3 = arith.constant 640 : i32
    %mul3A_4 = arith.muli %arg1, %mul3A_3 : i32
    "tpu.region"() ({
      %run_scoped3A = tpu.sem_alloc : memref<!tpu.dma_semaphore, #tpu.memory_space<semaphore_mem>>
      %dma_start3A = arith.constant 0 : i32
      %dma_start3A_22 = tpu.memref_slice %arg14[%mul3A_4, %dma_start3A] : memref<10240x64xf32, #tpu.memory_space<vmem_shared>> -> memref<640x64xf32, #tpu.memory_space<vmem_shared>>
      %dma_start3A_23 = arith.constant 0 : i32
      %dma_start3A_24 = tpu.memref_slice %arg6[%mul3A_2, %dma_start3A_23] : memref<10240x64xf32, #tpu.memory_space<hbm>> -> memref<640x64xf32, #tpu.memory_space<hbm>>
      tpu.enqueue_dma source(%dma_start3A_24 : memref<640x64xf32, #tpu.memory_space<hbm>>) target(%dma_start3A_22 : memref<640x64xf32, #tpu.memory_space<vmem_shared>>) target_semaphore(%run_scoped3A : memref<!tpu.dma_semaphore, #tpu.memory_space<semaphore_mem>>)
      %dma_wait3A = arith.constant 0 : i32
      %dma_wait3A_25 = tpu.memref_slice %arg14[%mul3A_4, %dma_wait3A] : memref<10240x64xf32, #tpu.memory_space<vmem_shared>> -> memref<640x64xf32, #tpu.memory_space<vmem_shared>>
      %dma_wait3A_26 = arith.constant 0 : i32
      %dma_wait3A_27 = tpu.memref_slice %arg6[%mul3A_2, %dma_wait3A_26] : memref<10240x64xf32, #tpu.memory_space<hbm>> -> memref<640x64xf32, #tpu.memory_space<hbm>>
      tpu.wait_dma2 semaphore(%run_scoped3A : memref<!tpu.dma_semaphore, #tpu.memory_space<semaphore_mem>>) src(%dma_wait3A_27 : memref<640x64xf32, #tpu.memory_space<hbm>>) dst(%dma_wait3A_25 : memref<640x64xf32, #tpu.memory_space<vmem_shared>>)
      tpu.yield
    }) : () -> ()
    %mul3A_5 = arith.constant 640 : i32
    %mul3A_6 = arith.muli %arg1, %mul3A_5 : i32
    %mul3A_7 = arith.constant 640 : i32
    %mul3A_8 = arith.muli %arg1, %mul3A_7 : i32
    "tpu.region"() ({
      %run_scoped3A = tpu.sem_alloc : memref<!tpu.dma_semaphore, #tpu.memory_space<semaphore_mem>>
      %dma_start3A = tpu.memref_slice %arg15[%mul3A_8] : memref<10240xf32, #tpu.memory_space<vmem_shared>> -> memref<640xf32, #tpu.memory_space<vmem_shared>>
      %dma_start3A_22 = tpu.memref_slice %arg7[%mul3A_6] : memref<10240xf32, #tpu.memory_space<hbm>> -> memref<640xf32, #tpu.memory_space<hbm>>
      tpu.enqueue_dma source(%dma_start3A_22 : memref<640xf32, #tpu.memory_space<hbm>>) target(%dma_start3A : memref<640xf32, #tpu.memory_space<vmem_shared>>) target_semaphore(%run_scoped3A : memref<!tpu.dma_semaphore, #tpu.memory_space<semaphore_mem>>)
      %dma_wait3A = tpu.memref_slice %arg15[%mul3A_8] : memref<10240xf32, #tpu.memory_space<vmem_shared>> -> memref<640xf32, #tpu.memory_space<vmem_shared>>
      %dma_wait3A_23 = tpu.memref_slice %arg7[%mul3A_6] : memref<10240xf32, #tpu.memory_space<hbm>> -> memref<640xf32, #tpu.memory_space<hbm>>
      tpu.wait_dma2 semaphore(%run_scoped3A : memref<!tpu.dma_semaphore, #tpu.memory_space<semaphore_mem>>) src(%dma_wait3A_23 : memref<640xf32, #tpu.memory_space<hbm>>) dst(%dma_wait3A : memref<640xf32, #tpu.memory_space<vmem_shared>>)
      tpu.yield
    }) : () -> ()
    "tpu.region"() ({
      %run_scoped3A = tpu.sem_alloc : memref<!tpu.dma_semaphore, #tpu.memory_space<semaphore_mem>>
      %dma_start3A = arith.constant 0 : i32
      %dma_start3A_22 = arith.constant 0 : i32
      %dma_start3A_23 = tpu.memref_slice %arg3[%add3A, %dma_start3A, %dma_start3A_22] : memref<32x250x80xi32, #tpu.memory_space<hbm>> -> memref<1x250x80xi32, #tpu.memory_space<hbm>>
      %dma_start3A_24 = tpu.memref_squeeze %dma_start3A_23 : memref<1x250x80xi32, #tpu.memory_space<hbm>> -> memref<250x80xi32, #tpu.memory_space<hbm>>
      %dma_start3A_25 = arith.constant 0 : i32
      %dma_start3A_26 = arith.constant 0 : i32
      %dma_start3A_27 = tpu.memref_slice %arg3[%add3A, %dma_start3A_25, %dma_start3A_26] : memref<32x250x80xi32, #tpu.memory_space<hbm>> -> memref<1x250x80xi32, #tpu.memory_space<hbm>>
      %dma_start3A_28 = tpu.memref_squeeze %dma_start3A_27 : memref<1x250x80xi32, #tpu.memory_space<hbm>> -> memref<250x80xi32, #tpu.memory_space<hbm>>
      tpu.enqueue_dma source(%dma_start3A_28 : memref<250x80xi32, #tpu.memory_space<hbm>>) target(%arg10 : memref<250x80xi32, #tpu.memory_space<vmem>>) target_semaphore(%run_scoped3A : memref<!tpu.dma_semaphore, #tpu.memory_space<semaphore_mem>>)
      %dma_wait3A = arith.constant 0 : i32
      %dma_wait3A_29 = arith.constant 0 : i32
      %dma_wait3A_30 = tpu.memref_slice %arg3[%add3A, %dma_wait3A, %dma_wait3A_29] : memref<32x250x80xi32, #tpu.memory_space<hbm>> -> memref<1x250x80xi32, #tpu.memory_space<hbm>>
      %dma_wait3A_31 = tpu.memref_squeeze %dma_wait3A_30 : memref<1x250x80xi32, #tpu.memory_space<hbm>> -> memref<250x80xi32, #tpu.memory_space<hbm>>
      %dma_wait3A_32 = arith.constant 0 : i32
      %dma_wait3A_33 = arith.constant 0 : i32
      %dma_wait3A_34 = tpu.memref_slice %arg3[%add3A, %dma_wait3A_32, %dma_wait3A_33] : memref<32x250x80xi32, #tpu.memory_space<hbm>> -> memref<1x250x80xi32, #tpu.memory_space<hbm>>
      %dma_wait3A_35 = tpu.memref_squeeze %dma_wait3A_34 : memref<1x250x80xi32, #tpu.memory_space<hbm>> -> memref<250x80xi32, #tpu.memory_space<hbm>>
      tpu.wait_dma2 semaphore(%run_scoped3A : memref<!tpu.dma_semaphore, #tpu.memory_space<semaphore_mem>>) src(%dma_wait3A_35 : memref<250x80xi32, #tpu.memory_space<hbm>>) dst(%arg10 : memref<250x80xi32, #tpu.memory_space<vmem>>)
      tpu.yield
    }) : () -> ()
    "tpu.region"() ({
      %run_scoped3A = tpu.sem_alloc : memref<!tpu.dma_semaphore, #tpu.memory_space<semaphore_mem>>
      %dma_start3A = arith.constant 0 : i32
      %dma_start3A_22 = arith.constant 0 : i32
      %dma_start3A_23 = tpu.memref_slice %arg4[%add3A, %dma_start3A, %dma_start3A_22] : memref<32x250x80xi32, #tpu.memory_space<hbm>> -> memref<1x250x80xi32, #tpu.memory_space<hbm>>
      %dma_start3A_24 = tpu.memref_squeeze %dma_start3A_23 : memref<1x250x80xi32, #tpu.memory_space<hbm>> -> memref<250x80xi32, #tpu.memory_space<hbm>>
      %dma_start3A_25 = arith.constant 0 : i32
      %dma_start3A_26 = arith.constant 0 : i32
      %dma_start3A_27 = tpu.memref_slice %arg4[%add3A, %dma_start3A_25, %dma_start3A_26] : memref<32x250x80xi32, #tpu.memory_space<hbm>> -> memref<1x250x80xi32, #tpu.memory_space<hbm>>
      %dma_start3A_28 = tpu.memref_squeeze %dma_start3A_27 : memref<1x250x80xi32, #tpu.memory_space<hbm>> -> memref<250x80xi32, #tpu.memory_space<hbm>>
      tpu.enqueue_dma source(%dma_start3A_28 : memref<250x80xi32, #tpu.memory_space<hbm>>) target(%arg11 : memref<250x80xi32, #tpu.memory_space<vmem>>) target_semaphore(%run_scoped3A : memref<!tpu.dma_semaphore, #tpu.memory_space<semaphore_mem>>)
      %dma_wait3A = arith.constant 0 : i32
      %dma_wait3A_29 = arith.constant 0 : i32
      %dma_wait3A_30 = tpu.memref_slice %arg4[%add3A, %dma_wait3A, %dma_wait3A_29] : memref<32x250x80xi32, #tpu.memory_space<hbm>> -> memref<1x250x80xi32, #tpu.memory_space<hbm>>
      %dma_wait3A_31 = tpu.memref_squeeze %dma_wait3A_30 : memref<1x250x80xi32, #tpu.memory_space<hbm>> -> memref<250x80xi32, #tpu.memory_space<hbm>>
      %dma_wait3A_32 = arith.constant 0 : i32
      %dma_wait3A_33 = arith.constant 0 : i32
      %dma_wait3A_34 = tpu.memref_slice %arg4[%add3A, %dma_wait3A_32, %dma_wait3A_33] : memref<32x250x80xi32, #tpu.memory_space<hbm>> -> memref<1x250x80xi32, #tpu.memory_space<hbm>>
      %dma_wait3A_35 = tpu.memref_squeeze %dma_wait3A_34 : memref<1x250x80xi32, #tpu.memory_space<hbm>> -> memref<250x80xi32, #tpu.memory_space<hbm>>
      tpu.wait_dma2 semaphore(%run_scoped3A : memref<!tpu.dma_semaphore, #tpu.memory_space<semaphore_mem>>) src(%dma_wait3A_35 : memref<250x80xi32, #tpu.memory_space<hbm>>) dst(%arg11 : memref<250x80xi32, #tpu.memory_space<vmem>>)
      tpu.yield
    }) : () -> ()
    "tpu.region"() ({
      %run_scoped3A = tpu.sem_alloc : memref<!tpu.dma_semaphore, #tpu.memory_space<semaphore_mem>>
      %dma_start3A = arith.constant 0 : i32
      %dma_start3A_22 = tpu.memref_slice %arg5[%add3A, %dma_start3A] : memref<32x20000xf32, #tpu.memory_space<hbm>> -> memref<1x20000xf32, #tpu.memory_space<hbm>>
      %dma_start3A_23 = tpu.memref_squeeze %dma_start3A_22 : memref<1x20000xf32, #tpu.memory_space<hbm>> -> memref<20000xf32, #tpu.memory_space<hbm>>
      %dma_start3A_24 = arith.constant 0 : i32
      %dma_start3A_25 = tpu.memref_slice %arg5[%add3A, %dma_start3A_24] : memref<32x20000xf32, #tpu.memory_space<hbm>> -> memref<1x20000xf32, #tpu.memory_space<hbm>>
      %dma_start3A_26 = tpu.memref_squeeze %dma_start3A_25 : memref<1x20000xf32, #tpu.memory_space<hbm>> -> memref<20000xf32, #tpu.memory_space<hbm>>
      tpu.enqueue_dma source(%dma_start3A_26 : memref<20000xf32, #tpu.memory_space<hbm>>) target(%arg12 : memref<20000xf32, #tpu.memory_space<vmem>>) target_semaphore(%run_scoped3A : memref<!tpu.dma_semaphore, #tpu.memory_space<semaphore_mem>>)
      %dma_wait3A = arith.constant 0 : i32
      %dma_wait3A_27 = tpu.memref_slice %arg5[%add3A, %dma_wait3A] : memref<32x20000xf32, #tpu.memory_space<hbm>> -> memref<1x20000xf32, #tpu.memory_space<hbm>>
      %dma_wait3A_28 = tpu.memref_squeeze %dma_wait3A_27 : memref<1x20000xf32, #tpu.memory_space<hbm>> -> memref<20000xf32, #tpu.memory_space<hbm>>
      %dma_wait3A_29 = arith.constant 0 : i32
      %dma_wait3A_30 = tpu.memref_slice %arg5[%add3A, %dma_wait3A_29] : memref<32x20000xf32, #tpu.memory_space<hbm>> -> memref<1x20000xf32, #tpu.memory_space<hbm>>
      %dma_wait3A_31 = tpu.memref_squeeze %dma_wait3A_30 : memref<1x20000xf32, #tpu.memory_space<hbm>> -> memref<20000xf32, #tpu.memory_space<hbm>>
      tpu.wait_dma2 semaphore(%run_scoped3A : memref<!tpu.dma_semaphore, #tpu.memory_space<semaphore_mem>>) src(%dma_wait3A_31 : memref<20000xf32, #tpu.memory_space<hbm>>) dst(%arg12 : memref<20000xf32, #tpu.memory_space<vmem>>)
      tpu.yield
    }) : () -> ()
    %barrier3A = arith.constant 0 : index
    tpu.barrier barrier_id(%barrier3A)
    %scan3A = arith.constant 0 : i32
    %scan3A_9 = arith.constant 250 : i32
    %scan3A_10 = arith.addi %scan3A, %scan3A_9 : i32
    %scan3A_11 = arith.constant 1 : i32
    scf.for %scan3A_22 = %scan3A to %scan3A_10 step %scan3A_11  : i32 {
      %mul3A_23 = arith.constant 1 : i32
      %mul3A_24 = arith.muli %scan3A_22, %mul3A_23 : i32
      %add3A_25 = arith.constant 0 : i32
      %add3A_26 = arith.addi %add3A_25, %mul3A_24 : i32
      "tpu.region"() ({
        %run_scoped3A = tpu.sem_alloc : memref<!tpu.dma_semaphore, #tpu.memory_space<semaphore_mem>>
        %dma_start3A = arith.constant 0 : i32
        %dma_start3A_4210 = tpu.memref_slice %arg10[%add3A_26, %dma_start3A] : memref<250x80xi32, #tpu.memory_space<vmem>> -> memref<1x80xi32, #tpu.memory_space<vmem>>
        %dma_start3A_4211 = tpu.memref_squeeze %dma_start3A_4210 : memref<1x80xi32, #tpu.memory_space<vmem>> -> memref<80xi32, #tpu.memory_space<vmem>>
        %dma_start3A_4212 = arith.constant 0 : i32
        %dma_start3A_4213 = arith.constant 0 : i32
        %dma_start3A_4214 = tpu.memref_slice %arg2[%dma_start3A_4212, %dma_start3A_4213] : memref<10240x64xf32, #tpu.memory_space<hbm>> -> memref<10240x64xf32, #tpu.memory_space<hbm>>
        tpu.enqueue_indirect_dma source(%dma_start3A_4214 : memref<10240x64xf32, #tpu.memory_space<hbm>>) target(%arg13 : memref<80x64xf32, #tpu.memory_space<vmem>>) offsets(%dma_start3A_4211 : memref<80xi32, #tpu.memory_space<vmem>>) semaphore(%run_scoped3A : memref<!tpu.dma_semaphore, #tpu.memory_space<semaphore_mem>>)
        %dma_wait3A = arith.constant 0 : i32
        %dma_wait3A_4215 = tpu.memref_slice %arg10[%add3A_26, %dma_wait3A] : memref<250x80xi32, #tpu.memory_space<vmem>> -> memref<1x80xi32, #tpu.memory_space<vmem>>
        %dma_wait3A_4216 = tpu.memref_squeeze %dma_wait3A_4215 : memref<1x80xi32, #tpu.memory_space<vmem>> -> memref<80xi32, #tpu.memory_space<vmem>>
        %dma_wait3A_4217 = arith.constant 0 : i32
        %dma_wait3A_4218 = arith.constant 0 : i32
        %dma_wait3A_4219 = tpu.memref_slice %arg2[%dma_wait3A_4217, %dma_wait3A_4218] : memref<10240x64xf32, #tpu.memory_space<hbm>> -> memref<10240x64xf32, #tpu.memory_space<hbm>>
        tpu.wait_indirect_dma semaphore(%run_scoped3A : memref<!tpu.dma_semaphore, #tpu.memory_space<semaphore_mem>>) src(%dma_wait3A_4219 : memref<10240x64xf32, #tpu.memory_space<hbm>>) dst(%arg13 : memref<80x64xf32, #tpu.memory_space<vmem>>)
        tpu.yield
      }) : () -> ()
      %mul3A_27 = arith.constant 80 : i32
      %mul3A_28 = arith.muli %add3A_26, %mul3A_27 : i32
      %add3A_29 = arith.constant 0 : i32
      %add3A_30 = arith.addi %mul3A_28, %add3A_29 : i32
      %get3A = arith.index_cast %add3A_30 : i32 to index
      %get3A_31 = tpu.vector_load %arg12[%get3A] {strides = array<i32>} : memref<20000xf32, #tpu.memory_space<vmem>>, vector<16xf32>,
      %get3A_32 = vector.shape_cast %get3A_31 : vector<16xf32> to vector<16xf32>
      %broadcast_in_dim3A = arith.constant 0 : i32
      %broadcast_in_dim3A_33 = vector.broadcast %broadcast_in_dim3A : i32 to vector<16x1xi32>
      %gather3A = vector.shape_cast %broadcast_in_dim3A_33 : vector<16x1xi32> to vector<16xi32>
      %gather3A_34 = tpu.dynamic_gather %get3A_32[%gather3A] in [0] : vector<16xf32>, vector<16xi32> -> vector<16xf32>
      %get3A_35 = arith.constant 0 : i32
      %get3A_36 = arith.index_cast %get3A_35 : i32 to index
      %get3A_37 = arith.constant 0 : index
      %get3A_38 = tpu.vector_load %arg13[%get3A_36, %get3A_37] {strides = array<i32>} : memref<80x64xf32, #tpu.memory_space<vmem>>, vector<1x16xf32>,
      %get3A_39 = vector.shape_cast %get3A_38 : vector<1x16xf32> to vector<16xf32>
      %mul3A_40 = arith.mulf %get3A_39, %gather3A_34 : vector<16xf32>
      %swap3A = arith.constant 0 : i32
      %swap3A_41 = arith.index_cast %swap3A : i32 to index
      %swap3A_42 = arith.constant 0 : index
      %swap3A_43 = tpu.vector_load %arg13[%swap3A_41, %swap3A_42] {strides = array<i32>} : memref<80x64xf32, #tpu.memory_space<vmem>>, vector<1x16xf32>,
      %swap3A_44 = vector.shape_cast %swap3A_43 : vector<1x16xf32> to vector<16xf32>
      %swap3A_45 = vector.shape_cast %mul3A_40 : vector<16xf32> to vector<1x16xf32>
      tpu.vector_store %arg13[%swap3A_41, %swap3A_42], %swap3A_45 {strides = array<i32>} : memref<80x64xf32, #tpu.memory_space<vmem>>, vector<1x16xf32>,
      %get3A_46 = arith.constant 0 : i32
      %get3A_47 = arith.index_cast %get3A_46 : i32 to index
      %get3A_48 = arith.constant 16 : index
      %get3A_49 = tpu.vector_load %arg13[%get3A_47, %get3A_48] {strides = array<i32>} : memref<80x64xf32, #tpu.memory_space<vmem>>, vector<1x16xf32>,
      %get3A_50 = vector.shape_cast %get3A_49 : vector<1x16xf32> to vector<16xf32>
      %mul3A_51 = arith.mulf %get3A_50, %gather3A_34 : vector<16xf32>
      %swap3A_52 = arith.constant 0 : i32
      %swap3A_53 = arith.index_cast %swap3A_52 : i32 to index
      %swap3A_54 = arith.constant 16 : index
      %swap3A_55 = tpu.vector_load %arg13[%swap3A_53, %swap3A_54] {strides = array<i32>} : memref<80x64xf32, #tpu.memory_space<vmem>>, vector<1x16xf32>,
      %swap3A_56 = vector.shape_cast %swap3A_55 : vector<1x16xf32> to vector<16xf32>
      %swap3A_57 = vector.shape_cast %mul3A_51 : vector<16xf32> to vector<1x16xf32>
      tpu.vector_store %arg13[%swap3A_53, %swap3A_54], %swap3A_57 {strides = array<i32>} : memref<80x64xf32, #tpu.memory_space<vmem>>, vector<1x16xf32>,
      %get3A_58 = arith.constant 0 : i32
      %get3A_59 = arith.index_cast %get3A_58 : i32 to index
      %get3A_60 = arith.constant 32 : index
      %get3A_61 = tpu.vector_load %arg13[%get3A_59, %get3A_60] {strides = array<i32>} : memref<80x64xf32, #tpu.memory_space<vmem>>, vector<1x16xf32>,
      %get3A_62 = vector.shape_cast %get3A_61 : vector<1x16xf32> to vector<16xf32>
      %mul3A_63 = arith.mulf %get3A_62, %gather3A_34 : vector<16xf32>
      %swap3A_64 = arith.constant 0 : i32
      %swap3A_65 = arith.index_cast %swap3A_64 : i32 to index
      %swap3A_66 = arith.constant 32 : index
      %swap3A_67 = tpu.vector_load %arg13[%swap3A_65, %swap3A_66] {strides = array<i32>} : memref<80x64xf32, #tpu.memory_space<vmem>>, vector<1x16xf32>,
      %swap3A_68 = vector.shape_cast %swap3A_67 : vector<1x16xf32> to vector<16xf32>
      %swap3A_69 = vector.shape_cast %mul3A_63 : vector<16xf32> to vector<1x16xf32>
      tpu.vector_store %arg13[%swap3A_65, %swap3A_66], %swap3A_69 {strides = array<i32>} : memref<80x64xf32, #tpu.memory_space<vmem>>, vector<1x16xf32>,
      %get3A_70 = arith.constant 0 : i32
      %get3A_71 = arith.index_cast %get3A_70 : i32 to index
      %get3A_72 = arith.constant 48 : index
      %get3A_73 = tpu.vector_load %arg13[%get3A_71, %get3A_72] {strides = array<i32>} : memref<80x64xf32, #tpu.memory_space<vmem>>, vector<1x16xf32>,
      %get3A_74 = vector.shape_cast %get3A_73 : vector<1x16xf32> to vector<16xf32>
      %mul3A_75 = arith.mulf %get3A_74, %gather3A_34 : vector<16xf32>
      %swap3A_76 = arith.constant 0 : i32
      %swap3A_77 = arith.index_cast %swap3A_76 : i32 to index
      %swap3A_78 = arith.constant 48 : index
      %swap3A_79 = tpu.vector_load %arg13[%swap3A_77, %swap3A_78] {strides = array<i32>} : memref<80x64xf32, #tpu.memory_space<vmem>>, vector<1x16xf32>,
      %swap3A_80 = vector.shape_cast %swap3A_79 : vector<1x16xf32> to vector<16xf32>
      %swap3A_81 = vector.shape_cast %mul3A_75 : vector<16xf32> to vector<1x16xf32>
      tpu.vector_store %arg13[%swap3A_77, %swap3A_78], %swap3A_81 {strides = array<i32>} : memref<80x64xf32, #tpu.memory_space<vmem>>, vector<1x16xf32>,
      %broadcast_in_dim3A_82 = arith.constant 1 : i32
      %broadcast_in_dim3A_83 = vector.broadcast %broadcast_in_dim3A_82 : i32 to vector<16x1xi32>
      %gather3A_84 = vector.shape_cast %broadcast_in_dim3A_83 : vector<16x1xi32> to vector<16xi32>
      %gather3A_85 = tpu.dynamic_gather %get3A_32[%gather3A_84] in [0] : vector<16xf32>, vector<16xi32> -> vector<16xf32>
      %get3A_86 = arith.constant 1 : i32
      %get3A_87 = arith.index_cast %get3A_86 : i32 to index
      %get3A_88 = arith.constant 0 : index
      %get3A_89 = tpu.vector_load %arg13[%get3A_87, %get3A_88] {strides = array<i32>} : memref<80x64xf32, #tpu.memory_space<vmem>>, vector<1x16xf32>,
      %get3A_90 = vector.shape_cast %get3A_89 : vector<1x16xf32> to vector<16xf32>
      %mul3A_91 = arith.mulf %get3A_90, %gather3A_85 : vector<16xf32>
      %swap3A_92 = arith.constant 1 : i32
      %swap3A_93 = arith.index_cast %swap3A_92 : i32 to index
      %swap3A_94 = arith.constant 0 : index
      %swap3A_95 = tpu.vector_load %arg13[%swap3A_93, %swap3A_94] {strides = array<i32>} : memref<80x64xf32, #tpu.memory_space<vmem>>, vector<1x16xf32>,
      %swap3A_96 = vector.shape_cast %swap3A_95 : vector<1x16xf32> to vector<16xf32>
      %swap3A_97 = vector.shape_cast %mul3A_91 : vector<16xf32> to vector<1x16xf32>
      tpu.vector_store %arg13[%swap3A_93, %swap3A_94], %swap3A_97 {strides = array<i32>} : memref<80x64xf32, #tpu.memory_space<vmem>>, vector<1x16xf32>,
      %get3A_98 = arith.constant 1 : i32
      %get3A_99 = arith.index_cast %get3A_98 : i32 to index
      %get3A_100 = arith.constant 16 : index
      %get3A_101 = tpu.vector_load %arg13[%get3A_99, %get3A_100] {strides = array<i32>} : memref<80x64xf32, #tpu.memory_space<vmem>>, vector<1x16xf32>,
      %get3A_102 = vector.shape_cast %get3A_101 : vector<1x16xf32> to vector<16xf32>
      %mul3A_103 = arith.mulf %get3A_102, %gather3A_85 : vector<16xf32>
      %swap3A_104 = arith.constant 1 : i32
      %swap3A_105 = arith.index_cast %swap3A_104 : i32 to index
      %swap3A_106 = arith.constant 16 : index
      %swap3A_107 = tpu.vector_load %arg13[%swap3A_105, %swap3A_106] {strides = array<i32>} : memref<80x64xf32, #tpu.memory_space<vmem>>, vector<1x16xf32>,
      %swap3A_108 = vector.shape_cast %swap3A_107 : vector<1x16xf32> to vector<16xf32>
      %swap3A_109 = vector.shape_cast %mul3A_103 : vector<16xf32> to vector<1x16xf32>
      tpu.vector_store %arg13[%swap3A_105, %swap3A_106], %swap3A_109 {strides = array<i32>} : memref<80x64xf32, #tpu.memory_space<vmem>>, vector<1x16xf32>,
      %get3A_110 = arith.constant 1 : i32
      %get3A_111 = arith.index_cast %get3A_110 : i32 to index
      %get3A_112 = arith.constant 32 : index
      %get3A_113 = tpu.vector_load %arg13[%get3A_111, %get3A_112] {strides = array<i32>} : memref<80x64xf32, #tpu.memory_space<vmem>>, vector<1x16xf32>,
      %get3A_114 = vector.shape_cast %get3A_113 : vector<1x16xf32> to vector<16xf32>
      %mul3A_115 = arith.mulf %get3A_114, %gather3A_85 : vector<16xf32>
      %swap3A_116 = arith.constant 1 : i32
      %swap3A_117 = arith.index_cast %swap3A_116 : i32 to index
      %swap3A_118 = arith.constant 32 : index
      %swap3A_119 = tpu.vector_load %arg13[%swap3A_117, %swap3A_118] {strides = array<i32>} : memref<80x64xf32, #tpu.memory_space<vmem>>, vector<1x16xf32>,
      %swap3A_120 = vector.shape_cast %swap3A_119 : vector<1x16xf32> to vector<16xf32>
      %swap3A_121 = vector.shape_cast %mul3A_115 : vector<16xf32> to vector<1x16xf32>
      tpu.vector_store %arg13[%swap3A_117, %swap3A_118], %swap3A_121 {strides = array<i32>} : memref<80x64xf32, #tpu.memory_space<vmem>>, vector<1x16xf32>,
      %get3A_122 = arith.constant 1 : i32
      %get3A_123 = arith.index_cast %get3A_122 : i32 to index
      %get3A_124 = arith.constant 48 : index
      %get3A_125 = tpu.vector_load %arg13[%get3A_123, %get3A_124] {strides = array<i32>} : memref<80x64xf32, #tpu.memory_space<vmem>>, vector<1x16xf32>,
      %get3A_126 = vector.shape_cast %get3A_125 : vector<1x16xf32> to vector<16xf32>
      %mul3A_127 = arith.mulf %get3A_126, %gather3A_85 : vector<16xf32>
      %swap3A_128 = arith.constant 1 : i32
      %swap3A_129 = arith.index_cast %swap3A_128 : i32 to index
      %swap3A_130 = arith.constant 48 : index
      %swap3A_131 = tpu.vector_load %arg13[%swap3A_129, %swap3A_130] {strides = array<i32>} : memref<80x64xf32, #tpu.memory_space<vmem>>, vector<1x16xf32>,
      %swap3A_132 = vector.shape_cast %swap3A_131 : vector<1x16xf32> to vector<16xf32>
      %swap3A_133 = vector.shape_cast %mul3A_127 : vector<16xf32> to vector<1x16xf32>
      tpu.vector_store %arg13[%swap3A_129, %swap3A_130], %swap3A_133 {strides = array<i32>} : memref<80x64xf32, #tpu.memory_space<vmem>>, vector<1x16xf32>,
      %broadcast_in_dim3A_134 = arith.constant 2 : i32
      %broadcast_in_dim3A_135 = vector.broadcast %broadcast_in_dim3A_134 : i32 to vector<16x1xi32>
      %gather3A_136 = vector.shape_cast %broadcast_in_dim3A_135 : vector<16x1xi32> to vector<16xi32>
      %gather3A_137 = tpu.dynamic_gather %get3A_32[%gather3A_136] in [0] : vector<16xf32>, vector<16xi32> -> vector<16xf32>
      %get3A_138 = arith.constant 2 : i32
      %get3A_139 = arith.index_cast %get3A_138 : i32 to index
      %get3A_140 = arith.constant 0 : index
      %get3A_141 = tpu.vector_load %arg13[%get3A_139, %get3A_140] {strides = array<i32>} : memref<80x64xf32, #tpu.memory_space<vmem>>, vector<1x16xf32>,
      %get3A_142 = vector.shape_cast %get3A_141 : vector<1x16xf32> to vector<16xf32>
      %mul3A_143 = arith.mulf %get3A_142, %gather3A_137 : vector<16xf32>
      %swap3A_144 = arith.constant 2 : i32
      %swap3A_145 = arith.index_cast %swap3A_144 : i32 to index
      %swap3A_146 = arith.constant 0 : index
      %swap3A_147 = tpu.vector_load %arg13[%swap3A_145, %swap3A_146] {strides = array<i32>} : memref<80x64xf32, #tpu.memory_space<vmem>>, vector<1x16xf32>,
      %swap3A_148 = vector.shape_cast %swap3A_147 : vector<1x16xf32> to vector<16xf32>
      %swap3A_149 = vector.shape_cast %mul3A_143 : vector<16xf32> to vector<1x16xf32>
      tpu.vector_store %arg13[%swap3A_145, %swap3A_146], %swap3A_149 {strides = array<i32>} : memref<80x64xf32, #tpu.memory_space<vmem>>, vector<1x16xf32>,
      %get3A_150 = arith.constant 2 : i32
      %get3A_151 = arith.index_cast %get3A_150 : i32 to index
      %get3A_152 = arith.constant 16 : index
      %get3A_153 = tpu.vector_load %arg13[%get3A_151, %get3A_152] {strides = array<i32>} : memref<80x64xf32, #tpu.memory_space<vmem>>, vector<1x16xf32>,
      %get3A_154 = vector.shape_cast %get3A_153 : vector<1x16xf32> to vector<16xf32>
      %mul3A_155 = arith.mulf %get3A_154, %gather3A_137 : vector<16xf32>
      %swap3A_156 = arith.constant 2 : i32
      %swap3A_157 = arith.index_cast %swap3A_156 : i32 to index
      %swap3A_158 = arith.constant 16 : index
      %swap3A_159 = tpu.vector_load %arg13[%swap3A_157, %swap3A_158] {strides = array<i32>} : memref<80x64xf32, #tpu.memory_space<vmem>>, vector<1x16xf32>,
      %swap3A_160 = vector.shape_cast %swap3A_159 : vector<1x16xf32> to vector<16xf32>
      %swap3A_161 = vector.shape_cast %mul3A_155 : vector<16xf32> to vector<1x16xf32>
      tpu.vector_store %arg13[%swap3A_157, %swap3A_158], %swap3A_161 {strides = array<i32>} : memref<80x64xf32, #tpu.memory_space<vmem>>, vector<1x16xf32>,
      %get3A_162 = arith.constant 2 : i32
      %get3A_163 = arith.index_cast %get3A_162 : i32 to index
      %get3A_164 = arith.constant 32 : index
      %get3A_165 = tpu.vector_load %arg13[%get3A_163, %get3A_164] {strides = array<i32>} : memref<80x64xf32, #tpu.memory_space<vmem>>, vector<1x16xf32>,
      %get3A_166 = vector.shape_cast %get3A_165 : vector<1x16xf32> to vector<16xf32>
      %mul3A_167 = arith.mulf %get3A_166, %gather3A_137 : vector<16xf32>
      %swap3A_168 = arith.constant 2 : i32
      %swap3A_169 = arith.index_cast %swap3A_168 : i32 to index
      %swap3A_170 = arith.constant 32 : index
      %swap3A_171 = tpu.vector_load %arg13[%swap3A_169, %swap3A_170] {strides = array<i32>} : memref<80x64xf32, #tpu.memory_space<vmem>>, vector<1x16xf32>,
      %swap3A_172 = vector.shape_cast %swap3A_171 : vector<1x16xf32> to vector<16xf32>
      %swap3A_173 = vector.shape_cast %mul3A_167 : vector<16xf32> to vector<1x16xf32>
      tpu.vector_store %arg13[%swap3A_169, %swap3A_170], %swap3A_173 {strides = array<i32>} : memref<80x64xf32, #tpu.memory_space<vmem>>, vector<1x16xf32>,
      %get3A_174 = arith.constant 2 : i32
      %get3A_175 = arith.index_cast %get3A_174 : i32 to index
      %get3A_176 = arith.constant 48 : index
      %get3A_177 = tpu.vector_load %arg13[%get3A_175, %get3A_176] {strides = array<i32>} : memref<80x64xf32, #tpu.memory_space<vmem>>, vector<1x16xf32>,
      %get3A_178 = vector.shape_cast %get3A_177 : vector<1x16xf32> to vector<16xf32>
      %mul3A_179 = arith.mulf %get3A_178, %gather3A_137 : vector<16xf32>
      %swap3A_180 = arith.constant 2 : i32
      %swap3A_181 = arith.index_cast %swap3A_180 : i32 to index
      %swap3A_182 = arith.constant 48 : index
      %swap3A_183 = tpu.vector_load %arg13[%swap3A_181, %swap3A_182] {strides = array<i32>} : memref<80x64xf32, #tpu.memory_space<vmem>>, vector<1x16xf32>,
      %swap3A_184 = vector.shape_cast %swap3A_183 : vector<1x16xf32> to vector<16xf32>
      %swap3A_185 = vector.shape_cast %mul3A_179 : vector<16xf32> to vector<1x16xf32>
      tpu.vector_store %arg13[%swap3A_181, %swap3A_182], %swap3A_185 {strides = array<i32>} : memref<80x64xf32, #tpu.memory_space<vmem>>, vector<1x16xf32>,
      %broadcast_in_dim3A_186 = arith.constant 3 : i32
      %broadcast_in_dim3A_187 = vector.broadcast %broadcast_in_dim3A_186 : i32 to vector<16x1xi32>
      %gather3A_188 = vector.shape_cast %broadcast_in_dim3A_187 : vector<16x1xi32> to vector<16xi32>
      %gather3A_189 = tpu.dynamic_gather %get3A_32[%gather3A_188] in [0] : vector<16xf32>, vector<16xi32> -> vector<16xf32>
      %get3A_190 = arith.constant 3 : i32
      %get3A_191 = arith.index_cast %get3A_190 : i32 to index
      %get3A_192 = arith.constant 0 : index
      %get3A_193 = tpu.vector_load %arg13[%get3A_191, %get3A_192] {strides = array<i32>} : memref<80x64xf32, #tpu.memory_space<vmem>>, vector<1x16xf32>,
      %get3A_194 = vector.shape_cast %get3A_193 : vector<1x16xf32> to vector<16xf32>
      %mul3A_195 = arith.mulf %get3A_194, %gather3A_189 : vector<16xf32>
      %swap3A_196 = arith.constant 3 : i32
      %swap3A_197 = arith.index_cast %swap3A_196 : i32 to index
      %swap3A_198 = arith.constant 0 : index
      %swap3A_199 = tpu.vector_load %arg13[%swap3A_197, %swap3A_198] {strides = array<i32>} : memref<80x64xf32, #tpu.memory_space<vmem>>, vector<1x16xf32>,
      %swap3A_200 = vector.shape_cast %swap3A_199 : vector<1x16xf32> to vector<16xf32>
      %swap3A_201 = vector.shape_cast %mul3A_195 : vector<16xf32> to vector<1x16xf32>
      tpu.vector_store %arg13[%swap3A_197, %swap3A_198], %swap3A_201 {strides = array<i32>} : memref<80x64xf32, #tpu.memory_space<vmem>>, vector<1x16xf32>,
      %get3A_202 = arith.constant 3 : i32
      %get3A_203 = arith.index_cast %get3A_202 : i32 to index
      %get3A_204 = arith.constant 16 : index
      %get3A_205 = tpu.vector_load %arg13[%get3A_203, %get3A_204] {strides = array<i32>} : memref<80x64xf32, #tpu.memory_space<vmem>>, vector<1x16xf32>,
      %get3A_206 = vector.shape_cast %get3A_205 : vector<1x16xf32> to vector<16xf32>
      %mul3A_207 = arith.mulf %get3A_206, %gather3A_189 : vector<16xf32>
      %swap3A_208 = arith.constant 3 : i32
      %swap3A_209 = arith.index_cast %swap3A_208 : i32 to index
      %swap3A_210 = arith.constant 16 : index
      %swap3A_211 = tpu.vector_load %arg13[%swap3A_209, %swap3A_210] {strides = array<i32>} : memref<80x64xf32, #tpu.memory_space<vmem>>, vector<1x16xf32>,
      %swap3A_212 = vector.shape_cast %swap3A_211 : vector<1x16xf32> to vector<16xf32>
      %swap3A_213 = vector.shape_cast %mul3A_207 : vector<16xf32> to vector<1x16xf32>
      tpu.vector_store %arg13[%swap3A_209, %swap3A_210], %swap3A_213 {strides = array<i32>} : memref<80x64xf32, #tpu.memory_space<vmem>>, vector<1x16xf32>,
      %get3A_214 = arith.constant 3 : i32
      %get3A_215 = arith.index_cast %get3A_214 : i32 to index
      %get3A_216 = arith.constant 32 : index
      %get3A_217 = tpu.vector_load %arg13[%get3A_215, %get3A_216] {strides = array<i32>} : memref<80x64xf32, #tpu.memory_space<vmem>>, vector<1x16xf32>,
      %get3A_218 = vector.shape_cast %get3A_217 : vector<1x16xf32> to vector<16xf32>
      %mul3A_219 = arith.mulf %get3A_218, %gather3A_189 : vector<16xf32>
      %swap3A_220 = arith.constant 3 : i32
      %swap3A_221 = arith.index_cast %swap3A_220 : i32 to index
      %swap3A_222 = arith.constant 32 : index
      %swap3A_223 = tpu.vector_load %arg13[%swap3A_221, %swap3A_222] {strides = array<i32>} : memref<80x64xf32, #tpu.memory_space<vmem>>, vector<1x16xf32>,
      %swap3A_224 = vector.shape_cast %swap3A_223 : vector<1x16xf32> to vector<16xf32>
      %swap3A_225 = vector.shape_cast %mul3A_219 : vector<16xf32> to vector<1x16xf32>
      tpu.vector_store %arg13[%swap3A_221, %swap3A_222], %swap3A_225 {strides = array<i32>} : memref<80x64xf32, #tpu.memory_space<vmem>>, vector<1x16xf32>,
      %get3A_226 = arith.constant 3 : i32
      %get3A_227 = arith.index_cast %get3A_226 : i32 to index
      %get3A_228 = arith.constant 48 : index
      %get3A_229 = tpu.vector_load %arg13[%get3A_227, %get3A_228] {strides = array<i32>} : memref<80x64xf32, #tpu.memory_space<vmem>>, vector<1x16xf32>,
      %get3A_230 = vector.shape_cast %get3A_229 : vector<1x16xf32> to vector<16xf32>
      %mul3A_231 = arith.mulf %get3A_230, %gather3A_189 : vector<16xf32>
      %swap3A_232 = arith.constant 3 : i32
      %swap3A_233 = arith.index_cast %swap3A_232 : i32 to index
      %swap3A_234 = arith.constant 48 : index
      %swap3A_235 = tpu.vector_load %arg13[%swap3A_233, %swap3A_234] {strides = array<i32>} : memref<80x64xf32, #tpu.memory_space<vmem>>, vector<1x16xf32>,
      %swap3A_236 = vector.shape_cast %swap3A_235 : vector<1x16xf32> to vector<16xf32>
      %swap3A_237 = vector.shape_cast %mul3A_231 : vector<16xf32> to vector<1x16xf32>
      tpu.vector_store %arg13[%swap3A_233, %swap3A_234], %swap3A_237 {strides = array<i32>} : memref<80x64xf32, #tpu.memory_space<vmem>>, vector<1x16xf32>,
      %broadcast_in_dim3A_238 = arith.constant 4 : i32
      %broadcast_in_dim3A_239 = vector.broadcast %broadcast_in_dim3A_238 : i32 to vector<16x1xi32>
      %gather3A_240 = vector.shape_cast %broadcast_in_dim3A_239 : vector<16x1xi32> to vector<16xi32>
      %gather3A_241 = tpu.dynamic_gather %get3A_32[%gather3A_240] in [0] : vector<16xf32>, vector<16xi32> -> vector<16xf32>
      %get3A_242 = arith.constant 4 : i32
      %get3A_243 = arith.index_cast %get3A_242 : i32 to index
      %get3A_244 = arith.constant 0 : index
      %get3A_245 = tpu.vector_load %arg13[%get3A_243, %get3A_244] {strides = array<i32>} : memref<80x64xf32, #tpu.memory_space<vmem>>, vector<1x16xf32>,
      %get3A_246 = vector.shape_cast %get3A_245 : vector<1x16xf32> to vector<16xf32>
      %mul3A_247 = arith.mulf %get3A_246, %gather3A_241 : vector<16xf32>
      %swap3A_248 = arith.constant 4 : i32
      %swap3A_249 = arith.index_cast %swap3A_248 : i32 to index
      %swap3A_250 = arith.constant 0 : index
      %swap3A_251 = tpu.vector_load %arg13[%swap3A_249, %swap3A_250] {strides = array<i32>} : memref<80x64xf32, #tpu.memory_space<vmem>>, vector<1x16xf32>,
      %swap3A_252 = vector.shape_cast %swap3A_251 : vector<1x16xf32> to vector<16xf32>
      %swap3A_253 = vector.shape_cast %mul3A_247 : vector<16xf32> to vector<1x16xf32>
      tpu.vector_store %arg13[%swap3A_249, %swap3A_250], %swap3A_253 {strides = array<i32>} : memref<80x64xf32, #tpu.memory_space<vmem>>, vector<1x16xf32>,
      %get3A_254 = arith.constant 4 : i32
      %get3A_255 = arith.index_cast %get3A_254 : i32 to index
      %get3A_256 = arith.constant 16 : index
      %get3A_257 = tpu.vector_load %arg13[%get3A_255, %get3A_256] {strides = array<i32>} : memref<80x64xf32, #tpu.memory_space<vmem>>, vector<1x16xf32>,
      %get3A_258 = vector.shape_cast %get3A_257 : vector<1x16xf32> to vector<16xf32>
      %mul3A_259 = arith.mulf %get3A_258, %gather3A_241 : vector<16xf32>
      %swap3A_260 = arith.constant 4 : i32
      %swap3A_261 = arith.index_cast %swap3A_260 : i32 to index
      %swap3A_262 = arith.constant 16 : index
      %swap3A_263 = tpu.vector_load %arg13[%swap3A_261, %swap3A_262] {strides = array<i32>} : memref<80x64xf32, #tpu.memory_space<vmem>>, vector<1x16xf32>,
      %swap3A_264 = vector.shape_cast %swap3A_263 : vector<1x16xf32> to vector<16xf32>
      %swap3A_265 = vector.shape_cast %mul3A_259 : vector<16xf32> to vector<1x16xf32>
      tpu.vector_store %arg13[%swap3A_261, %swap3A_262], %swap3A_265 {strides = array<i32>} : memref<80x64xf32, #tpu.memory_space<vmem>>, vector<1x16xf32>,
      %get3A_266 = arith.constant 4 : i32
      %get3A_267 = arith.index_cast %get3A_266 : i32 to index
      %get3A_268 = arith.constant 32 : index
      %get3A_269 = tpu.vector_load %arg13[%get3A_267, %get3A_268] {strides = array<i32>} : memref<80x64xf32, #tpu.memory_space<vmem>>, vector<1x16xf32>,
      %get3A_270 = vector.shape_cast %get3A_269 : vector<1x16xf32> to vector<16xf32>
      %mul3A_271 = arith.mulf %get3A_270, %gather3A_241 : vector<16xf32>
      %swap3A_272 = arith.constant 4 : i32
      %swap3A_273 = arith.index_cast %swap3A_272 : i32 to index
      %swap3A_274 = arith.constant 32 : index
      %swap3A_275 = tpu.vector_load %arg13[%swap3A_273, %swap3A_274] {strides = array<i32>} : memref<80x64xf32, #tpu.memory_space<vmem>>, vector<1x16xf32>,
      %swap3A_276 = vector.shape_cast %swap3A_275 : vector<1x16xf32> to vector<16xf32>
      %swap3A_277 = vector.shape_cast %mul3A_271 : vector<16xf32> to vector<1x16xf32>
      tpu.vector_store %arg13[%swap3A_273, %swap3A_274], %swap3A_277 {strides = array<i32>} : memref<80x64xf32, #tpu.memory_space<vmem>>, vector<1x16xf32>,
      %get3A_278 = arith.constant 4 : i32
      %get3A_279 = arith.index_cast %get3A_278 : i32 to index
      %get3A_280 = arith.constant 48 : index
      %get3A_281 = tpu.vector_load %arg13[%get3A_279, %get3A_280] {strides = array<i32>} : memref<80x64xf32, #tpu.memory_space<vmem>>, vector<1x16xf32>,
      %get3A_282 = vector.shape_cast %get3A_281 : vector<1x16xf32> to vector<16xf32>
      %mul3A_283 = arith.mulf %get3A_282, %gather3A_241 : vector<16xf32>
      %swap3A_284 = arith.constant 4 : i32
      %swap3A_285 = arith.index_cast %swap3A_284 : i32 to index
      %swap3A_286 = arith.constant 48 : index
      %swap3A_287 = tpu.vector_load %arg13[%swap3A_285, %swap3A_286] {strides = array<i32>} : memref<80x64xf32, #tpu.memory_space<vmem>>, vector<1x16xf32>,
      %swap3A_288 = vector.shape_cast %swap3A_287 : vector<1x16xf32> to vector<16xf32>
      %swap3A_289 = vector.shape_cast %mul3A_283 : vector<16xf32> to vector<1x16xf32>
      tpu.vector_store %arg13[%swap3A_285, %swap3A_286], %swap3A_289 {strides = array<i32>} : memref<80x64xf32, #tpu.memory_space<vmem>>, vector<1x16xf32>,
      %broadcast_in_dim3A_290 = arith.constant 5 : i32
      %broadcast_in_dim3A_291 = vector.broadcast %broadcast_in_dim3A_290 : i32 to vector<16x1xi32>
      %gather3A_292 = vector.shape_cast %broadcast_in_dim3A_291 : vector<16x1xi32> to vector<16xi32>
      %gather3A_293 = tpu.dynamic_gather %get3A_32[%gather3A_292] in [0] : vector<16xf32>, vector<16xi32> -> vector<16xf32>
      %get3A_294 = arith.constant 5 : i32
      %get3A_295 = arith.index_cast %get3A_294 : i32 to index
      %get3A_296 = arith.constant 0 : index
      %get3A_297 = tpu.vector_load %arg13[%get3A_295, %get3A_296] {strides = array<i32>} : memref<80x64xf32, #tpu.memory_space<vmem>>, vector<1x16xf32>,
      %get3A_298 = vector.shape_cast %get3A_297 : vector<1x16xf32> to vector<16xf32>
      %mul3A_299 = arith.mulf %get3A_298, %gather3A_293 : vector<16xf32>
      %swap3A_300 = arith.constant 5 : i32
      %swap3A_301 = arith.index_cast %swap3A_300 : i32 to index
      %swap3A_302 = arith.constant 0 : index
      %swap3A_303 = tpu.vector_load %arg13[%swap3A_301, %swap3A_302] {strides = array<i32>} : memref<80x64xf32, #tpu.memory_space<vmem>>, vector<1x16xf32>,
      %swap3A_304 = vector.shape_cast %swap3A_303 : vector<1x16xf32> to vector<16xf32>
      %swap3A_305 = vector.shape_cast %mul3A_299 : vector<16xf32> to vector<1x16xf32>
      tpu.vector_store %arg13[%swap3A_301, %swap3A_302], %swap3A_305 {strides = array<i32>} : memref<80x64xf32, #tpu.memory_space<vmem>>, vector<1x16xf32>,
      %get3A_306 = arith.constant 5 : i32
      %get3A_307 = arith.index_cast %get3A_306 : i32 to index
      %get3A_308 = arith.constant 16 : index
      %get3A_309 = tpu.vector_load %arg13[%get3A_307, %get3A_308] {strides = array<i32>} : memref<80x64xf32, #tpu.memory_space<vmem>>, vector<1x16xf32>,
      %get3A_310 = vector.shape_cast %get3A_309 : vector<1x16xf32> to vector<16xf32>
      %mul3A_311 = arith.mulf %get3A_310, %gather3A_293 : vector<16xf32>
      %swap3A_312 = arith.constant 5 : i32
      %swap3A_313 = arith.index_cast %swap3A_312 : i32 to index
      %swap3A_314 = arith.constant 16 : index
      %swap3A_315 = tpu.vector_load %arg13[%swap3A_313, %swap3A_314] {strides = array<i32>} : memref<80x64xf32, #tpu.memory_space<vmem>>, vector<1x16xf32>,
      %swap3A_316 = vector.shape_cast %swap3A_315 : vector<1x16xf32> to vector<16xf32>
      %swap3A_317 = vector.shape_cast %mul3A_311 : vector<16xf32> to vector<1x16xf32>
      tpu.vector_store %arg13[%swap3A_313, %swap3A_314], %swap3A_317 {strides = array<i32>} : memref<80x64xf32, #tpu.memory_space<vmem>>, vector<1x16xf32>,
      %get3A_318 = arith.constant 5 : i32
      %get3A_319 = arith.index_cast %get3A_318 : i32 to index
      %get3A_320 = arith.constant 32 : index
      %get3A_321 = tpu.vector_load %arg13[%get3A_319, %get3A_320] {strides = array<i32>} : memref<80x64xf32, #tpu.memory_space<vmem>>, vector<1x16xf32>,
      %get3A_322 = vector.shape_cast %get3A_321 : vector<1x16xf32> to vector<16xf32>
      %mul3A_323 = arith.mulf %get3A_322, %gather3A_293 : vector<16xf32>
      %swap3A_324 = arith.constant 5 : i32
      %swap3A_325 = arith.index_cast %swap3A_324 : i32 to index
      %swap3A_326 = arith.constant 32 : index
      %swap3A_327 = tpu.vector_load %arg13[%swap3A_325, %swap3A_326] {strides = array<i32>} : memref<80x64xf32, #tpu.memory_space<vmem>>, vector<1x16xf32>,
      %swap3A_328 = vector.shape_cast %swap3A_327 : vector<1x16xf32> to vector<16xf32>
      %swap3A_329 = vector.shape_cast %mul3A_323 : vector<16xf32> to vector<1x16xf32>
      tpu.vector_store %arg13[%swap3A_325, %swap3A_326], %swap3A_329 {strides = array<i32>} : memref<80x64xf32, #tpu.memory_space<vmem>>, vector<1x16xf32>,
      %get3A_330 = arith.constant 5 : i32
      %get3A_331 = arith.index_cast %get3A_330 : i32 to index
      %get3A_332 = arith.constant 48 : index
      %get3A_333 = tpu.vector_load %arg13[%get3A_331, %get3A_332] {strides = array<i32>} : memref<80x64xf32, #tpu.memory_space<vmem>>, vector<1x16xf32>,
      %get3A_334 = vector.shape_cast %get3A_333 : vector<1x16xf32> to vector<16xf32>
      %mul3A_335 = arith.mulf %get3A_334, %gather3A_293 : vector<16xf32>
      %swap3A_336 = arith.constant 5 : i32
      %swap3A_337 = arith.index_cast %swap3A_336 : i32 to index
      %swap3A_338 = arith.constant 48 : index
      %swap3A_339 = tpu.vector_load %arg13[%swap3A_337, %swap3A_338] {strides = array<i32>} : memref<80x64xf32, #tpu.memory_space<vmem>>, vector<1x16xf32>,
      %swap3A_340 = vector.shape_cast %swap3A_339 : vector<1x16xf32> to vector<16xf32>
      %swap3A_341 = vector.shape_cast %mul3A_335 : vector<16xf32> to vector<1x16xf32>
      tpu.vector_store %arg13[%swap3A_337, %swap3A_338], %swap3A_341 {strides = array<i32>} : memref<80x64xf32, #tpu.memory_space<vmem>>, vector<1x16xf32>,
      %broadcast_in_dim3A_342 = arith.constant 6 : i32
      %broadcast_in_dim3A_343 = vector.broadcast %broadcast_in_dim3A_342 : i32 to vector<16x1xi32>
      %gather3A_344 = vector.shape_cast %broadcast_in_dim3A_343 : vector<16x1xi32> to vector<16xi32>
      %gather3A_345 = tpu.dynamic_gather %get3A_32[%gather3A_344] in [0] : vector<16xf32>, vector<16xi32> -> vector<16xf32>
      %get3A_346 = arith.constant 6 : i32
      %get3A_347 = arith.index_cast %get3A_346 : i32 to index
      %get3A_348 = arith.constant 0 : index
      %get3A_349 = tpu.vector_load %arg13[%get3A_347, %get3A_348] {strides = array<i32>} : memref<80x64xf32, #tpu.memory_space<vmem>>, vector<1x16xf32>,
      %get3A_350 = vector.shape_cast %get3A_349 : vector<1x16xf32> to vector<16xf32>
      %mul3A_351 = arith.mulf %get3A_350, %gather3A_345 : vector<16xf32>
      %swap3A_352 = arith.constant 6 : i32
      %swap3A_353 = arith.index_cast %swap3A_352 : i32 to index
      %swap3A_354 = arith.constant 0 : index
      %swap3A_355 = tpu.vector_load %arg13[%swap3A_353, %swap3A_354] {strides = array<i32>} : memref<80x64xf32, #tpu.memory_space<vmem>>, vector<1x16xf32>,
      %swap3A_356 = vector.shape_cast %swap3A_355 : vector<1x16xf32> to vector<16xf32>
      %swap3A_357 = vector.shape_cast %mul3A_351 : vector<16xf32> to vector<1x16xf32>
      tpu.vector_store %arg13[%swap3A_353, %swap3A_354], %swap3A_357 {strides = array<i32>} : memref<80x64xf32, #tpu.memory_space<vmem>>, vector<1x16xf32>,
      %get3A_358 = arith.constant 6 : i32
      %get3A_359 = arith.index_cast %get3A_358 : i32 to index
      %get3A_360 = arith.constant 16 : index
      %get3A_361 = tpu.vector_load %arg13[%get3A_359, %get3A_360] {strides = array<i32>} : memref<80x64xf32, #tpu.memory_space<vmem>>, vector<1x16xf32>,
      %get3A_362 = vector.shape_cast %get3A_361 : vector<1x16xf32> to vector<16xf32>
      %mul3A_363 = arith.mulf %get3A_362, %gather3A_345 : vector<16xf32>
      %swap3A_364 = arith.constant 6 : i32
      %swap3A_365 = arith.index_cast %swap3A_364 : i32 to index
      %swap3A_366 = arith.constant 16 : index
      %swap3A_367 = tpu.vector_load %arg13[%swap3A_365, %swap3A_366] {strides = array<i32>} : memref<80x64xf32, #tpu.memory_space<vmem>>, vector<1x16xf32>,
      %swap3A_368 = vector.shape_cast %swap3A_367 : vector<1x16xf32> to vector<16xf32>
      %swap3A_369 = vector.shape_cast %mul3A_363 : vector<16xf32> to vector<1x16xf32>
      tpu.vector_store %arg13[%swap3A_365, %swap3A_366], %swap3A_369 {strides = array<i32>} : memref<80x64xf32, #tpu.memory_space<vmem>>, vector<1x16xf32>,
      %get3A_370 = arith.constant 6 : i32
      %get3A_371 = arith.index_cast %get3A_370 : i32 to index
      %get3A_372 = arith.constant 32 : index
      %get3A_373 = tpu.vector_load %arg13[%get3A_371, %get3A_372] {strides = array<i32>} : memref<80x64xf32, #tpu.memory_space<vmem>>, vector<1x16xf32>,
      %get3A_374 = vector.shape_cast %get3A_373 : vector<1x16xf32> to vector<16xf32>
      %mul3A_375 = arith.mulf %get3A_374, %gather3A_345 : vector<16xf32>
      %swap3A_376 = arith.constant 6 : i32
      %swap3A_377 = arith.index_cast %swap3A_376 : i32 to index
      %swap3A_378 = arith.constant 32 : index
      %swap3A_379 = tpu.vector_load %arg13[%swap3A_377, %swap3A_378] {strides = array<i32>} : memref<80x64xf32, #tpu.memory_space<vmem>>, vector<1x16xf32>,
      %swap3A_380 = vector.shape_cast %swap3A_379 : vector<1x16xf32> to vector<16xf32>
      %swap3A_381 = vector.shape_cast %mul3A_375 : vector<16xf32> to vector<1x16xf32>
      tpu.vector_store %arg13[%swap3A_377, %swap3A_378], %swap3A_381 {strides = array<i32>} : memref<80x64xf32, #tpu.memory_space<vmem>>, vector<1x16xf32>,
      %get3A_382 = arith.constant 6 : i32
      %get3A_383 = arith.index_cast %get3A_382 : i32 to index
      %get3A_384 = arith.constant 48 : index
      %get3A_385 = tpu.vector_load %arg13[%get3A_383, %get3A_384] {strides = array<i32>} : memref<80x64xf32, #tpu.memory_space<vmem>>, vector<1x16xf32>,
      %get3A_386 = vector.shape_cast %get3A_385 : vector<1x16xf32> to vector<16xf32>
      %mul3A_387 = arith.mulf %get3A_386, %gather3A_345 : vector<16xf32>
      %swap3A_388 = arith.constant 6 : i32
      %swap3A_389 = arith.index_cast %swap3A_388 : i32 to index
      %swap3A_390 = arith.constant 48 : index
      %swap3A_391 = tpu.vector_load %arg13[%swap3A_389, %swap3A_390] {strides = array<i32>} : memref<80x64xf32, #tpu.memory_space<vmem>>, vector<1x16xf32>,
      %swap3A_392 = vector.shape_cast %swap3A_391 : vector<1x16xf32> to vector<16xf32>
      %swap3A_393 = vector.shape_cast %mul3A_387 : vector<16xf32> to vector<1x16xf32>
      tpu.vector_store %arg13[%swap3A_389, %swap3A_390], %swap3A_393 {strides = array<i32>} : memref<80x64xf32, #tpu.memory_space<vmem>>, vector<1x16xf32>,
      %broadcast_in_dim3A_394 = arith.constant 7 : i32
      %broadcast_in_dim3A_395 = vector.broadcast %broadcast_in_dim3A_394 : i32 to vector<16x1xi32>
      %gather3A_396 = vector.shape_cast %broadcast_in_dim3A_395 : vector<16x1xi32> to vector<16xi32>
      %gather3A_397 = tpu.dynamic_gather %get3A_32[%gather3A_396] in [0] : vector<16xf32>, vector<16xi32> -> vector<16xf32>
      %get3A_398 = arith.constant 7 : i32
      %get3A_399 = arith.index_cast %get3A_398 : i32 to index
      %get3A_400 = arith.constant 0 : index
      %get3A_401 = tpu.vector_load %arg13[%get3A_399, %get3A_400] {strides = array<i32>} : memref<80x64xf32, #tpu.memory_space<vmem>>, vector<1x16xf32>,
      %get3A_402 = vector.shape_cast %get3A_401 : vector<1x16xf32> to vector<16xf32>
      %mul3A_403 = arith.mulf %get3A_402, %gather3A_397 : vector<16xf32>
      %swap3A_404 = arith.constant 7 : i32
      %swap3A_405 = arith.index_cast %swap3A_404 : i32 to index
      %swap3A_406 = arith.constant 0 : index
      %swap3A_407 = tpu.vector_load %arg13[%swap3A_405, %swap3A_406] {strides = array<i32>} : memref<80x64xf32, #tpu.memory_space<vmem>>, vector<1x16xf32>,
      %swap3A_408 = vector.shape_cast %swap3A_407 : vector<1x16xf32> to vector<16xf32>
      %swap3A_409 = vector.shape_cast %mul3A_403 : vector<16xf32> to vector<1x16xf32>
      tpu.vector_store %arg13[%swap3A_405, %swap3A_406], %swap3A_409 {strides = array<i32>} : memref<80x64xf32, #tpu.memory_space<vmem>>, vector<1x16xf32>,
      %get3A_410 = arith.constant 7 : i32
      %get3A_411 = arith.index_cast %get3A_410 : i32 to index
      %get3A_412 = arith.constant 16 : index
      %get3A_413 = tpu.vector_load %arg13[%get3A_411, %get3A_412] {strides = array<i32>} : memref<80x64xf32, #tpu.memory_space<vmem>>, vector<1x16xf32>,
      %get3A_414 = vector.shape_cast %get3A_413 : vector<1x16xf32> to vector<16xf32>
      %mul3A_415 = arith.mulf %get3A_414, %gather3A_397 : vector<16xf32>
      %swap3A_416 = arith.constant 7 : i32
      %swap3A_417 = arith.index_cast %swap3A_416 : i32 to index
      %swap3A_418 = arith.constant 16 : index
      %swap3A_419 = tpu.vector_load %arg13[%swap3A_417, %swap3A_418] {strides = array<i32>} : memref<80x64xf32, #tpu.memory_space<vmem>>, vector<1x16xf32>,
      %swap3A_420 = vector.shape_cast %swap3A_419 : vector<1x16xf32> to vector<16xf32>
      %swap3A_421 = vector.shape_cast %mul3A_415 : vector<16xf32> to vector<1x16xf32>
      tpu.vector_store %arg13[%swap3A_417, %swap3A_418], %swap3A_421 {strides = array<i32>} : memref<80x64xf32, #tpu.memory_space<vmem>>, vector<1x16xf32>,
      %get3A_422 = arith.constant 7 : i32
      %get3A_423 = arith.index_cast %get3A_422 : i32 to index
      %get3A_424 = arith.constant 32 : index
      %get3A_425 = tpu.vector_load %arg13[%get3A_423, %get3A_424] {strides = array<i32>} : memref<80x64xf32, #tpu.memory_space<vmem>>, vector<1x16xf32>,
      %get3A_426 = vector.shape_cast %get3A_425 : vector<1x16xf32> to vector<16xf32>
      %mul3A_427 = arith.mulf %get3A_426, %gather3A_397 : vector<16xf32>
      %swap3A_428 = arith.constant 7 : i32
      %swap3A_429 = arith.index_cast %swap3A_428 : i32 to index
      %swap3A_430 = arith.constant 32 : index
      %swap3A_431 = tpu.vector_load %arg13[%swap3A_429, %swap3A_430] {strides = array<i32>} : memref<80x64xf32, #tpu.memory_space<vmem>>, vector<1x16xf32>,
      %swap3A_432 = vector.shape_cast %swap3A_431 : vector<1x16xf32> to vector<16xf32>
      %swap3A_433 = vector.shape_cast %mul3A_427 : vector<16xf32> to vector<1x16xf32>
      tpu.vector_store %arg13[%swap3A_429, %swap3A_430], %swap3A_433 {strides = array<i32>} : memref<80x64xf32, #tpu.memory_space<vmem>>, vector<1x16xf32>,
      %get3A_434 = arith.constant 7 : i32
      %get3A_435 = arith.index_cast %get3A_434 : i32 to index
      %get3A_436 = arith.constant 48 : index
      %get3A_437 = tpu.vector_load %arg13[%get3A_435, %get3A_436] {strides = array<i32>} : memref<80x64xf32, #tpu.memory_space<vmem>>, vector<1x16xf32>,
      %get3A_438 = vector.shape_cast %get3A_437 : vector<1x16xf32> to vector<16xf32>
      %mul3A_439 = arith.mulf %get3A_438, %gather3A_397 : vector<16xf32>
      %swap3A_440 = arith.constant 7 : i32
      %swap3A_441 = arith.index_cast %swap3A_440 : i32 to index
      %swap3A_442 = arith.constant 48 : index
      %swap3A_443 = tpu.vector_load %arg13[%swap3A_441, %swap3A_442] {strides = array<i32>} : memref<80x64xf32, #tpu.memory_space<vmem>>, vector<1x16xf32>,
      %swap3A_444 = vector.shape_cast %swap3A_443 : vector<1x16xf32> to vector<16xf32>
      %swap3A_445 = vector.shape_cast %mul3A_439 : vector<16xf32> to vector<1x16xf32>
      tpu.vector_store %arg13[%swap3A_441, %swap3A_442], %swap3A_445 {strides = array<i32>} : memref<80x64xf32, #tpu.memory_space<vmem>>, vector<1x16xf32>,
      %broadcast_in_dim3A_446 = arith.constant 8 : i32
      %broadcast_in_dim3A_447 = vector.broadcast %broadcast_in_dim3A_446 : i32 to vector<16x1xi32>
      %gather3A_448 = vector.shape_cast %broadcast_in_dim3A_447 : vector<16x1xi32> to vector<16xi32>
      %gather3A_449 = tpu.dynamic_gather %get3A_32[%gather3A_448] in [0] : vector<16xf32>, vector<16xi32> -> vector<16xf32>
      %get3A_450 = arith.constant 8 : i32
      %get3A_451 = arith.index_cast %get3A_450 : i32 to index
      %get3A_452 = arith.constant 0 : index
      %get3A_453 = tpu.vector_load %arg13[%get3A_451, %get3A_452] {strides = array<i32>} : memref<80x64xf32, #tpu.memory_space<vmem>>, vector<1x16xf32>,
      %get3A_454 = vector.shape_cast %get3A_453 : vector<1x16xf32> to vector<16xf32>
      %mul3A_455 = arith.mulf %get3A_454, %gather3A_449 : vector<16xf32>
      %swap3A_456 = arith.constant 8 : i32
      %swap3A_457 = arith.index_cast %swap3A_456 : i32 to index
      %swap3A_458 = arith.constant 0 : index
      %swap3A_459 = tpu.vector_load %arg13[%swap3A_457, %swap3A_458] {strides = array<i32>} : memref<80x64xf32, #tpu.memory_space<vmem>>, vector<1x16xf32>,
      %swap3A_460 = vector.shape_cast %swap3A_459 : vector<1x16xf32> to vector<16xf32>
      %swap3A_461 = vector.shape_cast %mul3A_455 : vector<16xf32> to vector<1x16xf32>
      tpu.vector_store %arg13[%swap3A_457, %swap3A_458], %swap3A_461 {strides = array<i32>} : memref<80x64xf32, #tpu.memory_space<vmem>>, vector<1x16xf32>,
      %get3A_462 = arith.constant 8 : i32
      %get3A_463 = arith.index_cast %get3A_462 : i32 to index
      %get3A_464 = arith.constant 16 : index
      %get3A_465 = tpu.vector_load %arg13[%get3A_463, %get3A_464] {strides = array<i32>} : memref<80x64xf32, #tpu.memory_space<vmem>>, vector<1x16xf32>,
      %get3A_466 = vector.shape_cast %get3A_465 : vector<1x16xf32> to vector<16xf32>
      %mul3A_467 = arith.mulf %get3A_466, %gather3A_449 : vector<16xf32>
      %swap3A_468 = arith.constant 8 : i32
      %swap3A_469 = arith.index_cast %swap3A_468 : i32 to index
      %swap3A_470 = arith.constant 16 : index
      %swap3A_471 = tpu.vector_load %arg13[%swap3A_469, %swap3A_470] {strides = array<i32>} : memref<80x64xf32, #tpu.memory_space<vmem>>, vector<1x16xf32>,
      %swap3A_472 = vector.shape_cast %swap3A_471 : vector<1x16xf32> to vector<16xf32>
      %swap3A_473 = vector.shape_cast %mul3A_467 : vector<16xf32> to vector<1x16xf32>
      tpu.vector_store %arg13[%swap3A_469, %swap3A_470], %swap3A_473 {strides = array<i32>} : memref<80x64xf32, #tpu.memory_space<vmem>>, vector<1x16xf32>,
      %get3A_474 = arith.constant 8 : i32
      %get3A_475 = arith.index_cast %get3A_474 : i32 to index
      %get3A_476 = arith.constant 32 : index
      %get3A_477 = tpu.vector_load %arg13[%get3A_475, %get3A_476] {strides = array<i32>} : memref<80x64xf32, #tpu.memory_space<vmem>>, vector<1x16xf32>,
      %get3A_478 = vector.shape_cast %get3A_477 : vector<1x16xf32> to vector<16xf32>
      %mul3A_479 = arith.mulf %get3A_478, %gather3A_449 : vector<16xf32>
      %swap3A_480 = arith.constant 8 : i32
      %swap3A_481 = arith.index_cast %swap3A_480 : i32 to index
      %swap3A_482 = arith.constant 32 : index
      %swap3A_483 = tpu.vector_load %arg13[%swap3A_481, %swap3A_482] {strides = array<i32>} : memref<80x64xf32, #tpu.memory_space<vmem>>, vector<1x16xf32>,
      %swap3A_484 = vector.shape_cast %swap3A_483 : vector<1x16xf32> to vector<16xf32>
      %swap3A_485 = vector.shape_cast %mul3A_479 : vector<16xf32> to vector<1x16xf32>
      tpu.vector_store %arg13[%swap3A_481, %swap3A_482], %swap3A_485 {strides = array<i32>} : memref<80x64xf32, #tpu.memory_space<vmem>>, vector<1x16xf32>,
      %get3A_486 = arith.constant 8 : i32
      %get3A_487 = arith.index_cast %get3A_486 : i32 to index
      %get3A_488 = arith.constant 48 : index
      %get3A_489 = tpu.vector_load %arg13[%get3A_487, %get3A_488] {strides = array<i32>} : memref<80x64xf32, #tpu.memory_space<vmem>>, vector<1x16xf32>,
      %get3A_490 = vector.shape_cast %get3A_489 : vector<1x16xf32> to vector<16xf32>
      %mul3A_491 = arith.mulf %get3A_490, %gather3A_449 : vector<16xf32>
      %swap3A_492 = arith.constant 8 : i32
      %swap3A_493 = arith.index_cast %swap3A_492 : i32 to index
      %swap3A_494 = arith.constant 48 : index
      %swap3A_495 = tpu.vector_load %arg13[%swap3A_493, %swap3A_494] {strides = array<i32>} : memref<80x64xf32, #tpu.memory_space<vmem>>, vector<1x16xf32>,
      %swap3A_496 = vector.shape_cast %swap3A_495 : vector<1x16xf32> to vector<16xf32>
      %swap3A_497 = vector.shape_cast %mul3A_491 : vector<16xf32> to vector<1x16xf32>
      tpu.vector_store %arg13[%swap3A_493, %swap3A_494], %swap3A_497 {strides = array<i32>} : memref<80x64xf32, #tpu.memory_space<vmem>>, vector<1x16xf32>,
      %broadcast_in_dim3A_498 = arith.constant 9 : i32
      %broadcast_in_dim3A_499 = vector.broadcast %broadcast_in_dim3A_498 : i32 to vector<16x1xi32>
      %gather3A_500 = vector.shape_cast %broadcast_in_dim3A_499 : vector<16x1xi32> to vector<16xi32>
      %gather3A_501 = tpu.dynamic_gather %get3A_32[%gather3A_500] in [0] : vector<16xf32>, vector<16xi32> -> vector<16xf32>
      %get3A_502 = arith.constant 9 : i32
      %get3A_503 = arith.index_cast %get3A_502 : i32 to index
      %get3A_504 = arith.constant 0 : index
      %get3A_505 = tpu.vector_load %arg13[%get3A_503, %get3A_504] {strides = array<i32>} : memref<80x64xf32, #tpu.memory_space<vmem>>, vector<1x16xf32>,
      %get3A_506 = vector.shape_cast %get3A_505 : vector<1x16xf32> to vector<16xf32>
      %mul3A_507 = arith.mulf %get3A_506, %gather3A_501 : vector<16xf32>
      %swap3A_508 = arith.constant 9 : i32
      %swap3A_509 = arith.index_cast %swap3A_508 : i32 to index
      %swap3A_510 = arith.constant 0 : index
      %swap3A_511 = tpu.vector_load %arg13[%swap3A_509, %swap3A_510] {strides = array<i32>} : memref<80x64xf32, #tpu.memory_space<vmem>>, vector<1x16xf32>,
      %swap3A_512 = vector.shape_cast %swap3A_511 : vector<1x16xf32> to vector<16xf32>
      %swap3A_513 = vector.shape_cast %mul3A_507 : vector<16xf32> to vector<1x16xf32>
      tpu.vector_store %arg13[%swap3A_509, %swap3A_510], %swap3A_513 {strides = array<i32>} : memref<80x64xf32, #tpu.memory_space<vmem>>, vector<1x16xf32>,
      %get3A_514 = arith.constant 9 : i32
      %get3A_515 = arith.index_cast %get3A_514 : i32 to index
      %get3A_516 = arith.constant 16 : index
      %get3A_517 = tpu.vector_load %arg13[%get3A_515, %get3A_516] {strides = array<i32>} : memref<80x64xf32, #tpu.memory_space<vmem>>, vector<1x16xf32>,
      %get3A_518 = vector.shape_cast %get3A_517 : vector<1x16xf32> to vector<16xf32>
      %mul3A_519 = arith.mulf %get3A_518, %gather3A_501 : vector<16xf32>
      %swap3A_520 = arith.constant 9 : i32
      %swap3A_521 = arith.index_cast %swap3A_520 : i32 to index
      %swap3A_522 = arith.constant 16 : index
      %swap3A_523 = tpu.vector_load %arg13[%swap3A_521, %swap3A_522] {strides = array<i32>} : memref<80x64xf32, #tpu.memory_space<vmem>>, vector<1x16xf32>,
      %swap3A_524 = vector.shape_cast %swap3A_523 : vector<1x16xf32> to vector<16xf32>
      %swap3A_525 = vector.shape_cast %mul3A_519 : vector<16xf32> to vector<1x16xf32>
      tpu.vector_store %arg13[%swap3A_521, %swap3A_522], %swap3A_525 {strides = array<i32>} : memref<80x64xf32, #tpu.memory_space<vmem>>, vector<1x16xf32>,
      %get3A_526 = arith.constant 9 : i32
      %get3A_527 = arith.index_cast %get3A_526 : i32 to index
      %get3A_528 = arith.constant 32 : index
      %get3A_529 = tpu.vector_load %arg13[%get3A_527, %get3A_528] {strides = array<i32>} : memref<80x64xf32, #tpu.memory_space<vmem>>, vector<1x16xf32>,
      %get3A_530 = vector.shape_cast %get3A_529 : vector<1x16xf32> to vector<16xf32>
      %mul3A_531 = arith.mulf %get3A_530, %gather3A_501 : vector<16xf32>
      %swap3A_532 = arith.constant 9 : i32
      %swap3A_533 = arith.index_cast %swap3A_532 : i32 to index
      %swap3A_534 = arith.constant 32 : index
      %swap3A_535 = tpu.vector_load %arg13[%swap3A_533, %swap3A_534] {strides = array<i32>} : memref<80x64xf32, #tpu.memory_space<vmem>>, vector<1x16xf32>,
      %swap3A_536 = vector.shape_cast %swap3A_535 : vector<1x16xf32> to vector<16xf32>
      %swap3A_537 = vector.shape_cast %mul3A_531 : vector<16xf32> to vector<1x16xf32>
      tpu.vector_store %arg13[%swap3A_533, %swap3A_534], %swap3A_537 {strides = array<i32>} : memref<80x64xf32, #tpu.memory_space<vmem>>, vector<1x16xf32>,
      %get3A_538 = arith.constant 9 : i32
      %get3A_539 = arith.index_cast %get3A_538 : i32 to index
      %get3A_540 = arith.constant 48 : index
      %get3A_541 = tpu.vector_load %arg13[%get3A_539, %get3A_540] {strides = array<i32>} : memref<80x64xf32, #tpu.memory_space<vmem>>, vector<1x16xf32>,
      %get3A_542 = vector.shape_cast %get3A_541 : vector<1x16xf32> to vector<16xf32>
      %mul3A_543 = arith.mulf %get3A_542, %gather3A_501 : vector<16xf32>
      %swap3A_544 = arith.constant 9 : i32
      %swap3A_545 = arith.index_cast %swap3A_544 : i32 to index
      %swap3A_546 = arith.constant 48 : index
      %swap3A_547 = tpu.vector_load %arg13[%swap3A_545, %swap3A_546] {strides = array<i32>} : memref<80x64xf32, #tpu.memory_space<vmem>>, vector<1x16xf32>,
      %swap3A_548 = vector.shape_cast %swap3A_547 : vector<1x16xf32> to vector<16xf32>
      %swap3A_549 = vector.shape_cast %mul3A_543 : vector<16xf32> to vector<1x16xf32>
      tpu.vector_store %arg13[%swap3A_545, %swap3A_546], %swap3A_549 {strides = array<i32>} : memref<80x64xf32, #tpu.memory_space<vmem>>, vector<1x16xf32>,
      %broadcast_in_dim3A_550 = arith.constant 10 : i32
      %broadcast_in_dim3A_551 = vector.broadcast %broadcast_in_dim3A_550 : i32 to vector<16x1xi32>
      %gather3A_552 = vector.shape_cast %broadcast_in_dim3A_551 : vector<16x1xi32> to vector<16xi32>
      %gather3A_553 = tpu.dynamic_gather %get3A_32[%gather3A_552] in [0] : vector<16xf32>, vector<16xi32> -> vector<16xf32>
      %get3A_554 = arith.constant 10 : i32
      %get3A_555 = arith.index_cast %get3A_554 : i32 to index
      %get3A_556 = arith.constant 0 : index
      %get3A_557 = tpu.vector_load %arg13[%get3A_555, %get3A_556] {strides = array<i32>} : memref<80x64xf32, #tpu.memory_space<vmem>>, vector<1x16xf32>,
      %get3A_558 = vector.shape_cast %get3A_557 : vector<1x16xf32> to vector<16xf32>
      %mul3A_559 = arith.mulf %get3A_558, %gather3A_553 : vector<16xf32>
      %swap3A_560 = arith.constant 10 : i32
      %swap3A_561 = arith.index_cast %swap3A_560 : i32 to index
      %swap3A_562 = arith.constant 0 : index
      %swap3A_563 = tpu.vector_load %arg13[%swap3A_561, %swap3A_562] {strides = array<i32>} : memref<80x64xf32, #tpu.memory_space<vmem>>, vector<1x16xf32>,
      %swap3A_564 = vector.shape_cast %swap3A_563 : vector<1x16xf32> to vector<16xf32>
      %swap3A_565 = vector.shape_cast %mul3A_559 : vector<16xf32> to vector<1x16xf32>
      tpu.vector_store %arg13[%swap3A_561, %swap3A_562], %swap3A_565 {strides = array<i32>} : memref<80x64xf32, #tpu.memory_space<vmem>>, vector<1x16xf32>,
      %get3A_566 = arith.constant 10 : i32
      %get3A_567 = arith.index_cast %get3A_566 : i32 to index
      %get3A_568 = arith.constant 16 : index
      %get3A_569 = tpu.vector_load %arg13[%get3A_567, %get3A_568] {strides = array<i32>} : memref<80x64xf32, #tpu.memory_space<vmem>>, vector<1x16xf32>,
      %get3A_570 = vector.shape_cast %get3A_569 : vector<1x16xf32> to vector<16xf32>
      %mul3A_571 = arith.mulf %get3A_570, %gather3A_553 : vector<16xf32>
      %swap3A_572 = arith.constant 10 : i32
      %swap3A_573 = arith.index_cast %swap3A_572 : i32 to index
      %swap3A_574 = arith.constant 16 : index
      %swap3A_575 = tpu.vector_load %arg13[%swap3A_573, %swap3A_574] {strides = array<i32>} : memref<80x64xf32, #tpu.memory_space<vmem>>, vector<1x16xf32>,
      %swap3A_576 = vector.shape_cast %swap3A_575 : vector<1x16xf32> to vector<16xf32>
      %swap3A_577 = vector.shape_cast %mul3A_571 : vector<16xf32> to vector<1x16xf32>
      tpu.vector_store %arg13[%swap3A_573, %swap3A_574], %swap3A_577 {strides = array<i32>} : memref<80x64xf32, #tpu.memory_space<vmem>>, vector<1x16xf32>,
      %get3A_578 = arith.constant 10 : i32
      %get3A_579 = arith.index_cast %get3A_578 : i32 to index
      %get3A_580 = arith.constant 32 : index
      %get3A_581 = tpu.vector_load %arg13[%get3A_579, %get3A_580] {strides = array<i32>} : memref<80x64xf32, #tpu.memory_space<vmem>>, vector<1x16xf32>,
      %get3A_582 = vector.shape_cast %get3A_581 : vector<1x16xf32> to vector<16xf32>
      %mul3A_583 = arith.mulf %get3A_582, %gather3A_553 : vector<16xf32>
      %swap3A_584 = arith.constant 10 : i32
      %swap3A_585 = arith.index_cast %swap3A_584 : i32 to index
      %swap3A_586 = arith.constant 32 : index
      %swap3A_587 = tpu.vector_load %arg13[%swap3A_585, %swap3A_586] {strides = array<i32>} : memref<80x64xf32, #tpu.memory_space<vmem>>, vector<1x16xf32>,
      %swap3A_588 = vector.shape_cast %swap3A_587 : vector<1x16xf32> to vector<16xf32>
      %swap3A_589 = vector.shape_cast %mul3A_583 : vector<16xf32> to vector<1x16xf32>
      tpu.vector_store %arg13[%swap3A_585, %swap3A_586], %swap3A_589 {strides = array<i32>} : memref<80x64xf32, #tpu.memory_space<vmem>>, vector<1x16xf32>,
      %get3A_590 = arith.constant 10 : i32
      %get3A_591 = arith.index_cast %get3A_590 : i32 to index
      %get3A_592 = arith.constant 48 : index
      %get3A_593 = tpu.vector_load %arg13[%get3A_591, %get3A_592] {strides = array<i32>} : memref<80x64xf32, #tpu.memory_space<vmem>>, vector<1x16xf32>,
      %get3A_594 = vector.shape_cast %get3A_593 : vector<1x16xf32> to vector<16xf32>
      %mul3A_595 = arith.mulf %get3A_594, %gather3A_553 : vector<16xf32>
      %swap3A_596 = arith.constant 10 : i32
      %swap3A_597 = arith.index_cast %swap3A_596 : i32 to index
      %swap3A_598 = arith.constant 48 : index
      %swap3A_599 = tpu.vector_load %arg13[%swap3A_597, %swap3A_598] {strides = array<i32>} : memref<80x64xf32, #tpu.memory_space<vmem>>, vector<1x16xf32>,
      %swap3A_600 = vector.shape_cast %swap3A_599 : vector<1x16xf32> to vector<16xf32>
      %swap3A_601 = vector.shape_cast %mul3A_595 : vector<16xf32> to vector<1x16xf32>
      tpu.vector_store %arg13[%swap3A_597, %swap3A_598], %swap3A_601 {strides = array<i32>} : memref<80x64xf32, #tpu.memory_space<vmem>>, vector<1x16xf32>,
      %broadcast_in_dim3A_602 = arith.constant 11 : i32
      %broadcast_in_dim3A_603 = vector.broadcast %broadcast_in_dim3A_602 : i32 to vector<16x1xi32>
      %gather3A_604 = vector.shape_cast %broadcast_in_dim3A_603 : vector<16x1xi32> to vector<16xi32>
      %gather3A_605 = tpu.dynamic_gather %get3A_32[%gather3A_604] in [0] : vector<16xf32>, vector<16xi32> -> vector<16xf32>
      %get3A_606 = arith.constant 11 : i32
      %get3A_607 = arith.index_cast %get3A_606 : i32 to index
      %get3A_608 = arith.constant 0 : index
      %get3A_609 = tpu.vector_load %arg13[%get3A_607, %get3A_608] {strides = array<i32>} : memref<80x64xf32, #tpu.memory_space<vmem>>, vector<1x16xf32>,
      %get3A_610 = vector.shape_cast %get3A_609 : vector<1x16xf32> to vector<16xf32>
      %mul3A_611 = arith.mulf %get3A_610, %gather3A_605 : vector<16xf32>
      %swap3A_612 = arith.constant 11 : i32
      %swap3A_613 = arith.index_cast %swap3A_612 : i32 to index
      %swap3A_614 = arith.constant 0 : index
      %swap3A_615 = tpu.vector_load %arg13[%swap3A_613, %swap3A_614] {strides = array<i32>} : memref<80x64xf32, #tpu.memory_space<vmem>>, vector<1x16xf32>,
      %swap3A_616 = vector.shape_cast %swap3A_615 : vector<1x16xf32> to vector<16xf32>
      %swap3A_617 = vector.shape_cast %mul3A_611 : vector<16xf32> to vector<1x16xf32>
      tpu.vector_store %arg13[%swap3A_613, %swap3A_614], %swap3A_617 {strides = array<i32>} : memref<80x64xf32, #tpu.memory_space<vmem>>, vector<1x16xf32>,
      %get3A_618 = arith.constant 11 : i32
      %get3A_619 = arith.index_cast %get3A_618 : i32 to index
      %get3A_620 = arith.constant 16 : index
      %get3A_621 = tpu.vector_load %arg13[%get3A_619, %get3A_620] {strides = array<i32>} : memref<80x64xf32, #tpu.memory_space<vmem>>, vector<1x16xf32>,
      %get3A_622 = vector.shape_cast %get3A_621 : vector<1x16xf32> to vector<16xf32>
      %mul3A_623 = arith.mulf %get3A_622, %gather3A_605 : vector<16xf32>
      %swap3A_624 = arith.constant 11 : i32
      %swap3A_625 = arith.index_cast %swap3A_624 : i32 to index
      %swap3A_626 = arith.constant 16 : index
      %swap3A_627 = tpu.vector_load %arg13[%swap3A_625, %swap3A_626] {strides = array<i32>} : memref<80x64xf32, #tpu.memory_space<vmem>>, vector<1x16xf32>,
      %swap3A_628 = vector.shape_cast %swap3A_627 : vector<1x16xf32> to vector<16xf32>
      %swap3A_629 = vector.shape_cast %mul3A_623 : vector<16xf32> to vector<1x16xf32>
      tpu.vector_store %arg13[%swap3A_625, %swap3A_626], %swap3A_629 {strides = array<i32>} : memref<80x64xf32, #tpu.memory_space<vmem>>, vector<1x16xf32>,
      %get3A_630 = arith.constant 11 : i32
      %get3A_631 = arith.index_cast %get3A_630 : i32 to index
      %get3A_632 = arith.constant 32 : index
      %get3A_633 = tpu.vector_load %arg13[%get3A_631, %get3A_632] {strides = array<i32>} : memref<80x64xf32, #tpu.memory_space<vmem>>, vector<1x16xf32>,
      %get3A_634 = vector.shape_cast %get3A_633 : vector<1x16xf32> to vector<16xf32>
      %mul3A_635 = arith.mulf %get3A_634, %gather3A_605 : vector<16xf32>
      %swap3A_636 = arith.constant 11 : i32
      %swap3A_637 = arith.index_cast %swap3A_636 : i32 to index
      %swap3A_638 = arith.constant 32 : index
      %swap3A_639 = tpu.vector_load %arg13[%swap3A_637, %swap3A_638] {strides = array<i32>} : memref<80x64xf32, #tpu.memory_space<vmem>>, vector<1x16xf32>,
      %swap3A_640 = vector.shape_cast %swap3A_639 : vector<1x16xf32> to vector<16xf32>
      %swap3A_641 = vector.shape_cast %mul3A_635 : vector<16xf32> to vector<1x16xf32>
      tpu.vector_store %arg13[%swap3A_637, %swap3A_638], %swap3A_641 {strides = array<i32>} : memref<80x64xf32, #tpu.memory_space<vmem>>, vector<1x16xf32>,
      %get3A_642 = arith.constant 11 : i32
      %get3A_643 = arith.index_cast %get3A_642 : i32 to index
      %get3A_644 = arith.constant 48 : index
      %get3A_645 = tpu.vector_load %arg13[%get3A_643, %get3A_644] {strides = array<i32>} : memref<80x64xf32, #tpu.memory_space<vmem>>, vector<1x16xf32>,
      %get3A_646 = vector.shape_cast %get3A_645 : vector<1x16xf32> to vector<16xf32>
      %mul3A_647 = arith.mulf %get3A_646, %gather3A_605 : vector<16xf32>
      %swap3A_648 = arith.constant 11 : i32
      %swap3A_649 = arith.index_cast %swap3A_648 : i32 to index
      %swap3A_650 = arith.constant 48 : index
      %swap3A_651 = tpu.vector_load %arg13[%swap3A_649, %swap3A_650] {strides = array<i32>} : memref<80x64xf32, #tpu.memory_space<vmem>>, vector<1x16xf32>,
      %swap3A_652 = vector.shape_cast %swap3A_651 : vector<1x16xf32> to vector<16xf32>
      %swap3A_653 = vector.shape_cast %mul3A_647 : vector<16xf32> to vector<1x16xf32>
      tpu.vector_store %arg13[%swap3A_649, %swap3A_650], %swap3A_653 {strides = array<i32>} : memref<80x64xf32, #tpu.memory_space<vmem>>, vector<1x16xf32>,
      %broadcast_in_dim3A_654 = arith.constant 12 : i32
      %broadcast_in_dim3A_655 = vector.broadcast %broadcast_in_dim3A_654 : i32 to vector<16x1xi32>
      %gather3A_656 = vector.shape_cast %broadcast_in_dim3A_655 : vector<16x1xi32> to vector<16xi32>
      %gather3A_657 = tpu.dynamic_gather %get3A_32[%gather3A_656] in [0] : vector<16xf32>, vector<16xi32> -> vector<16xf32>
      %get3A_658 = arith.constant 12 : i32
      %get3A_659 = arith.index_cast %get3A_658 : i32 to index
      %get3A_660 = arith.constant 0 : index
      %get3A_661 = tpu.vector_load %arg13[%get3A_659, %get3A_660] {strides = array<i32>} : memref<80x64xf32, #tpu.memory_space<vmem>>, vector<1x16xf32>,
      %get3A_662 = vector.shape_cast %get3A_661 : vector<1x16xf32> to vector<16xf32>
      %mul3A_663 = arith.mulf %get3A_662, %gather3A_657 : vector<16xf32>
      %swap3A_664 = arith.constant 12 : i32
      %swap3A_665 = arith.index_cast %swap3A_664 : i32 to index
      %swap3A_666 = arith.constant 0 : index
      %swap3A_667 = tpu.vector_load %arg13[%swap3A_665, %swap3A_666] {strides = array<i32>} : memref<80x64xf32, #tpu.memory_space<vmem>>, vector<1x16xf32>,
      %swap3A_668 = vector.shape_cast %swap3A_667 : vector<1x16xf32> to vector<16xf32>
      %swap3A_669 = vector.shape_cast %mul3A_663 : vector<16xf32> to vector<1x16xf32>
      tpu.vector_store %arg13[%swap3A_665, %swap3A_666], %swap3A_669 {strides = array<i32>} : memref<80x64xf32, #tpu.memory_space<vmem>>, vector<1x16xf32>,
      %get3A_670 = arith.constant 12 : i32
      %get3A_671 = arith.index_cast %get3A_670 : i32 to index
      %get3A_672 = arith.constant 16 : index
      %get3A_673 = tpu.vector_load %arg13[%get3A_671, %get3A_672] {strides = array<i32>} : memref<80x64xf32, #tpu.memory_space<vmem>>, vector<1x16xf32>,
      %get3A_674 = vector.shape_cast %get3A_673 : vector<1x16xf32> to vector<16xf32>
      %mul3A_675 = arith.mulf %get3A_674, %gather3A_657 : vector<16xf32>
      %swap3A_676 = arith.constant 12 : i32
      %swap3A_677 = arith.index_cast %swap3A_676 : i32 to index
      %swap3A_678 = arith.constant 16 : index
      %swap3A_679 = tpu.vector_load %arg13[%swap3A_677, %swap3A_678] {strides = array<i32>} : memref<80x64xf32, #tpu.memory_space<vmem>>, vector<1x16xf32>,
      %swap3A_680 = vector.shape_cast %swap3A_679 : vector<1x16xf32> to vector<16xf32>
      %swap3A_681 = vector.shape_cast %mul3A_675 : vector<16xf32> to vector<1x16xf32>
      tpu.vector_store %arg13[%swap3A_677, %swap3A_678], %swap3A_681 {strides = array<i32>} : memref<80x64xf32, #tpu.memory_space<vmem>>, vector<1x16xf32>,
      %get3A_682 = arith.constant 12 : i32
      %get3A_683 = arith.index_cast %get3A_682 : i32 to index
      %get3A_684 = arith.constant 32 : index
      %get3A_685 = tpu.vector_load %arg13[%get3A_683, %get3A_684] {strides = array<i32>} : memref<80x64xf32, #tpu.memory_space<vmem>>, vector<1x16xf32>,
      %get3A_686 = vector.shape_cast %get3A_685 : vector<1x16xf32> to vector<16xf32>
      %mul3A_687 = arith.mulf %get3A_686, %gather3A_657 : vector<16xf32>
      %swap3A_688 = arith.constant 12 : i32
      %swap3A_689 = arith.index_cast %swap3A_688 : i32 to index
      %swap3A_690 = arith.constant 32 : index
      %swap3A_691 = tpu.vector_load %arg13[%swap3A_689, %swap3A_690] {strides = array<i32>} : memref<80x64xf32, #tpu.memory_space<vmem>>, vector<1x16xf32>,
      %swap3A_692 = vector.shape_cast %swap3A_691 : vector<1x16xf32> to vector<16xf32>
      %swap3A_693 = vector.shape_cast %mul3A_687 : vector<16xf32> to vector<1x16xf32>
      tpu.vector_store %arg13[%swap3A_689, %swap3A_690], %swap3A_693 {strides = array<i32>} : memref<80x64xf32, #tpu.memory_space<vmem>>, vector<1x16xf32>,
      %get3A_694 = arith.constant 12 : i32
      %get3A_695 = arith.index_cast %get3A_694 : i32 to index
      %get3A_696 = arith.constant 48 : index
      %get3A_697 = tpu.vector_load %arg13[%get3A_695, %get3A_696] {strides = array<i32>} : memref<80x64xf32, #tpu.memory_space<vmem>>, vector<1x16xf32>,
      %get3A_698 = vector.shape_cast %get3A_697 : vector<1x16xf32> to vector<16xf32>
      %mul3A_699 = arith.mulf %get3A_698, %gather3A_657 : vector<16xf32>
      %swap3A_700 = arith.constant 12 : i32
      %swap3A_701 = arith.index_cast %swap3A_700 : i32 to index
      %swap3A_702 = arith.constant 48 : index
      %swap3A_703 = tpu.vector_load %arg13[%swap3A_701, %swap3A_702] {strides = array<i32>} : memref<80x64xf32, #tpu.memory_space<vmem>>, vector<1x16xf32>,
      %swap3A_704 = vector.shape_cast %swap3A_703 : vector<1x16xf32> to vector<16xf32>
      %swap3A_705 = vector.shape_cast %mul3A_699 : vector<16xf32> to vector<1x16xf32>
      tpu.vector_store %arg13[%swap3A_701, %swap3A_702], %swap3A_705 {strides = array<i32>} : memref<80x64xf32, #tpu.memory_space<vmem>>, vector<1x16xf32>,
      %broadcast_in_dim3A_706 = arith.constant 13 : i32
      %broadcast_in_dim3A_707 = vector.broadcast %broadcast_in_dim3A_706 : i32 to vector<16x1xi32>
      %gather3A_708 = vector.shape_cast %broadcast_in_dim3A_707 : vector<16x1xi32> to vector<16xi32>
      %gather3A_709 = tpu.dynamic_gather %get3A_32[%gather3A_708] in [0] : vector<16xf32>, vector<16xi32> -> vector<16xf32>
      %get3A_710 = arith.constant 13 : i32
      %get3A_711 = arith.index_cast %get3A_710 : i32 to index
      %get3A_712 = arith.constant 0 : index
      %get3A_713 = tpu.vector_load %arg13[%get3A_711, %get3A_712] {strides = array<i32>} : memref<80x64xf32, #tpu.memory_space<vmem>>, vector<1x16xf32>,
      %get3A_714 = vector.shape_cast %get3A_713 : vector<1x16xf32> to vector<16xf32>
      %mul3A_715 = arith.mulf %get3A_714, %gather3A_709 : vector<16xf32>
      %swap3A_716 = arith.constant 13 : i32
      %swap3A_717 = arith.index_cast %swap3A_716 : i32 to index
      %swap3A_718 = arith.constant 0 : index
      %swap3A_719 = tpu.vector_load %arg13[%swap3A_717, %swap3A_718] {strides = array<i32>} : memref<80x64xf32, #tpu.memory_space<vmem>>, vector<1x16xf32>,
      %swap3A_720 = vector.shape_cast %swap3A_719 : vector<1x16xf32> to vector<16xf32>
      %swap3A_721 = vector.shape_cast %mul3A_715 : vector<16xf32> to vector<1x16xf32>
      tpu.vector_store %arg13[%swap3A_717, %swap3A_718], %swap3A_721 {strides = array<i32>} : memref<80x64xf32, #tpu.memory_space<vmem>>, vector<1x16xf32>,
      %get3A_722 = arith.constant 13 : i32
      %get3A_723 = arith.index_cast %get3A_722 : i32 to index
      %get3A_724 = arith.constant 16 : index
      %get3A_725 = tpu.vector_load %arg13[%get3A_723, %get3A_724] {strides = array<i32>} : memref<80x64xf32, #tpu.memory_space<vmem>>, vector<1x16xf32>,
      %get3A_726 = vector.shape_cast %get3A_725 : vector<1x16xf32> to vector<16xf32>
      %mul3A_727 = arith.mulf %get3A_726, %gather3A_709 : vector<16xf32>
      %swap3A_728 = arith.constant 13 : i32
      %swap3A_729 = arith.index_cast %swap3A_728 : i32 to index
      %swap3A_730 = arith.constant 16 : index
      %swap3A_731 = tpu.vector_load %arg13[%swap3A_729, %swap3A_730] {strides = array<i32>} : memref<80x64xf32, #tpu.memory_space<vmem>>, vector<1x16xf32>,
      %swap3A_732 = vector.shape_cast %swap3A_731 : vector<1x16xf32> to vector<16xf32>
      %swap3A_733 = vector.shape_cast %mul3A_727 : vector<16xf32> to vector<1x16xf32>
      tpu.vector_store %arg13[%swap3A_729, %swap3A_730], %swap3A_733 {strides = array<i32>} : memref<80x64xf32, #tpu.memory_space<vmem>>, vector<1x16xf32>,
      %get3A_734 = arith.constant 13 : i32
      %get3A_735 = arith.index_cast %get3A_734 : i32 to index
      %get3A_736 = arith.constant 32 : index
      %get3A_737 = tpu.vector_load %arg13[%get3A_735, %get3A_736] {strides = array<i32>} : memref<80x64xf32, #tpu.memory_space<vmem>>, vector<1x16xf32>,
      %get3A_738 = vector.shape_cast %get3A_737 : vector<1x16xf32> to vector<16xf32>
      %mul3A_739 = arith.mulf %get3A_738, %gather3A_709 : vector<16xf32>
      %swap3A_740 = arith.constant 13 : i32
      %swap3A_741 = arith.index_cast %swap3A_740 : i32 to index
      %swap3A_742 = arith.constant 32 : index
      %swap3A_743 = tpu.vector_load %arg13[%swap3A_741, %swap3A_742] {strides = array<i32>} : memref<80x64xf32, #tpu.memory_space<vmem>>, vector<1x16xf32>,
      %swap3A_744 = vector.shape_cast %swap3A_743 : vector<1x16xf32> to vector<16xf32>
      %swap3A_745 = vector.shape_cast %mul3A_739 : vector<16xf32> to vector<1x16xf32>
      tpu.vector_store %arg13[%swap3A_741, %swap3A_742], %swap3A_745 {strides = array<i32>} : memref<80x64xf32, #tpu.memory_space<vmem>>, vector<1x16xf32>,
      %get3A_746 = arith.constant 13 : i32
      %get3A_747 = arith.index_cast %get3A_746 : i32 to index
      %get3A_748 = arith.constant 48 : index
      %get3A_749 = tpu.vector_load %arg13[%get3A_747, %get3A_748] {strides = array<i32>} : memref<80x64xf32, #tpu.memory_space<vmem>>, vector<1x16xf32>,
      %get3A_750 = vector.shape_cast %get3A_749 : vector<1x16xf32> to vector<16xf32>
      %mul3A_751 = arith.mulf %get3A_750, %gather3A_709 : vector<16xf32>
      %swap3A_752 = arith.constant 13 : i32
      %swap3A_753 = arith.index_cast %swap3A_752 : i32 to index
      %swap3A_754 = arith.constant 48 : index
      %swap3A_755 = tpu.vector_load %arg13[%swap3A_753, %swap3A_754] {strides = array<i32>} : memref<80x64xf32, #tpu.memory_space<vmem>>, vector<1x16xf32>,
      %swap3A_756 = vector.shape_cast %swap3A_755 : vector<1x16xf32> to vector<16xf32>
      %swap3A_757 = vector.shape_cast %mul3A_751 : vector<16xf32> to vector<1x16xf32>
      tpu.vector_store %arg13[%swap3A_753, %swap3A_754], %swap3A_757 {strides = array<i32>} : memref<80x64xf32, #tpu.memory_space<vmem>>, vector<1x16xf32>,
      %broadcast_in_dim3A_758 = arith.constant 14 : i32
      %broadcast_in_dim3A_759 = vector.broadcast %broadcast_in_dim3A_758 : i32 to vector<16x1xi32>
      %gather3A_760 = vector.shape_cast %broadcast_in_dim3A_759 : vector<16x1xi32> to vector<16xi32>
      %gather3A_761 = tpu.dynamic_gather %get3A_32[%gather3A_760] in [0] : vector<16xf32>, vector<16xi32> -> vector<16xf32>
      %get3A_762 = arith.constant 14 : i32
      %get3A_763 = arith.index_cast %get3A_762 : i32 to index
      %get3A_764 = arith.constant 0 : index
      %get3A_765 = tpu.vector_load %arg13[%get3A_763, %get3A_764] {strides = array<i32>} : memref<80x64xf32, #tpu.memory_space<vmem>>, vector<1x16xf32>,
      %get3A_766 = vector.shape_cast %get3A_765 : vector<1x16xf32> to vector<16xf32>
      %mul3A_767 = arith.mulf %get3A_766, %gather3A_761 : vector<16xf32>
      %swap3A_768 = arith.constant 14 : i32
      %swap3A_769 = arith.index_cast %swap3A_768 : i32 to index
      %swap3A_770 = arith.constant 0 : index
      %swap3A_771 = tpu.vector_load %arg13[%swap3A_769, %swap3A_770] {strides = array<i32>} : memref<80x64xf32, #tpu.memory_space<vmem>>, vector<1x16xf32>,
      %swap3A_772 = vector.shape_cast %swap3A_771 : vector<1x16xf32> to vector<16xf32>
      %swap3A_773 = vector.shape_cast %mul3A_767 : vector<16xf32> to vector<1x16xf32>
      tpu.vector_store %arg13[%swap3A_769, %swap3A_770], %swap3A_773 {strides = array<i32>} : memref<80x64xf32, #tpu.memory_space<vmem>>, vector<1x16xf32>,
      %get3A_774 = arith.constant 14 : i32
      %get3A_775 = arith.index_cast %get3A_774 : i32 to index
      %get3A_776 = arith.constant 16 : index
      %get3A_777 = tpu.vector_load %arg13[%get3A_775, %get3A_776] {strides = array<i32>} : memref<80x64xf32, #tpu.memory_space<vmem>>, vector<1x16xf32>,
      %get3A_778 = vector.shape_cast %get3A_777 : vector<1x16xf32> to vector<16xf32>
      %mul3A_779 = arith.mulf %get3A_778, %gather3A_761 : vector<16xf32>
      %swap3A_780 = arith.constant 14 : i32
      %swap3A_781 = arith.index_cast %swap3A_780 : i32 to index
      %swap3A_782 = arith.constant 16 : index
      %swap3A_783 = tpu.vector_load %arg13[%swap3A_781, %swap3A_782] {strides = array<i32>} : memref<80x64xf32, #tpu.memory_space<vmem>>, vector<1x16xf32>,
      %swap3A_784 = vector.shape_cast %swap3A_783 : vector<1x16xf32> to vector<16xf32>
      %swap3A_785 = vector.shape_cast %mul3A_779 : vector<16xf32> to vector<1x16xf32>
      tpu.vector_store %arg13[%swap3A_781, %swap3A_782], %swap3A_785 {strides = array<i32>} : memref<80x64xf32, #tpu.memory_space<vmem>>, vector<1x16xf32>,
      %get3A_786 = arith.constant 14 : i32
      %get3A_787 = arith.index_cast %get3A_786 : i32 to index
      %get3A_788 = arith.constant 32 : index
      %get3A_789 = tpu.vector_load %arg13[%get3A_787, %get3A_788] {strides = array<i32>} : memref<80x64xf32, #tpu.memory_space<vmem>>, vector<1x16xf32>,
      %get3A_790 = vector.shape_cast %get3A_789 : vector<1x16xf32> to vector<16xf32>
      %mul3A_791 = arith.mulf %get3A_790, %gather3A_761 : vector<16xf32>
      %swap3A_792 = arith.constant 14 : i32
      %swap3A_793 = arith.index_cast %swap3A_792 : i32 to index
      %swap3A_794 = arith.constant 32 : index
      %swap3A_795 = tpu.vector_load %arg13[%swap3A_793, %swap3A_794] {strides = array<i32>} : memref<80x64xf32, #tpu.memory_space<vmem>>, vector<1x16xf32>,
      %swap3A_796 = vector.shape_cast %swap3A_795 : vector<1x16xf32> to vector<16xf32>
      %swap3A_797 = vector.shape_cast %mul3A_791 : vector<16xf32> to vector<1x16xf32>
      tpu.vector_store %arg13[%swap3A_793, %swap3A_794], %swap3A_797 {strides = array<i32>} : memref<80x64xf32, #tpu.memory_space<vmem>>, vector<1x16xf32>,
      %get3A_798 = arith.constant 14 : i32
      %get3A_799 = arith.index_cast %get3A_798 : i32 to index
      %get3A_800 = arith.constant 48 : index
      %get3A_801 = tpu.vector_load %arg13[%get3A_799, %get3A_800] {strides = array<i32>} : memref<80x64xf32, #tpu.memory_space<vmem>>, vector<1x16xf32>,
      %get3A_802 = vector.shape_cast %get3A_801 : vector<1x16xf32> to vector<16xf32>
      %mul3A_803 = arith.mulf %get3A_802, %gather3A_761 : vector<16xf32>
      %swap3A_804 = arith.constant 14 : i32
      %swap3A_805 = arith.index_cast %swap3A_804 : i32 to index
      %swap3A_806 = arith.constant 48 : index
      %swap3A_807 = tpu.vector_load %arg13[%swap3A_805, %swap3A_806] {strides = array<i32>} : memref<80x64xf32, #tpu.memory_space<vmem>>, vector<1x16xf32>,
      %swap3A_808 = vector.shape_cast %swap3A_807 : vector<1x16xf32> to vector<16xf32>
      %swap3A_809 = vector.shape_cast %mul3A_803 : vector<16xf32> to vector<1x16xf32>
      tpu.vector_store %arg13[%swap3A_805, %swap3A_806], %swap3A_809 {strides = array<i32>} : memref<80x64xf32, #tpu.memory_space<vmem>>, vector<1x16xf32>,
      %broadcast_in_dim3A_810 = arith.constant 15 : i32
      %broadcast_in_dim3A_811 = vector.broadcast %broadcast_in_dim3A_810 : i32 to vector<16x1xi32>
      %gather3A_812 = vector.shape_cast %broadcast_in_dim3A_811 : vector<16x1xi32> to vector<16xi32>
      %gather3A_813 = tpu.dynamic_gather %get3A_32[%gather3A_812] in [0] : vector<16xf32>, vector<16xi32> -> vector<16xf32>
      %get3A_814 = arith.constant 15 : i32
      %get3A_815 = arith.index_cast %get3A_814 : i32 to index
      %get3A_816 = arith.constant 0 : index
      %get3A_817 = tpu.vector_load %arg13[%get3A_815, %get3A_816] {strides = array<i32>} : memref<80x64xf32, #tpu.memory_space<vmem>>, vector<1x16xf32>,
      %get3A_818 = vector.shape_cast %get3A_817 : vector<1x16xf32> to vector<16xf32>
      %mul3A_819 = arith.mulf %get3A_818, %gather3A_813 : vector<16xf32>
      %swap3A_820 = arith.constant 15 : i32
      %swap3A_821 = arith.index_cast %swap3A_820 : i32 to index
      %swap3A_822 = arith.constant 0 : index
      %swap3A_823 = tpu.vector_load %arg13[%swap3A_821, %swap3A_822] {strides = array<i32>} : memref<80x64xf32, #tpu.memory_space<vmem>>, vector<1x16xf32>,
      %swap3A_824 = vector.shape_cast %swap3A_823 : vector<1x16xf32> to vector<16xf32>
      %swap3A_825 = vector.shape_cast %mul3A_819 : vector<16xf32> to vector<1x16xf32>
      tpu.vector_store %arg13[%swap3A_821, %swap3A_822], %swap3A_825 {strides = array<i32>} : memref<80x64xf32, #tpu.memory_space<vmem>>, vector<1x16xf32>,
      %get3A_826 = arith.constant 15 : i32
      %get3A_827 = arith.index_cast %get3A_826 : i32 to index
      %get3A_828 = arith.constant 16 : index
      %get3A_829 = tpu.vector_load %arg13[%get3A_827, %get3A_828] {strides = array<i32>} : memref<80x64xf32, #tpu.memory_space<vmem>>, vector<1x16xf32>,
      %get3A_830 = vector.shape_cast %get3A_829 : vector<1x16xf32> to vector<16xf32>
      %mul3A_831 = arith.mulf %get3A_830, %gather3A_813 : vector<16xf32>
      %swap3A_832 = arith.constant 15 : i32
      %swap3A_833 = arith.index_cast %swap3A_832 : i32 to index
      %swap3A_834 = arith.constant 16 : index
      %swap3A_835 = tpu.vector_load %arg13[%swap3A_833, %swap3A_834] {strides = array<i32>} : memref<80x64xf32, #tpu.memory_space<vmem>>, vector<1x16xf32>,
      %swap3A_836 = vector.shape_cast %swap3A_835 : vector<1x16xf32> to vector<16xf32>
      %swap3A_837 = vector.shape_cast %mul3A_831 : vector<16xf32> to vector<1x16xf32>
      tpu.vector_store %arg13[%swap3A_833, %swap3A_834], %swap3A_837 {strides = array<i32>} : memref<80x64xf32, #tpu.memory_space<vmem>>, vector<1x16xf32>,
      %get3A_838 = arith.constant 15 : i32
      %get3A_839 = arith.index_cast %get3A_838 : i32 to index
      %get3A_840 = arith.constant 32 : index
      %get3A_841 = tpu.vector_load %arg13[%get3A_839, %get3A_840] {strides = array<i32>} : memref<80x64xf32, #tpu.memory_space<vmem>>, vector<1x16xf32>,
      %get3A_842 = vector.shape_cast %get3A_841 : vector<1x16xf32> to vector<16xf32>
      %mul3A_843 = arith.mulf %get3A_842, %gather3A_813 : vector<16xf32>
      %swap3A_844 = arith.constant 15 : i32
      %swap3A_845 = arith.index_cast %swap3A_844 : i32 to index
      %swap3A_846 = arith.constant 32 : index
      %swap3A_847 = tpu.vector_load %arg13[%swap3A_845, %swap3A_846] {strides = array<i32>} : memref<80x64xf32, #tpu.memory_space<vmem>>, vector<1x16xf32>,
      %swap3A_848 = vector.shape_cast %swap3A_847 : vector<1x16xf32> to vector<16xf32>
      %swap3A_849 = vector.shape_cast %mul3A_843 : vector<16xf32> to vector<1x16xf32>
      tpu.vector_store %arg13[%swap3A_845, %swap3A_846], %swap3A_849 {strides = array<i32>} : memref<80x64xf32, #tpu.memory_space<vmem>>, vector<1x16xf32>,
      %get3A_850 = arith.constant 15 : i32
      %get3A_851 = arith.index_cast %get3A_850 : i32 to index
      %get3A_852 = arith.constant 48 : index
      %get3A_853 = tpu.vector_load %arg13[%get3A_851, %get3A_852] {strides = array<i32>} : memref<80x64xf32, #tpu.memory_space<vmem>>, vector<1x16xf32>,
      %get3A_854 = vector.shape_cast %get3A_853 : vector<1x16xf32> to vector<16xf32>
      %mul3A_855 = arith.mulf %get3A_854, %gather3A_813 : vector<16xf32>
      %swap3A_856 = arith.constant 15 : i32
      %swap3A_857 = arith.index_cast %swap3A_856 : i32 to index
      %swap3A_858 = arith.constant 48 : index
      %swap3A_859 = tpu.vector_load %arg13[%swap3A_857, %swap3A_858] {strides = array<i32>} : memref<80x64xf32, #tpu.memory_space<vmem>>, vector<1x16xf32>,
      %swap3A_860 = vector.shape_cast %swap3A_859 : vector<1x16xf32> to vector<16xf32>
      %swap3A_861 = vector.shape_cast %mul3A_855 : vector<16xf32> to vector<1x16xf32>
      tpu.vector_store %arg13[%swap3A_857, %swap3A_858], %swap3A_861 {strides = array<i32>} : memref<80x64xf32, #tpu.memory_space<vmem>>, vector<1x16xf32>,
      %add3A_862 = arith.constant 16 : i32
      %add3A_863 = arith.addi %mul3A_28, %add3A_862 : i32
      %get3A_864 = arith.index_cast %add3A_863 : i32 to index
      %get3A_865 = tpu.vector_load %arg12[%get3A_864] {strides = array<i32>} : memref<20000xf32, #tpu.memory_space<vmem>>, vector<16xf32>,
      %get3A_866 = vector.shape_cast %get3A_865 : vector<16xf32> to vector<16xf32>
      %broadcast_in_dim3A_867 = arith.constant 0 : i32
      %broadcast_in_dim3A_868 = vector.broadcast %broadcast_in_dim3A_867 : i32 to vector<16x1xi32>
      %gather3A_869 = vector.shape_cast %broadcast_in_dim3A_868 : vector<16x1xi32> to vector<16xi32>
      %gather3A_870 = tpu.dynamic_gather %get3A_866[%gather3A_869] in [0] : vector<16xf32>, vector<16xi32> -> vector<16xf32>
      %get3A_871 = arith.constant 16 : i32
      %get3A_872 = arith.index_cast %get3A_871 : i32 to index
      %get3A_873 = arith.constant 0 : index
      %get3A_874 = tpu.vector_load %arg13[%get3A_872, %get3A_873] {strides = array<i32>} : memref<80x64xf32, #tpu.memory_space<vmem>>, vector<1x16xf32>,
      %get3A_875 = vector.shape_cast %get3A_874 : vector<1x16xf32> to vector<16xf32>
      %mul3A_876 = arith.mulf %get3A_875, %gather3A_870 : vector<16xf32>
      %swap3A_877 = arith.constant 16 : i32
      %swap3A_878 = arith.index_cast %swap3A_877 : i32 to index
      %swap3A_879 = arith.constant 0 : index
      %swap3A_880 = tpu.vector_load %arg13[%swap3A_878, %swap3A_879] {strides = array<i32>} : memref<80x64xf32, #tpu.memory_space<vmem>>, vector<1x16xf32>,
      %swap3A_881 = vector.shape_cast %swap3A_880 : vector<1x16xf32> to vector<16xf32>
      %swap3A_882 = vector.shape_cast %mul3A_876 : vector<16xf32> to vector<1x16xf32>
      tpu.vector_store %arg13[%swap3A_878, %swap3A_879], %swap3A_882 {strides = array<i32>} : memref<80x64xf32, #tpu.memory_space<vmem>>, vector<1x16xf32>,
      %get3A_883 = arith.constant 16 : i32
      %get3A_884 = arith.index_cast %get3A_883 : i32 to index
      %get3A_885 = arith.constant 16 : index
      %get3A_886 = tpu.vector_load %arg13[%get3A_884, %get3A_885] {strides = array<i32>} : memref<80x64xf32, #tpu.memory_space<vmem>>, vector<1x16xf32>,
      %get3A_887 = vector.shape_cast %get3A_886 : vector<1x16xf32> to vector<16xf32>
      %mul3A_888 = arith.mulf %get3A_887, %gather3A_870 : vector<16xf32>
      %swap3A_889 = arith.constant 16 : i32
      %swap3A_890 = arith.index_cast %swap3A_889 : i32 to index
      %swap3A_891 = arith.constant 16 : index
      %swap3A_892 = tpu.vector_load %arg13[%swap3A_890, %swap3A_891] {strides = array<i32>} : memref<80x64xf32, #tpu.memory_space<vmem>>, vector<1x16xf32>,
      %swap3A_893 = vector.shape_cast %swap3A_892 : vector<1x16xf32> to vector<16xf32>
      %swap3A_894 = vector.shape_cast %mul3A_888 : vector<16xf32> to vector<1x16xf32>
      tpu.vector_store %arg13[%swap3A_890, %swap3A_891], %swap3A_894 {strides = array<i32>} : memref<80x64xf32, #tpu.memory_space<vmem>>, vector<1x16xf32>,
      %get3A_895 = arith.constant 16 : i32
      %get3A_896 = arith.index_cast %get3A_895 : i32 to index
      %get3A_897 = arith.constant 32 : index
      %get3A_898 = tpu.vector_load %arg13[%get3A_896, %get3A_897] {strides = array<i32>} : memref<80x64xf32, #tpu.memory_space<vmem>>, vector<1x16xf32>,
      %get3A_899 = vector.shape_cast %get3A_898 : vector<1x16xf32> to vector<16xf32>
      %mul3A_900 = arith.mulf %get3A_899, %gather3A_870 : vector<16xf32>
      %swap3A_901 = arith.constant 16 : i32
      %swap3A_902 = arith.index_cast %swap3A_901 : i32 to index
      %swap3A_903 = arith.constant 32 : index
      %swap3A_904 = tpu.vector_load %arg13[%swap3A_902, %swap3A_903] {strides = array<i32>} : memref<80x64xf32, #tpu.memory_space<vmem>>, vector<1x16xf32>,
      %swap3A_905 = vector.shape_cast %swap3A_904 : vector<1x16xf32> to vector<16xf32>
      %swap3A_906 = vector.shape_cast %mul3A_900 : vector<16xf32> to vector<1x16xf32>
      tpu.vector_store %arg13[%swap3A_902, %swap3A_903], %swap3A_906 {strides = array<i32>} : memref<80x64xf32, #tpu.memory_space<vmem>>, vector<1x16xf32>,
      %get3A_907 = arith.constant 16 : i32
      %get3A_908 = arith.index_cast %get3A_907 : i32 to index
      %get3A_909 = arith.constant 48 : index
      %get3A_910 = tpu.vector_load %arg13[%get3A_908, %get3A_909] {strides = array<i32>} : memref<80x64xf32, #tpu.memory_space<vmem>>, vector<1x16xf32>,
      %get3A_911 = vector.shape_cast %get3A_910 : vector<1x16xf32> to vector<16xf32>
      %mul3A_912 = arith.mulf %get3A_911, %gather3A_870 : vector<16xf32>
      %swap3A_913 = arith.constant 16 : i32
      %swap3A_914 = arith.index_cast %swap3A_913 : i32 to index
      %swap3A_915 = arith.constant 48 : index
      %swap3A_916 = tpu.vector_load %arg13[%swap3A_914, %swap3A_915] {strides = array<i32>} : memref<80x64xf32, #tpu.memory_space<vmem>>, vector<1x16xf32>,
      %swap3A_917 = vector.shape_cast %swap3A_916 : vector<1x16xf32> to vector<16xf32>
      %swap3A_918 = vector.shape_cast %mul3A_912 : vector<16xf32> to vector<1x16xf32>
      tpu.vector_store %arg13[%swap3A_914, %swap3A_915], %swap3A_918 {strides = array<i32>} : memref<80x64xf32, #tpu.memory_space<vmem>>, vector<1x16xf32>,
      %broadcast_in_dim3A_919 = arith.constant 1 : i32
      %broadcast_in_dim3A_920 = vector.broadcast %broadcast_in_dim3A_919 : i32 to vector<16x1xi32>
      %gather3A_921 = vector.shape_cast %broadcast_in_dim3A_920 : vector<16x1xi32> to vector<16xi32>
      %gather3A_922 = tpu.dynamic_gather %get3A_866[%gather3A_921] in [0] : vector<16xf32>, vector<16xi32> -> vector<16xf32>
      %get3A_923 = arith.constant 17 : i32
      %get3A_924 = arith.index_cast %get3A_923 : i32 to index
      %get3A_925 = arith.constant 0 : index
      %get3A_926 = tpu.vector_load %arg13[%get3A_924, %get3A_925] {strides = array<i32>} : memref<80x64xf32, #tpu.memory_space<vmem>>, vector<1x16xf32>,
      %get3A_927 = vector.shape_cast %get3A_926 : vector<1x16xf32> to vector<16xf32>
      %mul3A_928 = arith.mulf %get3A_927, %gather3A_922 : vector<16xf32>
      %swap3A_929 = arith.constant 17 : i32
      %swap3A_930 = arith.index_cast %swap3A_929 : i32 to index
      %swap3A_931 = arith.constant 0 : index
      %swap3A_932 = tpu.vector_load %arg13[%swap3A_930, %swap3A_931] {strides = array<i32>} : memref<80x64xf32, #tpu.memory_space<vmem>>, vector<1x16xf32>,
      %swap3A_933 = vector.shape_cast %swap3A_932 : vector<1x16xf32> to vector<16xf32>
      %swap3A_934 = vector.shape_cast %mul3A_928 : vector<16xf32> to vector<1x16xf32>
      tpu.vector_store %arg13[%swap3A_930, %swap3A_931], %swap3A_934 {strides = array<i32>} : memref<80x64xf32, #tpu.memory_space<vmem>>, vector<1x16xf32>,
      %get3A_935 = arith.constant 17 : i32
      %get3A_936 = arith.index_cast %get3A_935 : i32 to index
      %get3A_937 = arith.constant 16 : index
      %get3A_938 = tpu.vector_load %arg13[%get3A_936, %get3A_937] {strides = array<i32>} : memref<80x64xf32, #tpu.memory_space<vmem>>, vector<1x16xf32>,
      %get3A_939 = vector.shape_cast %get3A_938 : vector<1x16xf32> to vector<16xf32>
      %mul3A_940 = arith.mulf %get3A_939, %gather3A_922 : vector<16xf32>
      %swap3A_941 = arith.constant 17 : i32
      %swap3A_942 = arith.index_cast %swap3A_941 : i32 to index
      %swap3A_943 = arith.constant 16 : index
      %swap3A_944 = tpu.vector_load %arg13[%swap3A_942, %swap3A_943] {strides = array<i32>} : memref<80x64xf32, #tpu.memory_space<vmem>>, vector<1x16xf32>,
      %swap3A_945 = vector.shape_cast %swap3A_944 : vector<1x16xf32> to vector<16xf32>
      %swap3A_946 = vector.shape_cast %mul3A_940 : vector<16xf32> to vector<1x16xf32>
      tpu.vector_store %arg13[%swap3A_942, %swap3A_943], %swap3A_946 {strides = array<i32>} : memref<80x64xf32, #tpu.memory_space<vmem>>, vector<1x16xf32>,
      %get3A_947 = arith.constant 17 : i32
      %get3A_948 = arith.index_cast %get3A_947 : i32 to index
      %get3A_949 = arith.constant 32 : index
      %get3A_950 = tpu.vector_load %arg13[%get3A_948, %get3A_949] {strides = array<i32>} : memref<80x64xf32, #tpu.memory_space<vmem>>, vector<1x16xf32>,
      %get3A_951 = vector.shape_cast %get3A_950 : vector<1x16xf32> to vector<16xf32>
      %mul3A_952 = arith.mulf %get3A_951, %gather3A_922 : vector<16xf32>
      %swap3A_953 = arith.constant 17 : i32
      %swap3A_954 = arith.index_cast %swap3A_953 : i32 to index
      %swap3A_955 = arith.constant 32 : index
      %swap3A_956 = tpu.vector_load %arg13[%swap3A_954, %swap3A_955] {strides = array<i32>} : memref<80x64xf32, #tpu.memory_space<vmem>>, vector<1x16xf32>,
      %swap3A_957 = vector.shape_cast %swap3A_956 : vector<1x16xf32> to vector<16xf32>
      %swap3A_958 = vector.shape_cast %mul3A_952 : vector<16xf32> to vector<1x16xf32>
      tpu.vector_store %arg13[%swap3A_954, %swap3A_955], %swap3A_958 {strides = array<i32>} : memref<80x64xf32, #tpu.memory_space<vmem>>, vector<1x16xf32>,
      %get3A_959 = arith.constant 17 : i32
      %get3A_960 = arith.index_cast %get3A_959 : i32 to index
      %get3A_961 = arith.constant 48 : index
      %get3A_962 = tpu.vector_load %arg13[%get3A_960, %get3A_961] {strides = array<i32>} : memref<80x64xf32, #tpu.memory_space<vmem>>, vector<1x16xf32>,
      %get3A_963 = vector.shape_cast %get3A_962 : vector<1x16xf32> to vector<16xf32>
      %mul3A_964 = arith.mulf %get3A_963, %gather3A_922 : vector<16xf32>
      %swap3A_965 = arith.constant 17 : i32
      %swap3A_966 = arith.index_cast %swap3A_965 : i32 to index
      %swap3A_967 = arith.constant 48 : index
      %swap3A_968 = tpu.vector_load %arg13[%swap3A_966, %swap3A_967] {strides = array<i32>} : memref<80x64xf32, #tpu.memory_space<vmem>>, vector<1x16xf32>,
      %swap3A_969 = vector.shape_cast %swap3A_968 : vector<1x16xf32> to vector<16xf32>
      %swap3A_970 = vector.shape_cast %mul3A_964 : vector<16xf32> to vector<1x16xf32>
      tpu.vector_store %arg13[%swap3A_966, %swap3A_967], %swap3A_970 {strides = array<i32>} : memref<80x64xf32, #tpu.memory_space<vmem>>, vector<1x16xf32>,
      %broadcast_in_dim3A_971 = arith.constant 2 : i32
      %broadcast_in_dim3A_972 = vector.broadcast %broadcast_in_dim3A_971 : i32 to vector<16x1xi32>
      %gather3A_973 = vector.shape_cast %broadcast_in_dim3A_972 : vector<16x1xi32> to vector<16xi32>
      %gather3A_974 = tpu.dynamic_gather %get3A_866[%gather3A_973] in [0] : vector<16xf32>, vector<16xi32> -> vector<16xf32>
      %get3A_975 = arith.constant 18 : i32
      %get3A_976 = arith.index_cast %get3A_975 : i32 to index
      %get3A_977 = arith.constant 0 : index
      %get3A_978 = tpu.vector_load %arg13[%get3A_976, %get3A_977] {strides = array<i32>} : memref<80x64xf32, #tpu.memory_space<vmem>>, vector<1x16xf32>,
      %get3A_979 = vector.shape_cast %get3A_978 : vector<1x16xf32> to vector<16xf32>
      %mul3A_980 = arith.mulf %get3A_979, %gather3A_974 : vector<16xf32>
      %swap3A_981 = arith.constant 18 : i32
      %swap3A_982 = arith.index_cast %swap3A_981 : i32 to index
      %swap3A_983 = arith.constant 0 : index
      %swap3A_984 = tpu.vector_load %arg13[%swap3A_982, %swap3A_983] {strides = array<i32>} : memref<80x64xf32, #tpu.memory_space<vmem>>, vector<1x16xf32>,
      %swap3A_985 = vector.shape_cast %swap3A_984 : vector<1x16xf32> to vector<16xf32>
      %swap3A_986 = vector.shape_cast %mul3A_980 : vector<16xf32> to vector<1x16xf32>
      tpu.vector_store %arg13[%swap3A_982, %swap3A_983], %swap3A_986 {strides = array<i32>} : memref<80x64xf32, #tpu.memory_space<vmem>>, vector<1x16xf32>,
      %get3A_987 = arith.constant 18 : i32
      %get3A_988 = arith.index_cast %get3A_987 : i32 to index
      %get3A_989 = arith.constant 16 : index
      %get3A_990 = tpu.vector_load %arg13[%get3A_988, %get3A_989] {strides = array<i32>} : memref<80x64xf32, #tpu.memory_space<vmem>>, vector<1x16xf32>,
      %get3A_991 = vector.shape_cast %get3A_990 : vector<1x16xf32> to vector<16xf32>
      %mul3A_992 = arith.mulf %get3A_991, %gather3A_974 : vector<16xf32>
      %swap3A_993 = arith.constant 18 : i32
      %swap3A_994 = arith.index_cast %swap3A_993 : i32 to index
      %swap3A_995 = arith.constant 16 : index
      %swap3A_996 = tpu.vector_load %arg13[%swap3A_994, %swap3A_995] {strides = array<i32>} : memref<80x64xf32, #tpu.memory_space<vmem>>, vector<1x16xf32>,
      %swap3A_997 = vector.shape_cast %swap3A_996 : vector<1x16xf32> to vector<16xf32>
      %swap3A_998 = vector.shape_cast %mul3A_992 : vector<16xf32> to vector<1x16xf32>
      tpu.vector_store %arg13[%swap3A_994, %swap3A_995], %swap3A_998 {strides = array<i32>} : memref<80x64xf32, #tpu.memory_space<vmem>>, vector<1x16xf32>,
      %get3A_999 = arith.constant 18 : i32
      %get3A_1000 = arith.index_cast %get3A_999 : i32 to index
      %get3A_1001 = arith.constant 32 : index
      %get3A_1002 = tpu.vector_load %arg13[%get3A_1000, %get3A_1001] {strides = array<i32>} : memref<80x64xf32, #tpu.memory_space<vmem>>, vector<1x16xf32>,
      %get3A_1003 = vector.shape_cast %get3A_1002 : vector<1x16xf32> to vector<16xf32>
      %mul3A_1004 = arith.mulf %get3A_1003, %gather3A_974 : vector<16xf32>
      %swap3A_1005 = arith.constant 18 : i32
      %swap3A_1006 = arith.index_cast %swap3A_1005 : i32 to index
      %swap3A_1007 = arith.constant 32 : index
      %swap3A_1008 = tpu.vector_load %arg13[%swap3A_1006, %swap3A_1007] {strides = array<i32>} : memref<80x64xf32, #tpu.memory_space<vmem>>, vector<1x16xf32>,
      %swap3A_1009 = vector.shape_cast %swap3A_1008 : vector<1x16xf32> to vector<16xf32>
      %swap3A_1010 = vector.shape_cast %mul3A_1004 : vector<16xf32> to vector<1x16xf32>
      tpu.vector_store %arg13[%swap3A_1006, %swap3A_1007], %swap3A_1010 {strides = array<i32>} : memref<80x64xf32, #tpu.memory_space<vmem>>, vector<1x16xf32>,
      %get3A_1011 = arith.constant 18 : i32
      %get3A_1012 = arith.index_cast %get3A_1011 : i32 to index
      %get3A_1013 = arith.constant 48 : index
      %get3A_1014 = tpu.vector_load %arg13[%get3A_1012, %get3A_1013] {strides = array<i32>} : memref<80x64xf32, #tpu.memory_space<vmem>>, vector<1x16xf32>,
      %get3A_1015 = vector.shape_cast %get3A_1014 : vector<1x16xf32> to vector<16xf32>
      %mul3A_1016 = arith.mulf %get3A_1015, %gather3A_974 : vector<16xf32>
      %swap3A_1017 = arith.constant 18 : i32
      %swap3A_1018 = arith.index_cast %swap3A_1017 : i32 to index
      %swap3A_1019 = arith.constant 48 : index
      %swap3A_1020 = tpu.vector_load %arg13[%swap3A_1018, %swap3A_1019] {strides = array<i32>} : memref<80x64xf32, #tpu.memory_space<vmem>>, vector<1x16xf32>,
      %swap3A_1021 = vector.shape_cast %swap3A_1020 : vector<1x16xf32> to vector<16xf32>
      %swap3A_1022 = vector.shape_cast %mul3A_1016 : vector<16xf32> to vector<1x16xf32>
      tpu.vector_store %arg13[%swap3A_1018, %swap3A_1019], %swap3A_1022 {strides = array<i32>} : memref<80x64xf32, #tpu.memory_space<vmem>>, vector<1x16xf32>,
      %broadcast_in_dim3A_1023 = arith.constant 3 : i32
      %broadcast_in_dim3A_1024 = vector.broadcast %broadcast_in_dim3A_1023 : i32 to vector<16x1xi32>
      %gather3A_1025 = vector.shape_cast %broadcast_in_dim3A_1024 : vector<16x1xi32> to vector<16xi32>
      %gather3A_1026 = tpu.dynamic_gather %get3A_866[%gather3A_1025] in [0] : vector<16xf32>, vector<16xi32> -> vector<16xf32>
      %get3A_1027 = arith.constant 19 : i32
      %get3A_1028 = arith.index_cast %get3A_1027 : i32 to index
      %get3A_1029 = arith.constant 0 : index
      %get3A_1030 = tpu.vector_load %arg13[%get3A_1028, %get3A_1029] {strides = array<i32>} : memref<80x64xf32, #tpu.memory_space<vmem>>, vector<1x16xf32>,
      %get3A_1031 = vector.shape_cast %get3A_1030 : vector<1x16xf32> to vector<16xf32>
      %mul3A_1032 = arith.mulf %get3A_1031, %gather3A_1026 : vector<16xf32>
      %swap3A_1033 = arith.constant 19 : i32
      %swap3A_1034 = arith.index_cast %swap3A_1033 : i32 to index
      %swap3A_1035 = arith.constant 0 : index
      %swap3A_1036 = tpu.vector_load %arg13[%swap3A_1034, %swap3A_1035] {strides = array<i32>} : memref<80x64xf32, #tpu.memory_space<vmem>>, vector<1x16xf32>,
      %swap3A_1037 = vector.shape_cast %swap3A_1036 : vector<1x16xf32> to vector<16xf32>
      %swap3A_1038 = vector.shape_cast %mul3A_1032 : vector<16xf32> to vector<1x16xf32>
      tpu.vector_store %arg13[%swap3A_1034, %swap3A_1035], %swap3A_1038 {strides = array<i32>} : memref<80x64xf32, #tpu.memory_space<vmem>>, vector<1x16xf32>,
      %get3A_1039 = arith.constant 19 : i32
      %get3A_1040 = arith.index_cast %get3A_1039 : i32 to index
      %get3A_1041 = arith.constant 16 : index
      %get3A_1042 = tpu.vector_load %arg13[%get3A_1040, %get3A_1041] {strides = array<i32>} : memref<80x64xf32, #tpu.memory_space<vmem>>, vector<1x16xf32>,
      %get3A_1043 = vector.shape_cast %get3A_1042 : vector<1x16xf32> to vector<16xf32>
      %mul3A_1044 = arith.mulf %get3A_1043, %gather3A_1026 : vector<16xf32>
      %swap3A_1045 = arith.constant 19 : i32
      %swap3A_1046 = arith.index_cast %swap3A_1045 : i32 to index
      %swap3A_1047 = arith.constant 16 : index
      %swap3A_1048 = tpu.vector_load %arg13[%swap3A_1046, %swap3A_1047] {strides = array<i32>} : memref<80x64xf32, #tpu.memory_space<vmem>>, vector<1x16xf32>,
      %swap3A_1049 = vector.shape_cast %swap3A_1048 : vector<1x16xf32> to vector<16xf32>
      %swap3A_1050 = vector.shape_cast %mul3A_1044 : vector<16xf32> to vector<1x16xf32>
      tpu.vector_store %arg13[%swap3A_1046, %swap3A_1047], %swap3A_1050 {strides = array<i32>} : memref<80x64xf32, #tpu.memory_space<vmem>>, vector<1x16xf32>,
      %get3A_1051 = arith.constant 19 : i32
      %get3A_1052 = arith.index_cast %get3A_1051 : i32 to index
      %get3A_1053 = arith.constant 32 : index
      %get3A_1054 = tpu.vector_load %arg13[%get3A_1052, %get3A_1053] {strides = array<i32>} : memref<80x64xf32, #tpu.memory_space<vmem>>, vector<1x16xf32>,
      %get3A_1055 = vector.shape_cast %get3A_1054 : vector<1x16xf32> to vector<16xf32>
      %mul3A_1056 = arith.mulf %get3A_1055, %gather3A_1026 : vector<16xf32>
      %swap3A_1057 = arith.constant 19 : i32
      %swap3A_1058 = arith.index_cast %swap3A_1057 : i32 to index
      %swap3A_1059 = arith.constant 32 : index
      %swap3A_1060 = tpu.vector_load %arg13[%swap3A_1058, %swap3A_1059] {strides = array<i32>} : memref<80x64xf32, #tpu.memory_space<vmem>>, vector<1x16xf32>,
      %swap3A_1061 = vector.shape_cast %swap3A_1060 : vector<1x16xf32> to vector<16xf32>
      %swap3A_1062 = vector.shape_cast %mul3A_1056 : vector<16xf32> to vector<1x16xf32>
      tpu.vector_store %arg13[%swap3A_1058, %swap3A_1059], %swap3A_1062 {strides = array<i32>} : memref<80x64xf32, #tpu.memory_space<vmem>>, vector<1x16xf32>,
      %get3A_1063 = arith.constant 19 : i32
      %get3A_1064 = arith.index_cast %get3A_1063 : i32 to index
      %get3A_1065 = arith.constant 48 : index
      %get3A_1066 = tpu.vector_load %arg13[%get3A_1064, %get3A_1065] {strides = array<i32>} : memref<80x64xf32, #tpu.memory_space<vmem>>, vector<1x16xf32>,
      %get3A_1067 = vector.shape_cast %get3A_1066 : vector<1x16xf32> to vector<16xf32>
      %mul3A_1068 = arith.mulf %get3A_1067, %gather3A_1026 : vector<16xf32>
      %swap3A_1069 = arith.constant 19 : i32
      %swap3A_1070 = arith.index_cast %swap3A_1069 : i32 to index
      %swap3A_1071 = arith.constant 48 : index
      %swap3A_1072 = tpu.vector_load %arg13[%swap3A_1070, %swap3A_1071] {strides = array<i32>} : memref<80x64xf32, #tpu.memory_space<vmem>>, vector<1x16xf32>,
      %swap3A_1073 = vector.shape_cast %swap3A_1072 : vector<1x16xf32> to vector<16xf32>
      %swap3A_1074 = vector.shape_cast %mul3A_1068 : vector<16xf32> to vector<1x16xf32>
      tpu.vector_store %arg13[%swap3A_1070, %swap3A_1071], %swap3A_1074 {strides = array<i32>} : memref<80x64xf32, #tpu.memory_space<vmem>>, vector<1x16xf32>,
      %broadcast_in_dim3A_1075 = arith.constant 4 : i32
      %broadcast_in_dim3A_1076 = vector.broadcast %broadcast_in_dim3A_1075 : i32 to vector<16x1xi32>
      %gather3A_1077 = vector.shape_cast %broadcast_in_dim3A_1076 : vector<16x1xi32> to vector<16xi32>
      %gather3A_1078 = tpu.dynamic_gather %get3A_866[%gather3A_1077] in [0] : vector<16xf32>, vector<16xi32> -> vector<16xf32>
      %get3A_1079 = arith.constant 20 : i32
      %get3A_1080 = arith.index_cast %get3A_1079 : i32 to index
      %get3A_1081 = arith.constant 0 : index
      %get3A_1082 = tpu.vector_load %arg13[%get3A_1080, %get3A_1081] {strides = array<i32>} : memref<80x64xf32, #tpu.memory_space<vmem>>, vector<1x16xf32>,
      %get3A_1083 = vector.shape_cast %get3A_1082 : vector<1x16xf32> to vector<16xf32>
      %mul3A_1084 = arith.mulf %get3A_1083, %gather3A_1078 : vector<16xf32>
      %swap3A_1085 = arith.constant 20 : i32
      %swap3A_1086 = arith.index_cast %swap3A_1085 : i32 to index
      %swap3A_1087 = arith.constant 0 : index
      %swap3A_1088 = tpu.vector_load %arg13[%swap3A_1086, %swap3A_1087] {strides = array<i32>} : memref<80x64xf32, #tpu.memory_space<vmem>>, vector<1x16xf32>,
      %swap3A_1089 = vector.shape_cast %swap3A_1088 : vector<1x16xf32> to vector<16xf32>
      %swap3A_1090 = vector.shape_cast %mul3A_1084 : vector<16xf32> to vector<1x16xf32>
      tpu.vector_store %arg13[%swap3A_1086, %swap3A_1087], %swap3A_1090 {strides = array<i32>} : memref<80x64xf32, #tpu.memory_space<vmem>>, vector<1x16xf32>,
      %get3A_1091 = arith.constant 20 : i32
      %get3A_1092 = arith.index_cast %get3A_1091 : i32 to index
      %get3A_1093 = arith.constant 16 : index
      %get3A_1094 = tpu.vector_load %arg13[%get3A_1092, %get3A_1093] {strides = array<i32>} : memref<80x64xf32, #tpu.memory_space<vmem>>, vector<1x16xf32>,
      %get3A_1095 = vector.shape_cast %get3A_1094 : vector<1x16xf32> to vector<16xf32>
      %mul3A_1096 = arith.mulf %get3A_1095, %gather3A_1078 : vector<16xf32>
      %swap3A_1097 = arith.constant 20 : i32
      %swap3A_1098 = arith.index_cast %swap3A_1097 : i32 to index
      %swap3A_1099 = arith.constant 16 : index
      %swap3A_1100 = tpu.vector_load %arg13[%swap3A_1098, %swap3A_1099] {strides = array<i32>} : memref<80x64xf32, #tpu.memory_space<vmem>>, vector<1x16xf32>,
      %swap3A_1101 = vector.shape_cast %swap3A_1100 : vector<1x16xf32> to vector<16xf32>
      %swap3A_1102 = vector.shape_cast %mul3A_1096 : vector<16xf32> to vector<1x16xf32>
      tpu.vector_store %arg13[%swap3A_1098, %swap3A_1099], %swap3A_1102 {strides = array<i32>} : memref<80x64xf32, #tpu.memory_space<vmem>>, vector<1x16xf32>,
      %get3A_1103 = arith.constant 20 : i32
      %get3A_1104 = arith.index_cast %get3A_1103 : i32 to index
      %get3A_1105 = arith.constant 32 : index
      %get3A_1106 = tpu.vector_load %arg13[%get3A_1104, %get3A_1105] {strides = array<i32>} : memref<80x64xf32, #tpu.memory_space<vmem>>, vector<1x16xf32>,
      %get3A_1107 = vector.shape_cast %get3A_1106 : vector<1x16xf32> to vector<16xf32>
      %mul3A_1108 = arith.mulf %get3A_1107, %gather3A_1078 : vector<16xf32>
      %swap3A_1109 = arith.constant 20 : i32
      %swap3A_1110 = arith.index_cast %swap3A_1109 : i32 to index
      %swap3A_1111 = arith.constant 32 : index
      %swap3A_1112 = tpu.vector_load %arg13[%swap3A_1110, %swap3A_1111] {strides = array<i32>} : memref<80x64xf32, #tpu.memory_space<vmem>>, vector<1x16xf32>,
      %swap3A_1113 = vector.shape_cast %swap3A_1112 : vector<1x16xf32> to vector<16xf32>
      %swap3A_1114 = vector.shape_cast %mul3A_1108 : vector<16xf32> to vector<1x16xf32>
      tpu.vector_store %arg13[%swap3A_1110, %swap3A_1111], %swap3A_1114 {strides = array<i32>} : memref<80x64xf32, #tpu.memory_space<vmem>>, vector<1x16xf32>,
      %get3A_1115 = arith.constant 20 : i32
      %get3A_1116 = arith.index_cast %get3A_1115 : i32 to index
      %get3A_1117 = arith.constant 48 : index
      %get3A_1118 = tpu.vector_load %arg13[%get3A_1116, %get3A_1117] {strides = array<i32>} : memref<80x64xf32, #tpu.memory_space<vmem>>, vector<1x16xf32>,
      %get3A_1119 = vector.shape_cast %get3A_1118 : vector<1x16xf32> to vector<16xf32>
      %mul3A_1120 = arith.mulf %get3A_1119, %gather3A_1078 : vector<16xf32>
      %swap3A_1121 = arith.constant 20 : i32
      %swap3A_1122 = arith.index_cast %swap3A_1121 : i32 to index
      %swap3A_1123 = arith.constant 48 : index
      %swap3A_1124 = tpu.vector_load %arg13[%swap3A_1122, %swap3A_1123] {strides = array<i32>} : memref<80x64xf32, #tpu.memory_space<vmem>>, vector<1x16xf32>,
      %swap3A_1125 = vector.shape_cast %swap3A_1124 : vector<1x16xf32> to vector<16xf32>
      %swap3A_1126 = vector.shape_cast %mul3A_1120 : vector<16xf32> to vector<1x16xf32>
      tpu.vector_store %arg13[%swap3A_1122, %swap3A_1123], %swap3A_1126 {strides = array<i32>} : memref<80x64xf32, #tpu.memory_space<vmem>>, vector<1x16xf32>,
      %broadcast_in_dim3A_1127 = arith.constant 5 : i32
      %broadcast_in_dim3A_1128 = vector.broadcast %broadcast_in_dim3A_1127 : i32 to vector<16x1xi32>
      %gather3A_1129 = vector.shape_cast %broadcast_in_dim3A_1128 : vector<16x1xi32> to vector<16xi32>
      %gather3A_1130 = tpu.dynamic_gather %get3A_866[%gather3A_1129] in [0] : vector<16xf32>, vector<16xi32> -> vector<16xf32>
      %get3A_1131 = arith.constant 21 : i32
      %get3A_1132 = arith.index_cast %get3A_1131 : i32 to index
      %get3A_1133 = arith.constant 0 : index
      %get3A_1134 = tpu.vector_load %arg13[%get3A_1132, %get3A_1133] {strides = array<i32>} : memref<80x64xf32, #tpu.memory_space<vmem>>, vector<1x16xf32>,
      %get3A_1135 = vector.shape_cast %get3A_1134 : vector<1x16xf32> to vector<16xf32>
      %mul3A_1136 = arith.mulf %get3A_1135, %gather3A_1130 : vector<16xf32>
      %swap3A_1137 = arith.constant 21 : i32
      %swap3A_1138 = arith.index_cast %swap3A_1137 : i32 to index
      %swap3A_1139 = arith.constant 0 : index
      %swap3A_1140 = tpu.vector_load %arg13[%swap3A_1138, %swap3A_1139] {strides = array<i32>} : memref<80x64xf32, #tpu.memory_space<vmem>>, vector<1x16xf32>,
      %swap3A_1141 = vector.shape_cast %swap3A_1140 : vector<1x16xf32> to vector<16xf32>
      %swap3A_1142 = vector.shape_cast %mul3A_1136 : vector<16xf32> to vector<1x16xf32>
      tpu.vector_store %arg13[%swap3A_1138, %swap3A_1139], %swap3A_1142 {strides = array<i32>} : memref<80x64xf32, #tpu.memory_space<vmem>>, vector<1x16xf32>,
      %get3A_1143 = arith.constant 21 : i32
      %get3A_1144 = arith.index_cast %get3A_1143 : i32 to index
      %get3A_1145 = arith.constant 16 : index
      %get3A_1146 = tpu.vector_load %arg13[%get3A_1144, %get3A_1145] {strides = array<i32>} : memref<80x64xf32, #tpu.memory_space<vmem>>, vector<1x16xf32>,
      %get3A_1147 = vector.shape_cast %get3A_1146 : vector<1x16xf32> to vector<16xf32>
      %mul3A_1148 = arith.mulf %get3A_1147, %gather3A_1130 : vector<16xf32>
      %swap3A_1149 = arith.constant 21 : i32
      %swap3A_1150 = arith.index_cast %swap3A_1149 : i32 to index
      %swap3A_1151 = arith.constant 16 : index
      %swap3A_1152 = tpu.vector_load %arg13[%swap3A_1150, %swap3A_1151] {strides = array<i32>} : memref<80x64xf32, #tpu.memory_space<vmem>>, vector<1x16xf32>,
      %swap3A_1153 = vector.shape_cast %swap3A_1152 : vector<1x16xf32> to vector<16xf32>
      %swap3A_1154 = vector.shape_cast %mul3A_1148 : vector<16xf32> to vector<1x16xf32>
      tpu.vector_store %arg13[%swap3A_1150, %swap3A_1151], %swap3A_1154 {strides = array<i32>} : memref<80x64xf32, #tpu.memory_space<vmem>>, vector<1x16xf32>,
      %get3A_1155 = arith.constant 21 : i32
      %get3A_1156 = arith.index_cast %get3A_1155 : i32 to index
      %get3A_1157 = arith.constant 32 : index
      %get3A_1158 = tpu.vector_load %arg13[%get3A_1156, %get3A_1157] {strides = array<i32>} : memref<80x64xf32, #tpu.memory_space<vmem>>, vector<1x16xf32>,
      %get3A_1159 = vector.shape_cast %get3A_1158 : vector<1x16xf32> to vector<16xf32>
      %mul3A_1160 = arith.mulf %get3A_1159, %gather3A_1130 : vector<16xf32>
      %swap3A_1161 = arith.constant 21 : i32
      %swap3A_1162 = arith.index_cast %swap3A_1161 : i32 to index
      %swap3A_1163 = arith.constant 32 : index
      %swap3A_1164 = tpu.vector_load %arg13[%swap3A_1162, %swap3A_1163] {strides = array<i32>} : memref<80x64xf32, #tpu.memory_space<vmem>>, vector<1x16xf32>,
      %swap3A_1165 = vector.shape_cast %swap3A_1164 : vector<1x16xf32> to vector<16xf32>
      %swap3A_1166 = vector.shape_cast %mul3A_1160 : vector<16xf32> to vector<1x16xf32>
      tpu.vector_store %arg13[%swap3A_1162, %swap3A_1163], %swap3A_1166 {strides = array<i32>} : memref<80x64xf32, #tpu.memory_space<vmem>>, vector<1x16xf32>,
      %get3A_1167 = arith.constant 21 : i32
      %get3A_1168 = arith.index_cast %get3A_1167 : i32 to index
      %get3A_1169 = arith.constant 48 : index
      %get3A_1170 = tpu.vector_load %arg13[%get3A_1168, %get3A_1169] {strides = array<i32>} : memref<80x64xf32, #tpu.memory_space<vmem>>, vector<1x16xf32>,
      %get3A_1171 = vector.shape_cast %get3A_1170 : vector<1x16xf32> to vector<16xf32>
      %mul3A_1172 = arith.mulf %get3A_1171, %gather3A_1130 : vector<16xf32>
      %swap3A_1173 = arith.constant 21 : i32
      %swap3A_1174 = arith.index_cast %swap3A_1173 : i32 to index
      %swap3A_1175 = arith.constant 48 : index
      %swap3A_1176 = tpu.vector_load %arg13[%swap3A_1174, %swap3A_1175] {strides = array<i32>} : memref<80x64xf32, #tpu.memory_space<vmem>>, vector<1x16xf32>,
      %swap3A_1177 = vector.shape_cast %swap3A_1176 : vector<1x16xf32> to vector<16xf32>
      %swap3A_1178 = vector.shape_cast %mul3A_1172 : vector<16xf32> to vector<1x16xf32>
      tpu.vector_store %arg13[%swap3A_1174, %swap3A_1175], %swap3A_1178 {strides = array<i32>} : memref<80x64xf32, #tpu.memory_space<vmem>>, vector<1x16xf32>,
      %broadcast_in_dim3A_1179 = arith.constant 6 : i32
      %broadcast_in_dim3A_1180 = vector.broadcast %broadcast_in_dim3A_1179 : i32 to vector<16x1xi32>
      %gather3A_1181 = vector.shape_cast %broadcast_in_dim3A_1180 : vector<16x1xi32> to vector<16xi32>
      %gather3A_1182 = tpu.dynamic_gather %get3A_866[%gather3A_1181] in [0] : vector<16xf32>, vector<16xi32> -> vector<16xf32>
      %get3A_1183 = arith.constant 22 : i32
      %get3A_1184 = arith.index_cast %get3A_1183 : i32 to index
      %get3A_1185 = arith.constant 0 : index
      %get3A_1186 = tpu.vector_load %arg13[%get3A_1184, %get3A_1185] {strides = array<i32>} : memref<80x64xf32, #tpu.memory_space<vmem>>, vector<1x16xf32>,
      %get3A_1187 = vector.shape_cast %get3A_1186 : vector<1x16xf32> to vector<16xf32>
      %mul3A_1188 = arith.mulf %get3A_1187, %gather3A_1182 : vector<16xf32>
      %swap3A_1189 = arith.constant 22 : i32
      %swap3A_1190 = arith.index_cast %swap3A_1189 : i32 to index
      %swap3A_1191 = arith.constant 0 : index
      %swap3A_1192 = tpu.vector_load %arg13[%swap3A_1190, %swap3A_1191] {strides = array<i32>} : memref<80x64xf32, #tpu.memory_space<vmem>>, vector<1x16xf32>,
      %swap3A_1193 = vector.shape_cast %swap3A_1192 : vector<1x16xf32> to vector<16xf32>
      %swap3A_1194 = vector.shape_cast %mul3A_1188 : vector<16xf32> to vector<1x16xf32>
      tpu.vector_store %arg13[%swap3A_1190, %swap3A_1191], %swap3A_1194 {strides = array<i32>} : memref<80x64xf32, #tpu.memory_space<vmem>>, vector<1x16xf32>,
      %get3A_1195 = arith.constant 22 : i32
      %get3A_1196 = arith.index_cast %get3A_1195 : i32 to index
      %get3A_1197 = arith.constant 16 : index
      %get3A_1198 = tpu.vector_load %arg13[%get3A_1196, %get3A_1197] {strides = array<i32>} : memref<80x64xf32, #tpu.memory_space<vmem>>, vector<1x16xf32>,
      %get3A_1199 = vector.shape_cast %get3A_1198 : vector<1x16xf32> to vector<16xf32>
      %mul3A_1200 = arith.mulf %get3A_1199, %gather3A_1182 : vector<16xf32>
      %swap3A_1201 = arith.constant 22 : i32
      %swap3A_1202 = arith.index_cast %swap3A_1201 : i32 to index
      %swap3A_1203 = arith.constant 16 : index
      %swap3A_1204 = tpu.vector_load %arg13[%swap3A_1202, %swap3A_1203] {strides = array<i32>} : memref<80x64xf32, #tpu.memory_space<vmem>>, vector<1x16xf32>,
      %swap3A_1205 = vector.shape_cast %swap3A_1204 : vector<1x16xf32> to vector<16xf32>
      %swap3A_1206 = vector.shape_cast %mul3A_1200 : vector<16xf32> to vector<1x16xf32>
      tpu.vector_store %arg13[%swap3A_1202, %swap3A_1203], %swap3A_1206 {strides = array<i32>} : memref<80x64xf32, #tpu.memory_space<vmem>>, vector<1x16xf32>,
      %get3A_1207 = arith.constant 22 : i32
      %get3A_1208 = arith.index_cast %get3A_1207 : i32 to index
      %get3A_1209 = arith.constant 32 : index
      %get3A_1210 = tpu.vector_load %arg13[%get3A_1208, %get3A_1209] {strides = array<i32>} : memref<80x64xf32, #tpu.memory_space<vmem>>, vector<1x16xf32>,
      %get3A_1211 = vector.shape_cast %get3A_1210 : vector<1x16xf32> to vector<16xf32>
      %mul3A_1212 = arith.mulf %get3A_1211, %gather3A_1182 : vector<16xf32>
      %swap3A_1213 = arith.constant 22 : i32
      %swap3A_1214 = arith.index_cast %swap3A_1213 : i32 to index
      %swap3A_1215 = arith.constant 32 : index
      %swap3A_1216 = tpu.vector_load %arg13[%swap3A_1214, %swap3A_1215] {strides = array<i32>} : memref<80x64xf32, #tpu.memory_space<vmem>>, vector<1x16xf32>,
      %swap3A_1217 = vector.shape_cast %swap3A_1216 : vector<1x16xf32> to vector<16xf32>
      %swap3A_1218 = vector.shape_cast %mul3A_1212 : vector<16xf32> to vector<1x16xf32>
      tpu.vector_store %arg13[%swap3A_1214, %swap3A_1215], %swap3A_1218 {strides = array<i32>} : memref<80x64xf32, #tpu.memory_space<vmem>>, vector<1x16xf32>,
      %get3A_1219 = arith.constant 22 : i32
      %get3A_1220 = arith.index_cast %get3A_1219 : i32 to index
      %get3A_1221 = arith.constant 48 : index
      %get3A_1222 = tpu.vector_load %arg13[%get3A_1220, %get3A_1221] {strides = array<i32>} : memref<80x64xf32, #tpu.memory_space<vmem>>, vector<1x16xf32>,
      %get3A_1223 = vector.shape_cast %get3A_1222 : vector<1x16xf32> to vector<16xf32>
      %mul3A_1224 = arith.mulf %get3A_1223, %gather3A_1182 : vector<16xf32>
      %swap3A_1225 = arith.constant 22 : i32
      %swap3A_1226 = arith.index_cast %swap3A_1225 : i32 to index
      %swap3A_1227 = arith.constant 48 : index
      %swap3A_1228 = tpu.vector_load %arg13[%swap3A_1226, %swap3A_1227] {strides = array<i32>} : memref<80x64xf32, #tpu.memory_space<vmem>>, vector<1x16xf32>,
      %swap3A_1229 = vector.shape_cast %swap3A_1228 : vector<1x16xf32> to vector<16xf32>
      %swap3A_1230 = vector.shape_cast %mul3A_1224 : vector<16xf32> to vector<1x16xf32>
      tpu.vector_store %arg13[%swap3A_1226, %swap3A_1227], %swap3A_1230 {strides = array<i32>} : memref<80x64xf32, #tpu.memory_space<vmem>>, vector<1x16xf32>,
      %broadcast_in_dim3A_1231 = arith.constant 7 : i32
      %broadcast_in_dim3A_1232 = vector.broadcast %broadcast_in_dim3A_1231 : i32 to vector<16x1xi32>
      %gather3A_1233 = vector.shape_cast %broadcast_in_dim3A_1232 : vector<16x1xi32> to vector<16xi32>
      %gather3A_1234 = tpu.dynamic_gather %get3A_866[%gather3A_1233] in [0] : vector<16xf32>, vector<16xi32> -> vector<16xf32>
      %get3A_1235 = arith.constant 23 : i32
      %get3A_1236 = arith.index_cast %get3A_1235 : i32 to index
      %get3A_1237 = arith.constant 0 : index
      %get3A_1238 = tpu.vector_load %arg13[%get3A_1236, %get3A_1237] {strides = array<i32>} : memref<80x64xf32, #tpu.memory_space<vmem>>, vector<1x16xf32>,
      %get3A_1239 = vector.shape_cast %get3A_1238 : vector<1x16xf32> to vector<16xf32>
      %mul3A_1240 = arith.mulf %get3A_1239, %gather3A_1234 : vector<16xf32>
      %swap3A_1241 = arith.constant 23 : i32
      %swap3A_1242 = arith.index_cast %swap3A_1241 : i32 to index
      %swap3A_1243 = arith.constant 0 : index
      %swap3A_1244 = tpu.vector_load %arg13[%swap3A_1242, %swap3A_1243] {strides = array<i32>} : memref<80x64xf32, #tpu.memory_space<vmem>>, vector<1x16xf32>,
      %swap3A_1245 = vector.shape_cast %swap3A_1244 : vector<1x16xf32> to vector<16xf32>
      %swap3A_1246 = vector.shape_cast %mul3A_1240 : vector<16xf32> to vector<1x16xf32>
      tpu.vector_store %arg13[%swap3A_1242, %swap3A_1243], %swap3A_1246 {strides = array<i32>} : memref<80x64xf32, #tpu.memory_space<vmem>>, vector<1x16xf32>,
      %get3A_1247 = arith.constant 23 : i32
      %get3A_1248 = arith.index_cast %get3A_1247 : i32 to index
      %get3A_1249 = arith.constant 16 : index
      %get3A_1250 = tpu.vector_load %arg13[%get3A_1248, %get3A_1249] {strides = array<i32>} : memref<80x64xf32, #tpu.memory_space<vmem>>, vector<1x16xf32>,
      %get3A_1251 = vector.shape_cast %get3A_1250 : vector<1x16xf32> to vector<16xf32>
      %mul3A_1252 = arith.mulf %get3A_1251, %gather3A_1234 : vector<16xf32>
      %swap3A_1253 = arith.constant 23 : i32
      %swap3A_1254 = arith.index_cast %swap3A_1253 : i32 to index
      %swap3A_1255 = arith.constant 16 : index
      %swap3A_1256 = tpu.vector_load %arg13[%swap3A_1254, %swap3A_1255] {strides = array<i32>} : memref<80x64xf32, #tpu.memory_space<vmem>>, vector<1x16xf32>,
      %swap3A_1257 = vector.shape_cast %swap3A_1256 : vector<1x16xf32> to vector<16xf32>
      %swap3A_1258 = vector.shape_cast %mul3A_1252 : vector<16xf32> to vector<1x16xf32>
      tpu.vector_store %arg13[%swap3A_1254, %swap3A_1255], %swap3A_1258 {strides = array<i32>} : memref<80x64xf32, #tpu.memory_space<vmem>>, vector<1x16xf32>,
      %get3A_1259 = arith.constant 23 : i32
      %get3A_1260 = arith.index_cast %get3A_1259 : i32 to index
      %get3A_1261 = arith.constant 32 : index
      %get3A_1262 = tpu.vector_load %arg13[%get3A_1260, %get3A_1261] {strides = array<i32>} : memref<80x64xf32, #tpu.memory_space<vmem>>, vector<1x16xf32>,
      %get3A_1263 = vector.shape_cast %get3A_1262 : vector<1x16xf32> to vector<16xf32>
      %mul3A_1264 = arith.mulf %get3A_1263, %gather3A_1234 : vector<16xf32>
      %swap3A_1265 = arith.constant 23 : i32
      %swap3A_1266 = arith.index_cast %swap3A_1265 : i32 to index
      %swap3A_1267 = arith.constant 32 : index
      %swap3A_1268 = tpu.vector_load %arg13[%swap3A_1266, %swap3A_1267] {strides = array<i32>} : memref<80x64xf32, #tpu.memory_space<vmem>>, vector<1x16xf32>,
      %swap3A_1269 = vector.shape_cast %swap3A_1268 : vector<1x16xf32> to vector<16xf32>
      %swap3A_1270 = vector.shape_cast %mul3A_1264 : vector<16xf32> to vector<1x16xf32>
      tpu.vector_store %arg13[%swap3A_1266, %swap3A_1267], %swap3A_1270 {strides = array<i32>} : memref<80x64xf32, #tpu.memory_space<vmem>>, vector<1x16xf32>,
      %get3A_1271 = arith.constant 23 : i32
      %get3A_1272 = arith.index_cast %get3A_1271 : i32 to index
      %get3A_1273 = arith.constant 48 : index
      %get3A_1274 = tpu.vector_load %arg13[%get3A_1272, %get3A_1273] {strides = array<i32>} : memref<80x64xf32, #tpu.memory_space<vmem>>, vector<1x16xf32>,
      %get3A_1275 = vector.shape_cast %get3A_1274 : vector<1x16xf32> to vector<16xf32>
      %mul3A_1276 = arith.mulf %get3A_1275, %gather3A_1234 : vector<16xf32>
      %swap3A_1277 = arith.constant 23 : i32
      %swap3A_1278 = arith.index_cast %swap3A_1277 : i32 to index
      %swap3A_1279 = arith.constant 48 : index
      %swap3A_1280 = tpu.vector_load %arg13[%swap3A_1278, %swap3A_1279] {strides = array<i32>} : memref<80x64xf32, #tpu.memory_space<vmem>>, vector<1x16xf32>,
      %swap3A_1281 = vector.shape_cast %swap3A_1280 : vector<1x16xf32> to vector<16xf32>
      %swap3A_1282 = vector.shape_cast %mul3A_1276 : vector<16xf32> to vector<1x16xf32>
      tpu.vector_store %arg13[%swap3A_1278, %swap3A_1279], %swap3A_1282 {strides = array<i32>} : memref<80x64xf32, #tpu.memory_space<vmem>>, vector<1x16xf32>,
      %broadcast_in_dim3A_1283 = arith.constant 8 : i32
      %broadcast_in_dim3A_1284 = vector.broadcast %broadcast_in_dim3A_1283 : i32 to vector<16x1xi32>
      %gather3A_1285 = vector.shape_cast %broadcast_in_dim3A_1284 : vector<16x1xi32> to vector<16xi32>
      %gather3A_1286 = tpu.dynamic_gather %get3A_866[%gather3A_1285] in [0] : vector<16xf32>, vector<16xi32> -> vector<16xf32>
      %get3A_1287 = arith.constant 24 : i32
      %get3A_1288 = arith.index_cast %get3A_1287 : i32 to index
      %get3A_1289 = arith.constant 0 : index
      %get3A_1290 = tpu.vector_load %arg13[%get3A_1288, %get3A_1289] {strides = array<i32>} : memref<80x64xf32, #tpu.memory_space<vmem>>, vector<1x16xf32>,
      %get3A_1291 = vector.shape_cast %get3A_1290 : vector<1x16xf32> to vector<16xf32>
      %mul3A_1292 = arith.mulf %get3A_1291, %gather3A_1286 : vector<16xf32>
      %swap3A_1293 = arith.constant 24 : i32
      %swap3A_1294 = arith.index_cast %swap3A_1293 : i32 to index
      %swap3A_1295 = arith.constant 0 : index
      %swap3A_1296 = tpu.vector_load %arg13[%swap3A_1294, %swap3A_1295] {strides = array<i32>} : memref<80x64xf32, #tpu.memory_space<vmem>>, vector<1x16xf32>,
      %swap3A_1297 = vector.shape_cast %swap3A_1296 : vector<1x16xf32> to vector<16xf32>
      %swap3A_1298 = vector.shape_cast %mul3A_1292 : vector<16xf32> to vector<1x16xf32>
      tpu.vector_store %arg13[%swap3A_1294, %swap3A_1295], %swap3A_1298 {strides = array<i32>} : memref<80x64xf32, #tpu.memory_space<vmem>>, vector<1x16xf32>,
      %get3A_1299 = arith.constant 24 : i32
      %get3A_1300 = arith.index_cast %get3A_1299 : i32 to index
      %get3A_1301 = arith.constant 16 : index
      %get3A_1302 = tpu.vector_load %arg13[%get3A_1300, %get3A_1301] {strides = array<i32>} : memref<80x64xf32, #tpu.memory_space<vmem>>, vector<1x16xf32>,
      %get3A_1303 = vector.shape_cast %get3A_1302 : vector<1x16xf32> to vector<16xf32>
      %mul3A_1304 = arith.mulf %get3A_1303, %gather3A_1286 : vector<16xf32>
      %swap3A_1305 = arith.constant 24 : i32
      %swap3A_1306 = arith.index_cast %swap3A_1305 : i32 to index
      %swap3A_1307 = arith.constant 16 : index
      %swap3A_1308 = tpu.vector_load %arg13[%swap3A_1306, %swap3A_1307] {strides = array<i32>} : memref<80x64xf32, #tpu.memory_space<vmem>>, vector<1x16xf32>,
      %swap3A_1309 = vector.shape_cast %swap3A_1308 : vector<1x16xf32> to vector<16xf32>
      %swap3A_1310 = vector.shape_cast %mul3A_1304 : vector<16xf32> to vector<1x16xf32>
      tpu.vector_store %arg13[%swap3A_1306, %swap3A_1307], %swap3A_1310 {strides = array<i32>} : memref<80x64xf32, #tpu.memory_space<vmem>>, vector<1x16xf32>,
      %get3A_1311 = arith.constant 24 : i32
      %get3A_1312 = arith.index_cast %get3A_1311 : i32 to index
      %get3A_1313 = arith.constant 32 : index
      %get3A_1314 = tpu.vector_load %arg13[%get3A_1312, %get3A_1313] {strides = array<i32>} : memref<80x64xf32, #tpu.memory_space<vmem>>, vector<1x16xf32>,
      %get3A_1315 = vector.shape_cast %get3A_1314 : vector<1x16xf32> to vector<16xf32>
      %mul3A_1316 = arith.mulf %get3A_1315, %gather3A_1286 : vector<16xf32>
      %swap3A_1317 = arith.constant 24 : i32
      %swap3A_1318 = arith.index_cast %swap3A_1317 : i32 to index
      %swap3A_1319 = arith.constant 32 : index
      %swap3A_1320 = tpu.vector_load %arg13[%swap3A_1318, %swap3A_1319] {strides = array<i32>} : memref<80x64xf32, #tpu.memory_space<vmem>>, vector<1x16xf32>,
      %swap3A_1321 = vector.shape_cast %swap3A_1320 : vector<1x16xf32> to vector<16xf32>
      %swap3A_1322 = vector.shape_cast %mul3A_1316 : vector<16xf32> to vector<1x16xf32>
      tpu.vector_store %arg13[%swap3A_1318, %swap3A_1319], %swap3A_1322 {strides = array<i32>} : memref<80x64xf32, #tpu.memory_space<vmem>>, vector<1x16xf32>,
      %get3A_1323 = arith.constant 24 : i32
      %get3A_1324 = arith.index_cast %get3A_1323 : i32 to index
      %get3A_1325 = arith.constant 48 : index
      %get3A_1326 = tpu.vector_load %arg13[%get3A_1324, %get3A_1325] {strides = array<i32>} : memref<80x64xf32, #tpu.memory_space<vmem>>, vector<1x16xf32>,
      %get3A_1327 = vector.shape_cast %get3A_1326 : vector<1x16xf32> to vector<16xf32>
      %mul3A_1328 = arith.mulf %get3A_1327, %gather3A_1286 : vector<16xf32>
      %swap3A_1329 = arith.constant 24 : i32
      %swap3A_1330 = arith.index_cast %swap3A_1329 : i32 to index
      %swap3A_1331 = arith.constant 48 : index
      %swap3A_1332 = tpu.vector_load %arg13[%swap3A_1330, %swap3A_1331] {strides = array<i32>} : memref<80x64xf32, #tpu.memory_space<vmem>>, vector<1x16xf32>,
      %swap3A_1333 = vector.shape_cast %swap3A_1332 : vector<1x16xf32> to vector<16xf32>
      %swap3A_1334 = vector.shape_cast %mul3A_1328 : vector<16xf32> to vector<1x16xf32>
      tpu.vector_store %arg13[%swap3A_1330, %swap3A_1331], %swap3A_1334 {strides = array<i32>} : memref<80x64xf32, #tpu.memory_space<vmem>>, vector<1x16xf32>,
      %broadcast_in_dim3A_1335 = arith.constant 9 : i32
      %broadcast_in_dim3A_1336 = vector.broadcast %broadcast_in_dim3A_1335 : i32 to vector<16x1xi32>
      %gather3A_1337 = vector.shape_cast %broadcast_in_dim3A_1336 : vector<16x1xi32> to vector<16xi32>
      %gather3A_1338 = tpu.dynamic_gather %get3A_866[%gather3A_1337] in [0] : vector<16xf32>, vector<16xi32> -> vector<16xf32>
      %get3A_1339 = arith.constant 25 : i32
      %get3A_1340 = arith.index_cast %get3A_1339 : i32 to index
      %get3A_1341 = arith.constant 0 : index
      %get3A_1342 = tpu.vector_load %arg13[%get3A_1340, %get3A_1341] {strides = array<i32>} : memref<80x64xf32, #tpu.memory_space<vmem>>, vector<1x16xf32>,
      %get3A_1343 = vector.shape_cast %get3A_1342 : vector<1x16xf32> to vector<16xf32>
      %mul3A_1344 = arith.mulf %get3A_1343, %gather3A_1338 : vector<16xf32>
      %swap3A_1345 = arith.constant 25 : i32
      %swap3A_1346 = arith.index_cast %swap3A_1345 : i32 to index
      %swap3A_1347 = arith.constant 0 : index
      %swap3A_1348 = tpu.vector_load %arg13[%swap3A_1346, %swap3A_1347] {strides = array<i32>} : memref<80x64xf32, #tpu.memory_space<vmem>>, vector<1x16xf32>,
      %swap3A_1349 = vector.shape_cast %swap3A_1348 : vector<1x16xf32> to vector<16xf32>
      %swap3A_1350 = vector.shape_cast %mul3A_1344 : vector<16xf32> to vector<1x16xf32>
      tpu.vector_store %arg13[%swap3A_1346, %swap3A_1347], %swap3A_1350 {strides = array<i32>} : memref<80x64xf32, #tpu.memory_space<vmem>>, vector<1x16xf32>,
      %get3A_1351 = arith.constant 25 : i32
      %get3A_1352 = arith.index_cast %get3A_1351 : i32 to index
      %get3A_1353 = arith.constant 16 : index
      %get3A_1354 = tpu.vector_load %arg13[%get3A_1352, %get3A_1353] {strides = array<i32>} : memref<80x64xf32, #tpu.memory_space<vmem>>, vector<1x16xf32>,
      %get3A_1355 = vector.shape_cast %get3A_1354 : vector<1x16xf32> to vector<16xf32>
      %mul3A_1356 = arith.mulf %get3A_1355, %gather3A_1338 : vector<16xf32>
      %swap3A_1357 = arith.constant 25 : i32
      %swap3A_1358 = arith.index_cast %swap3A_1357 : i32 to index
      %swap3A_1359 = arith.constant 16 : index
      %swap3A_1360 = tpu.vector_load %arg13[%swap3A_1358, %swap3A_1359] {strides = array<i32>} : memref<80x64xf32, #tpu.memory_space<vmem>>, vector<1x16xf32>,
      %swap3A_1361 = vector.shape_cast %swap3A_1360 : vector<1x16xf32> to vector<16xf32>
      %swap3A_1362 = vector.shape_cast %mul3A_1356 : vector<16xf32> to vector<1x16xf32>
      tpu.vector_store %arg13[%swap3A_1358, %swap3A_1359], %swap3A_1362 {strides = array<i32>} : memref<80x64xf32, #tpu.memory_space<vmem>>, vector<1x16xf32>,
      %get3A_1363 = arith.constant 25 : i32
      %get3A_1364 = arith.index_cast %get3A_1363 : i32 to index
      %get3A_1365 = arith.constant 32 : index
      %get3A_1366 = tpu.vector_load %arg13[%get3A_1364, %get3A_1365] {strides = array<i32>} : memref<80x64xf32, #tpu.memory_space<vmem>>, vector<1x16xf32>,
      %get3A_1367 = vector.shape_cast %get3A_1366 : vector<1x16xf32> to vector<16xf32>
      %mul3A_1368 = arith.mulf %get3A_1367, %gather3A_1338 : vector<16xf32>
      %swap3A_1369 = arith.constant 25 : i32
      %swap3A_1370 = arith.index_cast %swap3A_1369 : i32 to index
      %swap3A_1371 = arith.constant 32 : index
      %swap3A_1372 = tpu.vector_load %arg13[%swap3A_1370, %swap3A_1371] {strides = array<i32>} : memref<80x64xf32, #tpu.memory_space<vmem>>, vector<1x16xf32>,
      %swap3A_1373 = vector.shape_cast %swap3A_1372 : vector<1x16xf32> to vector<16xf32>
      %swap3A_1374 = vector.shape_cast %mul3A_1368 : vector<16xf32> to vector<1x16xf32>
      tpu.vector_store %arg13[%swap3A_1370, %swap3A_1371], %swap3A_1374 {strides = array<i32>} : memref<80x64xf32, #tpu.memory_space<vmem>>, vector<1x16xf32>,
      %get3A_1375 = arith.constant 25 : i32
      %get3A_1376 = arith.index_cast %get3A_1375 : i32 to index
      %get3A_1377 = arith.constant 48 : index
      %get3A_1378 = tpu.vector_load %arg13[%get3A_1376, %get3A_1377] {strides = array<i32>} : memref<80x64xf32, #tpu.memory_space<vmem>>, vector<1x16xf32>,
      %get3A_1379 = vector.shape_cast %get3A_1378 : vector<1x16xf32> to vector<16xf32>
      %mul3A_1380 = arith.mulf %get3A_1379, %gather3A_1338 : vector<16xf32>
      %swap3A_1381 = arith.constant 25 : i32
      %swap3A_1382 = arith.index_cast %swap3A_1381 : i32 to index
      %swap3A_1383 = arith.constant 48 : index
      %swap3A_1384 = tpu.vector_load %arg13[%swap3A_1382, %swap3A_1383] {strides = array<i32>} : memref<80x64xf32, #tpu.memory_space<vmem>>, vector<1x16xf32>,
      %swap3A_1385 = vector.shape_cast %swap3A_1384 : vector<1x16xf32> to vector<16xf32>
      %swap3A_1386 = vector.shape_cast %mul3A_1380 : vector<16xf32> to vector<1x16xf32>
      tpu.vector_store %arg13[%swap3A_1382, %swap3A_1383], %swap3A_1386 {strides = array<i32>} : memref<80x64xf32, #tpu.memory_space<vmem>>, vector<1x16xf32>,
      %broadcast_in_dim3A_1387 = arith.constant 10 : i32
      %broadcast_in_dim3A_1388 = vector.broadcast %broadcast_in_dim3A_1387 : i32 to vector<16x1xi32>
      %gather3A_1389 = vector.shape_cast %broadcast_in_dim3A_1388 : vector<16x1xi32> to vector<16xi32>
      %gather3A_1390 = tpu.dynamic_gather %get3A_866[%gather3A_1389] in [0] : vector<16xf32>, vector<16xi32> -> vector<16xf32>
      %get3A_1391 = arith.constant 26 : i32
      %get3A_1392 = arith.index_cast %get3A_1391 : i32 to index
      %get3A_1393 = arith.constant 0 : index
      %get3A_1394 = tpu.vector_load %arg13[%get3A_1392, %get3A_1393] {strides = array<i32>} : memref<80x64xf32, #tpu.memory_space<vmem>>, vector<1x16xf32>,
      %get3A_1395 = vector.shape_cast %get3A_1394 : vector<1x16xf32> to vector<16xf32>
      %mul3A_1396 = arith.mulf %get3A_1395, %gather3A_1390 : vector<16xf32>
      %swap3A_1397 = arith.constant 26 : i32
      %swap3A_1398 = arith.index_cast %swap3A_1397 : i32 to index
      %swap3A_1399 = arith.constant 0 : index
      %swap3A_1400 = tpu.vector_load %arg13[%swap3A_1398, %swap3A_1399] {strides = array<i32>} : memref<80x64xf32, #tpu.memory_space<vmem>>, vector<1x16xf32>,
      %swap3A_1401 = vector.shape_cast %swap3A_1400 : vector<1x16xf32> to vector<16xf32>
      %swap3A_1402 = vector.shape_cast %mul3A_1396 : vector<16xf32> to vector<1x16xf32>
      tpu.vector_store %arg13[%swap3A_1398, %swap3A_1399], %swap3A_1402 {strides = array<i32>} : memref<80x64xf32, #tpu.memory_space<vmem>>, vector<1x16xf32>,
      %get3A_1403 = arith.constant 26 : i32
      %get3A_1404 = arith.index_cast %get3A_1403 : i32 to index
      %get3A_1405 = arith.constant 16 : index
      %get3A_1406 = tpu.vector_load %arg13[%get3A_1404, %get3A_1405] {strides = array<i32>} : memref<80x64xf32, #tpu.memory_space<vmem>>, vector<1x16xf32>,
      %get3A_1407 = vector.shape_cast %get3A_1406 : vector<1x16xf32> to vector<16xf32>
      %mul3A_1408 = arith.mulf %get3A_1407, %gather3A_1390 : vector<16xf32>
      %swap3A_1409 = arith.constant 26 : i32
      %swap3A_1410 = arith.index_cast %swap3A_1409 : i32 to index
      %swap3A_1411 = arith.constant 16 : index
      %swap3A_1412 = tpu.vector_load %arg13[%swap3A_1410, %swap3A_1411] {strides = array<i32>} : memref<80x64xf32, #tpu.memory_space<vmem>>, vector<1x16xf32>,
      %swap3A_1413 = vector.shape_cast %swap3A_1412 : vector<1x16xf32> to vector<16xf32>
      %swap3A_1414 = vector.shape_cast %mul3A_1408 : vector<16xf32> to vector<1x16xf32>
      tpu.vector_store %arg13[%swap3A_1410, %swap3A_1411], %swap3A_1414 {strides = array<i32>} : memref<80x64xf32, #tpu.memory_space<vmem>>, vector<1x16xf32>,
      %get3A_1415 = arith.constant 26 : i32
      %get3A_1416 = arith.index_cast %get3A_1415 : i32 to index
      %get3A_1417 = arith.constant 32 : index
      %get3A_1418 = tpu.vector_load %arg13[%get3A_1416, %get3A_1417] {strides = array<i32>} : memref<80x64xf32, #tpu.memory_space<vmem>>, vector<1x16xf32>,
      %get3A_1419 = vector.shape_cast %get3A_1418 : vector<1x16xf32> to vector<16xf32>
      %mul3A_1420 = arith.mulf %get3A_1419, %gather3A_1390 : vector<16xf32>
      %swap3A_1421 = arith.constant 26 : i32
      %swap3A_1422 = arith.index_cast %swap3A_1421 : i32 to index
      %swap3A_1423 = arith.constant 32 : index
      %swap3A_1424 = tpu.vector_load %arg13[%swap3A_1422, %swap3A_1423] {strides = array<i32>} : memref<80x64xf32, #tpu.memory_space<vmem>>, vector<1x16xf32>,
      %swap3A_1425 = vector.shape_cast %swap3A_1424 : vector<1x16xf32> to vector<16xf32>
      %swap3A_1426 = vector.shape_cast %mul3A_1420 : vector<16xf32> to vector<1x16xf32>
      tpu.vector_store %arg13[%swap3A_1422, %swap3A_1423], %swap3A_1426 {strides = array<i32>} : memref<80x64xf32, #tpu.memory_space<vmem>>, vector<1x16xf32>,
      %get3A_1427 = arith.constant 26 : i32
      %get3A_1428 = arith.index_cast %get3A_1427 : i32 to index
      %get3A_1429 = arith.constant 48 : index
      %get3A_1430 = tpu.vector_load %arg13[%get3A_1428, %get3A_1429] {strides = array<i32>} : memref<80x64xf32, #tpu.memory_space<vmem>>, vector<1x16xf32>,
      %get3A_1431 = vector.shape_cast %get3A_1430 : vector<1x16xf32> to vector<16xf32>
      %mul3A_1432 = arith.mulf %get3A_1431, %gather3A_1390 : vector<16xf32>
      %swap3A_1433 = arith.constant 26 : i32
      %swap3A_1434 = arith.index_cast %swap3A_1433 : i32 to index
      %swap3A_1435 = arith.constant 48 : index
      %swap3A_1436 = tpu.vector_load %arg13[%swap3A_1434, %swap3A_1435] {strides = array<i32>} : memref<80x64xf32, #tpu.memory_space<vmem>>, vector<1x16xf32>,
      %swap3A_1437 = vector.shape_cast %swap3A_1436 : vector<1x16xf32> to vector<16xf32>
      %swap3A_1438 = vector.shape_cast %mul3A_1432 : vector<16xf32> to vector<1x16xf32>
      tpu.vector_store %arg13[%swap3A_1434, %swap3A_1435], %swap3A_1438 {strides = array<i32>} : memref<80x64xf32, #tpu.memory_space<vmem>>, vector<1x16xf32>,
      %broadcast_in_dim3A_1439 = arith.constant 11 : i32
      %broadcast_in_dim3A_1440 = vector.broadcast %broadcast_in_dim3A_1439 : i32 to vector<16x1xi32>
      %gather3A_1441 = vector.shape_cast %broadcast_in_dim3A_1440 : vector<16x1xi32> to vector<16xi32>
      %gather3A_1442 = tpu.dynamic_gather %get3A_866[%gather3A_1441] in [0] : vector<16xf32>, vector<16xi32> -> vector<16xf32>
      %get3A_1443 = arith.constant 27 : i32
      %get3A_1444 = arith.index_cast %get3A_1443 : i32 to index
      %get3A_1445 = arith.constant 0 : index
      %get3A_1446 = tpu.vector_load %arg13[%get3A_1444, %get3A_1445] {strides = array<i32>} : memref<80x64xf32, #tpu.memory_space<vmem>>, vector<1x16xf32>,
      %get3A_1447 = vector.shape_cast %get3A_1446 : vector<1x16xf32> to vector<16xf32>
      %mul3A_1448 = arith.mulf %get3A_1447, %gather3A_1442 : vector<16xf32>
      %swap3A_1449 = arith.constant 27 : i32
      %swap3A_1450 = arith.index_cast %swap3A_1449 : i32 to index
      %swap3A_1451 = arith.constant 0 : index
      %swap3A_1452 = tpu.vector_load %arg13[%swap3A_1450, %swap3A_1451] {strides = array<i32>} : memref<80x64xf32, #tpu.memory_space<vmem>>, vector<1x16xf32>,
      %swap3A_1453 = vector.shape_cast %swap3A_1452 : vector<1x16xf32> to vector<16xf32>
      %swap3A_1454 = vector.shape_cast %mul3A_1448 : vector<16xf32> to vector<1x16xf32>
      tpu.vector_store %arg13[%swap3A_1450, %swap3A_1451], %swap3A_1454 {strides = array<i32>} : memref<80x64xf32, #tpu.memory_space<vmem>>, vector<1x16xf32>,
      %get3A_1455 = arith.constant 27 : i32
      %get3A_1456 = arith.index_cast %get3A_1455 : i32 to index
      %get3A_1457 = arith.constant 16 : index
      %get3A_1458 = tpu.vector_load %arg13[%get3A_1456, %get3A_1457] {strides = array<i32>} : memref<80x64xf32, #tpu.memory_space<vmem>>, vector<1x16xf32>,
      %get3A_1459 = vector.shape_cast %get3A_1458 : vector<1x16xf32> to vector<16xf32>
      %mul3A_1460 = arith.mulf %get3A_1459, %gather3A_1442 : vector<16xf32>
      %swap3A_1461 = arith.constant 27 : i32
      %swap3A_1462 = arith.index_cast %swap3A_1461 : i32 to index
      %swap3A_1463 = arith.constant 16 : index
      %swap3A_1464 = tpu.vector_load %arg13[%swap3A_1462, %swap3A_1463] {strides = array<i32>} : memref<80x64xf32, #tpu.memory_space<vmem>>, vector<1x16xf32>,
      %swap3A_1465 = vector.shape_cast %swap3A_1464 : vector<1x16xf32> to vector<16xf32>
      %swap3A_1466 = vector.shape_cast %mul3A_1460 : vector<16xf32> to vector<1x16xf32>
      tpu.vector_store %arg13[%swap3A_1462, %swap3A_1463], %swap3A_1466 {strides = array<i32>} : memref<80x64xf32, #tpu.memory_space<vmem>>, vector<1x16xf32>,
      %get3A_1467 = arith.constant 27 : i32
      %get3A_1468 = arith.index_cast %get3A_1467 : i32 to index
      %get3A_1469 = arith.constant 32 : index
      %get3A_1470 = tpu.vector_load %arg13[%get3A_1468, %get3A_1469] {strides = array<i32>} : memref<80x64xf32, #tpu.memory_space<vmem>>, vector<1x16xf32>,
      %get3A_1471 = vector.shape_cast %get3A_1470 : vector<1x16xf32> to vector<16xf32>
      %mul3A_1472 = arith.mulf %get3A_1471, %gather3A_1442 : vector<16xf32>
      %swap3A_1473 = arith.constant 27 : i32
      %swap3A_1474 = arith.index_cast %swap3A_1473 : i32 to index
      %swap3A_1475 = arith.constant 32 : index
      %swap3A_1476 = tpu.vector_load %arg13[%swap3A_1474, %swap3A_1475] {strides = array<i32>} : memref<80x64xf32, #tpu.memory_space<vmem>>, vector<1x16xf32>,
      %swap3A_1477 = vector.shape_cast %swap3A_1476 : vector<1x16xf32> to vector<16xf32>
      %swap3A_1478 = vector.shape_cast %mul3A_1472 : vector<16xf32> to vector<1x16xf32>
      tpu.vector_store %arg13[%swap3A_1474, %swap3A_1475], %swap3A_1478 {strides = array<i32>} : memref<80x64xf32, #tpu.memory_space<vmem>>, vector<1x16xf32>,
      %get3A_1479 = arith.constant 27 : i32
      %get3A_1480 = arith.index_cast %get3A_1479 : i32 to index
      %get3A_1481 = arith.constant 48 : index
      %get3A_1482 = tpu.vector_load %arg13[%get3A_1480, %get3A_1481] {strides = array<i32>} : memref<80x64xf32, #tpu.memory_space<vmem>>, vector<1x16xf32>,
      %get3A_1483 = vector.shape_cast %get3A_1482 : vector<1x16xf32> to vector<16xf32>
      %mul3A_1484 = arith.mulf %get3A_1483, %gather3A_1442 : vector<16xf32>
      %swap3A_1485 = arith.constant 27 : i32
      %swap3A_1486 = arith.index_cast %swap3A_1485 : i32 to index
      %swap3A_1487 = arith.constant 48 : index
      %swap3A_1488 = tpu.vector_load %arg13[%swap3A_1486, %swap3A_1487] {strides = array<i32>} : memref<80x64xf32, #tpu.memory_space<vmem>>, vector<1x16xf32>,
      %swap3A_1489 = vector.shape_cast %swap3A_1488 : vector<1x16xf32> to vector<16xf32>
      %swap3A_1490 = vector.shape_cast %mul3A_1484 : vector<16xf32> to vector<1x16xf32>
      tpu.vector_store %arg13[%swap3A_1486, %swap3A_1487], %swap3A_1490 {strides = array<i32>} : memref<80x64xf32, #tpu.memory_space<vmem>>, vector<1x16xf32>,
      %broadcast_in_dim3A_1491 = arith.constant 12 : i32
      %broadcast_in_dim3A_1492 = vector.broadcast %broadcast_in_dim3A_1491 : i32 to vector<16x1xi32>
      %gather3A_1493 = vector.shape_cast %broadcast_in_dim3A_1492 : vector<16x1xi32> to vector<16xi32>
      %gather3A_1494 = tpu.dynamic_gather %get3A_866[%gather3A_1493] in [0] : vector<16xf32>, vector<16xi32> -> vector<16xf32>
      %get3A_1495 = arith.constant 28 : i32
      %get3A_1496 = arith.index_cast %get3A_1495 : i32 to index
      %get3A_1497 = arith.constant 0 : index
      %get3A_1498 = tpu.vector_load %arg13[%get3A_1496, %get3A_1497] {strides = array<i32>} : memref<80x64xf32, #tpu.memory_space<vmem>>, vector<1x16xf32>,
      %get3A_1499 = vector.shape_cast %get3A_1498 : vector<1x16xf32> to vector<16xf32>
      %mul3A_1500 = arith.mulf %get3A_1499, %gather3A_1494 : vector<16xf32>
      %swap3A_1501 = arith.constant 28 : i32
      %swap3A_1502 = arith.index_cast %swap3A_1501 : i32 to index
      %swap3A_1503 = arith.constant 0 : index
      %swap3A_1504 = tpu.vector_load %arg13[%swap3A_1502, %swap3A_1503] {strides = array<i32>} : memref<80x64xf32, #tpu.memory_space<vmem>>, vector<1x16xf32>,
      %swap3A_1505 = vector.shape_cast %swap3A_1504 : vector<1x16xf32> to vector<16xf32>
      %swap3A_1506 = vector.shape_cast %mul3A_1500 : vector<16xf32> to vector<1x16xf32>
      tpu.vector_store %arg13[%swap3A_1502, %swap3A_1503], %swap3A_1506 {strides = array<i32>} : memref<80x64xf32, #tpu.memory_space<vmem>>, vector<1x16xf32>,
      %get3A_1507 = arith.constant 28 : i32
      %get3A_1508 = arith.index_cast %get3A_1507 : i32 to index
      %get3A_1509 = arith.constant 16 : index
      %get3A_1510 = tpu.vector_load %arg13[%get3A_1508, %get3A_1509] {strides = array<i32>} : memref<80x64xf32, #tpu.memory_space<vmem>>, vector<1x16xf32>,
      %get3A_1511 = vector.shape_cast %get3A_1510 : vector<1x16xf32> to vector<16xf32>
      %mul3A_1512 = arith.mulf %get3A_1511, %gather3A_1494 : vector<16xf32>
      %swap3A_1513 = arith.constant 28 : i32
      %swap3A_1514 = arith.index_cast %swap3A_1513 : i32 to index
      %swap3A_1515 = arith.constant 16 : index
      %swap3A_1516 = tpu.vector_load %arg13[%swap3A_1514, %swap3A_1515] {strides = array<i32>} : memref<80x64xf32, #tpu.memory_space<vmem>>, vector<1x16xf32>,
      %swap3A_1517 = vector.shape_cast %swap3A_1516 : vector<1x16xf32> to vector<16xf32>
      %swap3A_1518 = vector.shape_cast %mul3A_1512 : vector<16xf32> to vector<1x16xf32>
      tpu.vector_store %arg13[%swap3A_1514, %swap3A_1515], %swap3A_1518 {strides = array<i32>} : memref<80x64xf32, #tpu.memory_space<vmem>>, vector<1x16xf32>,
      %get3A_1519 = arith.constant 28 : i32
      %get3A_1520 = arith.index_cast %get3A_1519 : i32 to index
      %get3A_1521 = arith.constant 32 : index
      %get3A_1522 = tpu.vector_load %arg13[%get3A_1520, %get3A_1521] {strides = array<i32>} : memref<80x64xf32, #tpu.memory_space<vmem>>, vector<1x16xf32>,
      %get3A_1523 = vector.shape_cast %get3A_1522 : vector<1x16xf32> to vector<16xf32>
      %mul3A_1524 = arith.mulf %get3A_1523, %gather3A_1494 : vector<16xf32>
      %swap3A_1525 = arith.constant 28 : i32
      %swap3A_1526 = arith.index_cast %swap3A_1525 : i32 to index
      %swap3A_1527 = arith.constant 32 : index
      %swap3A_1528 = tpu.vector_load %arg13[%swap3A_1526, %swap3A_1527] {strides = array<i32>} : memref<80x64xf32, #tpu.memory_space<vmem>>, vector<1x16xf32>,
      %swap3A_1529 = vector.shape_cast %swap3A_1528 : vector<1x16xf32> to vector<16xf32>
      %swap3A_1530 = vector.shape_cast %mul3A_1524 : vector<16xf32> to vector<1x16xf32>
      tpu.vector_store %arg13[%swap3A_1526, %swap3A_1527], %swap3A_1530 {strides = array<i32>} : memref<80x64xf32, #tpu.memory_space<vmem>>, vector<1x16xf32>,
      %get3A_1531 = arith.constant 28 : i32
      %get3A_1532 = arith.index_cast %get3A_1531 : i32 to index
      %get3A_1533 = arith.constant 48 : index
      %get3A_1534 = tpu.vector_load %arg13[%get3A_1532, %get3A_1533] {strides = array<i32>} : memref<80x64xf32, #tpu.memory_space<vmem>>, vector<1x16xf32>,
      %get3A_1535 = vector.shape_cast %get3A_1534 : vector<1x16xf32> to vector<16xf32>
      %mul3A_1536 = arith.mulf %get3A_1535, %gather3A_1494 : vector<16xf32>
      %swap3A_1537 = arith.constant 28 : i32
      %swap3A_1538 = arith.index_cast %swap3A_1537 : i32 to index
      %swap3A_1539 = arith.constant 48 : index
      %swap3A_1540 = tpu.vector_load %arg13[%swap3A_1538, %swap3A_1539] {strides = array<i32>} : memref<80x64xf32, #tpu.memory_space<vmem>>, vector<1x16xf32>,
      %swap3A_1541 = vector.shape_cast %swap3A_1540 : vector<1x16xf32> to vector<16xf32>
      %swap3A_1542 = vector.shape_cast %mul3A_1536 : vector<16xf32> to vector<1x16xf32>
      tpu.vector_store %arg13[%swap3A_1538, %swap3A_1539], %swap3A_1542 {strides = array<i32>} : memref<80x64xf32, #tpu.memory_space<vmem>>, vector<1x16xf32>,
      %broadcast_in_dim3A_1543 = arith.constant 13 : i32
      %broadcast_in_dim3A_1544 = vector.broadcast %broadcast_in_dim3A_1543 : i32 to vector<16x1xi32>
      %gather3A_1545 = vector.shape_cast %broadcast_in_dim3A_1544 : vector<16x1xi32> to vector<16xi32>
      %gather3A_1546 = tpu.dynamic_gather %get3A_866[%gather3A_1545] in [0] : vector<16xf32>, vector<16xi32> -> vector<16xf32>
      %get3A_1547 = arith.constant 29 : i32
      %get3A_1548 = arith.index_cast %get3A_1547 : i32 to index
      %get3A_1549 = arith.constant 0 : index
      %get3A_1550 = tpu.vector_load %arg13[%get3A_1548, %get3A_1549] {strides = array<i32>} : memref<80x64xf32, #tpu.memory_space<vmem>>, vector<1x16xf32>,
      %get3A_1551 = vector.shape_cast %get3A_1550 : vector<1x16xf32> to vector<16xf32>
      %mul3A_1552 = arith.mulf %get3A_1551, %gather3A_1546 : vector<16xf32>
      %swap3A_1553 = arith.constant 29 : i32
      %swap3A_1554 = arith.index_cast %swap3A_1553 : i32 to index
      %swap3A_1555 = arith.constant 0 : index
      %swap3A_1556 = tpu.vector_load %arg13[%swap3A_1554, %swap3A_1555] {strides = array<i32>} : memref<80x64xf32, #tpu.memory_space<vmem>>, vector<1x16xf32>,
      %swap3A_1557 = vector.shape_cast %swap3A_1556 : vector<1x16xf32> to vector<16xf32>
      %swap3A_1558 = vector.shape_cast %mul3A_1552 : vector<16xf32> to vector<1x16xf32>
      tpu.vector_store %arg13[%swap3A_1554, %swap3A_1555], %swap3A_1558 {strides = array<i32>} : memref<80x64xf32, #tpu.memory_space<vmem>>, vector<1x16xf32>,
      %get3A_1559 = arith.constant 29 : i32
      %get3A_1560 = arith.index_cast %get3A_1559 : i32 to index
      %get3A_1561 = arith.constant 16 : index
      %get3A_1562 = tpu.vector_load %arg13[%get3A_1560, %get3A_1561] {strides = array<i32>} : memref<80x64xf32, #tpu.memory_space<vmem>>, vector<1x16xf32>,
      %get3A_1563 = vector.shape_cast %get3A_1562 : vector<1x16xf32> to vector<16xf32>
      %mul3A_1564 = arith.mulf %get3A_1563, %gather3A_1546 : vector<16xf32>
      %swap3A_1565 = arith.constant 29 : i32
      %swap3A_1566 = arith.index_cast %swap3A_1565 : i32 to index
      %swap3A_1567 = arith.constant 16 : index
      %swap3A_1568 = tpu.vector_load %arg13[%swap3A_1566, %swap3A_1567] {strides = array<i32>} : memref<80x64xf32, #tpu.memory_space<vmem>>, vector<1x16xf32>,
      %swap3A_1569 = vector.shape_cast %swap3A_1568 : vector<1x16xf32> to vector<16xf32>
      %swap3A_1570 = vector.shape_cast %mul3A_1564 : vector<16xf32> to vector<1x16xf32>
      tpu.vector_store %arg13[%swap3A_1566, %swap3A_1567], %swap3A_1570 {strides = array<i32>} : memref<80x64xf32, #tpu.memory_space<vmem>>, vector<1x16xf32>,
      %get3A_1571 = arith.constant 29 : i32
      %get3A_1572 = arith.index_cast %get3A_1571 : i32 to index
      %get3A_1573 = arith.constant 32 : index
      %get3A_1574 = tpu.vector_load %arg13[%get3A_1572, %get3A_1573] {strides = array<i32>} : memref<80x64xf32, #tpu.memory_space<vmem>>, vector<1x16xf32>,
      %get3A_1575 = vector.shape_cast %get3A_1574 : vector<1x16xf32> to vector<16xf32>
      %mul3A_1576 = arith.mulf %get3A_1575, %gather3A_1546 : vector<16xf32>
      %swap3A_1577 = arith.constant 29 : i32
      %swap3A_1578 = arith.index_cast %swap3A_1577 : i32 to index
      %swap3A_1579 = arith.constant 32 : index
      %swap3A_1580 = tpu.vector_load %arg13[%swap3A_1578, %swap3A_1579] {strides = array<i32>} : memref<80x64xf32, #tpu.memory_space<vmem>>, vector<1x16xf32>,
      %swap3A_1581 = vector.shape_cast %swap3A_1580 : vector<1x16xf32> to vector<16xf32>
      %swap3A_1582 = vector.shape_cast %mul3A_1576 : vector<16xf32> to vector<1x16xf32>
      tpu.vector_store %arg13[%swap3A_1578, %swap3A_1579], %swap3A_1582 {strides = array<i32>} : memref<80x64xf32, #tpu.memory_space<vmem>>, vector<1x16xf32>,
      %get3A_1583 = arith.constant 29 : i32
      %get3A_1584 = arith.index_cast %get3A_1583 : i32 to index
      %get3A_1585 = arith.constant 48 : index
      %get3A_1586 = tpu.vector_load %arg13[%get3A_1584, %get3A_1585] {strides = array<i32>} : memref<80x64xf32, #tpu.memory_space<vmem>>, vector<1x16xf32>,
      %get3A_1587 = vector.shape_cast %get3A_1586 : vector<1x16xf32> to vector<16xf32>
      %mul3A_1588 = arith.mulf %get3A_1587, %gather3A_1546 : vector<16xf32>
      %swap3A_1589 = arith.constant 29 : i32
      %swap3A_1590 = arith.index_cast %swap3A_1589 : i32 to index
      %swap3A_1591 = arith.constant 48 : index
      %swap3A_1592 = tpu.vector_load %arg13[%swap3A_1590, %swap3A_1591] {strides = array<i32>} : memref<80x64xf32, #tpu.memory_space<vmem>>, vector<1x16xf32>,
      %swap3A_1593 = vector.shape_cast %swap3A_1592 : vector<1x16xf32> to vector<16xf32>
      %swap3A_1594 = vector.shape_cast %mul3A_1588 : vector<16xf32> to vector<1x16xf32>
      tpu.vector_store %arg13[%swap3A_1590, %swap3A_1591], %swap3A_1594 {strides = array<i32>} : memref<80x64xf32, #tpu.memory_space<vmem>>, vector<1x16xf32>,
      %broadcast_in_dim3A_1595 = arith.constant 14 : i32
      %broadcast_in_dim3A_1596 = vector.broadcast %broadcast_in_dim3A_1595 : i32 to vector<16x1xi32>
      %gather3A_1597 = vector.shape_cast %broadcast_in_dim3A_1596 : vector<16x1xi32> to vector<16xi32>
      %gather3A_1598 = tpu.dynamic_gather %get3A_866[%gather3A_1597] in [0] : vector<16xf32>, vector<16xi32> -> vector<16xf32>
      %get3A_1599 = arith.constant 30 : i32
      %get3A_1600 = arith.index_cast %get3A_1599 : i32 to index
      %get3A_1601 = arith.constant 0 : index
      %get3A_1602 = tpu.vector_load %arg13[%get3A_1600, %get3A_1601] {strides = array<i32>} : memref<80x64xf32, #tpu.memory_space<vmem>>, vector<1x16xf32>,
      %get3A_1603 = vector.shape_cast %get3A_1602 : vector<1x16xf32> to vector<16xf32>
      %mul3A_1604 = arith.mulf %get3A_1603, %gather3A_1598 : vector<16xf32>
      %swap3A_1605 = arith.constant 30 : i32
      %swap3A_1606 = arith.index_cast %swap3A_1605 : i32 to index
      %swap3A_1607 = arith.constant 0 : index
      %swap3A_1608 = tpu.vector_load %arg13[%swap3A_1606, %swap3A_1607] {strides = array<i32>} : memref<80x64xf32, #tpu.memory_space<vmem>>, vector<1x16xf32>,
      %swap3A_1609 = vector.shape_cast %swap3A_1608 : vector<1x16xf32> to vector<16xf32>
      %swap3A_1610 = vector.shape_cast %mul3A_1604 : vector<16xf32> to vector<1x16xf32>
      tpu.vector_store %arg13[%swap3A_1606, %swap3A_1607], %swap3A_1610 {strides = array<i32>} : memref<80x64xf32, #tpu.memory_space<vmem>>, vector<1x16xf32>,
      %get3A_1611 = arith.constant 30 : i32
      %get3A_1612 = arith.index_cast %get3A_1611 : i32 to index
      %get3A_1613 = arith.constant 16 : index
      %get3A_1614 = tpu.vector_load %arg13[%get3A_1612, %get3A_1613] {strides = array<i32>} : memref<80x64xf32, #tpu.memory_space<vmem>>, vector<1x16xf32>,
      %get3A_1615 = vector.shape_cast %get3A_1614 : vector<1x16xf32> to vector<16xf32>
      %mul3A_1616 = arith.mulf %get3A_1615, %gather3A_1598 : vector<16xf32>
      %swap3A_1617 = arith.constant 30 : i32
      %swap3A_1618 = arith.index_cast %swap3A_1617 : i32 to index
      %swap3A_1619 = arith.constant 16 : index
      %swap3A_1620 = tpu.vector_load %arg13[%swap3A_1618, %swap3A_1619] {strides = array<i32>} : memref<80x64xf32, #tpu.memory_space<vmem>>, vector<1x16xf32>,
      %swap3A_1621 = vector.shape_cast %swap3A_1620 : vector<1x16xf32> to vector<16xf32>
      %swap3A_1622 = vector.shape_cast %mul3A_1616 : vector<16xf32> to vector<1x16xf32>
      tpu.vector_store %arg13[%swap3A_1618, %swap3A_1619], %swap3A_1622 {strides = array<i32>} : memref<80x64xf32, #tpu.memory_space<vmem>>, vector<1x16xf32>,
      %get3A_1623 = arith.constant 30 : i32
      %get3A_1624 = arith.index_cast %get3A_1623 : i32 to index
      %get3A_1625 = arith.constant 32 : index
      %get3A_1626 = tpu.vector_load %arg13[%get3A_1624, %get3A_1625] {strides = array<i32>} : memref<80x64xf32, #tpu.memory_space<vmem>>, vector<1x16xf32>,
      %get3A_1627 = vector.shape_cast %get3A_1626 : vector<1x16xf32> to vector<16xf32>
      %mul3A_1628 = arith.mulf %get3A_1627, %gather3A_1598 : vector<16xf32>
      %swap3A_1629 = arith.constant 30 : i32
      %swap3A_1630 = arith.index_cast %swap3A_1629 : i32 to index
      %swap3A_1631 = arith.constant 32 : index
      %swap3A_1632 = tpu.vector_load %arg13[%swap3A_1630, %swap3A_1631] {strides = array<i32>} : memref<80x64xf32, #tpu.memory_space<vmem>>, vector<1x16xf32>,
      %swap3A_1633 = vector.shape_cast %swap3A_1632 : vector<1x16xf32> to vector<16xf32>
      %swap3A_1634 = vector.shape_cast %mul3A_1628 : vector<16xf32> to vector<1x16xf32>
      tpu.vector_store %arg13[%swap3A_1630, %swap3A_1631], %swap3A_1634 {strides = array<i32>} : memref<80x64xf32, #tpu.memory_space<vmem>>, vector<1x16xf32>,
      %get3A_1635 = arith.constant 30 : i32
      %get3A_1636 = arith.index_cast %get3A_1635 : i32 to index
      %get3A_1637 = arith.constant 48 : index
      %get3A_1638 = tpu.vector_load %arg13[%get3A_1636, %get3A_1637] {strides = array<i32>} : memref<80x64xf32, #tpu.memory_space<vmem>>, vector<1x16xf32>,
      %get3A_1639 = vector.shape_cast %get3A_1638 : vector<1x16xf32> to vector<16xf32>
      %mul3A_1640 = arith.mulf %get3A_1639, %gather3A_1598 : vector<16xf32>
      %swap3A_1641 = arith.constant 30 : i32
      %swap3A_1642 = arith.index_cast %swap3A_1641 : i32 to index
      %swap3A_1643 = arith.constant 48 : index
      %swap3A_1644 = tpu.vector_load %arg13[%swap3A_1642, %swap3A_1643] {strides = array<i32>} : memref<80x64xf32, #tpu.memory_space<vmem>>, vector<1x16xf32>,
      %swap3A_1645 = vector.shape_cast %swap3A_1644 : vector<1x16xf32> to vector<16xf32>
      %swap3A_1646 = vector.shape_cast %mul3A_1640 : vector<16xf32> to vector<1x16xf32>
      tpu.vector_store %arg13[%swap3A_1642, %swap3A_1643], %swap3A_1646 {strides = array<i32>} : memref<80x64xf32, #tpu.memory_space<vmem>>, vector<1x16xf32>,
      %broadcast_in_dim3A_1647 = arith.constant 15 : i32
      %broadcast_in_dim3A_1648 = vector.broadcast %broadcast_in_dim3A_1647 : i32 to vector<16x1xi32>
      %gather3A_1649 = vector.shape_cast %broadcast_in_dim3A_1648 : vector<16x1xi32> to vector<16xi32>
      %gather3A_1650 = tpu.dynamic_gather %get3A_866[%gather3A_1649] in [0] : vector<16xf32>, vector<16xi32> -> vector<16xf32>
      %get3A_1651 = arith.constant 31 : i32
      %get3A_1652 = arith.index_cast %get3A_1651 : i32 to index
      %get3A_1653 = arith.constant 0 : index
      %get3A_1654 = tpu.vector_load %arg13[%get3A_1652, %get3A_1653] {strides = array<i32>} : memref<80x64xf32, #tpu.memory_space<vmem>>, vector<1x16xf32>,
      %get3A_1655 = vector.shape_cast %get3A_1654 : vector<1x16xf32> to vector<16xf32>
      %mul3A_1656 = arith.mulf %get3A_1655, %gather3A_1650 : vector<16xf32>
      %swap3A_1657 = arith.constant 31 : i32
      %swap3A_1658 = arith.index_cast %swap3A_1657 : i32 to index
      %swap3A_1659 = arith.constant 0 : index
      %swap3A_1660 = tpu.vector_load %arg13[%swap3A_1658, %swap3A_1659] {strides = array<i32>} : memref<80x64xf32, #tpu.memory_space<vmem>>, vector<1x16xf32>,
      %swap3A_1661 = vector.shape_cast %swap3A_1660 : vector<1x16xf32> to vector<16xf32>
      %swap3A_1662 = vector.shape_cast %mul3A_1656 : vector<16xf32> to vector<1x16xf32>
      tpu.vector_store %arg13[%swap3A_1658, %swap3A_1659], %swap3A_1662 {strides = array<i32>} : memref<80x64xf32, #tpu.memory_space<vmem>>, vector<1x16xf32>,
      %get3A_1663 = arith.constant 31 : i32
      %get3A_1664 = arith.index_cast %get3A_1663 : i32 to index
      %get3A_1665 = arith.constant 16 : index
      %get3A_1666 = tpu.vector_load %arg13[%get3A_1664, %get3A_1665] {strides = array<i32>} : memref<80x64xf32, #tpu.memory_space<vmem>>, vector<1x16xf32>,
      %get3A_1667 = vector.shape_cast %get3A_1666 : vector<1x16xf32> to vector<16xf32>
      %mul3A_1668 = arith.mulf %get3A_1667, %gather3A_1650 : vector<16xf32>
      %swap3A_1669 = arith.constant 31 : i32
      %swap3A_1670 = arith.index_cast %swap3A_1669 : i32 to index
      %swap3A_1671 = arith.constant 16 : index
      %swap3A_1672 = tpu.vector_load %arg13[%swap3A_1670, %swap3A_1671] {strides = array<i32>} : memref<80x64xf32, #tpu.memory_space<vmem>>, vector<1x16xf32>,
      %swap3A_1673 = vector.shape_cast %swap3A_1672 : vector<1x16xf32> to vector<16xf32>
      %swap3A_1674 = vector.shape_cast %mul3A_1668 : vector<16xf32> to vector<1x16xf32>
      tpu.vector_store %arg13[%swap3A_1670, %swap3A_1671], %swap3A_1674 {strides = array<i32>} : memref<80x64xf32, #tpu.memory_space<vmem>>, vector<1x16xf32>,
      %get3A_1675 = arith.constant 31 : i32
      %get3A_1676 = arith.index_cast %get3A_1675 : i32 to index
      %get3A_1677 = arith.constant 32 : index
      %get3A_1678 = tpu.vector_load %arg13[%get3A_1676, %get3A_1677] {strides = array<i32>} : memref<80x64xf32, #tpu.memory_space<vmem>>, vector<1x16xf32>,
      %get3A_1679 = vector.shape_cast %get3A_1678 : vector<1x16xf32> to vector<16xf32>
      %mul3A_1680 = arith.mulf %get3A_1679, %gather3A_1650 : vector<16xf32>
      %swap3A_1681 = arith.constant 31 : i32
      %swap3A_1682 = arith.index_cast %swap3A_1681 : i32 to index
      %swap3A_1683 = arith.constant 32 : index
      %swap3A_1684 = tpu.vector_load %arg13[%swap3A_1682, %swap3A_1683] {strides = array<i32>} : memref<80x64xf32, #tpu.memory_space<vmem>>, vector<1x16xf32>,
      %swap3A_1685 = vector.shape_cast %swap3A_1684 : vector<1x16xf32> to vector<16xf32>
      %swap3A_1686 = vector.shape_cast %mul3A_1680 : vector<16xf32> to vector<1x16xf32>
      tpu.vector_store %arg13[%swap3A_1682, %swap3A_1683], %swap3A_1686 {strides = array<i32>} : memref<80x64xf32, #tpu.memory_space<vmem>>, vector<1x16xf32>,
      %get3A_1687 = arith.constant 31 : i32
      %get3A_1688 = arith.index_cast %get3A_1687 : i32 to index
      %get3A_1689 = arith.constant 48 : index
      %get3A_1690 = tpu.vector_load %arg13[%get3A_1688, %get3A_1689] {strides = array<i32>} : memref<80x64xf32, #tpu.memory_space<vmem>>, vector<1x16xf32>,
      %get3A_1691 = vector.shape_cast %get3A_1690 : vector<1x16xf32> to vector<16xf32>
      %mul3A_1692 = arith.mulf %get3A_1691, %gather3A_1650 : vector<16xf32>
      %swap3A_1693 = arith.constant 31 : i32
      %swap3A_1694 = arith.index_cast %swap3A_1693 : i32 to index
      %swap3A_1695 = arith.constant 48 : index
      %swap3A_1696 = tpu.vector_load %arg13[%swap3A_1694, %swap3A_1695] {strides = array<i32>} : memref<80x64xf32, #tpu.memory_space<vmem>>, vector<1x16xf32>,
      %swap3A_1697 = vector.shape_cast %swap3A_1696 : vector<1x16xf32> to vector<16xf32>
      %swap3A_1698 = vector.shape_cast %mul3A_1692 : vector<16xf32> to vector<1x16xf32>
      tpu.vector_store %arg13[%swap3A_1694, %swap3A_1695], %swap3A_1698 {strides = array<i32>} : memref<80x64xf32, #tpu.memory_space<vmem>>, vector<1x16xf32>,
      %add3A_1699 = arith.constant 32 : i32
      %add3A_1700 = arith.addi %mul3A_28, %add3A_1699 : i32
      %get3A_1701 = arith.index_cast %add3A_1700 : i32 to index
      %get3A_1702 = tpu.vector_load %arg12[%get3A_1701] {strides = array<i32>} : memref<20000xf32, #tpu.memory_space<vmem>>, vector<16xf32>,
      %get3A_1703 = vector.shape_cast %get3A_1702 : vector<16xf32> to vector<16xf32>
      %broadcast_in_dim3A_1704 = arith.constant 0 : i32
      %broadcast_in_dim3A_1705 = vector.broadcast %broadcast_in_dim3A_1704 : i32 to vector<16x1xi32>
      %gather3A_1706 = vector.shape_cast %broadcast_in_dim3A_1705 : vector<16x1xi32> to vector<16xi32>
      %gather3A_1707 = tpu.dynamic_gather %get3A_1703[%gather3A_1706] in [0] : vector<16xf32>, vector<16xi32> -> vector<16xf32>
      %get3A_1708 = arith.constant 32 : i32
      %get3A_1709 = arith.index_cast %get3A_1708 : i32 to index
      %get3A_1710 = arith.constant 0 : index
      %get3A_1711 = tpu.vector_load %arg13[%get3A_1709, %get3A_1710] {strides = array<i32>} : memref<80x64xf32, #tpu.memory_space<vmem>>, vector<1x16xf32>,
      %get3A_1712 = vector.shape_cast %get3A_1711 : vector<1x16xf32> to vector<16xf32>
      %mul3A_1713 = arith.mulf %get3A_1712, %gather3A_1707 : vector<16xf32>
      %swap3A_1714 = arith.constant 32 : i32
      %swap3A_1715 = arith.index_cast %swap3A_1714 : i32 to index
      %swap3A_1716 = arith.constant 0 : index
      %swap3A_1717 = tpu.vector_load %arg13[%swap3A_1715, %swap3A_1716] {strides = array<i32>} : memref<80x64xf32, #tpu.memory_space<vmem>>, vector<1x16xf32>,
      %swap3A_1718 = vector.shape_cast %swap3A_1717 : vector<1x16xf32> to vector<16xf32>
      %swap3A_1719 = vector.shape_cast %mul3A_1713 : vector<16xf32> to vector<1x16xf32>
      tpu.vector_store %arg13[%swap3A_1715, %swap3A_1716], %swap3A_1719 {strides = array<i32>} : memref<80x64xf32, #tpu.memory_space<vmem>>, vector<1x16xf32>,
      %get3A_1720 = arith.constant 32 : i32
      %get3A_1721 = arith.index_cast %get3A_1720 : i32 to index
      %get3A_1722 = arith.constant 16 : index
      %get3A_1723 = tpu.vector_load %arg13[%get3A_1721, %get3A_1722] {strides = array<i32>} : memref<80x64xf32, #tpu.memory_space<vmem>>, vector<1x16xf32>,
      %get3A_1724 = vector.shape_cast %get3A_1723 : vector<1x16xf32> to vector<16xf32>
      %mul3A_1725 = arith.mulf %get3A_1724, %gather3A_1707 : vector<16xf32>
      %swap3A_1726 = arith.constant 32 : i32
      %swap3A_1727 = arith.index_cast %swap3A_1726 : i32 to index
      %swap3A_1728 = arith.constant 16 : index
      %swap3A_1729 = tpu.vector_load %arg13[%swap3A_1727, %swap3A_1728] {strides = array<i32>} : memref<80x64xf32, #tpu.memory_space<vmem>>, vector<1x16xf32>,
      %swap3A_1730 = vector.shape_cast %swap3A_1729 : vector<1x16xf32> to vector<16xf32>
      %swap3A_1731 = vector.shape_cast %mul3A_1725 : vector<16xf32> to vector<1x16xf32>
      tpu.vector_store %arg13[%swap3A_1727, %swap3A_1728], %swap3A_1731 {strides = array<i32>} : memref<80x64xf32, #tpu.memory_space<vmem>>, vector<1x16xf32>,
      %get3A_1732 = arith.constant 32 : i32
      %get3A_1733 = arith.index_cast %get3A_1732 : i32 to index
      %get3A_1734 = arith.constant 32 : index
      %get3A_1735 = tpu.vector_load %arg13[%get3A_1733, %get3A_1734] {strides = array<i32>} : memref<80x64xf32, #tpu.memory_space<vmem>>, vector<1x16xf32>,
      %get3A_1736 = vector.shape_cast %get3A_1735 : vector<1x16xf32> to vector<16xf32>
      %mul3A_1737 = arith.mulf %get3A_1736, %gather3A_1707 : vector<16xf32>
      %swap3A_1738 = arith.constant 32 : i32
      %swap3A_1739 = arith.index_cast %swap3A_1738 : i32 to index
      %swap3A_1740 = arith.constant 32 : index
      %swap3A_1741 = tpu.vector_load %arg13[%swap3A_1739, %swap3A_1740] {strides = array<i32>} : memref<80x64xf32, #tpu.memory_space<vmem>>, vector<1x16xf32>,
      %swap3A_1742 = vector.shape_cast %swap3A_1741 : vector<1x16xf32> to vector<16xf32>
      %swap3A_1743 = vector.shape_cast %mul3A_1737 : vector<16xf32> to vector<1x16xf32>
      tpu.vector_store %arg13[%swap3A_1739, %swap3A_1740], %swap3A_1743 {strides = array<i32>} : memref<80x64xf32, #tpu.memory_space<vmem>>, vector<1x16xf32>,
      %get3A_1744 = arith.constant 32 : i32
      %get3A_1745 = arith.index_cast %get3A_1744 : i32 to index
      %get3A_1746 = arith.constant 48 : index
      %get3A_1747 = tpu.vector_load %arg13[%get3A_1745, %get3A_1746] {strides = array<i32>} : memref<80x64xf32, #tpu.memory_space<vmem>>, vector<1x16xf32>,
      %get3A_1748 = vector.shape_cast %get3A_1747 : vector<1x16xf32> to vector<16xf32>
      %mul3A_1749 = arith.mulf %get3A_1748, %gather3A_1707 : vector<16xf32>
      %swap3A_1750 = arith.constant 32 : i32
      %swap3A_1751 = arith.index_cast %swap3A_1750 : i32 to index
      %swap3A_1752 = arith.constant 48 : index
      %swap3A_1753 = tpu.vector_load %arg13[%swap3A_1751, %swap3A_1752] {strides = array<i32>} : memref<80x64xf32, #tpu.memory_space<vmem>>, vector<1x16xf32>,
      %swap3A_1754 = vector.shape_cast %swap3A_1753 : vector<1x16xf32> to vector<16xf32>
      %swap3A_1755 = vector.shape_cast %mul3A_1749 : vector<16xf32> to vector<1x16xf32>
      tpu.vector_store %arg13[%swap3A_1751, %swap3A_1752], %swap3A_1755 {strides = array<i32>} : memref<80x64xf32, #tpu.memory_space<vmem>>, vector<1x16xf32>,
      %broadcast_in_dim3A_1756 = arith.constant 1 : i32
      %broadcast_in_dim3A_1757 = vector.broadcast %broadcast_in_dim3A_1756 : i32 to vector<16x1xi32>
      %gather3A_1758 = vector.shape_cast %broadcast_in_dim3A_1757 : vector<16x1xi32> to vector<16xi32>
      %gather3A_1759 = tpu.dynamic_gather %get3A_1703[%gather3A_1758] in [0] : vector<16xf32>, vector<16xi32> -> vector<16xf32>
      %get3A_1760 = arith.constant 33 : i32
      %get3A_1761 = arith.index_cast %get3A_1760 : i32 to index
      %get3A_1762 = arith.constant 0 : index
      %get3A_1763 = tpu.vector_load %arg13[%get3A_1761, %get3A_1762] {strides = array<i32>} : memref<80x64xf32, #tpu.memory_space<vmem>>, vector<1x16xf32>,
      %get3A_1764 = vector.shape_cast %get3A_1763 : vector<1x16xf32> to vector<16xf32>
      %mul3A_1765 = arith.mulf %get3A_1764, %gather3A_1759 : vector<16xf32>
      %swap3A_1766 = arith.constant 33 : i32
      %swap3A_1767 = arith.index_cast %swap3A_1766 : i32 to index
      %swap3A_1768 = arith.constant 0 : index
      %swap3A_1769 = tpu.vector_load %arg13[%swap3A_1767, %swap3A_1768] {strides = array<i32>} : memref<80x64xf32, #tpu.memory_space<vmem>>, vector<1x16xf32>,
      %swap3A_1770 = vector.shape_cast %swap3A_1769 : vector<1x16xf32> to vector<16xf32>
      %swap3A_1771 = vector.shape_cast %mul3A_1765 : vector<16xf32> to vector<1x16xf32>
      tpu.vector_store %arg13[%swap3A_1767, %swap3A_1768], %swap3A_1771 {strides = array<i32>} : memref<80x64xf32, #tpu.memory_space<vmem>>, vector<1x16xf32>,
      %get3A_1772 = arith.constant 33 : i32
      %get3A_1773 = arith.index_cast %get3A_1772 : i32 to index
      %get3A_1774 = arith.constant 16 : index
      %get3A_1775 = tpu.vector_load %arg13[%get3A_1773, %get3A_1774] {strides = array<i32>} : memref<80x64xf32, #tpu.memory_space<vmem>>, vector<1x16xf32>,
      %get3A_1776 = vector.shape_cast %get3A_1775 : vector<1x16xf32> to vector<16xf32>
      %mul3A_1777 = arith.mulf %get3A_1776, %gather3A_1759 : vector<16xf32>
      %swap3A_1778 = arith.constant 33 : i32
      %swap3A_1779 = arith.index_cast %swap3A_1778 : i32 to index
      %swap3A_1780 = arith.constant 16 : index
      %swap3A_1781 = tpu.vector_load %arg13[%swap3A_1779, %swap3A_1780] {strides = array<i32>} : memref<80x64xf32, #tpu.memory_space<vmem>>, vector<1x16xf32>,
      %swap3A_1782 = vector.shape_cast %swap3A_1781 : vector<1x16xf32> to vector<16xf32>
      %swap3A_1783 = vector.shape_cast %mul3A_1777 : vector<16xf32> to vector<1x16xf32>
      tpu.vector_store %arg13[%swap3A_1779, %swap3A_1780], %swap3A_1783 {strides = array<i32>} : memref<80x64xf32, #tpu.memory_space<vmem>>, vector<1x16xf32>,
      %get3A_1784 = arith.constant 33 : i32
      %get3A_1785 = arith.index_cast %get3A_1784 : i32 to index
      %get3A_1786 = arith.constant 32 : index
      %get3A_1787 = tpu.vector_load %arg13[%get3A_1785, %get3A_1786] {strides = array<i32>} : memref<80x64xf32, #tpu.memory_space<vmem>>, vector<1x16xf32>,
      %get3A_1788 = vector.shape_cast %get3A_1787 : vector<1x16xf32> to vector<16xf32>
      %mul3A_1789 = arith.mulf %get3A_1788, %gather3A_1759 : vector<16xf32>
      %swap3A_1790 = arith.constant 33 : i32
      %swap3A_1791 = arith.index_cast %swap3A_1790 : i32 to index
      %swap3A_1792 = arith.constant 32 : index
      %swap3A_1793 = tpu.vector_load %arg13[%swap3A_1791, %swap3A_1792] {strides = array<i32>} : memref<80x64xf32, #tpu.memory_space<vmem>>, vector<1x16xf32>,
      %swap3A_1794 = vector.shape_cast %swap3A_1793 : vector<1x16xf32> to vector<16xf32>
      %swap3A_1795 = vector.shape_cast %mul3A_1789 : vector<16xf32> to vector<1x16xf32>
      tpu.vector_store %arg13[%swap3A_1791, %swap3A_1792], %swap3A_1795 {strides = array<i32>} : memref<80x64xf32, #tpu.memory_space<vmem>>, vector<1x16xf32>,
      %get3A_1796 = arith.constant 33 : i32
      %get3A_1797 = arith.index_cast %get3A_1796 : i32 to index
      %get3A_1798 = arith.constant 48 : index
      %get3A_1799 = tpu.vector_load %arg13[%get3A_1797, %get3A_1798] {strides = array<i32>} : memref<80x64xf32, #tpu.memory_space<vmem>>, vector<1x16xf32>,
      %get3A_1800 = vector.shape_cast %get3A_1799 : vector<1x16xf32> to vector<16xf32>
      %mul3A_1801 = arith.mulf %get3A_1800, %gather3A_1759 : vector<16xf32>
      %swap3A_1802 = arith.constant 33 : i32
      %swap3A_1803 = arith.index_cast %swap3A_1802 : i32 to index
      %swap3A_1804 = arith.constant 48 : index
      %swap3A_1805 = tpu.vector_load %arg13[%swap3A_1803, %swap3A_1804] {strides = array<i32>} : memref<80x64xf32, #tpu.memory_space<vmem>>, vector<1x16xf32>,
      %swap3A_1806 = vector.shape_cast %swap3A_1805 : vector<1x16xf32> to vector<16xf32>
      %swap3A_1807 = vector.shape_cast %mul3A_1801 : vector<16xf32> to vector<1x16xf32>
      tpu.vector_store %arg13[%swap3A_1803, %swap3A_1804], %swap3A_1807 {strides = array<i32>} : memref<80x64xf32, #tpu.memory_space<vmem>>, vector<1x16xf32>,
      %broadcast_in_dim3A_1808 = arith.constant 2 : i32
      %broadcast_in_dim3A_1809 = vector.broadcast %broadcast_in_dim3A_1808 : i32 to vector<16x1xi32>
      %gather3A_1810 = vector.shape_cast %broadcast_in_dim3A_1809 : vector<16x1xi32> to vector<16xi32>
      %gather3A_1811 = tpu.dynamic_gather %get3A_1703[%gather3A_1810] in [0] : vector<16xf32>, vector<16xi32> -> vector<16xf32>
      %get3A_1812 = arith.constant 34 : i32
      %get3A_1813 = arith.index_cast %get3A_1812 : i32 to index
      %get3A_1814 = arith.constant 0 : index
      %get3A_1815 = tpu.vector_load %arg13[%get3A_1813, %get3A_1814] {strides = array<i32>} : memref<80x64xf32, #tpu.memory_space<vmem>>, vector<1x16xf32>,
      %get3A_1816 = vector.shape_cast %get3A_1815 : vector<1x16xf32> to vector<16xf32>
      %mul3A_1817 = arith.mulf %get3A_1816, %gather3A_1811 : vector<16xf32>
      %swap3A_1818 = arith.constant 34 : i32
      %swap3A_1819 = arith.index_cast %swap3A_1818 : i32 to index
      %swap3A_1820 = arith.constant 0 : index
      %swap3A_1821 = tpu.vector_load %arg13[%swap3A_1819, %swap3A_1820] {strides = array<i32>} : memref<80x64xf32, #tpu.memory_space<vmem>>, vector<1x16xf32>,
      %swap3A_1822 = vector.shape_cast %swap3A_1821 : vector<1x16xf32> to vector<16xf32>
      %swap3A_1823 = vector.shape_cast %mul3A_1817 : vector<16xf32> to vector<1x16xf32>
      tpu.vector_store %arg13[%swap3A_1819, %swap3A_1820], %swap3A_1823 {strides = array<i32>} : memref<80x64xf32, #tpu.memory_space<vmem>>, vector<1x16xf32>,
      %get3A_1824 = arith.constant 34 : i32
      %get3A_1825 = arith.index_cast %get3A_1824 : i32 to index
      %get3A_1826 = arith.constant 16 : index
      %get3A_1827 = tpu.vector_load %arg13[%get3A_1825, %get3A_1826] {strides = array<i32>} : memref<80x64xf32, #tpu.memory_space<vmem>>, vector<1x16xf32>,
      %get3A_1828 = vector.shape_cast %get3A_1827 : vector<1x16xf32> to vector<16xf32>
      %mul3A_1829 = arith.mulf %get3A_1828, %gather3A_1811 : vector<16xf32>
      %swap3A_1830 = arith.constant 34 : i32
      %swap3A_1831 = arith.index_cast %swap3A_1830 : i32 to index
      %swap3A_1832 = arith.constant 16 : index
      %swap3A_1833 = tpu.vector_load %arg13[%swap3A_1831, %swap3A_1832] {strides = array<i32>} : memref<80x64xf32, #tpu.memory_space<vmem>>, vector<1x16xf32>,
      %swap3A_1834 = vector.shape_cast %swap3A_1833 : vector<1x16xf32> to vector<16xf32>
      %swap3A_1835 = vector.shape_cast %mul3A_1829 : vector<16xf32> to vector<1x16xf32>
      tpu.vector_store %arg13[%swap3A_1831, %swap3A_1832], %swap3A_1835 {strides = array<i32>} : memref<80x64xf32, #tpu.memory_space<vmem>>, vector<1x16xf32>,
      %get3A_1836 = arith.constant 34 : i32
      %get3A_1837 = arith.index_cast %get3A_1836 : i32 to index
      %get3A_1838 = arith.constant 32 : index
      %get3A_1839 = tpu.vector_load %arg13[%get3A_1837, %get3A_1838] {strides = array<i32>} : memref<80x64xf32, #tpu.memory_space<vmem>>, vector<1x16xf32>,
      %get3A_1840 = vector.shape_cast %get3A_1839 : vector<1x16xf32> to vector<16xf32>
      %mul3A_1841 = arith.mulf %get3A_1840, %gather3A_1811 : vector<16xf32>
      %swap3A_1842 = arith.constant 34 : i32
      %swap3A_1843 = arith.index_cast %swap3A_1842 : i32 to index
      %swap3A_1844 = arith.constant 32 : index
      %swap3A_1845 = tpu.vector_load %arg13[%swap3A_1843, %swap3A_1844] {strides = array<i32>} : memref<80x64xf32, #tpu.memory_space<vmem>>, vector<1x16xf32>,
      %swap3A_1846 = vector.shape_cast %swap3A_1845 : vector<1x16xf32> to vector<16xf32>
      %swap3A_1847 = vector.shape_cast %mul3A_1841 : vector<16xf32> to vector<1x16xf32>
      tpu.vector_store %arg13[%swap3A_1843, %swap3A_1844], %swap3A_1847 {strides = array<i32>} : memref<80x64xf32, #tpu.memory_space<vmem>>, vector<1x16xf32>,
      %get3A_1848 = arith.constant 34 : i32
      %get3A_1849 = arith.index_cast %get3A_1848 : i32 to index
      %get3A_1850 = arith.constant 48 : index
      %get3A_1851 = tpu.vector_load %arg13[%get3A_1849, %get3A_1850] {strides = array<i32>} : memref<80x64xf32, #tpu.memory_space<vmem>>, vector<1x16xf32>,
      %get3A_1852 = vector.shape_cast %get3A_1851 : vector<1x16xf32> to vector<16xf32>
      %mul3A_1853 = arith.mulf %get3A_1852, %gather3A_1811 : vector<16xf32>
      %swap3A_1854 = arith.constant 34 : i32
      %swap3A_1855 = arith.index_cast %swap3A_1854 : i32 to index
      %swap3A_1856 = arith.constant 48 : index
      %swap3A_1857 = tpu.vector_load %arg13[%swap3A_1855, %swap3A_1856] {strides = array<i32>} : memref<80x64xf32, #tpu.memory_space<vmem>>, vector<1x16xf32>,
      %swap3A_1858 = vector.shape_cast %swap3A_1857 : vector<1x16xf32> to vector<16xf32>
      %swap3A_1859 = vector.shape_cast %mul3A_1853 : vector<16xf32> to vector<1x16xf32>
      tpu.vector_store %arg13[%swap3A_1855, %swap3A_1856], %swap3A_1859 {strides = array<i32>} : memref<80x64xf32, #tpu.memory_space<vmem>>, vector<1x16xf32>,
      %broadcast_in_dim3A_1860 = arith.constant 3 : i32
      %broadcast_in_dim3A_1861 = vector.broadcast %broadcast_in_dim3A_1860 : i32 to vector<16x1xi32>
      %gather3A_1862 = vector.shape_cast %broadcast_in_dim3A_1861 : vector<16x1xi32> to vector<16xi32>
      %gather3A_1863 = tpu.dynamic_gather %get3A_1703[%gather3A_1862] in [0] : vector<16xf32>, vector<16xi32> -> vector<16xf32>
      %get3A_1864 = arith.constant 35 : i32
      %get3A_1865 = arith.index_cast %get3A_1864 : i32 to index
      %get3A_1866 = arith.constant 0 : index
      %get3A_1867 = tpu.vector_load %arg13[%get3A_1865, %get3A_1866] {strides = array<i32>} : memref<80x64xf32, #tpu.memory_space<vmem>>, vector<1x16xf32>,
      %get3A_1868 = vector.shape_cast %get3A_1867 : vector<1x16xf32> to vector<16xf32>
      %mul3A_1869 = arith.mulf %get3A_1868, %gather3A_1863 : vector<16xf32>
      %swap3A_1870 = arith.constant 35 : i32
      %swap3A_1871 = arith.index_cast %swap3A_1870 : i32 to index
      %swap3A_1872 = arith.constant 0 : index
      %swap3A_1873 = tpu.vector_load %arg13[%swap3A_1871, %swap3A_1872] {strides = array<i32>} : memref<80x64xf32, #tpu.memory_space<vmem>>, vector<1x16xf32>,
      %swap3A_1874 = vector.shape_cast %swap3A_1873 : vector<1x16xf32> to vector<16xf32>
      %swap3A_1875 = vector.shape_cast %mul3A_1869 : vector<16xf32> to vector<1x16xf32>
      tpu.vector_store %arg13[%swap3A_1871, %swap3A_1872], %swap3A_1875 {strides = array<i32>} : memref<80x64xf32, #tpu.memory_space<vmem>>, vector<1x16xf32>,
      %get3A_1876 = arith.constant 35 : i32
      %get3A_1877 = arith.index_cast %get3A_1876 : i32 to index
      %get3A_1878 = arith.constant 16 : index
      %get3A_1879 = tpu.vector_load %arg13[%get3A_1877, %get3A_1878] {strides = array<i32>} : memref<80x64xf32, #tpu.memory_space<vmem>>, vector<1x16xf32>,
      %get3A_1880 = vector.shape_cast %get3A_1879 : vector<1x16xf32> to vector<16xf32>
      %mul3A_1881 = arith.mulf %get3A_1880, %gather3A_1863 : vector<16xf32>
      %swap3A_1882 = arith.constant 35 : i32
      %swap3A_1883 = arith.index_cast %swap3A_1882 : i32 to index
      %swap3A_1884 = arith.constant 16 : index
      %swap3A_1885 = tpu.vector_load %arg13[%swap3A_1883, %swap3A_1884] {strides = array<i32>} : memref<80x64xf32, #tpu.memory_space<vmem>>, vector<1x16xf32>,
      %swap3A_1886 = vector.shape_cast %swap3A_1885 : vector<1x16xf32> to vector<16xf32>
      %swap3A_1887 = vector.shape_cast %mul3A_1881 : vector<16xf32> to vector<1x16xf32>
      tpu.vector_store %arg13[%swap3A_1883, %swap3A_1884], %swap3A_1887 {strides = array<i32>} : memref<80x64xf32, #tpu.memory_space<vmem>>, vector<1x16xf32>,
      %get3A_1888 = arith.constant 35 : i32
      %get3A_1889 = arith.index_cast %get3A_1888 : i32 to index
      %get3A_1890 = arith.constant 32 : index
      %get3A_1891 = tpu.vector_load %arg13[%get3A_1889, %get3A_1890] {strides = array<i32>} : memref<80x64xf32, #tpu.memory_space<vmem>>, vector<1x16xf32>,
      %get3A_1892 = vector.shape_cast %get3A_1891 : vector<1x16xf32> to vector<16xf32>
      %mul3A_1893 = arith.mulf %get3A_1892, %gather3A_1863 : vector<16xf32>
      %swap3A_1894 = arith.constant 35 : i32
      %swap3A_1895 = arith.index_cast %swap3A_1894 : i32 to index
      %swap3A_1896 = arith.constant 32 : index
      %swap3A_1897 = tpu.vector_load %arg13[%swap3A_1895, %swap3A_1896] {strides = array<i32>} : memref<80x64xf32, #tpu.memory_space<vmem>>, vector<1x16xf32>,
      %swap3A_1898 = vector.shape_cast %swap3A_1897 : vector<1x16xf32> to vector<16xf32>
      %swap3A_1899 = vector.shape_cast %mul3A_1893 : vector<16xf32> to vector<1x16xf32>
      tpu.vector_store %arg13[%swap3A_1895, %swap3A_1896], %swap3A_1899 {strides = array<i32>} : memref<80x64xf32, #tpu.memory_space<vmem>>, vector<1x16xf32>,
      %get3A_1900 = arith.constant 35 : i32
      %get3A_1901 = arith.index_cast %get3A_1900 : i32 to index
      %get3A_1902 = arith.constant 48 : index
      %get3A_1903 = tpu.vector_load %arg13[%get3A_1901, %get3A_1902] {strides = array<i32>} : memref<80x64xf32, #tpu.memory_space<vmem>>, vector<1x16xf32>,
      %get3A_1904 = vector.shape_cast %get3A_1903 : vector<1x16xf32> to vector<16xf32>
      %mul3A_1905 = arith.mulf %get3A_1904, %gather3A_1863 : vector<16xf32>
      %swap3A_1906 = arith.constant 35 : i32
      %swap3A_1907 = arith.index_cast %swap3A_1906 : i32 to index
      %swap3A_1908 = arith.constant 48 : index
      %swap3A_1909 = tpu.vector_load %arg13[%swap3A_1907, %swap3A_1908] {strides = array<i32>} : memref<80x64xf32, #tpu.memory_space<vmem>>, vector<1x16xf32>,
      %swap3A_1910 = vector.shape_cast %swap3A_1909 : vector<1x16xf32> to vector<16xf32>
      %swap3A_1911 = vector.shape_cast %mul3A_1905 : vector<16xf32> to vector<1x16xf32>
      tpu.vector_store %arg13[%swap3A_1907, %swap3A_1908], %swap3A_1911 {strides = array<i32>} : memref<80x64xf32, #tpu.memory_space<vmem>>, vector<1x16xf32>,
      %broadcast_in_dim3A_1912 = arith.constant 4 : i32
      %broadcast_in_dim3A_1913 = vector.broadcast %broadcast_in_dim3A_1912 : i32 to vector<16x1xi32>
      %gather3A_1914 = vector.shape_cast %broadcast_in_dim3A_1913 : vector<16x1xi32> to vector<16xi32>
      %gather3A_1915 = tpu.dynamic_gather %get3A_1703[%gather3A_1914] in [0] : vector<16xf32>, vector<16xi32> -> vector<16xf32>
      %get3A_1916 = arith.constant 36 : i32
      %get3A_1917 = arith.index_cast %get3A_1916 : i32 to index
      %get3A_1918 = arith.constant 0 : index
      %get3A_1919 = tpu.vector_load %arg13[%get3A_1917, %get3A_1918] {strides = array<i32>} : memref<80x64xf32, #tpu.memory_space<vmem>>, vector<1x16xf32>,
      %get3A_1920 = vector.shape_cast %get3A_1919 : vector<1x16xf32> to vector<16xf32>
      %mul3A_1921 = arith.mulf %get3A_1920, %gather3A_1915 : vector<16xf32>
      %swap3A_1922 = arith.constant 36 : i32
      %swap3A_1923 = arith.index_cast %swap3A_1922 : i32 to index
      %swap3A_1924 = arith.constant 0 : index
      %swap3A_1925 = tpu.vector_load %arg13[%swap3A_1923, %swap3A_1924] {strides = array<i32>} : memref<80x64xf32, #tpu.memory_space<vmem>>, vector<1x16xf32>,
      %swap3A_1926 = vector.shape_cast %swap3A_1925 : vector<1x16xf32> to vector<16xf32>
      %swap3A_1927 = vector.shape_cast %mul3A_1921 : vector<16xf32> to vector<1x16xf32>
      tpu.vector_store %arg13[%swap3A_1923, %swap3A_1924], %swap3A_1927 {strides = array<i32>} : memref<80x64xf32, #tpu.memory_space<vmem>>, vector<1x16xf32>,
      %get3A_1928 = arith.constant 36 : i32
      %get3A_1929 = arith.index_cast %get3A_1928 : i32 to index
      %get3A_1930 = arith.constant 16 : index
      %get3A_1931 = tpu.vector_load %arg13[%get3A_1929, %get3A_1930] {strides = array<i32>} : memref<80x64xf32, #tpu.memory_space<vmem>>, vector<1x16xf32>,
      %get3A_1932 = vector.shape_cast %get3A_1931 : vector<1x16xf32> to vector<16xf32>
      %mul3A_1933 = arith.mulf %get3A_1932, %gather3A_1915 : vector<16xf32>
      %swap3A_1934 = arith.constant 36 : i32
      %swap3A_1935 = arith.index_cast %swap3A_1934 : i32 to index
      %swap3A_1936 = arith.constant 16 : index
      %swap3A_1937 = tpu.vector_load %arg13[%swap3A_1935, %swap3A_1936] {strides = array<i32>} : memref<80x64xf32, #tpu.memory_space<vmem>>, vector<1x16xf32>,
      %swap3A_1938 = vector.shape_cast %swap3A_1937 : vector<1x16xf32> to vector<16xf32>
      %swap3A_1939 = vector.shape_cast %mul3A_1933 : vector<16xf32> to vector<1x16xf32>
      tpu.vector_store %arg13[%swap3A_1935, %swap3A_1936], %swap3A_1939 {strides = array<i32>} : memref<80x64xf32, #tpu.memory_space<vmem>>, vector<1x16xf32>,
      %get3A_1940 = arith.constant 36 : i32
      %get3A_1941 = arith.index_cast %get3A_1940 : i32 to index
      %get3A_1942 = arith.constant 32 : index
      %get3A_1943 = tpu.vector_load %arg13[%get3A_1941, %get3A_1942] {strides = array<i32>} : memref<80x64xf32, #tpu.memory_space<vmem>>, vector<1x16xf32>,
      %get3A_1944 = vector.shape_cast %get3A_1943 : vector<1x16xf32> to vector<16xf32>
      %mul3A_1945 = arith.mulf %get3A_1944, %gather3A_1915 : vector<16xf32>
      %swap3A_1946 = arith.constant 36 : i32
      %swap3A_1947 = arith.index_cast %swap3A_1946 : i32 to index
      %swap3A_1948 = arith.constant 32 : index
      %swap3A_1949 = tpu.vector_load %arg13[%swap3A_1947, %swap3A_1948] {strides = array<i32>} : memref<80x64xf32, #tpu.memory_space<vmem>>, vector<1x16xf32>,
      %swap3A_1950 = vector.shape_cast %swap3A_1949 : vector<1x16xf32> to vector<16xf32>
      %swap3A_1951 = vector.shape_cast %mul3A_1945 : vector<16xf32> to vector<1x16xf32>
      tpu.vector_store %arg13[%swap3A_1947, %swap3A_1948], %swap3A_1951 {strides = array<i32>} : memref<80x64xf32, #tpu.memory_space<vmem>>, vector<1x16xf32>,
      %get3A_1952 = arith.constant 36 : i32
      %get3A_1953 = arith.index_cast %get3A_1952 : i32 to index
      %get3A_1954 = arith.constant 48 : index
      %get3A_1955 = tpu.vector_load %arg13[%get3A_1953, %get3A_1954] {strides = array<i32>} : memref<80x64xf32, #tpu.memory_space<vmem>>, vector<1x16xf32>,
      %get3A_1956 = vector.shape_cast %get3A_1955 : vector<1x16xf32> to vector<16xf32>
      %mul3A_1957 = arith.mulf %get3A_1956, %gather3A_1915 : vector<16xf32>
      %swap3A_1958 = arith.constant 36 : i32
      %swap3A_1959 = arith.index_cast %swap3A_1958 : i32 to index
      %swap3A_1960 = arith.constant 48 : index
      %swap3A_1961 = tpu.vector_load %arg13[%swap3A_1959, %swap3A_1960] {strides = array<i32>} : memref<80x64xf32, #tpu.memory_space<vmem>>, vector<1x16xf32>,
      %swap3A_1962 = vector.shape_cast %swap3A_1961 : vector<1x16xf32> to vector<16xf32>
      %swap3A_1963 = vector.shape_cast %mul3A_1957 : vector<16xf32> to vector<1x16xf32>
      tpu.vector_store %arg13[%swap3A_1959, %swap3A_1960], %swap3A_1963 {strides = array<i32>} : memref<80x64xf32, #tpu.memory_space<vmem>>, vector<1x16xf32>,
      %broadcast_in_dim3A_1964 = arith.constant 5 : i32
      %broadcast_in_dim3A_1965 = vector.broadcast %broadcast_in_dim3A_1964 : i32 to vector<16x1xi32>
      %gather3A_1966 = vector.shape_cast %broadcast_in_dim3A_1965 : vector<16x1xi32> to vector<16xi32>
      %gather3A_1967 = tpu.dynamic_gather %get3A_1703[%gather3A_1966] in [0] : vector<16xf32>, vector<16xi32> -> vector<16xf32>
      %get3A_1968 = arith.constant 37 : i32
      %get3A_1969 = arith.index_cast %get3A_1968 : i32 to index
      %get3A_1970 = arith.constant 0 : index
      %get3A_1971 = tpu.vector_load %arg13[%get3A_1969, %get3A_1970] {strides = array<i32>} : memref<80x64xf32, #tpu.memory_space<vmem>>, vector<1x16xf32>,
      %get3A_1972 = vector.shape_cast %get3A_1971 : vector<1x16xf32> to vector<16xf32>
      %mul3A_1973 = arith.mulf %get3A_1972, %gather3A_1967 : vector<16xf32>
      %swap3A_1974 = arith.constant 37 : i32
      %swap3A_1975 = arith.index_cast %swap3A_1974 : i32 to index
      %swap3A_1976 = arith.constant 0 : index
      %swap3A_1977 = tpu.vector_load %arg13[%swap3A_1975, %swap3A_1976] {strides = array<i32>} : memref<80x64xf32, #tpu.memory_space<vmem>>, vector<1x16xf32>,
      %swap3A_1978 = vector.shape_cast %swap3A_1977 : vector<1x16xf32> to vector<16xf32>
      %swap3A_1979 = vector.shape_cast %mul3A_1973 : vector<16xf32> to vector<1x16xf32>
      tpu.vector_store %arg13[%swap3A_1975, %swap3A_1976], %swap3A_1979 {strides = array<i32>} : memref<80x64xf32, #tpu.memory_space<vmem>>, vector<1x16xf32>,
      %get3A_1980 = arith.constant 37 : i32
      %get3A_1981 = arith.index_cast %get3A_1980 : i32 to index
      %get3A_1982 = arith.constant 16 : index
      %get3A_1983 = tpu.vector_load %arg13[%get3A_1981, %get3A_1982] {strides = array<i32>} : memref<80x64xf32, #tpu.memory_space<vmem>>, vector<1x16xf32>,
      %get3A_1984 = vector.shape_cast %get3A_1983 : vector<1x16xf32> to vector<16xf32>
      %mul3A_1985 = arith.mulf %get3A_1984, %gather3A_1967 : vector<16xf32>
      %swap3A_1986 = arith.constant 37 : i32
      %swap3A_1987 = arith.index_cast %swap3A_1986 : i32 to index
      %swap3A_1988 = arith.constant 16 : index
      %swap3A_1989 = tpu.vector_load %arg13[%swap3A_1987, %swap3A_1988] {strides = array<i32>} : memref<80x64xf32, #tpu.memory_space<vmem>>, vector<1x16xf32>,
      %swap3A_1990 = vector.shape_cast %swap3A_1989 : vector<1x16xf32> to vector<16xf32>
      %swap3A_1991 = vector.shape_cast %mul3A_1985 : vector<16xf32> to vector<1x16xf32>
      tpu.vector_store %arg13[%swap3A_1987, %swap3A_1988], %swap3A_1991 {strides = array<i32>} : memref<80x64xf32, #tpu.memory_space<vmem>>, vector<1x16xf32>,
      %get3A_1992 = arith.constant 37 : i32
      %get3A_1993 = arith.index_cast %get3A_1992 : i32 to index
      %get3A_1994 = arith.constant 32 : index
      %get3A_1995 = tpu.vector_load %arg13[%get3A_1993, %get3A_1994] {strides = array<i32>} : memref<80x64xf32, #tpu.memory_space<vmem>>, vector<1x16xf32>,
      %get3A_1996 = vector.shape_cast %get3A_1995 : vector<1x16xf32> to vector<16xf32>
      %mul3A_1997 = arith.mulf %get3A_1996, %gather3A_1967 : vector<16xf32>
      %swap3A_1998 = arith.constant 37 : i32
      %swap3A_1999 = arith.index_cast %swap3A_1998 : i32 to index
      %swap3A_2000 = arith.constant 32 : index
      %swap3A_2001 = tpu.vector_load %arg13[%swap3A_1999, %swap3A_2000] {strides = array<i32>} : memref<80x64xf32, #tpu.memory_space<vmem>>, vector<1x16xf32>,
      %swap3A_2002 = vector.shape_cast %swap3A_2001 : vector<1x16xf32> to vector<16xf32>
      %swap3A_2003 = vector.shape_cast %mul3A_1997 : vector<16xf32> to vector<1x16xf32>
      tpu.vector_store %arg13[%swap3A_1999, %swap3A_2000], %swap3A_2003 {strides = array<i32>} : memref<80x64xf32, #tpu.memory_space<vmem>>, vector<1x16xf32>,
      %get3A_2004 = arith.constant 37 : i32
      %get3A_2005 = arith.index_cast %get3A_2004 : i32 to index
      %get3A_2006 = arith.constant 48 : index
      %get3A_2007 = tpu.vector_load %arg13[%get3A_2005, %get3A_2006] {strides = array<i32>} : memref<80x64xf32, #tpu.memory_space<vmem>>, vector<1x16xf32>,
      %get3A_2008 = vector.shape_cast %get3A_2007 : vector<1x16xf32> to vector<16xf32>
      %mul3A_2009 = arith.mulf %get3A_2008, %gather3A_1967 : vector<16xf32>
      %swap3A_2010 = arith.constant 37 : i32
      %swap3A_2011 = arith.index_cast %swap3A_2010 : i32 to index
      %swap3A_2012 = arith.constant 48 : index
      %swap3A_2013 = tpu.vector_load %arg13[%swap3A_2011, %swap3A_2012] {strides = array<i32>} : memref<80x64xf32, #tpu.memory_space<vmem>>, vector<1x16xf32>,
      %swap3A_2014 = vector.shape_cast %swap3A_2013 : vector<1x16xf32> to vector<16xf32>
      %swap3A_2015 = vector.shape_cast %mul3A_2009 : vector<16xf32> to vector<1x16xf32>
      tpu.vector_store %arg13[%swap3A_2011, %swap3A_2012], %swap3A_2015 {strides = array<i32>} : memref<80x64xf32, #tpu.memory_space<vmem>>, vector<1x16xf32>,
      %broadcast_in_dim3A_2016 = arith.constant 6 : i32
      %broadcast_in_dim3A_2017 = vector.broadcast %broadcast_in_dim3A_2016 : i32 to vector<16x1xi32>
      %gather3A_2018 = vector.shape_cast %broadcast_in_dim3A_2017 : vector<16x1xi32> to vector<16xi32>
      %gather3A_2019 = tpu.dynamic_gather %get3A_1703[%gather3A_2018] in [0] : vector<16xf32>, vector<16xi32> -> vector<16xf32>
      %get3A_2020 = arith.constant 38 : i32
      %get3A_2021 = arith.index_cast %get3A_2020 : i32 to index
      %get3A_2022 = arith.constant 0 : index
      %get3A_2023 = tpu.vector_load %arg13[%get3A_2021, %get3A_2022] {strides = array<i32>} : memref<80x64xf32, #tpu.memory_space<vmem>>, vector<1x16xf32>,
      %get3A_2024 = vector.shape_cast %get3A_2023 : vector<1x16xf32> to vector<16xf32>
      %mul3A_2025 = arith.mulf %get3A_2024, %gather3A_2019 : vector<16xf32>
      %swap3A_2026 = arith.constant 38 : i32
      %swap3A_2027 = arith.index_cast %swap3A_2026 : i32 to index
      %swap3A_2028 = arith.constant 0 : index
      %swap3A_2029 = tpu.vector_load %arg13[%swap3A_2027, %swap3A_2028] {strides = array<i32>} : memref<80x64xf32, #tpu.memory_space<vmem>>, vector<1x16xf32>,
      %swap3A_2030 = vector.shape_cast %swap3A_2029 : vector<1x16xf32> to vector<16xf32>
      %swap3A_2031 = vector.shape_cast %mul3A_2025 : vector<16xf32> to vector<1x16xf32>
      tpu.vector_store %arg13[%swap3A_2027, %swap3A_2028], %swap3A_2031 {strides = array<i32>} : memref<80x64xf32, #tpu.memory_space<vmem>>, vector<1x16xf32>,
      %get3A_2032 = arith.constant 38 : i32
      %get3A_2033 = arith.index_cast %get3A_2032 : i32 to index
      %get3A_2034 = arith.constant 16 : index
      %get3A_2035 = tpu.vector_load %arg13[%get3A_2033, %get3A_2034] {strides = array<i32>} : memref<80x64xf32, #tpu.memory_space<vmem>>, vector<1x16xf32>,
      %get3A_2036 = vector.shape_cast %get3A_2035 : vector<1x16xf32> to vector<16xf32>
      %mul3A_2037 = arith.mulf %get3A_2036, %gather3A_2019 : vector<16xf32>
      %swap3A_2038 = arith.constant 38 : i32
      %swap3A_2039 = arith.index_cast %swap3A_2038 : i32 to index
      %swap3A_2040 = arith.constant 16 : index
      %swap3A_2041 = tpu.vector_load %arg13[%swap3A_2039, %swap3A_2040] {strides = array<i32>} : memref<80x64xf32, #tpu.memory_space<vmem>>, vector<1x16xf32>,
      %swap3A_2042 = vector.shape_cast %swap3A_2041 : vector<1x16xf32> to vector<16xf32>
      %swap3A_2043 = vector.shape_cast %mul3A_2037 : vector<16xf32> to vector<1x16xf32>
      tpu.vector_store %arg13[%swap3A_2039, %swap3A_2040], %swap3A_2043 {strides = array<i32>} : memref<80x64xf32, #tpu.memory_space<vmem>>, vector<1x16xf32>,
      %get3A_2044 = arith.constant 38 : i32
      %get3A_2045 = arith.index_cast %get3A_2044 : i32 to index
      %get3A_2046 = arith.constant 32 : index
      %get3A_2047 = tpu.vector_load %arg13[%get3A_2045, %get3A_2046] {strides = array<i32>} : memref<80x64xf32, #tpu.memory_space<vmem>>, vector<1x16xf32>,
      %get3A_2048 = vector.shape_cast %get3A_2047 : vector<1x16xf32> to vector<16xf32>
      %mul3A_2049 = arith.mulf %get3A_2048, %gather3A_2019 : vector<16xf32>
      %swap3A_2050 = arith.constant 38 : i32
      %swap3A_2051 = arith.index_cast %swap3A_2050 : i32 to index
      %swap3A_2052 = arith.constant 32 : index
      %swap3A_2053 = tpu.vector_load %arg13[%swap3A_2051, %swap3A_2052] {strides = array<i32>} : memref<80x64xf32, #tpu.memory_space<vmem>>, vector<1x16xf32>,
      %swap3A_2054 = vector.shape_cast %swap3A_2053 : vector<1x16xf32> to vector<16xf32>
      %swap3A_2055 = vector.shape_cast %mul3A_2049 : vector<16xf32> to vector<1x16xf32>
      tpu.vector_store %arg13[%swap3A_2051, %swap3A_2052], %swap3A_2055 {strides = array<i32>} : memref<80x64xf32, #tpu.memory_space<vmem>>, vector<1x16xf32>,
      %get3A_2056 = arith.constant 38 : i32
      %get3A_2057 = arith.index_cast %get3A_2056 : i32 to index
      %get3A_2058 = arith.constant 48 : index
      %get3A_2059 = tpu.vector_load %arg13[%get3A_2057, %get3A_2058] {strides = array<i32>} : memref<80x64xf32, #tpu.memory_space<vmem>>, vector<1x16xf32>,
      %get3A_2060 = vector.shape_cast %get3A_2059 : vector<1x16xf32> to vector<16xf32>
      %mul3A_2061 = arith.mulf %get3A_2060, %gather3A_2019 : vector<16xf32>
      %swap3A_2062 = arith.constant 38 : i32
      %swap3A_2063 = arith.index_cast %swap3A_2062 : i32 to index
      %swap3A_2064 = arith.constant 48 : index
      %swap3A_2065 = tpu.vector_load %arg13[%swap3A_2063, %swap3A_2064] {strides = array<i32>} : memref<80x64xf32, #tpu.memory_space<vmem>>, vector<1x16xf32>,
      %swap3A_2066 = vector.shape_cast %swap3A_2065 : vector<1x16xf32> to vector<16xf32>
      %swap3A_2067 = vector.shape_cast %mul3A_2061 : vector<16xf32> to vector<1x16xf32>
      tpu.vector_store %arg13[%swap3A_2063, %swap3A_2064], %swap3A_2067 {strides = array<i32>} : memref<80x64xf32, #tpu.memory_space<vmem>>, vector<1x16xf32>,
      %broadcast_in_dim3A_2068 = arith.constant 7 : i32
      %broadcast_in_dim3A_2069 = vector.broadcast %broadcast_in_dim3A_2068 : i32 to vector<16x1xi32>
      %gather3A_2070 = vector.shape_cast %broadcast_in_dim3A_2069 : vector<16x1xi32> to vector<16xi32>
      %gather3A_2071 = tpu.dynamic_gather %get3A_1703[%gather3A_2070] in [0] : vector<16xf32>, vector<16xi32> -> vector<16xf32>
      %get3A_2072 = arith.constant 39 : i32
      %get3A_2073 = arith.index_cast %get3A_2072 : i32 to index
      %get3A_2074 = arith.constant 0 : index
      %get3A_2075 = tpu.vector_load %arg13[%get3A_2073, %get3A_2074] {strides = array<i32>} : memref<80x64xf32, #tpu.memory_space<vmem>>, vector<1x16xf32>,
      %get3A_2076 = vector.shape_cast %get3A_2075 : vector<1x16xf32> to vector<16xf32>
      %mul3A_2077 = arith.mulf %get3A_2076, %gather3A_2071 : vector<16xf32>
      %swap3A_2078 = arith.constant 39 : i32
      %swap3A_2079 = arith.index_cast %swap3A_2078 : i32 to index
      %swap3A_2080 = arith.constant 0 : index
      %swap3A_2081 = tpu.vector_load %arg13[%swap3A_2079, %swap3A_2080] {strides = array<i32>} : memref<80x64xf32, #tpu.memory_space<vmem>>, vector<1x16xf32>,
      %swap3A_2082 = vector.shape_cast %swap3A_2081 : vector<1x16xf32> to vector<16xf32>
      %swap3A_2083 = vector.shape_cast %mul3A_2077 : vector<16xf32> to vector<1x16xf32>
      tpu.vector_store %arg13[%swap3A_2079, %swap3A_2080], %swap3A_2083 {strides = array<i32>} : memref<80x64xf32, #tpu.memory_space<vmem>>, vector<1x16xf32>,
      %get3A_2084 = arith.constant 39 : i32
      %get3A_2085 = arith.index_cast %get3A_2084 : i32 to index
      %get3A_2086 = arith.constant 16 : index
      %get3A_2087 = tpu.vector_load %arg13[%get3A_2085, %get3A_2086] {strides = array<i32>} : memref<80x64xf32, #tpu.memory_space<vmem>>, vector<1x16xf32>,
      %get3A_2088 = vector.shape_cast %get3A_2087 : vector<1x16xf32> to vector<16xf32>
      %mul3A_2089 = arith.mulf %get3A_2088, %gather3A_2071 : vector<16xf32>
      %swap3A_2090 = arith.constant 39 : i32
      %swap3A_2091 = arith.index_cast %swap3A_2090 : i32 to index
      %swap3A_2092 = arith.constant 16 : index
      %swap3A_2093 = tpu.vector_load %arg13[%swap3A_2091, %swap3A_2092] {strides = array<i32>} : memref<80x64xf32, #tpu.memory_space<vmem>>, vector<1x16xf32>,
      %swap3A_2094 = vector.shape_cast %swap3A_2093 : vector<1x16xf32> to vector<16xf32>
      %swap3A_2095 = vector.shape_cast %mul3A_2089 : vector<16xf32> to vector<1x16xf32>
      tpu.vector_store %arg13[%swap3A_2091, %swap3A_2092], %swap3A_2095 {strides = array<i32>} : memref<80x64xf32, #tpu.memory_space<vmem>>, vector<1x16xf32>,
      %get3A_2096 = arith.constant 39 : i32
      %get3A_2097 = arith.index_cast %get3A_2096 : i32 to index
      %get3A_2098 = arith.constant 32 : index
      %get3A_2099 = tpu.vector_load %arg13[%get3A_2097, %get3A_2098] {strides = array<i32>} : memref<80x64xf32, #tpu.memory_space<vmem>>, vector<1x16xf32>,
      %get3A_2100 = vector.shape_cast %get3A_2099 : vector<1x16xf32> to vector<16xf32>
      %mul3A_2101 = arith.mulf %get3A_2100, %gather3A_2071 : vector<16xf32>
      %swap3A_2102 = arith.constant 39 : i32
      %swap3A_2103 = arith.index_cast %swap3A_2102 : i32 to index
      %swap3A_2104 = arith.constant 32 : index
      %swap3A_2105 = tpu.vector_load %arg13[%swap3A_2103, %swap3A_2104] {strides = array<i32>} : memref<80x64xf32, #tpu.memory_space<vmem>>, vector<1x16xf32>,
      %swap3A_2106 = vector.shape_cast %swap3A_2105 : vector<1x16xf32> to vector<16xf32>
      %swap3A_2107 = vector.shape_cast %mul3A_2101 : vector<16xf32> to vector<1x16xf32>
      tpu.vector_store %arg13[%swap3A_2103, %swap3A_2104], %swap3A_2107 {strides = array<i32>} : memref<80x64xf32, #tpu.memory_space<vmem>>, vector<1x16xf32>,
      %get3A_2108 = arith.constant 39 : i32
      %get3A_2109 = arith.index_cast %get3A_2108 : i32 to index
      %get3A_2110 = arith.constant 48 : index
      %get3A_2111 = tpu.vector_load %arg13[%get3A_2109, %get3A_2110] {strides = array<i32>} : memref<80x64xf32, #tpu.memory_space<vmem>>, vector<1x16xf32>,
      %get3A_2112 = vector.shape_cast %get3A_2111 : vector<1x16xf32> to vector<16xf32>
      %mul3A_2113 = arith.mulf %get3A_2112, %gather3A_2071 : vector<16xf32>
      %swap3A_2114 = arith.constant 39 : i32
      %swap3A_2115 = arith.index_cast %swap3A_2114 : i32 to index
      %swap3A_2116 = arith.constant 48 : index
      %swap3A_2117 = tpu.vector_load %arg13[%swap3A_2115, %swap3A_2116] {strides = array<i32>} : memref<80x64xf32, #tpu.memory_space<vmem>>, vector<1x16xf32>,
      %swap3A_2118 = vector.shape_cast %swap3A_2117 : vector<1x16xf32> to vector<16xf32>
      %swap3A_2119 = vector.shape_cast %mul3A_2113 : vector<16xf32> to vector<1x16xf32>
      tpu.vector_store %arg13[%swap3A_2115, %swap3A_2116], %swap3A_2119 {strides = array<i32>} : memref<80x64xf32, #tpu.memory_space<vmem>>, vector<1x16xf32>,
      %broadcast_in_dim3A_2120 = arith.constant 8 : i32
      %broadcast_in_dim3A_2121 = vector.broadcast %broadcast_in_dim3A_2120 : i32 to vector<16x1xi32>
      %gather3A_2122 = vector.shape_cast %broadcast_in_dim3A_2121 : vector<16x1xi32> to vector<16xi32>
      %gather3A_2123 = tpu.dynamic_gather %get3A_1703[%gather3A_2122] in [0] : vector<16xf32>, vector<16xi32> -> vector<16xf32>
      %get3A_2124 = arith.constant 40 : i32
      %get3A_2125 = arith.index_cast %get3A_2124 : i32 to index
      %get3A_2126 = arith.constant 0 : index
      %get3A_2127 = tpu.vector_load %arg13[%get3A_2125, %get3A_2126] {strides = array<i32>} : memref<80x64xf32, #tpu.memory_space<vmem>>, vector<1x16xf32>,
      %get3A_2128 = vector.shape_cast %get3A_2127 : vector<1x16xf32> to vector<16xf32>
      %mul3A_2129 = arith.mulf %get3A_2128, %gather3A_2123 : vector<16xf32>
      %swap3A_2130 = arith.constant 40 : i32
      %swap3A_2131 = arith.index_cast %swap3A_2130 : i32 to index
      %swap3A_2132 = arith.constant 0 : index
      %swap3A_2133 = tpu.vector_load %arg13[%swap3A_2131, %swap3A_2132] {strides = array<i32>} : memref<80x64xf32, #tpu.memory_space<vmem>>, vector<1x16xf32>,
      %swap3A_2134 = vector.shape_cast %swap3A_2133 : vector<1x16xf32> to vector<16xf32>
      %swap3A_2135 = vector.shape_cast %mul3A_2129 : vector<16xf32> to vector<1x16xf32>
      tpu.vector_store %arg13[%swap3A_2131, %swap3A_2132], %swap3A_2135 {strides = array<i32>} : memref<80x64xf32, #tpu.memory_space<vmem>>, vector<1x16xf32>,
      %get3A_2136 = arith.constant 40 : i32
      %get3A_2137 = arith.index_cast %get3A_2136 : i32 to index
      %get3A_2138 = arith.constant 16 : index
      %get3A_2139 = tpu.vector_load %arg13[%get3A_2137, %get3A_2138] {strides = array<i32>} : memref<80x64xf32, #tpu.memory_space<vmem>>, vector<1x16xf32>,
      %get3A_2140 = vector.shape_cast %get3A_2139 : vector<1x16xf32> to vector<16xf32>
      %mul3A_2141 = arith.mulf %get3A_2140, %gather3A_2123 : vector<16xf32>
      %swap3A_2142 = arith.constant 40 : i32
      %swap3A_2143 = arith.index_cast %swap3A_2142 : i32 to index
      %swap3A_2144 = arith.constant 16 : index
      %swap3A_2145 = tpu.vector_load %arg13[%swap3A_2143, %swap3A_2144] {strides = array<i32>} : memref<80x64xf32, #tpu.memory_space<vmem>>, vector<1x16xf32>,
      %swap3A_2146 = vector.shape_cast %swap3A_2145 : vector<1x16xf32> to vector<16xf32>
      %swap3A_2147 = vector.shape_cast %mul3A_2141 : vector<16xf32> to vector<1x16xf32>
      tpu.vector_store %arg13[%swap3A_2143, %swap3A_2144], %swap3A_2147 {strides = array<i32>} : memref<80x64xf32, #tpu.memory_space<vmem>>, vector<1x16xf32>,
      %get3A_2148 = arith.constant 40 : i32
      %get3A_2149 = arith.index_cast %get3A_2148 : i32 to index
      %get3A_2150 = arith.constant 32 : index
      %get3A_2151 = tpu.vector_load %arg13[%get3A_2149, %get3A_2150] {strides = array<i32>} : memref<80x64xf32, #tpu.memory_space<vmem>>, vector<1x16xf32>,
      %get3A_2152 = vector.shape_cast %get3A_2151 : vector<1x16xf32> to vector<16xf32>
      %mul3A_2153 = arith.mulf %get3A_2152, %gather3A_2123 : vector<16xf32>
      %swap3A_2154 = arith.constant 40 : i32
      %swap3A_2155 = arith.index_cast %swap3A_2154 : i32 to index
      %swap3A_2156 = arith.constant 32 : index
      %swap3A_2157 = tpu.vector_load %arg13[%swap3A_2155, %swap3A_2156] {strides = array<i32>} : memref<80x64xf32, #tpu.memory_space<vmem>>, vector<1x16xf32>,
      %swap3A_2158 = vector.shape_cast %swap3A_2157 : vector<1x16xf32> to vector<16xf32>
      %swap3A_2159 = vector.shape_cast %mul3A_2153 : vector<16xf32> to vector<1x16xf32>
      tpu.vector_store %arg13[%swap3A_2155, %swap3A_2156], %swap3A_2159 {strides = array<i32>} : memref<80x64xf32, #tpu.memory_space<vmem>>, vector<1x16xf32>,
      %get3A_2160 = arith.constant 40 : i32
      %get3A_2161 = arith.index_cast %get3A_2160 : i32 to index
      %get3A_2162 = arith.constant 48 : index
      %get3A_2163 = tpu.vector_load %arg13[%get3A_2161, %get3A_2162] {strides = array<i32>} : memref<80x64xf32, #tpu.memory_space<vmem>>, vector<1x16xf32>,
      %get3A_2164 = vector.shape_cast %get3A_2163 : vector<1x16xf32> to vector<16xf32>
      %mul3A_2165 = arith.mulf %get3A_2164, %gather3A_2123 : vector<16xf32>
      %swap3A_2166 = arith.constant 40 : i32
      %swap3A_2167 = arith.index_cast %swap3A_2166 : i32 to index
      %swap3A_2168 = arith.constant 48 : index
      %swap3A_2169 = tpu.vector_load %arg13[%swap3A_2167, %swap3A_2168] {strides = array<i32>} : memref<80x64xf32, #tpu.memory_space<vmem>>, vector<1x16xf32>,
      %swap3A_2170 = vector.shape_cast %swap3A_2169 : vector<1x16xf32> to vector<16xf32>
      %swap3A_2171 = vector.shape_cast %mul3A_2165 : vector<16xf32> to vector<1x16xf32>
      tpu.vector_store %arg13[%swap3A_2167, %swap3A_2168], %swap3A_2171 {strides = array<i32>} : memref<80x64xf32, #tpu.memory_space<vmem>>, vector<1x16xf32>,
      %broadcast_in_dim3A_2172 = arith.constant 9 : i32
      %broadcast_in_dim3A_2173 = vector.broadcast %broadcast_in_dim3A_2172 : i32 to vector<16x1xi32>
      %gather3A_2174 = vector.shape_cast %broadcast_in_dim3A_2173 : vector<16x1xi32> to vector<16xi32>
      %gather3A_2175 = tpu.dynamic_gather %get3A_1703[%gather3A_2174] in [0] : vector<16xf32>, vector<16xi32> -> vector<16xf32>
      %get3A_2176 = arith.constant 41 : i32
      %get3A_2177 = arith.index_cast %get3A_2176 : i32 to index
      %get3A_2178 = arith.constant 0 : index
      %get3A_2179 = tpu.vector_load %arg13[%get3A_2177, %get3A_2178] {strides = array<i32>} : memref<80x64xf32, #tpu.memory_space<vmem>>, vector<1x16xf32>,
      %get3A_2180 = vector.shape_cast %get3A_2179 : vector<1x16xf32> to vector<16xf32>
      %mul3A_2181 = arith.mulf %get3A_2180, %gather3A_2175 : vector<16xf32>
      %swap3A_2182 = arith.constant 41 : i32
      %swap3A_2183 = arith.index_cast %swap3A_2182 : i32 to index
      %swap3A_2184 = arith.constant 0 : index
      %swap3A_2185 = tpu.vector_load %arg13[%swap3A_2183, %swap3A_2184] {strides = array<i32>} : memref<80x64xf32, #tpu.memory_space<vmem>>, vector<1x16xf32>,
      %swap3A_2186 = vector.shape_cast %swap3A_2185 : vector<1x16xf32> to vector<16xf32>
      %swap3A_2187 = vector.shape_cast %mul3A_2181 : vector<16xf32> to vector<1x16xf32>
      tpu.vector_store %arg13[%swap3A_2183, %swap3A_2184], %swap3A_2187 {strides = array<i32>} : memref<80x64xf32, #tpu.memory_space<vmem>>, vector<1x16xf32>,
      %get3A_2188 = arith.constant 41 : i32
      %get3A_2189 = arith.index_cast %get3A_2188 : i32 to index
      %get3A_2190 = arith.constant 16 : index
      %get3A_2191 = tpu.vector_load %arg13[%get3A_2189, %get3A_2190] {strides = array<i32>} : memref<80x64xf32, #tpu.memory_space<vmem>>, vector<1x16xf32>,
      %get3A_2192 = vector.shape_cast %get3A_2191 : vector<1x16xf32> to vector<16xf32>
      %mul3A_2193 = arith.mulf %get3A_2192, %gather3A_2175 : vector<16xf32>
      %swap3A_2194 = arith.constant 41 : i32
      %swap3A_2195 = arith.index_cast %swap3A_2194 : i32 to index
      %swap3A_2196 = arith.constant 16 : index
      %swap3A_2197 = tpu.vector_load %arg13[%swap3A_2195, %swap3A_2196] {strides = array<i32>} : memref<80x64xf32, #tpu.memory_space<vmem>>, vector<1x16xf32>,
      %swap3A_2198 = vector.shape_cast %swap3A_2197 : vector<1x16xf32> to vector<16xf32>
      %swap3A_2199 = vector.shape_cast %mul3A_2193 : vector<16xf32> to vector<1x16xf32>
      tpu.vector_store %arg13[%swap3A_2195, %swap3A_2196], %swap3A_2199 {strides = array<i32>} : memref<80x64xf32, #tpu.memory_space<vmem>>, vector<1x16xf32>,
      %get3A_2200 = arith.constant 41 : i32
      %get3A_2201 = arith.index_cast %get3A_2200 : i32 to index
      %get3A_2202 = arith.constant 32 : index
      %get3A_2203 = tpu.vector_load %arg13[%get3A_2201, %get3A_2202] {strides = array<i32>} : memref<80x64xf32, #tpu.memory_space<vmem>>, vector<1x16xf32>,
      %get3A_2204 = vector.shape_cast %get3A_2203 : vector<1x16xf32> to vector<16xf32>
      %mul3A_2205 = arith.mulf %get3A_2204, %gather3A_2175 : vector<16xf32>
      %swap3A_2206 = arith.constant 41 : i32
      %swap3A_2207 = arith.index_cast %swap3A_2206 : i32 to index
      %swap3A_2208 = arith.constant 32 : index
      %swap3A_2209 = tpu.vector_load %arg13[%swap3A_2207, %swap3A_2208] {strides = array<i32>} : memref<80x64xf32, #tpu.memory_space<vmem>>, vector<1x16xf32>,
      %swap3A_2210 = vector.shape_cast %swap3A_2209 : vector<1x16xf32> to vector<16xf32>
      %swap3A_2211 = vector.shape_cast %mul3A_2205 : vector<16xf32> to vector<1x16xf32>
      tpu.vector_store %arg13[%swap3A_2207, %swap3A_2208], %swap3A_2211 {strides = array<i32>} : memref<80x64xf32, #tpu.memory_space<vmem>>, vector<1x16xf32>,
      %get3A_2212 = arith.constant 41 : i32
      %get3A_2213 = arith.index_cast %get3A_2212 : i32 to index
      %get3A_2214 = arith.constant 48 : index
      %get3A_2215 = tpu.vector_load %arg13[%get3A_2213, %get3A_2214] {strides = array<i32>} : memref<80x64xf32, #tpu.memory_space<vmem>>, vector<1x16xf32>,
      %get3A_2216 = vector.shape_cast %get3A_2215 : vector<1x16xf32> to vector<16xf32>
      %mul3A_2217 = arith.mulf %get3A_2216, %gather3A_2175 : vector<16xf32>
      %swap3A_2218 = arith.constant 41 : i32
      %swap3A_2219 = arith.index_cast %swap3A_2218 : i32 to index
      %swap3A_2220 = arith.constant 48 : index
      %swap3A_2221 = tpu.vector_load %arg13[%swap3A_2219, %swap3A_2220] {strides = array<i32>} : memref<80x64xf32, #tpu.memory_space<vmem>>, vector<1x16xf32>,
      %swap3A_2222 = vector.shape_cast %swap3A_2221 : vector<1x16xf32> to vector<16xf32>
      %swap3A_2223 = vector.shape_cast %mul3A_2217 : vector<16xf32> to vector<1x16xf32>
      tpu.vector_store %arg13[%swap3A_2219, %swap3A_2220], %swap3A_2223 {strides = array<i32>} : memref<80x64xf32, #tpu.memory_space<vmem>>, vector<1x16xf32>,
      %broadcast_in_dim3A_2224 = arith.constant 10 : i32
      %broadcast_in_dim3A_2225 = vector.broadcast %broadcast_in_dim3A_2224 : i32 to vector<16x1xi32>
      %gather3A_2226 = vector.shape_cast %broadcast_in_dim3A_2225 : vector<16x1xi32> to vector<16xi32>
      %gather3A_2227 = tpu.dynamic_gather %get3A_1703[%gather3A_2226] in [0] : vector<16xf32>, vector<16xi32> -> vector<16xf32>
      %get3A_2228 = arith.constant 42 : i32
      %get3A_2229 = arith.index_cast %get3A_2228 : i32 to index
      %get3A_2230 = arith.constant 0 : index
      %get3A_2231 = tpu.vector_load %arg13[%get3A_2229, %get3A_2230] {strides = array<i32>} : memref<80x64xf32, #tpu.memory_space<vmem>>, vector<1x16xf32>,
      %get3A_2232 = vector.shape_cast %get3A_2231 : vector<1x16xf32> to vector<16xf32>
      %mul3A_2233 = arith.mulf %get3A_2232, %gather3A_2227 : vector<16xf32>
      %swap3A_2234 = arith.constant 42 : i32
      %swap3A_2235 = arith.index_cast %swap3A_2234 : i32 to index
      %swap3A_2236 = arith.constant 0 : index
      %swap3A_2237 = tpu.vector_load %arg13[%swap3A_2235, %swap3A_2236] {strides = array<i32>} : memref<80x64xf32, #tpu.memory_space<vmem>>, vector<1x16xf32>,
      %swap3A_2238 = vector.shape_cast %swap3A_2237 : vector<1x16xf32> to vector<16xf32>
      %swap3A_2239 = vector.shape_cast %mul3A_2233 : vector<16xf32> to vector<1x16xf32>
      tpu.vector_store %arg13[%swap3A_2235, %swap3A_2236], %swap3A_2239 {strides = array<i32>} : memref<80x64xf32, #tpu.memory_space<vmem>>, vector<1x16xf32>,
      %get3A_2240 = arith.constant 42 : i32
      %get3A_2241 = arith.index_cast %get3A_2240 : i32 to index
      %get3A_2242 = arith.constant 16 : index
      %get3A_2243 = tpu.vector_load %arg13[%get3A_2241, %get3A_2242] {strides = array<i32>} : memref<80x64xf32, #tpu.memory_space<vmem>>, vector<1x16xf32>,
      %get3A_2244 = vector.shape_cast %get3A_2243 : vector<1x16xf32> to vector<16xf32>
      %mul3A_2245 = arith.mulf %get3A_2244, %gather3A_2227 : vector<16xf32>
      %swap3A_2246 = arith.constant 42 : i32
      %swap3A_2247 = arith.index_cast %swap3A_2246 : i32 to index
      %swap3A_2248 = arith.constant 16 : index
      %swap3A_2249 = tpu.vector_load %arg13[%swap3A_2247, %swap3A_2248] {strides = array<i32>} : memref<80x64xf32, #tpu.memory_space<vmem>>, vector<1x16xf32>,
      %swap3A_2250 = vector.shape_cast %swap3A_2249 : vector<1x16xf32> to vector<16xf32>
      %swap3A_2251 = vector.shape_cast %mul3A_2245 : vector<16xf32> to vector<1x16xf32>
      tpu.vector_store %arg13[%swap3A_2247, %swap3A_2248], %swap3A_2251 {strides = array<i32>} : memref<80x64xf32, #tpu.memory_space<vmem>>, vector<1x16xf32>,
      %get3A_2252 = arith.constant 42 : i32
      %get3A_2253 = arith.index_cast %get3A_2252 : i32 to index
      %get3A_2254 = arith.constant 32 : index
      %get3A_2255 = tpu.vector_load %arg13[%get3A_2253, %get3A_2254] {strides = array<i32>} : memref<80x64xf32, #tpu.memory_space<vmem>>, vector<1x16xf32>,
      %get3A_2256 = vector.shape_cast %get3A_2255 : vector<1x16xf32> to vector<16xf32>
      %mul3A_2257 = arith.mulf %get3A_2256, %gather3A_2227 : vector<16xf32>
      %swap3A_2258 = arith.constant 42 : i32
      %swap3A_2259 = arith.index_cast %swap3A_2258 : i32 to index
      %swap3A_2260 = arith.constant 32 : index
      %swap3A_2261 = tpu.vector_load %arg13[%swap3A_2259, %swap3A_2260] {strides = array<i32>} : memref<80x64xf32, #tpu.memory_space<vmem>>, vector<1x16xf32>,
      %swap3A_2262 = vector.shape_cast %swap3A_2261 : vector<1x16xf32> to vector<16xf32>
      %swap3A_2263 = vector.shape_cast %mul3A_2257 : vector<16xf32> to vector<1x16xf32>
      tpu.vector_store %arg13[%swap3A_2259, %swap3A_2260], %swap3A_2263 {strides = array<i32>} : memref<80x64xf32, #tpu.memory_space<vmem>>, vector<1x16xf32>,
      %get3A_2264 = arith.constant 42 : i32
      %get3A_2265 = arith.index_cast %get3A_2264 : i32 to index
      %get3A_2266 = arith.constant 48 : index
      %get3A_2267 = tpu.vector_load %arg13[%get3A_2265, %get3A_2266] {strides = array<i32>} : memref<80x64xf32, #tpu.memory_space<vmem>>, vector<1x16xf32>,
      %get3A_2268 = vector.shape_cast %get3A_2267 : vector<1x16xf32> to vector<16xf32>
      %mul3A_2269 = arith.mulf %get3A_2268, %gather3A_2227 : vector<16xf32>
      %swap3A_2270 = arith.constant 42 : i32
      %swap3A_2271 = arith.index_cast %swap3A_2270 : i32 to index
      %swap3A_2272 = arith.constant 48 : index
      %swap3A_2273 = tpu.vector_load %arg13[%swap3A_2271, %swap3A_2272] {strides = array<i32>} : memref<80x64xf32, #tpu.memory_space<vmem>>, vector<1x16xf32>,
      %swap3A_2274 = vector.shape_cast %swap3A_2273 : vector<1x16xf32> to vector<16xf32>
      %swap3A_2275 = vector.shape_cast %mul3A_2269 : vector<16xf32> to vector<1x16xf32>
      tpu.vector_store %arg13[%swap3A_2271, %swap3A_2272], %swap3A_2275 {strides = array<i32>} : memref<80x64xf32, #tpu.memory_space<vmem>>, vector<1x16xf32>,
      %broadcast_in_dim3A_2276 = arith.constant 11 : i32
      %broadcast_in_dim3A_2277 = vector.broadcast %broadcast_in_dim3A_2276 : i32 to vector<16x1xi32>
      %gather3A_2278 = vector.shape_cast %broadcast_in_dim3A_2277 : vector<16x1xi32> to vector<16xi32>
      %gather3A_2279 = tpu.dynamic_gather %get3A_1703[%gather3A_2278] in [0] : vector<16xf32>, vector<16xi32> -> vector<16xf32>
      %get3A_2280 = arith.constant 43 : i32
      %get3A_2281 = arith.index_cast %get3A_2280 : i32 to index
      %get3A_2282 = arith.constant 0 : index
      %get3A_2283 = tpu.vector_load %arg13[%get3A_2281, %get3A_2282] {strides = array<i32>} : memref<80x64xf32, #tpu.memory_space<vmem>>, vector<1x16xf32>,
      %get3A_2284 = vector.shape_cast %get3A_2283 : vector<1x16xf32> to vector<16xf32>
      %mul3A_2285 = arith.mulf %get3A_2284, %gather3A_2279 : vector<16xf32>
      %swap3A_2286 = arith.constant 43 : i32
      %swap3A_2287 = arith.index_cast %swap3A_2286 : i32 to index
      %swap3A_2288 = arith.constant 0 : index
      %swap3A_2289 = tpu.vector_load %arg13[%swap3A_2287, %swap3A_2288] {strides = array<i32>} : memref<80x64xf32, #tpu.memory_space<vmem>>, vector<1x16xf32>,
      %swap3A_2290 = vector.shape_cast %swap3A_2289 : vector<1x16xf32> to vector<16xf32>
      %swap3A_2291 = vector.shape_cast %mul3A_2285 : vector<16xf32> to vector<1x16xf32>
      tpu.vector_store %arg13[%swap3A_2287, %swap3A_2288], %swap3A_2291 {strides = array<i32>} : memref<80x64xf32, #tpu.memory_space<vmem>>, vector<1x16xf32>,
      %get3A_2292 = arith.constant 43 : i32
      %get3A_2293 = arith.index_cast %get3A_2292 : i32 to index
      %get3A_2294 = arith.constant 16 : index
      %get3A_2295 = tpu.vector_load %arg13[%get3A_2293, %get3A_2294] {strides = array<i32>} : memref<80x64xf32, #tpu.memory_space<vmem>>, vector<1x16xf32>,
      %get3A_2296 = vector.shape_cast %get3A_2295 : vector<1x16xf32> to vector<16xf32>
      %mul3A_2297 = arith.mulf %get3A_2296, %gather3A_2279 : vector<16xf32>
      %swap3A_2298 = arith.constant 43 : i32
      %swap3A_2299 = arith.index_cast %swap3A_2298 : i32 to index
      %swap3A_2300 = arith.constant 16 : index
      %swap3A_2301 = tpu.vector_load %arg13[%swap3A_2299, %swap3A_2300] {strides = array<i32>} : memref<80x64xf32, #tpu.memory_space<vmem>>, vector<1x16xf32>,
      %swap3A_2302 = vector.shape_cast %swap3A_2301 : vector<1x16xf32> to vector<16xf32>
      %swap3A_2303 = vector.shape_cast %mul3A_2297 : vector<16xf32> to vector<1x16xf32>
      tpu.vector_store %arg13[%swap3A_2299, %swap3A_2300], %swap3A_2303 {strides = array<i32>} : memref<80x64xf32, #tpu.memory_space<vmem>>, vector<1x16xf32>,
      %get3A_2304 = arith.constant 43 : i32
      %get3A_2305 = arith.index_cast %get3A_2304 : i32 to index
      %get3A_2306 = arith.constant 32 : index
      %get3A_2307 = tpu.vector_load %arg13[%get3A_2305, %get3A_2306] {strides = array<i32>} : memref<80x64xf32, #tpu.memory_space<vmem>>, vector<1x16xf32>,
      %get3A_2308 = vector.shape_cast %get3A_2307 : vector<1x16xf32> to vector<16xf32>
      %mul3A_2309 = arith.mulf %get3A_2308, %gather3A_2279 : vector<16xf32>
      %swap3A_2310 = arith.constant 43 : i32
      %swap3A_2311 = arith.index_cast %swap3A_2310 : i32 to index
      %swap3A_2312 = arith.constant 32 : index
      %swap3A_2313 = tpu.vector_load %arg13[%swap3A_2311, %swap3A_2312] {strides = array<i32>} : memref<80x64xf32, #tpu.memory_space<vmem>>, vector<1x16xf32>,
      %swap3A_2314 = vector.shape_cast %swap3A_2313 : vector<1x16xf32> to vector<16xf32>
      %swap3A_2315 = vector.shape_cast %mul3A_2309 : vector<16xf32> to vector<1x16xf32>
      tpu.vector_store %arg13[%swap3A_2311, %swap3A_2312], %swap3A_2315 {strides = array<i32>} : memref<80x64xf32, #tpu.memory_space<vmem>>, vector<1x16xf32>,
      %get3A_2316 = arith.constant 43 : i32
      %get3A_2317 = arith.index_cast %get3A_2316 : i32 to index
      %get3A_2318 = arith.constant 48 : index
      %get3A_2319 = tpu.vector_load %arg13[%get3A_2317, %get3A_2318] {strides = array<i32>} : memref<80x64xf32, #tpu.memory_space<vmem>>, vector<1x16xf32>,
      %get3A_2320 = vector.shape_cast %get3A_2319 : vector<1x16xf32> to vector<16xf32>
      %mul3A_2321 = arith.mulf %get3A_2320, %gather3A_2279 : vector<16xf32>
      %swap3A_2322 = arith.constant 43 : i32
      %swap3A_2323 = arith.index_cast %swap3A_2322 : i32 to index
      %swap3A_2324 = arith.constant 48 : index
      %swap3A_2325 = tpu.vector_load %arg13[%swap3A_2323, %swap3A_2324] {strides = array<i32>} : memref<80x64xf32, #tpu.memory_space<vmem>>, vector<1x16xf32>,
      %swap3A_2326 = vector.shape_cast %swap3A_2325 : vector<1x16xf32> to vector<16xf32>
      %swap3A_2327 = vector.shape_cast %mul3A_2321 : vector<16xf32> to vector<1x16xf32>
      tpu.vector_store %arg13[%swap3A_2323, %swap3A_2324], %swap3A_2327 {strides = array<i32>} : memref<80x64xf32, #tpu.memory_space<vmem>>, vector<1x16xf32>,
      %broadcast_in_dim3A_2328 = arith.constant 12 : i32
      %broadcast_in_dim3A_2329 = vector.broadcast %broadcast_in_dim3A_2328 : i32 to vector<16x1xi32>
      %gather3A_2330 = vector.shape_cast %broadcast_in_dim3A_2329 : vector<16x1xi32> to vector<16xi32>
      %gather3A_2331 = tpu.dynamic_gather %get3A_1703[%gather3A_2330] in [0] : vector<16xf32>, vector<16xi32> -> vector<16xf32>
      %get3A_2332 = arith.constant 44 : i32
      %get3A_2333 = arith.index_cast %get3A_2332 : i32 to index
      %get3A_2334 = arith.constant 0 : index
      %get3A_2335 = tpu.vector_load %arg13[%get3A_2333, %get3A_2334] {strides = array<i32>} : memref<80x64xf32, #tpu.memory_space<vmem>>, vector<1x16xf32>,
      %get3A_2336 = vector.shape_cast %get3A_2335 : vector<1x16xf32> to vector<16xf32>
      %mul3A_2337 = arith.mulf %get3A_2336, %gather3A_2331 : vector<16xf32>
      %swap3A_2338 = arith.constant 44 : i32
      %swap3A_2339 = arith.index_cast %swap3A_2338 : i32 to index
      %swap3A_2340 = arith.constant 0 : index
      %swap3A_2341 = tpu.vector_load %arg13[%swap3A_2339, %swap3A_2340] {strides = array<i32>} : memref<80x64xf32, #tpu.memory_space<vmem>>, vector<1x16xf32>,
      %swap3A_2342 = vector.shape_cast %swap3A_2341 : vector<1x16xf32> to vector<16xf32>
      %swap3A_2343 = vector.shape_cast %mul3A_2337 : vector<16xf32> to vector<1x16xf32>
      tpu.vector_store %arg13[%swap3A_2339, %swap3A_2340], %swap3A_2343 {strides = array<i32>} : memref<80x64xf32, #tpu.memory_space<vmem>>, vector<1x16xf32>,
      %get3A_2344 = arith.constant 44 : i32
      %get3A_2345 = arith.index_cast %get3A_2344 : i32 to index
      %get3A_2346 = arith.constant 16 : index
      %get3A_2347 = tpu.vector_load %arg13[%get3A_2345, %get3A_2346] {strides = array<i32>} : memref<80x64xf32, #tpu.memory_space<vmem>>, vector<1x16xf32>,
      %get3A_2348 = vector.shape_cast %get3A_2347 : vector<1x16xf32> to vector<16xf32>
      %mul3A_2349 = arith.mulf %get3A_2348, %gather3A_2331 : vector<16xf32>
      %swap3A_2350 = arith.constant 44 : i32
      %swap3A_2351 = arith.index_cast %swap3A_2350 : i32 to index
      %swap3A_2352 = arith.constant 16 : index
      %swap3A_2353 = tpu.vector_load %arg13[%swap3A_2351, %swap3A_2352] {strides = array<i32>} : memref<80x64xf32, #tpu.memory_space<vmem>>, vector<1x16xf32>,
      %swap3A_2354 = vector.shape_cast %swap3A_2353 : vector<1x16xf32> to vector<16xf32>
      %swap3A_2355 = vector.shape_cast %mul3A_2349 : vector<16xf32> to vector<1x16xf32>
      tpu.vector_store %arg13[%swap3A_2351, %swap3A_2352], %swap3A_2355 {strides = array<i32>} : memref<80x64xf32, #tpu.memory_space<vmem>>, vector<1x16xf32>,
      %get3A_2356 = arith.constant 44 : i32
      %get3A_2357 = arith.index_cast %get3A_2356 : i32 to index
      %get3A_2358 = arith.constant 32 : index
      %get3A_2359 = tpu.vector_load %arg13[%get3A_2357, %get3A_2358] {strides = array<i32>} : memref<80x64xf32, #tpu.memory_space<vmem>>, vector<1x16xf32>,
      %get3A_2360 = vector.shape_cast %get3A_2359 : vector<1x16xf32> to vector<16xf32>
      %mul3A_2361 = arith.mulf %get3A_2360, %gather3A_2331 : vector<16xf32>
      %swap3A_2362 = arith.constant 44 : i32
      %swap3A_2363 = arith.index_cast %swap3A_2362 : i32 to index
      %swap3A_2364 = arith.constant 32 : index
      %swap3A_2365 = tpu.vector_load %arg13[%swap3A_2363, %swap3A_2364] {strides = array<i32>} : memref<80x64xf32, #tpu.memory_space<vmem>>, vector<1x16xf32>,
      %swap3A_2366 = vector.shape_cast %swap3A_2365 : vector<1x16xf32> to vector<16xf32>
      %swap3A_2367 = vector.shape_cast %mul3A_2361 : vector<16xf32> to vector<1x16xf32>
      tpu.vector_store %arg13[%swap3A_2363, %swap3A_2364], %swap3A_2367 {strides = array<i32>} : memref<80x64xf32, #tpu.memory_space<vmem>>, vector<1x16xf32>,
      %get3A_2368 = arith.constant 44 : i32
      %get3A_2369 = arith.index_cast %get3A_2368 : i32 to index
      %get3A_2370 = arith.constant 48 : index
      %get3A_2371 = tpu.vector_load %arg13[%get3A_2369, %get3A_2370] {strides = array<i32>} : memref<80x64xf32, #tpu.memory_space<vmem>>, vector<1x16xf32>,
      %get3A_2372 = vector.shape_cast %get3A_2371 : vector<1x16xf32> to vector<16xf32>
      %mul3A_2373 = arith.mulf %get3A_2372, %gather3A_2331 : vector<16xf32>
      %swap3A_2374 = arith.constant 44 : i32
      %swap3A_2375 = arith.index_cast %swap3A_2374 : i32 to index
      %swap3A_2376 = arith.constant 48 : index
      %swap3A_2377 = tpu.vector_load %arg13[%swap3A_2375, %swap3A_2376] {strides = array<i32>} : memref<80x64xf32, #tpu.memory_space<vmem>>, vector<1x16xf32>,
      %swap3A_2378 = vector.shape_cast %swap3A_2377 : vector<1x16xf32> to vector<16xf32>
      %swap3A_2379 = vector.shape_cast %mul3A_2373 : vector<16xf32> to vector<1x16xf32>
      tpu.vector_store %arg13[%swap3A_2375, %swap3A_2376], %swap3A_2379 {strides = array<i32>} : memref<80x64xf32, #tpu.memory_space<vmem>>, vector<1x16xf32>,
      %broadcast_in_dim3A_2380 = arith.constant 13 : i32
      %broadcast_in_dim3A_2381 = vector.broadcast %broadcast_in_dim3A_2380 : i32 to vector<16x1xi32>
      %gather3A_2382 = vector.shape_cast %broadcast_in_dim3A_2381 : vector<16x1xi32> to vector<16xi32>
      %gather3A_2383 = tpu.dynamic_gather %get3A_1703[%gather3A_2382] in [0] : vector<16xf32>, vector<16xi32> -> vector<16xf32>
      %get3A_2384 = arith.constant 45 : i32
      %get3A_2385 = arith.index_cast %get3A_2384 : i32 to index
      %get3A_2386 = arith.constant 0 : index
      %get3A_2387 = tpu.vector_load %arg13[%get3A_2385, %get3A_2386] {strides = array<i32>} : memref<80x64xf32, #tpu.memory_space<vmem>>, vector<1x16xf32>,
      %get3A_2388 = vector.shape_cast %get3A_2387 : vector<1x16xf32> to vector<16xf32>
      %mul3A_2389 = arith.mulf %get3A_2388, %gather3A_2383 : vector<16xf32>
      %swap3A_2390 = arith.constant 45 : i32
      %swap3A_2391 = arith.index_cast %swap3A_2390 : i32 to index
      %swap3A_2392 = arith.constant 0 : index
      %swap3A_2393 = tpu.vector_load %arg13[%swap3A_2391, %swap3A_2392] {strides = array<i32>} : memref<80x64xf32, #tpu.memory_space<vmem>>, vector<1x16xf32>,
      %swap3A_2394 = vector.shape_cast %swap3A_2393 : vector<1x16xf32> to vector<16xf32>
      %swap3A_2395 = vector.shape_cast %mul3A_2389 : vector<16xf32> to vector<1x16xf32>
      tpu.vector_store %arg13[%swap3A_2391, %swap3A_2392], %swap3A_2395 {strides = array<i32>} : memref<80x64xf32, #tpu.memory_space<vmem>>, vector<1x16xf32>,
      %get3A_2396 = arith.constant 45 : i32
      %get3A_2397 = arith.index_cast %get3A_2396 : i32 to index
      %get3A_2398 = arith.constant 16 : index
      %get3A_2399 = tpu.vector_load %arg13[%get3A_2397, %get3A_2398] {strides = array<i32>} : memref<80x64xf32, #tpu.memory_space<vmem>>, vector<1x16xf32>,
      %get3A_2400 = vector.shape_cast %get3A_2399 : vector<1x16xf32> to vector<16xf32>
      %mul3A_2401 = arith.mulf %get3A_2400, %gather3A_2383 : vector<16xf32>
      %swap3A_2402 = arith.constant 45 : i32
      %swap3A_2403 = arith.index_cast %swap3A_2402 : i32 to index
      %swap3A_2404 = arith.constant 16 : index
      %swap3A_2405 = tpu.vector_load %arg13[%swap3A_2403, %swap3A_2404] {strides = array<i32>} : memref<80x64xf32, #tpu.memory_space<vmem>>, vector<1x16xf32>,
      %swap3A_2406 = vector.shape_cast %swap3A_2405 : vector<1x16xf32> to vector<16xf32>
      %swap3A_2407 = vector.shape_cast %mul3A_2401 : vector<16xf32> to vector<1x16xf32>
      tpu.vector_store %arg13[%swap3A_2403, %swap3A_2404], %swap3A_2407 {strides = array<i32>} : memref<80x64xf32, #tpu.memory_space<vmem>>, vector<1x16xf32>,
      %get3A_2408 = arith.constant 45 : i32
      %get3A_2409 = arith.index_cast %get3A_2408 : i32 to index
      %get3A_2410 = arith.constant 32 : index
      %get3A_2411 = tpu.vector_load %arg13[%get3A_2409, %get3A_2410] {strides = array<i32>} : memref<80x64xf32, #tpu.memory_space<vmem>>, vector<1x16xf32>,
      %get3A_2412 = vector.shape_cast %get3A_2411 : vector<1x16xf32> to vector<16xf32>
      %mul3A_2413 = arith.mulf %get3A_2412, %gather3A_2383 : vector<16xf32>
      %swap3A_2414 = arith.constant 45 : i32
      %swap3A_2415 = arith.index_cast %swap3A_2414 : i32 to index
      %swap3A_2416 = arith.constant 32 : index
      %swap3A_2417 = tpu.vector_load %arg13[%swap3A_2415, %swap3A_2416] {strides = array<i32>} : memref<80x64xf32, #tpu.memory_space<vmem>>, vector<1x16xf32>,
      %swap3A_2418 = vector.shape_cast %swap3A_2417 : vector<1x16xf32> to vector<16xf32>
      %swap3A_2419 = vector.shape_cast %mul3A_2413 : vector<16xf32> to vector<1x16xf32>
      tpu.vector_store %arg13[%swap3A_2415, %swap3A_2416], %swap3A_2419 {strides = array<i32>} : memref<80x64xf32, #tpu.memory_space<vmem>>, vector<1x16xf32>,
      %get3A_2420 = arith.constant 45 : i32
      %get3A_2421 = arith.index_cast %get3A_2420 : i32 to index
      %get3A_2422 = arith.constant 48 : index
      %get3A_2423 = tpu.vector_load %arg13[%get3A_2421, %get3A_2422] {strides = array<i32>} : memref<80x64xf32, #tpu.memory_space<vmem>>, vector<1x16xf32>,
      %get3A_2424 = vector.shape_cast %get3A_2423 : vector<1x16xf32> to vector<16xf32>
      %mul3A_2425 = arith.mulf %get3A_2424, %gather3A_2383 : vector<16xf32>
      %swap3A_2426 = arith.constant 45 : i32
      %swap3A_2427 = arith.index_cast %swap3A_2426 : i32 to index
      %swap3A_2428 = arith.constant 48 : index
      %swap3A_2429 = tpu.vector_load %arg13[%swap3A_2427, %swap3A_2428] {strides = array<i32>} : memref<80x64xf32, #tpu.memory_space<vmem>>, vector<1x16xf32>,
      %swap3A_2430 = vector.shape_cast %swap3A_2429 : vector<1x16xf32> to vector<16xf32>
      %swap3A_2431 = vector.shape_cast %mul3A_2425 : vector<16xf32> to vector<1x16xf32>
      tpu.vector_store %arg13[%swap3A_2427, %swap3A_2428], %swap3A_2431 {strides = array<i32>} : memref<80x64xf32, #tpu.memory_space<vmem>>, vector<1x16xf32>,
      %broadcast_in_dim3A_2432 = arith.constant 14 : i32
      %broadcast_in_dim3A_2433 = vector.broadcast %broadcast_in_dim3A_2432 : i32 to vector<16x1xi32>
      %gather3A_2434 = vector.shape_cast %broadcast_in_dim3A_2433 : vector<16x1xi32> to vector<16xi32>
      %gather3A_2435 = tpu.dynamic_gather %get3A_1703[%gather3A_2434] in [0] : vector<16xf32>, vector<16xi32> -> vector<16xf32>
      %get3A_2436 = arith.constant 46 : i32
      %get3A_2437 = arith.index_cast %get3A_2436 : i32 to index
      %get3A_2438 = arith.constant 0 : index
      %get3A_2439 = tpu.vector_load %arg13[%get3A_2437, %get3A_2438] {strides = array<i32>} : memref<80x64xf32, #tpu.memory_space<vmem>>, vector<1x16xf32>,
      %get3A_2440 = vector.shape_cast %get3A_2439 : vector<1x16xf32> to vector<16xf32>
      %mul3A_2441 = arith.mulf %get3A_2440, %gather3A_2435 : vector<16xf32>
      %swap3A_2442 = arith.constant 46 : i32
      %swap3A_2443 = arith.index_cast %swap3A_2442 : i32 to index
      %swap3A_2444 = arith.constant 0 : index
      %swap3A_2445 = tpu.vector_load %arg13[%swap3A_2443, %swap3A_2444] {strides = array<i32>} : memref<80x64xf32, #tpu.memory_space<vmem>>, vector<1x16xf32>,
      %swap3A_2446 = vector.shape_cast %swap3A_2445 : vector<1x16xf32> to vector<16xf32>
      %swap3A_2447 = vector.shape_cast %mul3A_2441 : vector<16xf32> to vector<1x16xf32>
      tpu.vector_store %arg13[%swap3A_2443, %swap3A_2444], %swap3A_2447 {strides = array<i32>} : memref<80x64xf32, #tpu.memory_space<vmem>>, vector<1x16xf32>,
      %get3A_2448 = arith.constant 46 : i32
      %get3A_2449 = arith.index_cast %get3A_2448 : i32 to index
      %get3A_2450 = arith.constant 16 : index
      %get3A_2451 = tpu.vector_load %arg13[%get3A_2449, %get3A_2450] {strides = array<i32>} : memref<80x64xf32, #tpu.memory_space<vmem>>, vector<1x16xf32>,
      %get3A_2452 = vector.shape_cast %get3A_2451 : vector<1x16xf32> to vector<16xf32>
      %mul3A_2453 = arith.mulf %get3A_2452, %gather3A_2435 : vector<16xf32>
      %swap3A_2454 = arith.constant 46 : i32
      %swap3A_2455 = arith.index_cast %swap3A_2454 : i32 to index
      %swap3A_2456 = arith.constant 16 : index
      %swap3A_2457 = tpu.vector_load %arg13[%swap3A_2455, %swap3A_2456] {strides = array<i32>} : memref<80x64xf32, #tpu.memory_space<vmem>>, vector<1x16xf32>,
      %swap3A_2458 = vector.shape_cast %swap3A_2457 : vector<1x16xf32> to vector<16xf32>
      %swap3A_2459 = vector.shape_cast %mul3A_2453 : vector<16xf32> to vector<1x16xf32>
      tpu.vector_store %arg13[%swap3A_2455, %swap3A_2456], %swap3A_2459 {strides = array<i32>} : memref<80x64xf32, #tpu.memory_space<vmem>>, vector<1x16xf32>,
      %get3A_2460 = arith.constant 46 : i32
      %get3A_2461 = arith.index_cast %get3A_2460 : i32 to index
      %get3A_2462 = arith.constant 32 : index
      %get3A_2463 = tpu.vector_load %arg13[%get3A_2461, %get3A_2462] {strides = array<i32>} : memref<80x64xf32, #tpu.memory_space<vmem>>, vector<1x16xf32>,
      %get3A_2464 = vector.shape_cast %get3A_2463 : vector<1x16xf32> to vector<16xf32>
      %mul3A_2465 = arith.mulf %get3A_2464, %gather3A_2435 : vector<16xf32>
      %swap3A_2466 = arith.constant 46 : i32
      %swap3A_2467 = arith.index_cast %swap3A_2466 : i32 to index
      %swap3A_2468 = arith.constant 32 : index
      %swap3A_2469 = tpu.vector_load %arg13[%swap3A_2467, %swap3A_2468] {strides = array<i32>} : memref<80x64xf32, #tpu.memory_space<vmem>>, vector<1x16xf32>,
      %swap3A_2470 = vector.shape_cast %swap3A_2469 : vector<1x16xf32> to vector<16xf32>
      %swap3A_2471 = vector.shape_cast %mul3A_2465 : vector<16xf32> to vector<1x16xf32>
      tpu.vector_store %arg13[%swap3A_2467, %swap3A_2468], %swap3A_2471 {strides = array<i32>} : memref<80x64xf32, #tpu.memory_space<vmem>>, vector<1x16xf32>,
      %get3A_2472 = arith.constant 46 : i32
      %get3A_2473 = arith.index_cast %get3A_2472 : i32 to index
      %get3A_2474 = arith.constant 48 : index
      %get3A_2475 = tpu.vector_load %arg13[%get3A_2473, %get3A_2474] {strides = array<i32>} : memref<80x64xf32, #tpu.memory_space<vmem>>, vector<1x16xf32>,
      %get3A_2476 = vector.shape_cast %get3A_2475 : vector<1x16xf32> to vector<16xf32>
      %mul3A_2477 = arith.mulf %get3A_2476, %gather3A_2435 : vector<16xf32>
      %swap3A_2478 = arith.constant 46 : i32
      %swap3A_2479 = arith.index_cast %swap3A_2478 : i32 to index
      %swap3A_2480 = arith.constant 48 : index
      %swap3A_2481 = tpu.vector_load %arg13[%swap3A_2479, %swap3A_2480] {strides = array<i32>} : memref<80x64xf32, #tpu.memory_space<vmem>>, vector<1x16xf32>,
      %swap3A_2482 = vector.shape_cast %swap3A_2481 : vector<1x16xf32> to vector<16xf32>
      %swap3A_2483 = vector.shape_cast %mul3A_2477 : vector<16xf32> to vector<1x16xf32>
      tpu.vector_store %arg13[%swap3A_2479, %swap3A_2480], %swap3A_2483 {strides = array<i32>} : memref<80x64xf32, #tpu.memory_space<vmem>>, vector<1x16xf32>,
      %broadcast_in_dim3A_2484 = arith.constant 15 : i32
      %broadcast_in_dim3A_2485 = vector.broadcast %broadcast_in_dim3A_2484 : i32 to vector<16x1xi32>
      %gather3A_2486 = vector.shape_cast %broadcast_in_dim3A_2485 : vector<16x1xi32> to vector<16xi32>
      %gather3A_2487 = tpu.dynamic_gather %get3A_1703[%gather3A_2486] in [0] : vector<16xf32>, vector<16xi32> -> vector<16xf32>
      %get3A_2488 = arith.constant 47 : i32
      %get3A_2489 = arith.index_cast %get3A_2488 : i32 to index
      %get3A_2490 = arith.constant 0 : index
      %get3A_2491 = tpu.vector_load %arg13[%get3A_2489, %get3A_2490] {strides = array<i32>} : memref<80x64xf32, #tpu.memory_space<vmem>>, vector<1x16xf32>,
      %get3A_2492 = vector.shape_cast %get3A_2491 : vector<1x16xf32> to vector<16xf32>
      %mul3A_2493 = arith.mulf %get3A_2492, %gather3A_2487 : vector<16xf32>
      %swap3A_2494 = arith.constant 47 : i32
      %swap3A_2495 = arith.index_cast %swap3A_2494 : i32 to index
      %swap3A_2496 = arith.constant 0 : index
      %swap3A_2497 = tpu.vector_load %arg13[%swap3A_2495, %swap3A_2496] {strides = array<i32>} : memref<80x64xf32, #tpu.memory_space<vmem>>, vector<1x16xf32>,
      %swap3A_2498 = vector.shape_cast %swap3A_2497 : vector<1x16xf32> to vector<16xf32>
      %swap3A_2499 = vector.shape_cast %mul3A_2493 : vector<16xf32> to vector<1x16xf32>
      tpu.vector_store %arg13[%swap3A_2495, %swap3A_2496], %swap3A_2499 {strides = array<i32>} : memref<80x64xf32, #tpu.memory_space<vmem>>, vector<1x16xf32>,
      %get3A_2500 = arith.constant 47 : i32
      %get3A_2501 = arith.index_cast %get3A_2500 : i32 to index
      %get3A_2502 = arith.constant 16 : index
      %get3A_2503 = tpu.vector_load %arg13[%get3A_2501, %get3A_2502] {strides = array<i32>} : memref<80x64xf32, #tpu.memory_space<vmem>>, vector<1x16xf32>,
      %get3A_2504 = vector.shape_cast %get3A_2503 : vector<1x16xf32> to vector<16xf32>
      %mul3A_2505 = arith.mulf %get3A_2504, %gather3A_2487 : vector<16xf32>
      %swap3A_2506 = arith.constant 47 : i32
      %swap3A_2507 = arith.index_cast %swap3A_2506 : i32 to index
      %swap3A_2508 = arith.constant 16 : index
      %swap3A_2509 = tpu.vector_load %arg13[%swap3A_2507, %swap3A_2508] {strides = array<i32>} : memref<80x64xf32, #tpu.memory_space<vmem>>, vector<1x16xf32>,
      %swap3A_2510 = vector.shape_cast %swap3A_2509 : vector<1x16xf32> to vector<16xf32>
      %swap3A_2511 = vector.shape_cast %mul3A_2505 : vector<16xf32> to vector<1x16xf32>
      tpu.vector_store %arg13[%swap3A_2507, %swap3A_2508], %swap3A_2511 {strides = array<i32>} : memref<80x64xf32, #tpu.memory_space<vmem>>, vector<1x16xf32>,
      %get3A_2512 = arith.constant 47 : i32
      %get3A_2513 = arith.index_cast %get3A_2512 : i32 to index
      %get3A_2514 = arith.constant 32 : index
      %get3A_2515 = tpu.vector_load %arg13[%get3A_2513, %get3A_2514] {strides = array<i32>} : memref<80x64xf32, #tpu.memory_space<vmem>>, vector<1x16xf32>,
      %get3A_2516 = vector.shape_cast %get3A_2515 : vector<1x16xf32> to vector<16xf32>
      %mul3A_2517 = arith.mulf %get3A_2516, %gather3A_2487 : vector<16xf32>
      %swap3A_2518 = arith.constant 47 : i32
      %swap3A_2519 = arith.index_cast %swap3A_2518 : i32 to index
      %swap3A_2520 = arith.constant 32 : index
      %swap3A_2521 = tpu.vector_load %arg13[%swap3A_2519, %swap3A_2520] {strides = array<i32>} : memref<80x64xf32, #tpu.memory_space<vmem>>, vector<1x16xf32>,
      %swap3A_2522 = vector.shape_cast %swap3A_2521 : vector<1x16xf32> to vector<16xf32>
      %swap3A_2523 = vector.shape_cast %mul3A_2517 : vector<16xf32> to vector<1x16xf32>
      tpu.vector_store %arg13[%swap3A_2519, %swap3A_2520], %swap3A_2523 {strides = array<i32>} : memref<80x64xf32, #tpu.memory_space<vmem>>, vector<1x16xf32>,
      %get3A_2524 = arith.constant 47 : i32
      %get3A_2525 = arith.index_cast %get3A_2524 : i32 to index
      %get3A_2526 = arith.constant 48 : index
      %get3A_2527 = tpu.vector_load %arg13[%get3A_2525, %get3A_2526] {strides = array<i32>} : memref<80x64xf32, #tpu.memory_space<vmem>>, vector<1x16xf32>,
      %get3A_2528 = vector.shape_cast %get3A_2527 : vector<1x16xf32> to vector<16xf32>
      %mul3A_2529 = arith.mulf %get3A_2528, %gather3A_2487 : vector<16xf32>
      %swap3A_2530 = arith.constant 47 : i32
      %swap3A_2531 = arith.index_cast %swap3A_2530 : i32 to index
      %swap3A_2532 = arith.constant 48 : index
      %swap3A_2533 = tpu.vector_load %arg13[%swap3A_2531, %swap3A_2532] {strides = array<i32>} : memref<80x64xf32, #tpu.memory_space<vmem>>, vector<1x16xf32>,
      %swap3A_2534 = vector.shape_cast %swap3A_2533 : vector<1x16xf32> to vector<16xf32>
      %swap3A_2535 = vector.shape_cast %mul3A_2529 : vector<16xf32> to vector<1x16xf32>
      tpu.vector_store %arg13[%swap3A_2531, %swap3A_2532], %swap3A_2535 {strides = array<i32>} : memref<80x64xf32, #tpu.memory_space<vmem>>, vector<1x16xf32>,
      %add3A_2536 = arith.constant 48 : i32
      %add3A_2537 = arith.addi %mul3A_28, %add3A_2536 : i32
      %get3A_2538 = arith.index_cast %add3A_2537 : i32 to index
      %get3A_2539 = tpu.vector_load %arg12[%get3A_2538] {strides = array<i32>} : memref<20000xf32, #tpu.memory_space<vmem>>, vector<16xf32>,
      %get3A_2540 = vector.shape_cast %get3A_2539 : vector<16xf32> to vector<16xf32>
      %broadcast_in_dim3A_2541 = arith.constant 0 : i32
      %broadcast_in_dim3A_2542 = vector.broadcast %broadcast_in_dim3A_2541 : i32 to vector<16x1xi32>
      %gather3A_2543 = vector.shape_cast %broadcast_in_dim3A_2542 : vector<16x1xi32> to vector<16xi32>
      %gather3A_2544 = tpu.dynamic_gather %get3A_2540[%gather3A_2543] in [0] : vector<16xf32>, vector<16xi32> -> vector<16xf32>
      %get3A_2545 = arith.constant 48 : i32
      %get3A_2546 = arith.index_cast %get3A_2545 : i32 to index
      %get3A_2547 = arith.constant 0 : index
      %get3A_2548 = tpu.vector_load %arg13[%get3A_2546, %get3A_2547] {strides = array<i32>} : memref<80x64xf32, #tpu.memory_space<vmem>>, vector<1x16xf32>,
      %get3A_2549 = vector.shape_cast %get3A_2548 : vector<1x16xf32> to vector<16xf32>
      %mul3A_2550 = arith.mulf %get3A_2549, %gather3A_2544 : vector<16xf32>
      %swap3A_2551 = arith.constant 48 : i32
      %swap3A_2552 = arith.index_cast %swap3A_2551 : i32 to index
      %swap3A_2553 = arith.constant 0 : index
      %swap3A_2554 = tpu.vector_load %arg13[%swap3A_2552, %swap3A_2553] {strides = array<i32>} : memref<80x64xf32, #tpu.memory_space<vmem>>, vector<1x16xf32>,
      %swap3A_2555 = vector.shape_cast %swap3A_2554 : vector<1x16xf32> to vector<16xf32>
      %swap3A_2556 = vector.shape_cast %mul3A_2550 : vector<16xf32> to vector<1x16xf32>
      tpu.vector_store %arg13[%swap3A_2552, %swap3A_2553], %swap3A_2556 {strides = array<i32>} : memref<80x64xf32, #tpu.memory_space<vmem>>, vector<1x16xf32>,
      %get3A_2557 = arith.constant 48 : i32
      %get3A_2558 = arith.index_cast %get3A_2557 : i32 to index
      %get3A_2559 = arith.constant 16 : index
      %get3A_2560 = tpu.vector_load %arg13[%get3A_2558, %get3A_2559] {strides = array<i32>} : memref<80x64xf32, #tpu.memory_space<vmem>>, vector<1x16xf32>,
      %get3A_2561 = vector.shape_cast %get3A_2560 : vector<1x16xf32> to vector<16xf32>
      %mul3A_2562 = arith.mulf %get3A_2561, %gather3A_2544 : vector<16xf32>
      %swap3A_2563 = arith.constant 48 : i32
      %swap3A_2564 = arith.index_cast %swap3A_2563 : i32 to index
      %swap3A_2565 = arith.constant 16 : index
      %swap3A_2566 = tpu.vector_load %arg13[%swap3A_2564, %swap3A_2565] {strides = array<i32>} : memref<80x64xf32, #tpu.memory_space<vmem>>, vector<1x16xf32>,
      %swap3A_2567 = vector.shape_cast %swap3A_2566 : vector<1x16xf32> to vector<16xf32>
      %swap3A_2568 = vector.shape_cast %mul3A_2562 : vector<16xf32> to vector<1x16xf32>
      tpu.vector_store %arg13[%swap3A_2564, %swap3A_2565], %swap3A_2568 {strides = array<i32>} : memref<80x64xf32, #tpu.memory_space<vmem>>, vector<1x16xf32>,
      %get3A_2569 = arith.constant 48 : i32
      %get3A_2570 = arith.index_cast %get3A_2569 : i32 to index
      %get3A_2571 = arith.constant 32 : index
      %get3A_2572 = tpu.vector_load %arg13[%get3A_2570, %get3A_2571] {strides = array<i32>} : memref<80x64xf32, #tpu.memory_space<vmem>>, vector<1x16xf32>,
      %get3A_2573 = vector.shape_cast %get3A_2572 : vector<1x16xf32> to vector<16xf32>
      %mul3A_2574 = arith.mulf %get3A_2573, %gather3A_2544 : vector<16xf32>
      %swap3A_2575 = arith.constant 48 : i32
      %swap3A_2576 = arith.index_cast %swap3A_2575 : i32 to index
      %swap3A_2577 = arith.constant 32 : index
      %swap3A_2578 = tpu.vector_load %arg13[%swap3A_2576, %swap3A_2577] {strides = array<i32>} : memref<80x64xf32, #tpu.memory_space<vmem>>, vector<1x16xf32>,
      %swap3A_2579 = vector.shape_cast %swap3A_2578 : vector<1x16xf32> to vector<16xf32>
      %swap3A_2580 = vector.shape_cast %mul3A_2574 : vector<16xf32> to vector<1x16xf32>
      tpu.vector_store %arg13[%swap3A_2576, %swap3A_2577], %swap3A_2580 {strides = array<i32>} : memref<80x64xf32, #tpu.memory_space<vmem>>, vector<1x16xf32>,
      %get3A_2581 = arith.constant 48 : i32
      %get3A_2582 = arith.index_cast %get3A_2581 : i32 to index
      %get3A_2583 = arith.constant 48 : index
      %get3A_2584 = tpu.vector_load %arg13[%get3A_2582, %get3A_2583] {strides = array<i32>} : memref<80x64xf32, #tpu.memory_space<vmem>>, vector<1x16xf32>,
      %get3A_2585 = vector.shape_cast %get3A_2584 : vector<1x16xf32> to vector<16xf32>
      %mul3A_2586 = arith.mulf %get3A_2585, %gather3A_2544 : vector<16xf32>
      %swap3A_2587 = arith.constant 48 : i32
      %swap3A_2588 = arith.index_cast %swap3A_2587 : i32 to index
      %swap3A_2589 = arith.constant 48 : index
      %swap3A_2590 = tpu.vector_load %arg13[%swap3A_2588, %swap3A_2589] {strides = array<i32>} : memref<80x64xf32, #tpu.memory_space<vmem>>, vector<1x16xf32>,
      %swap3A_2591 = vector.shape_cast %swap3A_2590 : vector<1x16xf32> to vector<16xf32>
      %swap3A_2592 = vector.shape_cast %mul3A_2586 : vector<16xf32> to vector<1x16xf32>
      tpu.vector_store %arg13[%swap3A_2588, %swap3A_2589], %swap3A_2592 {strides = array<i32>} : memref<80x64xf32, #tpu.memory_space<vmem>>, vector<1x16xf32>,
      %broadcast_in_dim3A_2593 = arith.constant 1 : i32
      %broadcast_in_dim3A_2594 = vector.broadcast %broadcast_in_dim3A_2593 : i32 to vector<16x1xi32>
      %gather3A_2595 = vector.shape_cast %broadcast_in_dim3A_2594 : vector<16x1xi32> to vector<16xi32>
      %gather3A_2596 = tpu.dynamic_gather %get3A_2540[%gather3A_2595] in [0] : vector<16xf32>, vector<16xi32> -> vector<16xf32>
      %get3A_2597 = arith.constant 49 : i32
      %get3A_2598 = arith.index_cast %get3A_2597 : i32 to index
      %get3A_2599 = arith.constant 0 : index
      %get3A_2600 = tpu.vector_load %arg13[%get3A_2598, %get3A_2599] {strides = array<i32>} : memref<80x64xf32, #tpu.memory_space<vmem>>, vector<1x16xf32>,
      %get3A_2601 = vector.shape_cast %get3A_2600 : vector<1x16xf32> to vector<16xf32>
      %mul3A_2602 = arith.mulf %get3A_2601, %gather3A_2596 : vector<16xf32>
      %swap3A_2603 = arith.constant 49 : i32
      %swap3A_2604 = arith.index_cast %swap3A_2603 : i32 to index
      %swap3A_2605 = arith.constant 0 : index
      %swap3A_2606 = tpu.vector_load %arg13[%swap3A_2604, %swap3A_2605] {strides = array<i32>} : memref<80x64xf32, #tpu.memory_space<vmem>>, vector<1x16xf32>,
      %swap3A_2607 = vector.shape_cast %swap3A_2606 : vector<1x16xf32> to vector<16xf32>
      %swap3A_2608 = vector.shape_cast %mul3A_2602 : vector<16xf32> to vector<1x16xf32>
      tpu.vector_store %arg13[%swap3A_2604, %swap3A_2605], %swap3A_2608 {strides = array<i32>} : memref<80x64xf32, #tpu.memory_space<vmem>>, vector<1x16xf32>,
      %get3A_2609 = arith.constant 49 : i32
      %get3A_2610 = arith.index_cast %get3A_2609 : i32 to index
      %get3A_2611 = arith.constant 16 : index
      %get3A_2612 = tpu.vector_load %arg13[%get3A_2610, %get3A_2611] {strides = array<i32>} : memref<80x64xf32, #tpu.memory_space<vmem>>, vector<1x16xf32>,
      %get3A_2613 = vector.shape_cast %get3A_2612 : vector<1x16xf32> to vector<16xf32>
      %mul3A_2614 = arith.mulf %get3A_2613, %gather3A_2596 : vector<16xf32>
      %swap3A_2615 = arith.constant 49 : i32
      %swap3A_2616 = arith.index_cast %swap3A_2615 : i32 to index
      %swap3A_2617 = arith.constant 16 : index
      %swap3A_2618 = tpu.vector_load %arg13[%swap3A_2616, %swap3A_2617] {strides = array<i32>} : memref<80x64xf32, #tpu.memory_space<vmem>>, vector<1x16xf32>,
      %swap3A_2619 = vector.shape_cast %swap3A_2618 : vector<1x16xf32> to vector<16xf32>
      %swap3A_2620 = vector.shape_cast %mul3A_2614 : vector<16xf32> to vector<1x16xf32>
      tpu.vector_store %arg13[%swap3A_2616, %swap3A_2617], %swap3A_2620 {strides = array<i32>} : memref<80x64xf32, #tpu.memory_space<vmem>>, vector<1x16xf32>,
      %get3A_2621 = arith.constant 49 : i32
      %get3A_2622 = arith.index_cast %get3A_2621 : i32 to index
      %get3A_2623 = arith.constant 32 : index
      %get3A_2624 = tpu.vector_load %arg13[%get3A_2622, %get3A_2623] {strides = array<i32>} : memref<80x64xf32, #tpu.memory_space<vmem>>, vector<1x16xf32>,
      %get3A_2625 = vector.shape_cast %get3A_2624 : vector<1x16xf32> to vector<16xf32>
      %mul3A_2626 = arith.mulf %get3A_2625, %gather3A_2596 : vector<16xf32>
      %swap3A_2627 = arith.constant 49 : i32
      %swap3A_2628 = arith.index_cast %swap3A_2627 : i32 to index
      %swap3A_2629 = arith.constant 32 : index
      %swap3A_2630 = tpu.vector_load %arg13[%swap3A_2628, %swap3A_2629] {strides = array<i32>} : memref<80x64xf32, #tpu.memory_space<vmem>>, vector<1x16xf32>,
      %swap3A_2631 = vector.shape_cast %swap3A_2630 : vector<1x16xf32> to vector<16xf32>
      %swap3A_2632 = vector.shape_cast %mul3A_2626 : vector<16xf32> to vector<1x16xf32>
      tpu.vector_store %arg13[%swap3A_2628, %swap3A_2629], %swap3A_2632 {strides = array<i32>} : memref<80x64xf32, #tpu.memory_space<vmem>>, vector<1x16xf32>,
      %get3A_2633 = arith.constant 49 : i32
      %get3A_2634 = arith.index_cast %get3A_2633 : i32 to index
      %get3A_2635 = arith.constant 48 : index
      %get3A_2636 = tpu.vector_load %arg13[%get3A_2634, %get3A_2635] {strides = array<i32>} : memref<80x64xf32, #tpu.memory_space<vmem>>, vector<1x16xf32>,
      %get3A_2637 = vector.shape_cast %get3A_2636 : vector<1x16xf32> to vector<16xf32>
      %mul3A_2638 = arith.mulf %get3A_2637, %gather3A_2596 : vector<16xf32>
      %swap3A_2639 = arith.constant 49 : i32
      %swap3A_2640 = arith.index_cast %swap3A_2639 : i32 to index
      %swap3A_2641 = arith.constant 48 : index
      %swap3A_2642 = tpu.vector_load %arg13[%swap3A_2640, %swap3A_2641] {strides = array<i32>} : memref<80x64xf32, #tpu.memory_space<vmem>>, vector<1x16xf32>,
      %swap3A_2643 = vector.shape_cast %swap3A_2642 : vector<1x16xf32> to vector<16xf32>
      %swap3A_2644 = vector.shape_cast %mul3A_2638 : vector<16xf32> to vector<1x16xf32>
      tpu.vector_store %arg13[%swap3A_2640, %swap3A_2641], %swap3A_2644 {strides = array<i32>} : memref<80x64xf32, #tpu.memory_space<vmem>>, vector<1x16xf32>,
      %broadcast_in_dim3A_2645 = arith.constant 2 : i32
      %broadcast_in_dim3A_2646 = vector.broadcast %broadcast_in_dim3A_2645 : i32 to vector<16x1xi32>
      %gather3A_2647 = vector.shape_cast %broadcast_in_dim3A_2646 : vector<16x1xi32> to vector<16xi32>
      %gather3A_2648 = tpu.dynamic_gather %get3A_2540[%gather3A_2647] in [0] : vector<16xf32>, vector<16xi32> -> vector<16xf32>
      %get3A_2649 = arith.constant 50 : i32
      %get3A_2650 = arith.index_cast %get3A_2649 : i32 to index
      %get3A_2651 = arith.constant 0 : index
      %get3A_2652 = tpu.vector_load %arg13[%get3A_2650, %get3A_2651] {strides = array<i32>} : memref<80x64xf32, #tpu.memory_space<vmem>>, vector<1x16xf32>,
      %get3A_2653 = vector.shape_cast %get3A_2652 : vector<1x16xf32> to vector<16xf32>
      %mul3A_2654 = arith.mulf %get3A_2653, %gather3A_2648 : vector<16xf32>
      %swap3A_2655 = arith.constant 50 : i32
      %swap3A_2656 = arith.index_cast %swap3A_2655 : i32 to index
      %swap3A_2657 = arith.constant 0 : index
      %swap3A_2658 = tpu.vector_load %arg13[%swap3A_2656, %swap3A_2657] {strides = array<i32>} : memref<80x64xf32, #tpu.memory_space<vmem>>, vector<1x16xf32>,
      %swap3A_2659 = vector.shape_cast %swap3A_2658 : vector<1x16xf32> to vector<16xf32>
      %swap3A_2660 = vector.shape_cast %mul3A_2654 : vector<16xf32> to vector<1x16xf32>
      tpu.vector_store %arg13[%swap3A_2656, %swap3A_2657], %swap3A_2660 {strides = array<i32>} : memref<80x64xf32, #tpu.memory_space<vmem>>, vector<1x16xf32>,
      %get3A_2661 = arith.constant 50 : i32
      %get3A_2662 = arith.index_cast %get3A_2661 : i32 to index
      %get3A_2663 = arith.constant 16 : index
      %get3A_2664 = tpu.vector_load %arg13[%get3A_2662, %get3A_2663] {strides = array<i32>} : memref<80x64xf32, #tpu.memory_space<vmem>>, vector<1x16xf32>,
      %get3A_2665 = vector.shape_cast %get3A_2664 : vector<1x16xf32> to vector<16xf32>
      %mul3A_2666 = arith.mulf %get3A_2665, %gather3A_2648 : vector<16xf32>
      %swap3A_2667 = arith.constant 50 : i32
      %swap3A_2668 = arith.index_cast %swap3A_2667 : i32 to index
      %swap3A_2669 = arith.constant 16 : index
      %swap3A_2670 = tpu.vector_load %arg13[%swap3A_2668, %swap3A_2669] {strides = array<i32>} : memref<80x64xf32, #tpu.memory_space<vmem>>, vector<1x16xf32>,
      %swap3A_2671 = vector.shape_cast %swap3A_2670 : vector<1x16xf32> to vector<16xf32>
      %swap3A_2672 = vector.shape_cast %mul3A_2666 : vector<16xf32> to vector<1x16xf32>
      tpu.vector_store %arg13[%swap3A_2668, %swap3A_2669], %swap3A_2672 {strides = array<i32>} : memref<80x64xf32, #tpu.memory_space<vmem>>, vector<1x16xf32>,
      %get3A_2673 = arith.constant 50 : i32
      %get3A_2674 = arith.index_cast %get3A_2673 : i32 to index
      %get3A_2675 = arith.constant 32 : index
      %get3A_2676 = tpu.vector_load %arg13[%get3A_2674, %get3A_2675] {strides = array<i32>} : memref<80x64xf32, #tpu.memory_space<vmem>>, vector<1x16xf32>,
      %get3A_2677 = vector.shape_cast %get3A_2676 : vector<1x16xf32> to vector<16xf32>
      %mul3A_2678 = arith.mulf %get3A_2677, %gather3A_2648 : vector<16xf32>
      %swap3A_2679 = arith.constant 50 : i32
      %swap3A_2680 = arith.index_cast %swap3A_2679 : i32 to index
      %swap3A_2681 = arith.constant 32 : index
      %swap3A_2682 = tpu.vector_load %arg13[%swap3A_2680, %swap3A_2681] {strides = array<i32>} : memref<80x64xf32, #tpu.memory_space<vmem>>, vector<1x16xf32>,
      %swap3A_2683 = vector.shape_cast %swap3A_2682 : vector<1x16xf32> to vector<16xf32>
      %swap3A_2684 = vector.shape_cast %mul3A_2678 : vector<16xf32> to vector<1x16xf32>
      tpu.vector_store %arg13[%swap3A_2680, %swap3A_2681], %swap3A_2684 {strides = array<i32>} : memref<80x64xf32, #tpu.memory_space<vmem>>, vector<1x16xf32>,
      %get3A_2685 = arith.constant 50 : i32
      %get3A_2686 = arith.index_cast %get3A_2685 : i32 to index
      %get3A_2687 = arith.constant 48 : index
      %get3A_2688 = tpu.vector_load %arg13[%get3A_2686, %get3A_2687] {strides = array<i32>} : memref<80x64xf32, #tpu.memory_space<vmem>>, vector<1x16xf32>,
      %get3A_2689 = vector.shape_cast %get3A_2688 : vector<1x16xf32> to vector<16xf32>
      %mul3A_2690 = arith.mulf %get3A_2689, %gather3A_2648 : vector<16xf32>
      %swap3A_2691 = arith.constant 50 : i32
      %swap3A_2692 = arith.index_cast %swap3A_2691 : i32 to index
      %swap3A_2693 = arith.constant 48 : index
      %swap3A_2694 = tpu.vector_load %arg13[%swap3A_2692, %swap3A_2693] {strides = array<i32>} : memref<80x64xf32, #tpu.memory_space<vmem>>, vector<1x16xf32>,
      %swap3A_2695 = vector.shape_cast %swap3A_2694 : vector<1x16xf32> to vector<16xf32>
      %swap3A_2696 = vector.shape_cast %mul3A_2690 : vector<16xf32> to vector<1x16xf32>
      tpu.vector_store %arg13[%swap3A_2692, %swap3A_2693], %swap3A_2696 {strides = array<i32>} : memref<80x64xf32, #tpu.memory_space<vmem>>, vector<1x16xf32>,
      %broadcast_in_dim3A_2697 = arith.constant 3 : i32
      %broadcast_in_dim3A_2698 = vector.broadcast %broadcast_in_dim3A_2697 : i32 to vector<16x1xi32>
      %gather3A_2699 = vector.shape_cast %broadcast_in_dim3A_2698 : vector<16x1xi32> to vector<16xi32>
      %gather3A_2700 = tpu.dynamic_gather %get3A_2540[%gather3A_2699] in [0] : vector<16xf32>, vector<16xi32> -> vector<16xf32>
      %get3A_2701 = arith.constant 51 : i32
      %get3A_2702 = arith.index_cast %get3A_2701 : i32 to index
      %get3A_2703 = arith.constant 0 : index
      %get3A_2704 = tpu.vector_load %arg13[%get3A_2702, %get3A_2703] {strides = array<i32>} : memref<80x64xf32, #tpu.memory_space<vmem>>, vector<1x16xf32>,
      %get3A_2705 = vector.shape_cast %get3A_2704 : vector<1x16xf32> to vector<16xf32>
      %mul3A_2706 = arith.mulf %get3A_2705, %gather3A_2700 : vector<16xf32>
      %swap3A_2707 = arith.constant 51 : i32
      %swap3A_2708 = arith.index_cast %swap3A_2707 : i32 to index
      %swap3A_2709 = arith.constant 0 : index
      %swap3A_2710 = tpu.vector_load %arg13[%swap3A_2708, %swap3A_2709] {strides = array<i32>} : memref<80x64xf32, #tpu.memory_space<vmem>>, vector<1x16xf32>,
      %swap3A_2711 = vector.shape_cast %swap3A_2710 : vector<1x16xf32> to vector<16xf32>
      %swap3A_2712 = vector.shape_cast %mul3A_2706 : vector<16xf32> to vector<1x16xf32>
      tpu.vector_store %arg13[%swap3A_2708, %swap3A_2709], %swap3A_2712 {strides = array<i32>} : memref<80x64xf32, #tpu.memory_space<vmem>>, vector<1x16xf32>,
      %get3A_2713 = arith.constant 51 : i32
      %get3A_2714 = arith.index_cast %get3A_2713 : i32 to index
      %get3A_2715 = arith.constant 16 : index
      %get3A_2716 = tpu.vector_load %arg13[%get3A_2714, %get3A_2715] {strides = array<i32>} : memref<80x64xf32, #tpu.memory_space<vmem>>, vector<1x16xf32>,
      %get3A_2717 = vector.shape_cast %get3A_2716 : vector<1x16xf32> to vector<16xf32>
      %mul3A_2718 = arith.mulf %get3A_2717, %gather3A_2700 : vector<16xf32>
      %swap3A_2719 = arith.constant 51 : i32
      %swap3A_2720 = arith.index_cast %swap3A_2719 : i32 to index
      %swap3A_2721 = arith.constant 16 : index
      %swap3A_2722 = tpu.vector_load %arg13[%swap3A_2720, %swap3A_2721] {strides = array<i32>} : memref<80x64xf32, #tpu.memory_space<vmem>>, vector<1x16xf32>,
      %swap3A_2723 = vector.shape_cast %swap3A_2722 : vector<1x16xf32> to vector<16xf32>
      %swap3A_2724 = vector.shape_cast %mul3A_2718 : vector<16xf32> to vector<1x16xf32>
      tpu.vector_store %arg13[%swap3A_2720, %swap3A_2721], %swap3A_2724 {strides = array<i32>} : memref<80x64xf32, #tpu.memory_space<vmem>>, vector<1x16xf32>,
      %get3A_2725 = arith.constant 51 : i32
      %get3A_2726 = arith.index_cast %get3A_2725 : i32 to index
      %get3A_2727 = arith.constant 32 : index
      %get3A_2728 = tpu.vector_load %arg13[%get3A_2726, %get3A_2727] {strides = array<i32>} : memref<80x64xf32, #tpu.memory_space<vmem>>, vector<1x16xf32>,
      %get3A_2729 = vector.shape_cast %get3A_2728 : vector<1x16xf32> to vector<16xf32>
      %mul3A_2730 = arith.mulf %get3A_2729, %gather3A_2700 : vector<16xf32>
      %swap3A_2731 = arith.constant 51 : i32
      %swap3A_2732 = arith.index_cast %swap3A_2731 : i32 to index
      %swap3A_2733 = arith.constant 32 : index
      %swap3A_2734 = tpu.vector_load %arg13[%swap3A_2732, %swap3A_2733] {strides = array<i32>} : memref<80x64xf32, #tpu.memory_space<vmem>>, vector<1x16xf32>,
      %swap3A_2735 = vector.shape_cast %swap3A_2734 : vector<1x16xf32> to vector<16xf32>
      %swap3A_2736 = vector.shape_cast %mul3A_2730 : vector<16xf32> to vector<1x16xf32>
      tpu.vector_store %arg13[%swap3A_2732, %swap3A_2733], %swap3A_2736 {strides = array<i32>} : memref<80x64xf32, #tpu.memory_space<vmem>>, vector<1x16xf32>,
      %get3A_2737 = arith.constant 51 : i32
      %get3A_2738 = arith.index_cast %get3A_2737 : i32 to index
      %get3A_2739 = arith.constant 48 : index
      %get3A_2740 = tpu.vector_load %arg13[%get3A_2738, %get3A_2739] {strides = array<i32>} : memref<80x64xf32, #tpu.memory_space<vmem>>, vector<1x16xf32>,
      %get3A_2741 = vector.shape_cast %get3A_2740 : vector<1x16xf32> to vector<16xf32>
      %mul3A_2742 = arith.mulf %get3A_2741, %gather3A_2700 : vector<16xf32>
      %swap3A_2743 = arith.constant 51 : i32
      %swap3A_2744 = arith.index_cast %swap3A_2743 : i32 to index
      %swap3A_2745 = arith.constant 48 : index
      %swap3A_2746 = tpu.vector_load %arg13[%swap3A_2744, %swap3A_2745] {strides = array<i32>} : memref<80x64xf32, #tpu.memory_space<vmem>>, vector<1x16xf32>,
      %swap3A_2747 = vector.shape_cast %swap3A_2746 : vector<1x16xf32> to vector<16xf32>
      %swap3A_2748 = vector.shape_cast %mul3A_2742 : vector<16xf32> to vector<1x16xf32>
      tpu.vector_store %arg13[%swap3A_2744, %swap3A_2745], %swap3A_2748 {strides = array<i32>} : memref<80x64xf32, #tpu.memory_space<vmem>>, vector<1x16xf32>,
      %broadcast_in_dim3A_2749 = arith.constant 4 : i32
      %broadcast_in_dim3A_2750 = vector.broadcast %broadcast_in_dim3A_2749 : i32 to vector<16x1xi32>
      %gather3A_2751 = vector.shape_cast %broadcast_in_dim3A_2750 : vector<16x1xi32> to vector<16xi32>
      %gather3A_2752 = tpu.dynamic_gather %get3A_2540[%gather3A_2751] in [0] : vector<16xf32>, vector<16xi32> -> vector<16xf32>
      %get3A_2753 = arith.constant 52 : i32
      %get3A_2754 = arith.index_cast %get3A_2753 : i32 to index
      %get3A_2755 = arith.constant 0 : index
      %get3A_2756 = tpu.vector_load %arg13[%get3A_2754, %get3A_2755] {strides = array<i32>} : memref<80x64xf32, #tpu.memory_space<vmem>>, vector<1x16xf32>,
      %get3A_2757 = vector.shape_cast %get3A_2756 : vector<1x16xf32> to vector<16xf32>
      %mul3A_2758 = arith.mulf %get3A_2757, %gather3A_2752 : vector<16xf32>
      %swap3A_2759 = arith.constant 52 : i32
      %swap3A_2760 = arith.index_cast %swap3A_2759 : i32 to index
      %swap3A_2761 = arith.constant 0 : index
      %swap3A_2762 = tpu.vector_load %arg13[%swap3A_2760, %swap3A_2761] {strides = array<i32>} : memref<80x64xf32, #tpu.memory_space<vmem>>, vector<1x16xf32>,
      %swap3A_2763 = vector.shape_cast %swap3A_2762 : vector<1x16xf32> to vector<16xf32>
      %swap3A_2764 = vector.shape_cast %mul3A_2758 : vector<16xf32> to vector<1x16xf32>
      tpu.vector_store %arg13[%swap3A_2760, %swap3A_2761], %swap3A_2764 {strides = array<i32>} : memref<80x64xf32, #tpu.memory_space<vmem>>, vector<1x16xf32>,
      %get3A_2765 = arith.constant 52 : i32
      %get3A_2766 = arith.index_cast %get3A_2765 : i32 to index
      %get3A_2767 = arith.constant 16 : index
      %get3A_2768 = tpu.vector_load %arg13[%get3A_2766, %get3A_2767] {strides = array<i32>} : memref<80x64xf32, #tpu.memory_space<vmem>>, vector<1x16xf32>,
      %get3A_2769 = vector.shape_cast %get3A_2768 : vector<1x16xf32> to vector<16xf32>
      %mul3A_2770 = arith.mulf %get3A_2769, %gather3A_2752 : vector<16xf32>
      %swap3A_2771 = arith.constant 52 : i32
      %swap3A_2772 = arith.index_cast %swap3A_2771 : i32 to index
      %swap3A_2773 = arith.constant 16 : index
      %swap3A_2774 = tpu.vector_load %arg13[%swap3A_2772, %swap3A_2773] {strides = array<i32>} : memref<80x64xf32, #tpu.memory_space<vmem>>, vector<1x16xf32>,
      %swap3A_2775 = vector.shape_cast %swap3A_2774 : vector<1x16xf32> to vector<16xf32>
      %swap3A_2776 = vector.shape_cast %mul3A_2770 : vector<16xf32> to vector<1x16xf32>
      tpu.vector_store %arg13[%swap3A_2772, %swap3A_2773], %swap3A_2776 {strides = array<i32>} : memref<80x64xf32, #tpu.memory_space<vmem>>, vector<1x16xf32>,
      %get3A_2777 = arith.constant 52 : i32
      %get3A_2778 = arith.index_cast %get3A_2777 : i32 to index
      %get3A_2779 = arith.constant 32 : index
      %get3A_2780 = tpu.vector_load %arg13[%get3A_2778, %get3A_2779] {strides = array<i32>} : memref<80x64xf32, #tpu.memory_space<vmem>>, vector<1x16xf32>,
      %get3A_2781 = vector.shape_cast %get3A_2780 : vector<1x16xf32> to vector<16xf32>
      %mul3A_2782 = arith.mulf %get3A_2781, %gather3A_2752 : vector<16xf32>
      %swap3A_2783 = arith.constant 52 : i32
      %swap3A_2784 = arith.index_cast %swap3A_2783 : i32 to index
      %swap3A_2785 = arith.constant 32 : index
      %swap3A_2786 = tpu.vector_load %arg13[%swap3A_2784, %swap3A_2785] {strides = array<i32>} : memref<80x64xf32, #tpu.memory_space<vmem>>, vector<1x16xf32>,
      %swap3A_2787 = vector.shape_cast %swap3A_2786 : vector<1x16xf32> to vector<16xf32>
      %swap3A_2788 = vector.shape_cast %mul3A_2782 : vector<16xf32> to vector<1x16xf32>
      tpu.vector_store %arg13[%swap3A_2784, %swap3A_2785], %swap3A_2788 {strides = array<i32>} : memref<80x64xf32, #tpu.memory_space<vmem>>, vector<1x16xf32>,
      %get3A_2789 = arith.constant 52 : i32
      %get3A_2790 = arith.index_cast %get3A_2789 : i32 to index
      %get3A_2791 = arith.constant 48 : index
      %get3A_2792 = tpu.vector_load %arg13[%get3A_2790, %get3A_2791] {strides = array<i32>} : memref<80x64xf32, #tpu.memory_space<vmem>>, vector<1x16xf32>,
      %get3A_2793 = vector.shape_cast %get3A_2792 : vector<1x16xf32> to vector<16xf32>
      %mul3A_2794 = arith.mulf %get3A_2793, %gather3A_2752 : vector<16xf32>
      %swap3A_2795 = arith.constant 52 : i32
      %swap3A_2796 = arith.index_cast %swap3A_2795 : i32 to index
      %swap3A_2797 = arith.constant 48 : index
      %swap3A_2798 = tpu.vector_load %arg13[%swap3A_2796, %swap3A_2797] {strides = array<i32>} : memref<80x64xf32, #tpu.memory_space<vmem>>, vector<1x16xf32>,
      %swap3A_2799 = vector.shape_cast %swap3A_2798 : vector<1x16xf32> to vector<16xf32>
      %swap3A_2800 = vector.shape_cast %mul3A_2794 : vector<16xf32> to vector<1x16xf32>
      tpu.vector_store %arg13[%swap3A_2796, %swap3A_2797], %swap3A_2800 {strides = array<i32>} : memref<80x64xf32, #tpu.memory_space<vmem>>, vector<1x16xf32>,
      %broadcast_in_dim3A_2801 = arith.constant 5 : i32
      %broadcast_in_dim3A_2802 = vector.broadcast %broadcast_in_dim3A_2801 : i32 to vector<16x1xi32>
      %gather3A_2803 = vector.shape_cast %broadcast_in_dim3A_2802 : vector<16x1xi32> to vector<16xi32>
      %gather3A_2804 = tpu.dynamic_gather %get3A_2540[%gather3A_2803] in [0] : vector<16xf32>, vector<16xi32> -> vector<16xf32>
      %get3A_2805 = arith.constant 53 : i32
      %get3A_2806 = arith.index_cast %get3A_2805 : i32 to index
      %get3A_2807 = arith.constant 0 : index
      %get3A_2808 = tpu.vector_load %arg13[%get3A_2806, %get3A_2807] {strides = array<i32>} : memref<80x64xf32, #tpu.memory_space<vmem>>, vector<1x16xf32>,
      %get3A_2809 = vector.shape_cast %get3A_2808 : vector<1x16xf32> to vector<16xf32>
      %mul3A_2810 = arith.mulf %get3A_2809, %gather3A_2804 : vector<16xf32>
      %swap3A_2811 = arith.constant 53 : i32
      %swap3A_2812 = arith.index_cast %swap3A_2811 : i32 to index
      %swap3A_2813 = arith.constant 0 : index
      %swap3A_2814 = tpu.vector_load %arg13[%swap3A_2812, %swap3A_2813] {strides = array<i32>} : memref<80x64xf32, #tpu.memory_space<vmem>>, vector<1x16xf32>,
      %swap3A_2815 = vector.shape_cast %swap3A_2814 : vector<1x16xf32> to vector<16xf32>
      %swap3A_2816 = vector.shape_cast %mul3A_2810 : vector<16xf32> to vector<1x16xf32>
      tpu.vector_store %arg13[%swap3A_2812, %swap3A_2813], %swap3A_2816 {strides = array<i32>} : memref<80x64xf32, #tpu.memory_space<vmem>>, vector<1x16xf32>,
      %get3A_2817 = arith.constant 53 : i32
      %get3A_2818 = arith.index_cast %get3A_2817 : i32 to index
      %get3A_2819 = arith.constant 16 : index
      %get3A_2820 = tpu.vector_load %arg13[%get3A_2818, %get3A_2819] {strides = array<i32>} : memref<80x64xf32, #tpu.memory_space<vmem>>, vector<1x16xf32>,
      %get3A_2821 = vector.shape_cast %get3A_2820 : vector<1x16xf32> to vector<16xf32>
      %mul3A_2822 = arith.mulf %get3A_2821, %gather3A_2804 : vector<16xf32>
      %swap3A_2823 = arith.constant 53 : i32
      %swap3A_2824 = arith.index_cast %swap3A_2823 : i32 to index
      %swap3A_2825 = arith.constant 16 : index
      %swap3A_2826 = tpu.vector_load %arg13[%swap3A_2824, %swap3A_2825] {strides = array<i32>} : memref<80x64xf32, #tpu.memory_space<vmem>>, vector<1x16xf32>,
      %swap3A_2827 = vector.shape_cast %swap3A_2826 : vector<1x16xf32> to vector<16xf32>
      %swap3A_2828 = vector.shape_cast %mul3A_2822 : vector<16xf32> to vector<1x16xf32>
      tpu.vector_store %arg13[%swap3A_2824, %swap3A_2825], %swap3A_2828 {strides = array<i32>} : memref<80x64xf32, #tpu.memory_space<vmem>>, vector<1x16xf32>,
      %get3A_2829 = arith.constant 53 : i32
      %get3A_2830 = arith.index_cast %get3A_2829 : i32 to index
      %get3A_2831 = arith.constant 32 : index
      %get3A_2832 = tpu.vector_load %arg13[%get3A_2830, %get3A_2831] {strides = array<i32>} : memref<80x64xf32, #tpu.memory_space<vmem>>, vector<1x16xf32>,
      %get3A_2833 = vector.shape_cast %get3A_2832 : vector<1x16xf32> to vector<16xf32>
      %mul3A_2834 = arith.mulf %get3A_2833, %gather3A_2804 : vector<16xf32>
      %swap3A_2835 = arith.constant 53 : i32
      %swap3A_2836 = arith.index_cast %swap3A_2835 : i32 to index
      %swap3A_2837 = arith.constant 32 : index
      %swap3A_2838 = tpu.vector_load %arg13[%swap3A_2836, %swap3A_2837] {strides = array<i32>} : memref<80x64xf32, #tpu.memory_space<vmem>>, vector<1x16xf32>,
      %swap3A_2839 = vector.shape_cast %swap3A_2838 : vector<1x16xf32> to vector<16xf32>
      %swap3A_2840 = vector.shape_cast %mul3A_2834 : vector<16xf32> to vector<1x16xf32>
      tpu.vector_store %arg13[%swap3A_2836, %swap3A_2837], %swap3A_2840 {strides = array<i32>} : memref<80x64xf32, #tpu.memory_space<vmem>>, vector<1x16xf32>,
      %get3A_2841 = arith.constant 53 : i32
      %get3A_2842 = arith.index_cast %get3A_2841 : i32 to index
      %get3A_2843 = arith.constant 48 : index
      %get3A_2844 = tpu.vector_load %arg13[%get3A_2842, %get3A_2843] {strides = array<i32>} : memref<80x64xf32, #tpu.memory_space<vmem>>, vector<1x16xf32>,
      %get3A_2845 = vector.shape_cast %get3A_2844 : vector<1x16xf32> to vector<16xf32>
      %mul3A_2846 = arith.mulf %get3A_2845, %gather3A_2804 : vector<16xf32>
      %swap3A_2847 = arith.constant 53 : i32
      %swap3A_2848 = arith.index_cast %swap3A_2847 : i32 to index
      %swap3A_2849 = arith.constant 48 : index
      %swap3A_2850 = tpu.vector_load %arg13[%swap3A_2848, %swap3A_2849] {strides = array<i32>} : memref<80x64xf32, #tpu.memory_space<vmem>>, vector<1x16xf32>,
      %swap3A_2851 = vector.shape_cast %swap3A_2850 : vector<1x16xf32> to vector<16xf32>
      %swap3A_2852 = vector.shape_cast %mul3A_2846 : vector<16xf32> to vector<1x16xf32>
      tpu.vector_store %arg13[%swap3A_2848, %swap3A_2849], %swap3A_2852 {strides = array<i32>} : memref<80x64xf32, #tpu.memory_space<vmem>>, vector<1x16xf32>,
      %broadcast_in_dim3A_2853 = arith.constant 6 : i32
      %broadcast_in_dim3A_2854 = vector.broadcast %broadcast_in_dim3A_2853 : i32 to vector<16x1xi32>
      %gather3A_2855 = vector.shape_cast %broadcast_in_dim3A_2854 : vector<16x1xi32> to vector<16xi32>
      %gather3A_2856 = tpu.dynamic_gather %get3A_2540[%gather3A_2855] in [0] : vector<16xf32>, vector<16xi32> -> vector<16xf32>
      %get3A_2857 = arith.constant 54 : i32
      %get3A_2858 = arith.index_cast %get3A_2857 : i32 to index
      %get3A_2859 = arith.constant 0 : index
      %get3A_2860 = tpu.vector_load %arg13[%get3A_2858, %get3A_2859] {strides = array<i32>} : memref<80x64xf32, #tpu.memory_space<vmem>>, vector<1x16xf32>,
      %get3A_2861 = vector.shape_cast %get3A_2860 : vector<1x16xf32> to vector<16xf32>
      %mul3A_2862 = arith.mulf %get3A_2861, %gather3A_2856 : vector<16xf32>
      %swap3A_2863 = arith.constant 54 : i32
      %swap3A_2864 = arith.index_cast %swap3A_2863 : i32 to index
      %swap3A_2865 = arith.constant 0 : index
      %swap3A_2866 = tpu.vector_load %arg13[%swap3A_2864, %swap3A_2865] {strides = array<i32>} : memref<80x64xf32, #tpu.memory_space<vmem>>, vector<1x16xf32>,
      %swap3A_2867 = vector.shape_cast %swap3A_2866 : vector<1x16xf32> to vector<16xf32>
      %swap3A_2868 = vector.shape_cast %mul3A_2862 : vector<16xf32> to vector<1x16xf32>
      tpu.vector_store %arg13[%swap3A_2864, %swap3A_2865], %swap3A_2868 {strides = array<i32>} : memref<80x64xf32, #tpu.memory_space<vmem>>, vector<1x16xf32>,
      %get3A_2869 = arith.constant 54 : i32
      %get3A_2870 = arith.index_cast %get3A_2869 : i32 to index
      %get3A_2871 = arith.constant 16 : index
      %get3A_2872 = tpu.vector_load %arg13[%get3A_2870, %get3A_2871] {strides = array<i32>} : memref<80x64xf32, #tpu.memory_space<vmem>>, vector<1x16xf32>,
      %get3A_2873 = vector.shape_cast %get3A_2872 : vector<1x16xf32> to vector<16xf32>
      %mul3A_2874 = arith.mulf %get3A_2873, %gather3A_2856 : vector<16xf32>
      %swap3A_2875 = arith.constant 54 : i32
      %swap3A_2876 = arith.index_cast %swap3A_2875 : i32 to index
      %swap3A_2877 = arith.constant 16 : index
      %swap3A_2878 = tpu.vector_load %arg13[%swap3A_2876, %swap3A_2877] {strides = array<i32>} : memref<80x64xf32, #tpu.memory_space<vmem>>, vector<1x16xf32>,
      %swap3A_2879 = vector.shape_cast %swap3A_2878 : vector<1x16xf32> to vector<16xf32>
      %swap3A_2880 = vector.shape_cast %mul3A_2874 : vector<16xf32> to vector<1x16xf32>
      tpu.vector_store %arg13[%swap3A_2876, %swap3A_2877], %swap3A_2880 {strides = array<i32>} : memref<80x64xf32, #tpu.memory_space<vmem>>, vector<1x16xf32>,
      %get3A_2881 = arith.constant 54 : i32
      %get3A_2882 = arith.index_cast %get3A_2881 : i32 to index
      %get3A_2883 = arith.constant 32 : index
      %get3A_2884 = tpu.vector_load %arg13[%get3A_2882, %get3A_2883] {strides = array<i32>} : memref<80x64xf32, #tpu.memory_space<vmem>>, vector<1x16xf32>,
      %get3A_2885 = vector.shape_cast %get3A_2884 : vector<1x16xf32> to vector<16xf32>
      %mul3A_2886 = arith.mulf %get3A_2885, %gather3A_2856 : vector<16xf32>
      %swap3A_2887 = arith.constant 54 : i32
      %swap3A_2888 = arith.index_cast %swap3A_2887 : i32 to index
      %swap3A_2889 = arith.constant 32 : index
      %swap3A_2890 = tpu.vector_load %arg13[%swap3A_2888, %swap3A_2889] {strides = array<i32>} : memref<80x64xf32, #tpu.memory_space<vmem>>, vector<1x16xf32>,
      %swap3A_2891 = vector.shape_cast %swap3A_2890 : vector<1x16xf32> to vector<16xf32>
      %swap3A_2892 = vector.shape_cast %mul3A_2886 : vector<16xf32> to vector<1x16xf32>
      tpu.vector_store %arg13[%swap3A_2888, %swap3A_2889], %swap3A_2892 {strides = array<i32>} : memref<80x64xf32, #tpu.memory_space<vmem>>, vector<1x16xf32>,
      %get3A_2893 = arith.constant 54 : i32
      %get3A_2894 = arith.index_cast %get3A_2893 : i32 to index
      %get3A_2895 = arith.constant 48 : index
      %get3A_2896 = tpu.vector_load %arg13[%get3A_2894, %get3A_2895] {strides = array<i32>} : memref<80x64xf32, #tpu.memory_space<vmem>>, vector<1x16xf32>,
      %get3A_2897 = vector.shape_cast %get3A_2896 : vector<1x16xf32> to vector<16xf32>
      %mul3A_2898 = arith.mulf %get3A_2897, %gather3A_2856 : vector<16xf32>
      %swap3A_2899 = arith.constant 54 : i32
      %swap3A_2900 = arith.index_cast %swap3A_2899 : i32 to index
      %swap3A_2901 = arith.constant 48 : index
      %swap3A_2902 = tpu.vector_load %arg13[%swap3A_2900, %swap3A_2901] {strides = array<i32>} : memref<80x64xf32, #tpu.memory_space<vmem>>, vector<1x16xf32>,
      %swap3A_2903 = vector.shape_cast %swap3A_2902 : vector<1x16xf32> to vector<16xf32>
      %swap3A_2904 = vector.shape_cast %mul3A_2898 : vector<16xf32> to vector<1x16xf32>
      tpu.vector_store %arg13[%swap3A_2900, %swap3A_2901], %swap3A_2904 {strides = array<i32>} : memref<80x64xf32, #tpu.memory_space<vmem>>, vector<1x16xf32>,
      %broadcast_in_dim3A_2905 = arith.constant 7 : i32
      %broadcast_in_dim3A_2906 = vector.broadcast %broadcast_in_dim3A_2905 : i32 to vector<16x1xi32>
      %gather3A_2907 = vector.shape_cast %broadcast_in_dim3A_2906 : vector<16x1xi32> to vector<16xi32>
      %gather3A_2908 = tpu.dynamic_gather %get3A_2540[%gather3A_2907] in [0] : vector<16xf32>, vector<16xi32> -> vector<16xf32>
      %get3A_2909 = arith.constant 55 : i32
      %get3A_2910 = arith.index_cast %get3A_2909 : i32 to index
      %get3A_2911 = arith.constant 0 : index
      %get3A_2912 = tpu.vector_load %arg13[%get3A_2910, %get3A_2911] {strides = array<i32>} : memref<80x64xf32, #tpu.memory_space<vmem>>, vector<1x16xf32>,
      %get3A_2913 = vector.shape_cast %get3A_2912 : vector<1x16xf32> to vector<16xf32>
      %mul3A_2914 = arith.mulf %get3A_2913, %gather3A_2908 : vector<16xf32>
      %swap3A_2915 = arith.constant 55 : i32
      %swap3A_2916 = arith.index_cast %swap3A_2915 : i32 to index
      %swap3A_2917 = arith.constant 0 : index
      %swap3A_2918 = tpu.vector_load %arg13[%swap3A_2916, %swap3A_2917] {strides = array<i32>} : memref<80x64xf32, #tpu.memory_space<vmem>>, vector<1x16xf32>,
      %swap3A_2919 = vector.shape_cast %swap3A_2918 : vector<1x16xf32> to vector<16xf32>
      %swap3A_2920 = vector.shape_cast %mul3A_2914 : vector<16xf32> to vector<1x16xf32>
      tpu.vector_store %arg13[%swap3A_2916, %swap3A_2917], %swap3A_2920 {strides = array<i32>} : memref<80x64xf32, #tpu.memory_space<vmem>>, vector<1x16xf32>,
      %get3A_2921 = arith.constant 55 : i32
      %get3A_2922 = arith.index_cast %get3A_2921 : i32 to index
      %get3A_2923 = arith.constant 16 : index
      %get3A_2924 = tpu.vector_load %arg13[%get3A_2922, %get3A_2923] {strides = array<i32>} : memref<80x64xf32, #tpu.memory_space<vmem>>, vector<1x16xf32>,
      %get3A_2925 = vector.shape_cast %get3A_2924 : vector<1x16xf32> to vector<16xf32>
      %mul3A_2926 = arith.mulf %get3A_2925, %gather3A_2908 : vector<16xf32>
      %swap3A_2927 = arith.constant 55 : i32
      %swap3A_2928 = arith.index_cast %swap3A_2927 : i32 to index
      %swap3A_2929 = arith.constant 16 : index
      %swap3A_2930 = tpu.vector_load %arg13[%swap3A_2928, %swap3A_2929] {strides = array<i32>} : memref<80x64xf32, #tpu.memory_space<vmem>>, vector<1x16xf32>,
      %swap3A_2931 = vector.shape_cast %swap3A_2930 : vector<1x16xf32> to vector<16xf32>
      %swap3A_2932 = vector.shape_cast %mul3A_2926 : vector<16xf32> to vector<1x16xf32>
      tpu.vector_store %arg13[%swap3A_2928, %swap3A_2929], %swap3A_2932 {strides = array<i32>} : memref<80x64xf32, #tpu.memory_space<vmem>>, vector<1x16xf32>,
      %get3A_2933 = arith.constant 55 : i32
      %get3A_2934 = arith.index_cast %get3A_2933 : i32 to index
      %get3A_2935 = arith.constant 32 : index
      %get3A_2936 = tpu.vector_load %arg13[%get3A_2934, %get3A_2935] {strides = array<i32>} : memref<80x64xf32, #tpu.memory_space<vmem>>, vector<1x16xf32>,
      %get3A_2937 = vector.shape_cast %get3A_2936 : vector<1x16xf32> to vector<16xf32>
      %mul3A_2938 = arith.mulf %get3A_2937, %gather3A_2908 : vector<16xf32>
      %swap3A_2939 = arith.constant 55 : i32
      %swap3A_2940 = arith.index_cast %swap3A_2939 : i32 to index
      %swap3A_2941 = arith.constant 32 : index
      %swap3A_2942 = tpu.vector_load %arg13[%swap3A_2940, %swap3A_2941] {strides = array<i32>} : memref<80x64xf32, #tpu.memory_space<vmem>>, vector<1x16xf32>,
      %swap3A_2943 = vector.shape_cast %swap3A_2942 : vector<1x16xf32> to vector<16xf32>
      %swap3A_2944 = vector.shape_cast %mul3A_2938 : vector<16xf32> to vector<1x16xf32>
      tpu.vector_store %arg13[%swap3A_2940, %swap3A_2941], %swap3A_2944 {strides = array<i32>} : memref<80x64xf32, #tpu.memory_space<vmem>>, vector<1x16xf32>,
      %get3A_2945 = arith.constant 55 : i32
      %get3A_2946 = arith.index_cast %get3A_2945 : i32 to index
      %get3A_2947 = arith.constant 48 : index
      %get3A_2948 = tpu.vector_load %arg13[%get3A_2946, %get3A_2947] {strides = array<i32>} : memref<80x64xf32, #tpu.memory_space<vmem>>, vector<1x16xf32>,
      %get3A_2949 = vector.shape_cast %get3A_2948 : vector<1x16xf32> to vector<16xf32>
      %mul3A_2950 = arith.mulf %get3A_2949, %gather3A_2908 : vector<16xf32>
      %swap3A_2951 = arith.constant 55 : i32
      %swap3A_2952 = arith.index_cast %swap3A_2951 : i32 to index
      %swap3A_2953 = arith.constant 48 : index
      %swap3A_2954 = tpu.vector_load %arg13[%swap3A_2952, %swap3A_2953] {strides = array<i32>} : memref<80x64xf32, #tpu.memory_space<vmem>>, vector<1x16xf32>,
      %swap3A_2955 = vector.shape_cast %swap3A_2954 : vector<1x16xf32> to vector<16xf32>
      %swap3A_2956 = vector.shape_cast %mul3A_2950 : vector<16xf32> to vector<1x16xf32>
      tpu.vector_store %arg13[%swap3A_2952, %swap3A_2953], %swap3A_2956 {strides = array<i32>} : memref<80x64xf32, #tpu.memory_space<vmem>>, vector<1x16xf32>,
      %broadcast_in_dim3A_2957 = arith.constant 8 : i32
      %broadcast_in_dim3A_2958 = vector.broadcast %broadcast_in_dim3A_2957 : i32 to vector<16x1xi32>
      %gather3A_2959 = vector.shape_cast %broadcast_in_dim3A_2958 : vector<16x1xi32> to vector<16xi32>
      %gather3A_2960 = tpu.dynamic_gather %get3A_2540[%gather3A_2959] in [0] : vector<16xf32>, vector<16xi32> -> vector<16xf32>
      %get3A_2961 = arith.constant 56 : i32
      %get3A_2962 = arith.index_cast %get3A_2961 : i32 to index
      %get3A_2963 = arith.constant 0 : index
      %get3A_2964 = tpu.vector_load %arg13[%get3A_2962, %get3A_2963] {strides = array<i32>} : memref<80x64xf32, #tpu.memory_space<vmem>>, vector<1x16xf32>,
      %get3A_2965 = vector.shape_cast %get3A_2964 : vector<1x16xf32> to vector<16xf32>
      %mul3A_2966 = arith.mulf %get3A_2965, %gather3A_2960 : vector<16xf32>
      %swap3A_2967 = arith.constant 56 : i32
      %swap3A_2968 = arith.index_cast %swap3A_2967 : i32 to index
      %swap3A_2969 = arith.constant 0 : index
      %swap3A_2970 = tpu.vector_load %arg13[%swap3A_2968, %swap3A_2969] {strides = array<i32>} : memref<80x64xf32, #tpu.memory_space<vmem>>, vector<1x16xf32>,
      %swap3A_2971 = vector.shape_cast %swap3A_2970 : vector<1x16xf32> to vector<16xf32>
      %swap3A_2972 = vector.shape_cast %mul3A_2966 : vector<16xf32> to vector<1x16xf32>
      tpu.vector_store %arg13[%swap3A_2968, %swap3A_2969], %swap3A_2972 {strides = array<i32>} : memref<80x64xf32, #tpu.memory_space<vmem>>, vector<1x16xf32>,
      %get3A_2973 = arith.constant 56 : i32
      %get3A_2974 = arith.index_cast %get3A_2973 : i32 to index
      %get3A_2975 = arith.constant 16 : index
      %get3A_2976 = tpu.vector_load %arg13[%get3A_2974, %get3A_2975] {strides = array<i32>} : memref<80x64xf32, #tpu.memory_space<vmem>>, vector<1x16xf32>,
      %get3A_2977 = vector.shape_cast %get3A_2976 : vector<1x16xf32> to vector<16xf32>
      %mul3A_2978 = arith.mulf %get3A_2977, %gather3A_2960 : vector<16xf32>
      %swap3A_2979 = arith.constant 56 : i32
      %swap3A_2980 = arith.index_cast %swap3A_2979 : i32 to index
      %swap3A_2981 = arith.constant 16 : index
      %swap3A_2982 = tpu.vector_load %arg13[%swap3A_2980, %swap3A_2981] {strides = array<i32>} : memref<80x64xf32, #tpu.memory_space<vmem>>, vector<1x16xf32>,
      %swap3A_2983 = vector.shape_cast %swap3A_2982 : vector<1x16xf32> to vector<16xf32>
      %swap3A_2984 = vector.shape_cast %mul3A_2978 : vector<16xf32> to vector<1x16xf32>
      tpu.vector_store %arg13[%swap3A_2980, %swap3A_2981], %swap3A_2984 {strides = array<i32>} : memref<80x64xf32, #tpu.memory_space<vmem>>, vector<1x16xf32>,
      %get3A_2985 = arith.constant 56 : i32
      %get3A_2986 = arith.index_cast %get3A_2985 : i32 to index
      %get3A_2987 = arith.constant 32 : index
      %get3A_2988 = tpu.vector_load %arg13[%get3A_2986, %get3A_2987] {strides = array<i32>} : memref<80x64xf32, #tpu.memory_space<vmem>>, vector<1x16xf32>,
      %get3A_2989 = vector.shape_cast %get3A_2988 : vector<1x16xf32> to vector<16xf32>
      %mul3A_2990 = arith.mulf %get3A_2989, %gather3A_2960 : vector<16xf32>
      %swap3A_2991 = arith.constant 56 : i32
      %swap3A_2992 = arith.index_cast %swap3A_2991 : i32 to index
      %swap3A_2993 = arith.constant 32 : index
      %swap3A_2994 = tpu.vector_load %arg13[%swap3A_2992, %swap3A_2993] {strides = array<i32>} : memref<80x64xf32, #tpu.memory_space<vmem>>, vector<1x16xf32>,
      %swap3A_2995 = vector.shape_cast %swap3A_2994 : vector<1x16xf32> to vector<16xf32>
      %swap3A_2996 = vector.shape_cast %mul3A_2990 : vector<16xf32> to vector<1x16xf32>
      tpu.vector_store %arg13[%swap3A_2992, %swap3A_2993], %swap3A_2996 {strides = array<i32>} : memref<80x64xf32, #tpu.memory_space<vmem>>, vector<1x16xf32>,
      %get3A_2997 = arith.constant 56 : i32
      %get3A_2998 = arith.index_cast %get3A_2997 : i32 to index
      %get3A_2999 = arith.constant 48 : index
      %get3A_3000 = tpu.vector_load %arg13[%get3A_2998, %get3A_2999] {strides = array<i32>} : memref<80x64xf32, #tpu.memory_space<vmem>>, vector<1x16xf32>,
      %get3A_3001 = vector.shape_cast %get3A_3000 : vector<1x16xf32> to vector<16xf32>
      %mul3A_3002 = arith.mulf %get3A_3001, %gather3A_2960 : vector<16xf32>
      %swap3A_3003 = arith.constant 56 : i32
      %swap3A_3004 = arith.index_cast %swap3A_3003 : i32 to index
      %swap3A_3005 = arith.constant 48 : index
      %swap3A_3006 = tpu.vector_load %arg13[%swap3A_3004, %swap3A_3005] {strides = array<i32>} : memref<80x64xf32, #tpu.memory_space<vmem>>, vector<1x16xf32>,
      %swap3A_3007 = vector.shape_cast %swap3A_3006 : vector<1x16xf32> to vector<16xf32>
      %swap3A_3008 = vector.shape_cast %mul3A_3002 : vector<16xf32> to vector<1x16xf32>
      tpu.vector_store %arg13[%swap3A_3004, %swap3A_3005], %swap3A_3008 {strides = array<i32>} : memref<80x64xf32, #tpu.memory_space<vmem>>, vector<1x16xf32>,
      %broadcast_in_dim3A_3009 = arith.constant 9 : i32
      %broadcast_in_dim3A_3010 = vector.broadcast %broadcast_in_dim3A_3009 : i32 to vector<16x1xi32>
      %gather3A_3011 = vector.shape_cast %broadcast_in_dim3A_3010 : vector<16x1xi32> to vector<16xi32>
      %gather3A_3012 = tpu.dynamic_gather %get3A_2540[%gather3A_3011] in [0] : vector<16xf32>, vector<16xi32> -> vector<16xf32>
      %get3A_3013 = arith.constant 57 : i32
      %get3A_3014 = arith.index_cast %get3A_3013 : i32 to index
      %get3A_3015 = arith.constant 0 : index
      %get3A_3016 = tpu.vector_load %arg13[%get3A_3014, %get3A_3015] {strides = array<i32>} : memref<80x64xf32, #tpu.memory_space<vmem>>, vector<1x16xf32>,
      %get3A_3017 = vector.shape_cast %get3A_3016 : vector<1x16xf32> to vector<16xf32>
      %mul3A_3018 = arith.mulf %get3A_3017, %gather3A_3012 : vector<16xf32>
      %swap3A_3019 = arith.constant 57 : i32
      %swap3A_3020 = arith.index_cast %swap3A_3019 : i32 to index
      %swap3A_3021 = arith.constant 0 : index
      %swap3A_3022 = tpu.vector_load %arg13[%swap3A_3020, %swap3A_3021] {strides = array<i32>} : memref<80x64xf32, #tpu.memory_space<vmem>>, vector<1x16xf32>,
      %swap3A_3023 = vector.shape_cast %swap3A_3022 : vector<1x16xf32> to vector<16xf32>
      %swap3A_3024 = vector.shape_cast %mul3A_3018 : vector<16xf32> to vector<1x16xf32>
      tpu.vector_store %arg13[%swap3A_3020, %swap3A_3021], %swap3A_3024 {strides = array<i32>} : memref<80x64xf32, #tpu.memory_space<vmem>>, vector<1x16xf32>,
      %get3A_3025 = arith.constant 57 : i32
      %get3A_3026 = arith.index_cast %get3A_3025 : i32 to index
      %get3A_3027 = arith.constant 16 : index
      %get3A_3028 = tpu.vector_load %arg13[%get3A_3026, %get3A_3027] {strides = array<i32>} : memref<80x64xf32, #tpu.memory_space<vmem>>, vector<1x16xf32>,
      %get3A_3029 = vector.shape_cast %get3A_3028 : vector<1x16xf32> to vector<16xf32>
      %mul3A_3030 = arith.mulf %get3A_3029, %gather3A_3012 : vector<16xf32>
      %swap3A_3031 = arith.constant 57 : i32
      %swap3A_3032 = arith.index_cast %swap3A_3031 : i32 to index
      %swap3A_3033 = arith.constant 16 : index
      %swap3A_3034 = tpu.vector_load %arg13[%swap3A_3032, %swap3A_3033] {strides = array<i32>} : memref<80x64xf32, #tpu.memory_space<vmem>>, vector<1x16xf32>,
      %swap3A_3035 = vector.shape_cast %swap3A_3034 : vector<1x16xf32> to vector<16xf32>
      %swap3A_3036 = vector.shape_cast %mul3A_3030 : vector<16xf32> to vector<1x16xf32>
      tpu.vector_store %arg13[%swap3A_3032, %swap3A_3033], %swap3A_3036 {strides = array<i32>} : memref<80x64xf32, #tpu.memory_space<vmem>>, vector<1x16xf32>,
      %get3A_3037 = arith.constant 57 : i32
      %get3A_3038 = arith.index_cast %get3A_3037 : i32 to index
      %get3A_3039 = arith.constant 32 : index
      %get3A_3040 = tpu.vector_load %arg13[%get3A_3038, %get3A_3039] {strides = array<i32>} : memref<80x64xf32, #tpu.memory_space<vmem>>, vector<1x16xf32>,
      %get3A_3041 = vector.shape_cast %get3A_3040 : vector<1x16xf32> to vector<16xf32>
      %mul3A_3042 = arith.mulf %get3A_3041, %gather3A_3012 : vector<16xf32>
      %swap3A_3043 = arith.constant 57 : i32
      %swap3A_3044 = arith.index_cast %swap3A_3043 : i32 to index
      %swap3A_3045 = arith.constant 32 : index
      %swap3A_3046 = tpu.vector_load %arg13[%swap3A_3044, %swap3A_3045] {strides = array<i32>} : memref<80x64xf32, #tpu.memory_space<vmem>>, vector<1x16xf32>,
      %swap3A_3047 = vector.shape_cast %swap3A_3046 : vector<1x16xf32> to vector<16xf32>
      %swap3A_3048 = vector.shape_cast %mul3A_3042 : vector<16xf32> to vector<1x16xf32>
      tpu.vector_store %arg13[%swap3A_3044, %swap3A_3045], %swap3A_3048 {strides = array<i32>} : memref<80x64xf32, #tpu.memory_space<vmem>>, vector<1x16xf32>,
      %get3A_3049 = arith.constant 57 : i32
      %get3A_3050 = arith.index_cast %get3A_3049 : i32 to index
      %get3A_3051 = arith.constant 48 : index
      %get3A_3052 = tpu.vector_load %arg13[%get3A_3050, %get3A_3051] {strides = array<i32>} : memref<80x64xf32, #tpu.memory_space<vmem>>, vector<1x16xf32>,
      %get3A_3053 = vector.shape_cast %get3A_3052 : vector<1x16xf32> to vector<16xf32>
      %mul3A_3054 = arith.mulf %get3A_3053, %gather3A_3012 : vector<16xf32>
      %swap3A_3055 = arith.constant 57 : i32
      %swap3A_3056 = arith.index_cast %swap3A_3055 : i32 to index
      %swap3A_3057 = arith.constant 48 : index
      %swap3A_3058 = tpu.vector_load %arg13[%swap3A_3056, %swap3A_3057] {strides = array<i32>} : memref<80x64xf32, #tpu.memory_space<vmem>>, vector<1x16xf32>,
      %swap3A_3059 = vector.shape_cast %swap3A_3058 : vector<1x16xf32> to vector<16xf32>
      %swap3A_3060 = vector.shape_cast %mul3A_3054 : vector<16xf32> to vector<1x16xf32>
      tpu.vector_store %arg13[%swap3A_3056, %swap3A_3057], %swap3A_3060 {strides = array<i32>} : memref<80x64xf32, #tpu.memory_space<vmem>>, vector<1x16xf32>,
      %broadcast_in_dim3A_3061 = arith.constant 10 : i32
      %broadcast_in_dim3A_3062 = vector.broadcast %broadcast_in_dim3A_3061 : i32 to vector<16x1xi32>
      %gather3A_3063 = vector.shape_cast %broadcast_in_dim3A_3062 : vector<16x1xi32> to vector<16xi32>
      %gather3A_3064 = tpu.dynamic_gather %get3A_2540[%gather3A_3063] in [0] : vector<16xf32>, vector<16xi32> -> vector<16xf32>
      %get3A_3065 = arith.constant 58 : i32
      %get3A_3066 = arith.index_cast %get3A_3065 : i32 to index
      %get3A_3067 = arith.constant 0 : index
      %get3A_3068 = tpu.vector_load %arg13[%get3A_3066, %get3A_3067] {strides = array<i32>} : memref<80x64xf32, #tpu.memory_space<vmem>>, vector<1x16xf32>,
      %get3A_3069 = vector.shape_cast %get3A_3068 : vector<1x16xf32> to vector<16xf32>
      %mul3A_3070 = arith.mulf %get3A_3069, %gather3A_3064 : vector<16xf32>
      %swap3A_3071 = arith.constant 58 : i32
      %swap3A_3072 = arith.index_cast %swap3A_3071 : i32 to index
      %swap3A_3073 = arith.constant 0 : index
      %swap3A_3074 = tpu.vector_load %arg13[%swap3A_3072, %swap3A_3073] {strides = array<i32>} : memref<80x64xf32, #tpu.memory_space<vmem>>, vector<1x16xf32>,
      %swap3A_3075 = vector.shape_cast %swap3A_3074 : vector<1x16xf32> to vector<16xf32>
      %swap3A_3076 = vector.shape_cast %mul3A_3070 : vector<16xf32> to vector<1x16xf32>
      tpu.vector_store %arg13[%swap3A_3072, %swap3A_3073], %swap3A_3076 {strides = array<i32>} : memref<80x64xf32, #tpu.memory_space<vmem>>, vector<1x16xf32>,
      %get3A_3077 = arith.constant 58 : i32
      %get3A_3078 = arith.index_cast %get3A_3077 : i32 to index
      %get3A_3079 = arith.constant 16 : index
      %get3A_3080 = tpu.vector_load %arg13[%get3A_3078, %get3A_3079] {strides = array<i32>} : memref<80x64xf32, #tpu.memory_space<vmem>>, vector<1x16xf32>,
      %get3A_3081 = vector.shape_cast %get3A_3080 : vector<1x16xf32> to vector<16xf32>
      %mul3A_3082 = arith.mulf %get3A_3081, %gather3A_3064 : vector<16xf32>
      %swap3A_3083 = arith.constant 58 : i32
      %swap3A_3084 = arith.index_cast %swap3A_3083 : i32 to index
      %swap3A_3085 = arith.constant 16 : index
      %swap3A_3086 = tpu.vector_load %arg13[%swap3A_3084, %swap3A_3085] {strides = array<i32>} : memref<80x64xf32, #tpu.memory_space<vmem>>, vector<1x16xf32>,
      %swap3A_3087 = vector.shape_cast %swap3A_3086 : vector<1x16xf32> to vector<16xf32>
      %swap3A_3088 = vector.shape_cast %mul3A_3082 : vector<16xf32> to vector<1x16xf32>
      tpu.vector_store %arg13[%swap3A_3084, %swap3A_3085], %swap3A_3088 {strides = array<i32>} : memref<80x64xf32, #tpu.memory_space<vmem>>, vector<1x16xf32>,
      %get3A_3089 = arith.constant 58 : i32
      %get3A_3090 = arith.index_cast %get3A_3089 : i32 to index
      %get3A_3091 = arith.constant 32 : index
      %get3A_3092 = tpu.vector_load %arg13[%get3A_3090, %get3A_3091] {strides = array<i32>} : memref<80x64xf32, #tpu.memory_space<vmem>>, vector<1x16xf32>,
      %get3A_3093 = vector.shape_cast %get3A_3092 : vector<1x16xf32> to vector<16xf32>
      %mul3A_3094 = arith.mulf %get3A_3093, %gather3A_3064 : vector<16xf32>
      %swap3A_3095 = arith.constant 58 : i32
      %swap3A_3096 = arith.index_cast %swap3A_3095 : i32 to index
      %swap3A_3097 = arith.constant 32 : index
      %swap3A_3098 = tpu.vector_load %arg13[%swap3A_3096, %swap3A_3097] {strides = array<i32>} : memref<80x64xf32, #tpu.memory_space<vmem>>, vector<1x16xf32>,
      %swap3A_3099 = vector.shape_cast %swap3A_3098 : vector<1x16xf32> to vector<16xf32>
      %swap3A_3100 = vector.shape_cast %mul3A_3094 : vector<16xf32> to vector<1x16xf32>
      tpu.vector_store %arg13[%swap3A_3096, %swap3A_3097], %swap3A_3100 {strides = array<i32>} : memref<80x64xf32, #tpu.memory_space<vmem>>, vector<1x16xf32>,
      %get3A_3101 = arith.constant 58 : i32
      %get3A_3102 = arith.index_cast %get3A_3101 : i32 to index
      %get3A_3103 = arith.constant 48 : index
      %get3A_3104 = tpu.vector_load %arg13[%get3A_3102, %get3A_3103] {strides = array<i32>} : memref<80x64xf32, #tpu.memory_space<vmem>>, vector<1x16xf32>,
      %get3A_3105 = vector.shape_cast %get3A_3104 : vector<1x16xf32> to vector<16xf32>
      %mul3A_3106 = arith.mulf %get3A_3105, %gather3A_3064 : vector<16xf32>
      %swap3A_3107 = arith.constant 58 : i32
      %swap3A_3108 = arith.index_cast %swap3A_3107 : i32 to index
      %swap3A_3109 = arith.constant 48 : index
      %swap3A_3110 = tpu.vector_load %arg13[%swap3A_3108, %swap3A_3109] {strides = array<i32>} : memref<80x64xf32, #tpu.memory_space<vmem>>, vector<1x16xf32>,
      %swap3A_3111 = vector.shape_cast %swap3A_3110 : vector<1x16xf32> to vector<16xf32>
      %swap3A_3112 = vector.shape_cast %mul3A_3106 : vector<16xf32> to vector<1x16xf32>
      tpu.vector_store %arg13[%swap3A_3108, %swap3A_3109], %swap3A_3112 {strides = array<i32>} : memref<80x64xf32, #tpu.memory_space<vmem>>, vector<1x16xf32>,
      %broadcast_in_dim3A_3113 = arith.constant 11 : i32
      %broadcast_in_dim3A_3114 = vector.broadcast %broadcast_in_dim3A_3113 : i32 to vector<16x1xi32>
      %gather3A_3115 = vector.shape_cast %broadcast_in_dim3A_3114 : vector<16x1xi32> to vector<16xi32>
      %gather3A_3116 = tpu.dynamic_gather %get3A_2540[%gather3A_3115] in [0] : vector<16xf32>, vector<16xi32> -> vector<16xf32>
      %get3A_3117 = arith.constant 59 : i32
      %get3A_3118 = arith.index_cast %get3A_3117 : i32 to index
      %get3A_3119 = arith.constant 0 : index
      %get3A_3120 = tpu.vector_load %arg13[%get3A_3118, %get3A_3119] {strides = array<i32>} : memref<80x64xf32, #tpu.memory_space<vmem>>, vector<1x16xf32>,
      %get3A_3121 = vector.shape_cast %get3A_3120 : vector<1x16xf32> to vector<16xf32>
      %mul3A_3122 = arith.mulf %get3A_3121, %gather3A_3116 : vector<16xf32>
      %swap3A_3123 = arith.constant 59 : i32
      %swap3A_3124 = arith.index_cast %swap3A_3123 : i32 to index
      %swap3A_3125 = arith.constant 0 : index
      %swap3A_3126 = tpu.vector_load %arg13[%swap3A_3124, %swap3A_3125] {strides = array<i32>} : memref<80x64xf32, #tpu.memory_space<vmem>>, vector<1x16xf32>,
      %swap3A_3127 = vector.shape_cast %swap3A_3126 : vector<1x16xf32> to vector<16xf32>
      %swap3A_3128 = vector.shape_cast %mul3A_3122 : vector<16xf32> to vector<1x16xf32>
      tpu.vector_store %arg13[%swap3A_3124, %swap3A_3125], %swap3A_3128 {strides = array<i32>} : memref<80x64xf32, #tpu.memory_space<vmem>>, vector<1x16xf32>,
      %get3A_3129 = arith.constant 59 : i32
      %get3A_3130 = arith.index_cast %get3A_3129 : i32 to index
      %get3A_3131 = arith.constant 16 : index
      %get3A_3132 = tpu.vector_load %arg13[%get3A_3130, %get3A_3131] {strides = array<i32>} : memref<80x64xf32, #tpu.memory_space<vmem>>, vector<1x16xf32>,
      %get3A_3133 = vector.shape_cast %get3A_3132 : vector<1x16xf32> to vector<16xf32>
      %mul3A_3134 = arith.mulf %get3A_3133, %gather3A_3116 : vector<16xf32>
      %swap3A_3135 = arith.constant 59 : i32
      %swap3A_3136 = arith.index_cast %swap3A_3135 : i32 to index
      %swap3A_3137 = arith.constant 16 : index
      %swap3A_3138 = tpu.vector_load %arg13[%swap3A_3136, %swap3A_3137] {strides = array<i32>} : memref<80x64xf32, #tpu.memory_space<vmem>>, vector<1x16xf32>,
      %swap3A_3139 = vector.shape_cast %swap3A_3138 : vector<1x16xf32> to vector<16xf32>
      %swap3A_3140 = vector.shape_cast %mul3A_3134 : vector<16xf32> to vector<1x16xf32>
      tpu.vector_store %arg13[%swap3A_3136, %swap3A_3137], %swap3A_3140 {strides = array<i32>} : memref<80x64xf32, #tpu.memory_space<vmem>>, vector<1x16xf32>,
      %get3A_3141 = arith.constant 59 : i32
      %get3A_3142 = arith.index_cast %get3A_3141 : i32 to index
      %get3A_3143 = arith.constant 32 : index
      %get3A_3144 = tpu.vector_load %arg13[%get3A_3142, %get3A_3143] {strides = array<i32>} : memref<80x64xf32, #tpu.memory_space<vmem>>, vector<1x16xf32>,
      %get3A_3145 = vector.shape_cast %get3A_3144 : vector<1x16xf32> to vector<16xf32>
      %mul3A_3146 = arith.mulf %get3A_3145, %gather3A_3116 : vector<16xf32>
      %swap3A_3147 = arith.constant 59 : i32
      %swap3A_3148 = arith.index_cast %swap3A_3147 : i32 to index
      %swap3A_3149 = arith.constant 32 : index
      %swap3A_3150 = tpu.vector_load %arg13[%swap3A_3148, %swap3A_3149] {strides = array<i32>} : memref<80x64xf32, #tpu.memory_space<vmem>>, vector<1x16xf32>,
      %swap3A_3151 = vector.shape_cast %swap3A_3150 : vector<1x16xf32> to vector<16xf32>
      %swap3A_3152 = vector.shape_cast %mul3A_3146 : vector<16xf32> to vector<1x16xf32>
      tpu.vector_store %arg13[%swap3A_3148, %swap3A_3149], %swap3A_3152 {strides = array<i32>} : memref<80x64xf32, #tpu.memory_space<vmem>>, vector<1x16xf32>,
      %get3A_3153 = arith.constant 59 : i32
      %get3A_3154 = arith.index_cast %get3A_3153 : i32 to index
      %get3A_3155 = arith.constant 48 : index
      %get3A_3156 = tpu.vector_load %arg13[%get3A_3154, %get3A_3155] {strides = array<i32>} : memref<80x64xf32, #tpu.memory_space<vmem>>, vector<1x16xf32>,
      %get3A_3157 = vector.shape_cast %get3A_3156 : vector<1x16xf32> to vector<16xf32>
      %mul3A_3158 = arith.mulf %get3A_3157, %gather3A_3116 : vector<16xf32>
      %swap3A_3159 = arith.constant 59 : i32
      %swap3A_3160 = arith.index_cast %swap3A_3159 : i32 to index
      %swap3A_3161 = arith.constant 48 : index
      %swap3A_3162 = tpu.vector_load %arg13[%swap3A_3160, %swap3A_3161] {strides = array<i32>} : memref<80x64xf32, #tpu.memory_space<vmem>>, vector<1x16xf32>,
      %swap3A_3163 = vector.shape_cast %swap3A_3162 : vector<1x16xf32> to vector<16xf32>
      %swap3A_3164 = vector.shape_cast %mul3A_3158 : vector<16xf32> to vector<1x16xf32>
      tpu.vector_store %arg13[%swap3A_3160, %swap3A_3161], %swap3A_3164 {strides = array<i32>} : memref<80x64xf32, #tpu.memory_space<vmem>>, vector<1x16xf32>,
      %broadcast_in_dim3A_3165 = arith.constant 12 : i32
      %broadcast_in_dim3A_3166 = vector.broadcast %broadcast_in_dim3A_3165 : i32 to vector<16x1xi32>
      %gather3A_3167 = vector.shape_cast %broadcast_in_dim3A_3166 : vector<16x1xi32> to vector<16xi32>
      %gather3A_3168 = tpu.dynamic_gather %get3A_2540[%gather3A_3167] in [0] : vector<16xf32>, vector<16xi32> -> vector<16xf32>
      %get3A_3169 = arith.constant 60 : i32
      %get3A_3170 = arith.index_cast %get3A_3169 : i32 to index
      %get3A_3171 = arith.constant 0 : index
      %get3A_3172 = tpu.vector_load %arg13[%get3A_3170, %get3A_3171] {strides = array<i32>} : memref<80x64xf32, #tpu.memory_space<vmem>>, vector<1x16xf32>,
      %get3A_3173 = vector.shape_cast %get3A_3172 : vector<1x16xf32> to vector<16xf32>
      %mul3A_3174 = arith.mulf %get3A_3173, %gather3A_3168 : vector<16xf32>
      %swap3A_3175 = arith.constant 60 : i32
      %swap3A_3176 = arith.index_cast %swap3A_3175 : i32 to index
      %swap3A_3177 = arith.constant 0 : index
      %swap3A_3178 = tpu.vector_load %arg13[%swap3A_3176, %swap3A_3177] {strides = array<i32>} : memref<80x64xf32, #tpu.memory_space<vmem>>, vector<1x16xf32>,
      %swap3A_3179 = vector.shape_cast %swap3A_3178 : vector<1x16xf32> to vector<16xf32>
      %swap3A_3180 = vector.shape_cast %mul3A_3174 : vector<16xf32> to vector<1x16xf32>
      tpu.vector_store %arg13[%swap3A_3176, %swap3A_3177], %swap3A_3180 {strides = array<i32>} : memref<80x64xf32, #tpu.memory_space<vmem>>, vector<1x16xf32>,
      %get3A_3181 = arith.constant 60 : i32
      %get3A_3182 = arith.index_cast %get3A_3181 : i32 to index
      %get3A_3183 = arith.constant 16 : index
      %get3A_3184 = tpu.vector_load %arg13[%get3A_3182, %get3A_3183] {strides = array<i32>} : memref<80x64xf32, #tpu.memory_space<vmem>>, vector<1x16xf32>,
      %get3A_3185 = vector.shape_cast %get3A_3184 : vector<1x16xf32> to vector<16xf32>
      %mul3A_3186 = arith.mulf %get3A_3185, %gather3A_3168 : vector<16xf32>
      %swap3A_3187 = arith.constant 60 : i32
      %swap3A_3188 = arith.index_cast %swap3A_3187 : i32 to index
      %swap3A_3189 = arith.constant 16 : index
      %swap3A_3190 = tpu.vector_load %arg13[%swap3A_3188, %swap3A_3189] {strides = array<i32>} : memref<80x64xf32, #tpu.memory_space<vmem>>, vector<1x16xf32>,
      %swap3A_3191 = vector.shape_cast %swap3A_3190 : vector<1x16xf32> to vector<16xf32>
      %swap3A_3192 = vector.shape_cast %mul3A_3186 : vector<16xf32> to vector<1x16xf32>
      tpu.vector_store %arg13[%swap3A_3188, %swap3A_3189], %swap3A_3192 {strides = array<i32>} : memref<80x64xf32, #tpu.memory_space<vmem>>, vector<1x16xf32>,
      %get3A_3193 = arith.constant 60 : i32
      %get3A_3194 = arith.index_cast %get3A_3193 : i32 to index
      %get3A_3195 = arith.constant 32 : index
      %get3A_3196 = tpu.vector_load %arg13[%get3A_3194, %get3A_3195] {strides = array<i32>} : memref<80x64xf32, #tpu.memory_space<vmem>>, vector<1x16xf32>,
      %get3A_3197 = vector.shape_cast %get3A_3196 : vector<1x16xf32> to vector<16xf32>
      %mul3A_3198 = arith.mulf %get3A_3197, %gather3A_3168 : vector<16xf32>
      %swap3A_3199 = arith.constant 60 : i32
      %swap3A_3200 = arith.index_cast %swap3A_3199 : i32 to index
      %swap3A_3201 = arith.constant 32 : index
      %swap3A_3202 = tpu.vector_load %arg13[%swap3A_3200, %swap3A_3201] {strides = array<i32>} : memref<80x64xf32, #tpu.memory_space<vmem>>, vector<1x16xf32>,
      %swap3A_3203 = vector.shape_cast %swap3A_3202 : vector<1x16xf32> to vector<16xf32>
      %swap3A_3204 = vector.shape_cast %mul3A_3198 : vector<16xf32> to vector<1x16xf32>
      tpu.vector_store %arg13[%swap3A_3200, %swap3A_3201], %swap3A_3204 {strides = array<i32>} : memref<80x64xf32, #tpu.memory_space<vmem>>, vector<1x16xf32>,
      %get3A_3205 = arith.constant 60 : i32
      %get3A_3206 = arith.index_cast %get3A_3205 : i32 to index
      %get3A_3207 = arith.constant 48 : index
      %get3A_3208 = tpu.vector_load %arg13[%get3A_3206, %get3A_3207] {strides = array<i32>} : memref<80x64xf32, #tpu.memory_space<vmem>>, vector<1x16xf32>,
      %get3A_3209 = vector.shape_cast %get3A_3208 : vector<1x16xf32> to vector<16xf32>
      %mul3A_3210 = arith.mulf %get3A_3209, %gather3A_3168 : vector<16xf32>
      %swap3A_3211 = arith.constant 60 : i32
      %swap3A_3212 = arith.index_cast %swap3A_3211 : i32 to index
      %swap3A_3213 = arith.constant 48 : index
      %swap3A_3214 = tpu.vector_load %arg13[%swap3A_3212, %swap3A_3213] {strides = array<i32>} : memref<80x64xf32, #tpu.memory_space<vmem>>, vector<1x16xf32>,
      %swap3A_3215 = vector.shape_cast %swap3A_3214 : vector<1x16xf32> to vector<16xf32>
      %swap3A_3216 = vector.shape_cast %mul3A_3210 : vector<16xf32> to vector<1x16xf32>
      tpu.vector_store %arg13[%swap3A_3212, %swap3A_3213], %swap3A_3216 {strides = array<i32>} : memref<80x64xf32, #tpu.memory_space<vmem>>, vector<1x16xf32>,
      %broadcast_in_dim3A_3217 = arith.constant 13 : i32
      %broadcast_in_dim3A_3218 = vector.broadcast %broadcast_in_dim3A_3217 : i32 to vector<16x1xi32>
      %gather3A_3219 = vector.shape_cast %broadcast_in_dim3A_3218 : vector<16x1xi32> to vector<16xi32>
      %gather3A_3220 = tpu.dynamic_gather %get3A_2540[%gather3A_3219] in [0] : vector<16xf32>, vector<16xi32> -> vector<16xf32>
      %get3A_3221 = arith.constant 61 : i32
      %get3A_3222 = arith.index_cast %get3A_3221 : i32 to index
      %get3A_3223 = arith.constant 0 : index
      %get3A_3224 = tpu.vector_load %arg13[%get3A_3222, %get3A_3223] {strides = array<i32>} : memref<80x64xf32, #tpu.memory_space<vmem>>, vector<1x16xf32>,
      %get3A_3225 = vector.shape_cast %get3A_3224 : vector<1x16xf32> to vector<16xf32>
      %mul3A_3226 = arith.mulf %get3A_3225, %gather3A_3220 : vector<16xf32>
      %swap3A_3227 = arith.constant 61 : i32
      %swap3A_3228 = arith.index_cast %swap3A_3227 : i32 to index
      %swap3A_3229 = arith.constant 0 : index
      %swap3A_3230 = tpu.vector_load %arg13[%swap3A_3228, %swap3A_3229] {strides = array<i32>} : memref<80x64xf32, #tpu.memory_space<vmem>>, vector<1x16xf32>,
      %swap3A_3231 = vector.shape_cast %swap3A_3230 : vector<1x16xf32> to vector<16xf32>
      %swap3A_3232 = vector.shape_cast %mul3A_3226 : vector<16xf32> to vector<1x16xf32>
      tpu.vector_store %arg13[%swap3A_3228, %swap3A_3229], %swap3A_3232 {strides = array<i32>} : memref<80x64xf32, #tpu.memory_space<vmem>>, vector<1x16xf32>,
      %get3A_3233 = arith.constant 61 : i32
      %get3A_3234 = arith.index_cast %get3A_3233 : i32 to index
      %get3A_3235 = arith.constant 16 : index
      %get3A_3236 = tpu.vector_load %arg13[%get3A_3234, %get3A_3235] {strides = array<i32>} : memref<80x64xf32, #tpu.memory_space<vmem>>, vector<1x16xf32>,
      %get3A_3237 = vector.shape_cast %get3A_3236 : vector<1x16xf32> to vector<16xf32>
      %mul3A_3238 = arith.mulf %get3A_3237, %gather3A_3220 : vector<16xf32>
      %swap3A_3239 = arith.constant 61 : i32
      %swap3A_3240 = arith.index_cast %swap3A_3239 : i32 to index
      %swap3A_3241 = arith.constant 16 : index
      %swap3A_3242 = tpu.vector_load %arg13[%swap3A_3240, %swap3A_3241] {strides = array<i32>} : memref<80x64xf32, #tpu.memory_space<vmem>>, vector<1x16xf32>,
      %swap3A_3243 = vector.shape_cast %swap3A_3242 : vector<1x16xf32> to vector<16xf32>
      %swap3A_3244 = vector.shape_cast %mul3A_3238 : vector<16xf32> to vector<1x16xf32>
      tpu.vector_store %arg13[%swap3A_3240, %swap3A_3241], %swap3A_3244 {strides = array<i32>} : memref<80x64xf32, #tpu.memory_space<vmem>>, vector<1x16xf32>,
      %get3A_3245 = arith.constant 61 : i32
      %get3A_3246 = arith.index_cast %get3A_3245 : i32 to index
      %get3A_3247 = arith.constant 32 : index
      %get3A_3248 = tpu.vector_load %arg13[%get3A_3246, %get3A_3247] {strides = array<i32>} : memref<80x64xf32, #tpu.memory_space<vmem>>, vector<1x16xf32>,
      %get3A_3249 = vector.shape_cast %get3A_3248 : vector<1x16xf32> to vector<16xf32>
      %mul3A_3250 = arith.mulf %get3A_3249, %gather3A_3220 : vector<16xf32>
      %swap3A_3251 = arith.constant 61 : i32
      %swap3A_3252 = arith.index_cast %swap3A_3251 : i32 to index
      %swap3A_3253 = arith.constant 32 : index
      %swap3A_3254 = tpu.vector_load %arg13[%swap3A_3252, %swap3A_3253] {strides = array<i32>} : memref<80x64xf32, #tpu.memory_space<vmem>>, vector<1x16xf32>,
      %swap3A_3255 = vector.shape_cast %swap3A_3254 : vector<1x16xf32> to vector<16xf32>
      %swap3A_3256 = vector.shape_cast %mul3A_3250 : vector<16xf32> to vector<1x16xf32>
      tpu.vector_store %arg13[%swap3A_3252, %swap3A_3253], %swap3A_3256 {strides = array<i32>} : memref<80x64xf32, #tpu.memory_space<vmem>>, vector<1x16xf32>,
      %get3A_3257 = arith.constant 61 : i32
      %get3A_3258 = arith.index_cast %get3A_3257 : i32 to index
      %get3A_3259 = arith.constant 48 : index
      %get3A_3260 = tpu.vector_load %arg13[%get3A_3258, %get3A_3259] {strides = array<i32>} : memref<80x64xf32, #tpu.memory_space<vmem>>, vector<1x16xf32>,
      %get3A_3261 = vector.shape_cast %get3A_3260 : vector<1x16xf32> to vector<16xf32>
      %mul3A_3262 = arith.mulf %get3A_3261, %gather3A_3220 : vector<16xf32>
      %swap3A_3263 = arith.constant 61 : i32
      %swap3A_3264 = arith.index_cast %swap3A_3263 : i32 to index
      %swap3A_3265 = arith.constant 48 : index
      %swap3A_3266 = tpu.vector_load %arg13[%swap3A_3264, %swap3A_3265] {strides = array<i32>} : memref<80x64xf32, #tpu.memory_space<vmem>>, vector<1x16xf32>,
      %swap3A_3267 = vector.shape_cast %swap3A_3266 : vector<1x16xf32> to vector<16xf32>
      %swap3A_3268 = vector.shape_cast %mul3A_3262 : vector<16xf32> to vector<1x16xf32>
      tpu.vector_store %arg13[%swap3A_3264, %swap3A_3265], %swap3A_3268 {strides = array<i32>} : memref<80x64xf32, #tpu.memory_space<vmem>>, vector<1x16xf32>,
      %broadcast_in_dim3A_3269 = arith.constant 14 : i32
      %broadcast_in_dim3A_3270 = vector.broadcast %broadcast_in_dim3A_3269 : i32 to vector<16x1xi32>
      %gather3A_3271 = vector.shape_cast %broadcast_in_dim3A_3270 : vector<16x1xi32> to vector<16xi32>
      %gather3A_3272 = tpu.dynamic_gather %get3A_2540[%gather3A_3271] in [0] : vector<16xf32>, vector<16xi32> -> vector<16xf32>
      %get3A_3273 = arith.constant 62 : i32
      %get3A_3274 = arith.index_cast %get3A_3273 : i32 to index
      %get3A_3275 = arith.constant 0 : index
      %get3A_3276 = tpu.vector_load %arg13[%get3A_3274, %get3A_3275] {strides = array<i32>} : memref<80x64xf32, #tpu.memory_space<vmem>>, vector<1x16xf32>,
      %get3A_3277 = vector.shape_cast %get3A_3276 : vector<1x16xf32> to vector<16xf32>
      %mul3A_3278 = arith.mulf %get3A_3277, %gather3A_3272 : vector<16xf32>
      %swap3A_3279 = arith.constant 62 : i32
      %swap3A_3280 = arith.index_cast %swap3A_3279 : i32 to index
      %swap3A_3281 = arith.constant 0 : index
      %swap3A_3282 = tpu.vector_load %arg13[%swap3A_3280, %swap3A_3281] {strides = array<i32>} : memref<80x64xf32, #tpu.memory_space<vmem>>, vector<1x16xf32>,
      %swap3A_3283 = vector.shape_cast %swap3A_3282 : vector<1x16xf32> to vector<16xf32>
      %swap3A_3284 = vector.shape_cast %mul3A_3278 : vector<16xf32> to vector<1x16xf32>
      tpu.vector_store %arg13[%swap3A_3280, %swap3A_3281], %swap3A_3284 {strides = array<i32>} : memref<80x64xf32, #tpu.memory_space<vmem>>, vector<1x16xf32>,
      %get3A_3285 = arith.constant 62 : i32
      %get3A_3286 = arith.index_cast %get3A_3285 : i32 to index
      %get3A_3287 = arith.constant 16 : index
      %get3A_3288 = tpu.vector_load %arg13[%get3A_3286, %get3A_3287] {strides = array<i32>} : memref<80x64xf32, #tpu.memory_space<vmem>>, vector<1x16xf32>,
      %get3A_3289 = vector.shape_cast %get3A_3288 : vector<1x16xf32> to vector<16xf32>
      %mul3A_3290 = arith.mulf %get3A_3289, %gather3A_3272 : vector<16xf32>
      %swap3A_3291 = arith.constant 62 : i32
      %swap3A_3292 = arith.index_cast %swap3A_3291 : i32 to index
      %swap3A_3293 = arith.constant 16 : index
      %swap3A_3294 = tpu.vector_load %arg13[%swap3A_3292, %swap3A_3293] {strides = array<i32>} : memref<80x64xf32, #tpu.memory_space<vmem>>, vector<1x16xf32>,
      %swap3A_3295 = vector.shape_cast %swap3A_3294 : vector<1x16xf32> to vector<16xf32>
      %swap3A_3296 = vector.shape_cast %mul3A_3290 : vector<16xf32> to vector<1x16xf32>
      tpu.vector_store %arg13[%swap3A_3292, %swap3A_3293], %swap3A_3296 {strides = array<i32>} : memref<80x64xf32, #tpu.memory_space<vmem>>, vector<1x16xf32>,
      %get3A_3297 = arith.constant 62 : i32
      %get3A_3298 = arith.index_cast %get3A_3297 : i32 to index
      %get3A_3299 = arith.constant 32 : index
      %get3A_3300 = tpu.vector_load %arg13[%get3A_3298, %get3A_3299] {strides = array<i32>} : memref<80x64xf32, #tpu.memory_space<vmem>>, vector<1x16xf32>,
      %get3A_3301 = vector.shape_cast %get3A_3300 : vector<1x16xf32> to vector<16xf32>
      %mul3A_3302 = arith.mulf %get3A_3301, %gather3A_3272 : vector<16xf32>
      %swap3A_3303 = arith.constant 62 : i32
      %swap3A_3304 = arith.index_cast %swap3A_3303 : i32 to index
      %swap3A_3305 = arith.constant 32 : index
      %swap3A_3306 = tpu.vector_load %arg13[%swap3A_3304, %swap3A_3305] {strides = array<i32>} : memref<80x64xf32, #tpu.memory_space<vmem>>, vector<1x16xf32>,
      %swap3A_3307 = vector.shape_cast %swap3A_3306 : vector<1x16xf32> to vector<16xf32>
      %swap3A_3308 = vector.shape_cast %mul3A_3302 : vector<16xf32> to vector<1x16xf32>
      tpu.vector_store %arg13[%swap3A_3304, %swap3A_3305], %swap3A_3308 {strides = array<i32>} : memref<80x64xf32, #tpu.memory_space<vmem>>, vector<1x16xf32>,
      %get3A_3309 = arith.constant 62 : i32
      %get3A_3310 = arith.index_cast %get3A_3309 : i32 to index
      %get3A_3311 = arith.constant 48 : index
      %get3A_3312 = tpu.vector_load %arg13[%get3A_3310, %get3A_3311] {strides = array<i32>} : memref<80x64xf32, #tpu.memory_space<vmem>>, vector<1x16xf32>,
      %get3A_3313 = vector.shape_cast %get3A_3312 : vector<1x16xf32> to vector<16xf32>
      %mul3A_3314 = arith.mulf %get3A_3313, %gather3A_3272 : vector<16xf32>
      %swap3A_3315 = arith.constant 62 : i32
      %swap3A_3316 = arith.index_cast %swap3A_3315 : i32 to index
      %swap3A_3317 = arith.constant 48 : index
      %swap3A_3318 = tpu.vector_load %arg13[%swap3A_3316, %swap3A_3317] {strides = array<i32>} : memref<80x64xf32, #tpu.memory_space<vmem>>, vector<1x16xf32>,
      %swap3A_3319 = vector.shape_cast %swap3A_3318 : vector<1x16xf32> to vector<16xf32>
      %swap3A_3320 = vector.shape_cast %mul3A_3314 : vector<16xf32> to vector<1x16xf32>
      tpu.vector_store %arg13[%swap3A_3316, %swap3A_3317], %swap3A_3320 {strides = array<i32>} : memref<80x64xf32, #tpu.memory_space<vmem>>, vector<1x16xf32>,
      %broadcast_in_dim3A_3321 = arith.constant 15 : i32
      %broadcast_in_dim3A_3322 = vector.broadcast %broadcast_in_dim3A_3321 : i32 to vector<16x1xi32>
      %gather3A_3323 = vector.shape_cast %broadcast_in_dim3A_3322 : vector<16x1xi32> to vector<16xi32>
      %gather3A_3324 = tpu.dynamic_gather %get3A_2540[%gather3A_3323] in [0] : vector<16xf32>, vector<16xi32> -> vector<16xf32>
      %get3A_3325 = arith.constant 63 : i32
      %get3A_3326 = arith.index_cast %get3A_3325 : i32 to index
      %get3A_3327 = arith.constant 0 : index
      %get3A_3328 = tpu.vector_load %arg13[%get3A_3326, %get3A_3327] {strides = array<i32>} : memref<80x64xf32, #tpu.memory_space<vmem>>, vector<1x16xf32>,
      %get3A_3329 = vector.shape_cast %get3A_3328 : vector<1x16xf32> to vector<16xf32>
      %mul3A_3330 = arith.mulf %get3A_3329, %gather3A_3324 : vector<16xf32>
      %swap3A_3331 = arith.constant 63 : i32
      %swap3A_3332 = arith.index_cast %swap3A_3331 : i32 to index
      %swap3A_3333 = arith.constant 0 : index
      %swap3A_3334 = tpu.vector_load %arg13[%swap3A_3332, %swap3A_3333] {strides = array<i32>} : memref<80x64xf32, #tpu.memory_space<vmem>>, vector<1x16xf32>,
      %swap3A_3335 = vector.shape_cast %swap3A_3334 : vector<1x16xf32> to vector<16xf32>
      %swap3A_3336 = vector.shape_cast %mul3A_3330 : vector<16xf32> to vector<1x16xf32>
      tpu.vector_store %arg13[%swap3A_3332, %swap3A_3333], %swap3A_3336 {strides = array<i32>} : memref<80x64xf32, #tpu.memory_space<vmem>>, vector<1x16xf32>,
      %get3A_3337 = arith.constant 63 : i32
      %get3A_3338 = arith.index_cast %get3A_3337 : i32 to index
      %get3A_3339 = arith.constant 16 : index
      %get3A_3340 = tpu.vector_load %arg13[%get3A_3338, %get3A_3339] {strides = array<i32>} : memref<80x64xf32, #tpu.memory_space<vmem>>, vector<1x16xf32>,
      %get3A_3341 = vector.shape_cast %get3A_3340 : vector<1x16xf32> to vector<16xf32>
      %mul3A_3342 = arith.mulf %get3A_3341, %gather3A_3324 : vector<16xf32>
      %swap3A_3343 = arith.constant 63 : i32
      %swap3A_3344 = arith.index_cast %swap3A_3343 : i32 to index
      %swap3A_3345 = arith.constant 16 : index
      %swap3A_3346 = tpu.vector_load %arg13[%swap3A_3344, %swap3A_3345] {strides = array<i32>} : memref<80x64xf32, #tpu.memory_space<vmem>>, vector<1x16xf32>,
      %swap3A_3347 = vector.shape_cast %swap3A_3346 : vector<1x16xf32> to vector<16xf32>
      %swap3A_3348 = vector.shape_cast %mul3A_3342 : vector<16xf32> to vector<1x16xf32>
      tpu.vector_store %arg13[%swap3A_3344, %swap3A_3345], %swap3A_3348 {strides = array<i32>} : memref<80x64xf32, #tpu.memory_space<vmem>>, vector<1x16xf32>,
      %get3A_3349 = arith.constant 63 : i32
      %get3A_3350 = arith.index_cast %get3A_3349 : i32 to index
      %get3A_3351 = arith.constant 32 : index
      %get3A_3352 = tpu.vector_load %arg13[%get3A_3350, %get3A_3351] {strides = array<i32>} : memref<80x64xf32, #tpu.memory_space<vmem>>, vector<1x16xf32>,
      %get3A_3353 = vector.shape_cast %get3A_3352 : vector<1x16xf32> to vector<16xf32>
      %mul3A_3354 = arith.mulf %get3A_3353, %gather3A_3324 : vector<16xf32>
      %swap3A_3355 = arith.constant 63 : i32
      %swap3A_3356 = arith.index_cast %swap3A_3355 : i32 to index
      %swap3A_3357 = arith.constant 32 : index
      %swap3A_3358 = tpu.vector_load %arg13[%swap3A_3356, %swap3A_3357] {strides = array<i32>} : memref<80x64xf32, #tpu.memory_space<vmem>>, vector<1x16xf32>,
      %swap3A_3359 = vector.shape_cast %swap3A_3358 : vector<1x16xf32> to vector<16xf32>
      %swap3A_3360 = vector.shape_cast %mul3A_3354 : vector<16xf32> to vector<1x16xf32>
      tpu.vector_store %arg13[%swap3A_3356, %swap3A_3357], %swap3A_3360 {strides = array<i32>} : memref<80x64xf32, #tpu.memory_space<vmem>>, vector<1x16xf32>,
      %get3A_3361 = arith.constant 63 : i32
      %get3A_3362 = arith.index_cast %get3A_3361 : i32 to index
      %get3A_3363 = arith.constant 48 : index
      %get3A_3364 = tpu.vector_load %arg13[%get3A_3362, %get3A_3363] {strides = array<i32>} : memref<80x64xf32, #tpu.memory_space<vmem>>, vector<1x16xf32>,
      %get3A_3365 = vector.shape_cast %get3A_3364 : vector<1x16xf32> to vector<16xf32>
      %mul3A_3366 = arith.mulf %get3A_3365, %gather3A_3324 : vector<16xf32>
      %swap3A_3367 = arith.constant 63 : i32
      %swap3A_3368 = arith.index_cast %swap3A_3367 : i32 to index
      %swap3A_3369 = arith.constant 48 : index
      %swap3A_3370 = tpu.vector_load %arg13[%swap3A_3368, %swap3A_3369] {strides = array<i32>} : memref<80x64xf32, #tpu.memory_space<vmem>>, vector<1x16xf32>,
      %swap3A_3371 = vector.shape_cast %swap3A_3370 : vector<1x16xf32> to vector<16xf32>
      %swap3A_3372 = vector.shape_cast %mul3A_3366 : vector<16xf32> to vector<1x16xf32>
      tpu.vector_store %arg13[%swap3A_3368, %swap3A_3369], %swap3A_3372 {strides = array<i32>} : memref<80x64xf32, #tpu.memory_space<vmem>>, vector<1x16xf32>,
      %add3A_3373 = arith.constant 64 : i32
      %add3A_3374 = arith.addi %mul3A_28, %add3A_3373 : i32
      %get3A_3375 = arith.index_cast %add3A_3374 : i32 to index
      %get3A_3376 = tpu.vector_load %arg12[%get3A_3375] {strides = array<i32>} : memref<20000xf32, #tpu.memory_space<vmem>>, vector<16xf32>,
      %get3A_3377 = vector.shape_cast %get3A_3376 : vector<16xf32> to vector<16xf32>
      %broadcast_in_dim3A_3378 = arith.constant 0 : i32
      %broadcast_in_dim3A_3379 = vector.broadcast %broadcast_in_dim3A_3378 : i32 to vector<16x1xi32>
      %gather3A_3380 = vector.shape_cast %broadcast_in_dim3A_3379 : vector<16x1xi32> to vector<16xi32>
      %gather3A_3381 = tpu.dynamic_gather %get3A_3377[%gather3A_3380] in [0] : vector<16xf32>, vector<16xi32> -> vector<16xf32>
      %get3A_3382 = arith.constant 64 : i32
      %get3A_3383 = arith.index_cast %get3A_3382 : i32 to index
      %get3A_3384 = arith.constant 0 : index
      %get3A_3385 = tpu.vector_load %arg13[%get3A_3383, %get3A_3384] {strides = array<i32>} : memref<80x64xf32, #tpu.memory_space<vmem>>, vector<1x16xf32>,
      %get3A_3386 = vector.shape_cast %get3A_3385 : vector<1x16xf32> to vector<16xf32>
      %mul3A_3387 = arith.mulf %get3A_3386, %gather3A_3381 : vector<16xf32>
      %swap3A_3388 = arith.constant 64 : i32
      %swap3A_3389 = arith.index_cast %swap3A_3388 : i32 to index
      %swap3A_3390 = arith.constant 0 : index
      %swap3A_3391 = tpu.vector_load %arg13[%swap3A_3389, %swap3A_3390] {strides = array<i32>} : memref<80x64xf32, #tpu.memory_space<vmem>>, vector<1x16xf32>,
      %swap3A_3392 = vector.shape_cast %swap3A_3391 : vector<1x16xf32> to vector<16xf32>
      %swap3A_3393 = vector.shape_cast %mul3A_3387 : vector<16xf32> to vector<1x16xf32>
      tpu.vector_store %arg13[%swap3A_3389, %swap3A_3390], %swap3A_3393 {strides = array<i32>} : memref<80x64xf32, #tpu.memory_space<vmem>>, vector<1x16xf32>,
      %get3A_3394 = arith.constant 64 : i32
      %get3A_3395 = arith.index_cast %get3A_3394 : i32 to index
      %get3A_3396 = arith.constant 16 : index
      %get3A_3397 = tpu.vector_load %arg13[%get3A_3395, %get3A_3396] {strides = array<i32>} : memref<80x64xf32, #tpu.memory_space<vmem>>, vector<1x16xf32>,
      %get3A_3398 = vector.shape_cast %get3A_3397 : vector<1x16xf32> to vector<16xf32>
      %mul3A_3399 = arith.mulf %get3A_3398, %gather3A_3381 : vector<16xf32>
      %swap3A_3400 = arith.constant 64 : i32
      %swap3A_3401 = arith.index_cast %swap3A_3400 : i32 to index
      %swap3A_3402 = arith.constant 16 : index
      %swap3A_3403 = tpu.vector_load %arg13[%swap3A_3401, %swap3A_3402] {strides = array<i32>} : memref<80x64xf32, #tpu.memory_space<vmem>>, vector<1x16xf32>,
      %swap3A_3404 = vector.shape_cast %swap3A_3403 : vector<1x16xf32> to vector<16xf32>
      %swap3A_3405 = vector.shape_cast %mul3A_3399 : vector<16xf32> to vector<1x16xf32>
      tpu.vector_store %arg13[%swap3A_3401, %swap3A_3402], %swap3A_3405 {strides = array<i32>} : memref<80x64xf32, #tpu.memory_space<vmem>>, vector<1x16xf32>,
      %get3A_3406 = arith.constant 64 : i32
      %get3A_3407 = arith.index_cast %get3A_3406 : i32 to index
      %get3A_3408 = arith.constant 32 : index
      %get3A_3409 = tpu.vector_load %arg13[%get3A_3407, %get3A_3408] {strides = array<i32>} : memref<80x64xf32, #tpu.memory_space<vmem>>, vector<1x16xf32>,
      %get3A_3410 = vector.shape_cast %get3A_3409 : vector<1x16xf32> to vector<16xf32>
      %mul3A_3411 = arith.mulf %get3A_3410, %gather3A_3381 : vector<16xf32>
      %swap3A_3412 = arith.constant 64 : i32
      %swap3A_3413 = arith.index_cast %swap3A_3412 : i32 to index
      %swap3A_3414 = arith.constant 32 : index
      %swap3A_3415 = tpu.vector_load %arg13[%swap3A_3413, %swap3A_3414] {strides = array<i32>} : memref<80x64xf32, #tpu.memory_space<vmem>>, vector<1x16xf32>,
      %swap3A_3416 = vector.shape_cast %swap3A_3415 : vector<1x16xf32> to vector<16xf32>
      %swap3A_3417 = vector.shape_cast %mul3A_3411 : vector<16xf32> to vector<1x16xf32>
      tpu.vector_store %arg13[%swap3A_3413, %swap3A_3414], %swap3A_3417 {strides = array<i32>} : memref<80x64xf32, #tpu.memory_space<vmem>>, vector<1x16xf32>,
      %get3A_3418 = arith.constant 64 : i32
      %get3A_3419 = arith.index_cast %get3A_3418 : i32 to index
      %get3A_3420 = arith.constant 48 : index
      %get3A_3421 = tpu.vector_load %arg13[%get3A_3419, %get3A_3420] {strides = array<i32>} : memref<80x64xf32, #tpu.memory_space<vmem>>, vector<1x16xf32>,
      %get3A_3422 = vector.shape_cast %get3A_3421 : vector<1x16xf32> to vector<16xf32>
      %mul3A_3423 = arith.mulf %get3A_3422, %gather3A_3381 : vector<16xf32>
      %swap3A_3424 = arith.constant 64 : i32
      %swap3A_3425 = arith.index_cast %swap3A_3424 : i32 to index
      %swap3A_3426 = arith.constant 48 : index
      %swap3A_3427 = tpu.vector_load %arg13[%swap3A_3425, %swap3A_3426] {strides = array<i32>} : memref<80x64xf32, #tpu.memory_space<vmem>>, vector<1x16xf32>,
      %swap3A_3428 = vector.shape_cast %swap3A_3427 : vector<1x16xf32> to vector<16xf32>
      %swap3A_3429 = vector.shape_cast %mul3A_3423 : vector<16xf32> to vector<1x16xf32>
      tpu.vector_store %arg13[%swap3A_3425, %swap3A_3426], %swap3A_3429 {strides = array<i32>} : memref<80x64xf32, #tpu.memory_space<vmem>>, vector<1x16xf32>,
      %broadcast_in_dim3A_3430 = arith.constant 1 : i32
      %broadcast_in_dim3A_3431 = vector.broadcast %broadcast_in_dim3A_3430 : i32 to vector<16x1xi32>
      %gather3A_3432 = vector.shape_cast %broadcast_in_dim3A_3431 : vector<16x1xi32> to vector<16xi32>
      %gather3A_3433 = tpu.dynamic_gather %get3A_3377[%gather3A_3432] in [0] : vector<16xf32>, vector<16xi32> -> vector<16xf32>
      %get3A_3434 = arith.constant 65 : i32
      %get3A_3435 = arith.index_cast %get3A_3434 : i32 to index
      %get3A_3436 = arith.constant 0 : index
      %get3A_3437 = tpu.vector_load %arg13[%get3A_3435, %get3A_3436] {strides = array<i32>} : memref<80x64xf32, #tpu.memory_space<vmem>>, vector<1x16xf32>,
      %get3A_3438 = vector.shape_cast %get3A_3437 : vector<1x16xf32> to vector<16xf32>
      %mul3A_3439 = arith.mulf %get3A_3438, %gather3A_3433 : vector<16xf32>
      %swap3A_3440 = arith.constant 65 : i32
      %swap3A_3441 = arith.index_cast %swap3A_3440 : i32 to index
      %swap3A_3442 = arith.constant 0 : index
      %swap3A_3443 = tpu.vector_load %arg13[%swap3A_3441, %swap3A_3442] {strides = array<i32>} : memref<80x64xf32, #tpu.memory_space<vmem>>, vector<1x16xf32>,
      %swap3A_3444 = vector.shape_cast %swap3A_3443 : vector<1x16xf32> to vector<16xf32>
      %swap3A_3445 = vector.shape_cast %mul3A_3439 : vector<16xf32> to vector<1x16xf32>
      tpu.vector_store %arg13[%swap3A_3441, %swap3A_3442], %swap3A_3445 {strides = array<i32>} : memref<80x64xf32, #tpu.memory_space<vmem>>, vector<1x16xf32>,
      %get3A_3446 = arith.constant 65 : i32
      %get3A_3447 = arith.index_cast %get3A_3446 : i32 to index
      %get3A_3448 = arith.constant 16 : index
      %get3A_3449 = tpu.vector_load %arg13[%get3A_3447, %get3A_3448] {strides = array<i32>} : memref<80x64xf32, #tpu.memory_space<vmem>>, vector<1x16xf32>,
      %get3A_3450 = vector.shape_cast %get3A_3449 : vector<1x16xf32> to vector<16xf32>
      %mul3A_3451 = arith.mulf %get3A_3450, %gather3A_3433 : vector<16xf32>
      %swap3A_3452 = arith.constant 65 : i32
      %swap3A_3453 = arith.index_cast %swap3A_3452 : i32 to index
      %swap3A_3454 = arith.constant 16 : index
      %swap3A_3455 = tpu.vector_load %arg13[%swap3A_3453, %swap3A_3454] {strides = array<i32>} : memref<80x64xf32, #tpu.memory_space<vmem>>, vector<1x16xf32>,
      %swap3A_3456 = vector.shape_cast %swap3A_3455 : vector<1x16xf32> to vector<16xf32>
      %swap3A_3457 = vector.shape_cast %mul3A_3451 : vector<16xf32> to vector<1x16xf32>
      tpu.vector_store %arg13[%swap3A_3453, %swap3A_3454], %swap3A_3457 {strides = array<i32>} : memref<80x64xf32, #tpu.memory_space<vmem>>, vector<1x16xf32>,
      %get3A_3458 = arith.constant 65 : i32
      %get3A_3459 = arith.index_cast %get3A_3458 : i32 to index
      %get3A_3460 = arith.constant 32 : index
      %get3A_3461 = tpu.vector_load %arg13[%get3A_3459, %get3A_3460] {strides = array<i32>} : memref<80x64xf32, #tpu.memory_space<vmem>>, vector<1x16xf32>,
      %get3A_3462 = vector.shape_cast %get3A_3461 : vector<1x16xf32> to vector<16xf32>
      %mul3A_3463 = arith.mulf %get3A_3462, %gather3A_3433 : vector<16xf32>
      %swap3A_3464 = arith.constant 65 : i32
      %swap3A_3465 = arith.index_cast %swap3A_3464 : i32 to index
      %swap3A_3466 = arith.constant 32 : index
      %swap3A_3467 = tpu.vector_load %arg13[%swap3A_3465, %swap3A_3466] {strides = array<i32>} : memref<80x64xf32, #tpu.memory_space<vmem>>, vector<1x16xf32>,
      %swap3A_3468 = vector.shape_cast %swap3A_3467 : vector<1x16xf32> to vector<16xf32>
      %swap3A_3469 = vector.shape_cast %mul3A_3463 : vector<16xf32> to vector<1x16xf32>
      tpu.vector_store %arg13[%swap3A_3465, %swap3A_3466], %swap3A_3469 {strides = array<i32>} : memref<80x64xf32, #tpu.memory_space<vmem>>, vector<1x16xf32>,
      %get3A_3470 = arith.constant 65 : i32
      %get3A_3471 = arith.index_cast %get3A_3470 : i32 to index
      %get3A_3472 = arith.constant 48 : index
      %get3A_3473 = tpu.vector_load %arg13[%get3A_3471, %get3A_3472] {strides = array<i32>} : memref<80x64xf32, #tpu.memory_space<vmem>>, vector<1x16xf32>,
      %get3A_3474 = vector.shape_cast %get3A_3473 : vector<1x16xf32> to vector<16xf32>
      %mul3A_3475 = arith.mulf %get3A_3474, %gather3A_3433 : vector<16xf32>
      %swap3A_3476 = arith.constant 65 : i32
      %swap3A_3477 = arith.index_cast %swap3A_3476 : i32 to index
      %swap3A_3478 = arith.constant 48 : index
      %swap3A_3479 = tpu.vector_load %arg13[%swap3A_3477, %swap3A_3478] {strides = array<i32>} : memref<80x64xf32, #tpu.memory_space<vmem>>, vector<1x16xf32>,
      %swap3A_3480 = vector.shape_cast %swap3A_3479 : vector<1x16xf32> to vector<16xf32>
      %swap3A_3481 = vector.shape_cast %mul3A_3475 : vector<16xf32> to vector<1x16xf32>
      tpu.vector_store %arg13[%swap3A_3477, %swap3A_3478], %swap3A_3481 {strides = array<i32>} : memref<80x64xf32, #tpu.memory_space<vmem>>, vector<1x16xf32>,
      %broadcast_in_dim3A_3482 = arith.constant 2 : i32
      %broadcast_in_dim3A_3483 = vector.broadcast %broadcast_in_dim3A_3482 : i32 to vector<16x1xi32>
      %gather3A_3484 = vector.shape_cast %broadcast_in_dim3A_3483 : vector<16x1xi32> to vector<16xi32>
      %gather3A_3485 = tpu.dynamic_gather %get3A_3377[%gather3A_3484] in [0] : vector<16xf32>, vector<16xi32> -> vector<16xf32>
      %get3A_3486 = arith.constant 66 : i32
      %get3A_3487 = arith.index_cast %get3A_3486 : i32 to index
      %get3A_3488 = arith.constant 0 : index
      %get3A_3489 = tpu.vector_load %arg13[%get3A_3487, %get3A_3488] {strides = array<i32>} : memref<80x64xf32, #tpu.memory_space<vmem>>, vector<1x16xf32>,
      %get3A_3490 = vector.shape_cast %get3A_3489 : vector<1x16xf32> to vector<16xf32>
      %mul3A_3491 = arith.mulf %get3A_3490, %gather3A_3485 : vector<16xf32>
      %swap3A_3492 = arith.constant 66 : i32
      %swap3A_3493 = arith.index_cast %swap3A_3492 : i32 to index
      %swap3A_3494 = arith.constant 0 : index
      %swap3A_3495 = tpu.vector_load %arg13[%swap3A_3493, %swap3A_3494] {strides = array<i32>} : memref<80x64xf32, #tpu.memory_space<vmem>>, vector<1x16xf32>,
      %swap3A_3496 = vector.shape_cast %swap3A_3495 : vector<1x16xf32> to vector<16xf32>
      %swap3A_3497 = vector.shape_cast %mul3A_3491 : vector<16xf32> to vector<1x16xf32>
      tpu.vector_store %arg13[%swap3A_3493, %swap3A_3494], %swap3A_3497 {strides = array<i32>} : memref<80x64xf32, #tpu.memory_space<vmem>>, vector<1x16xf32>,
      %get3A_3498 = arith.constant 66 : i32
      %get3A_3499 = arith.index_cast %get3A_3498 : i32 to index
      %get3A_3500 = arith.constant 16 : index
      %get3A_3501 = tpu.vector_load %arg13[%get3A_3499, %get3A_3500] {strides = array<i32>} : memref<80x64xf32, #tpu.memory_space<vmem>>, vector<1x16xf32>,
      %get3A_3502 = vector.shape_cast %get3A_3501 : vector<1x16xf32> to vector<16xf32>
      %mul3A_3503 = arith.mulf %get3A_3502, %gather3A_3485 : vector<16xf32>
      %swap3A_3504 = arith.constant 66 : i32
      %swap3A_3505 = arith.index_cast %swap3A_3504 : i32 to index
      %swap3A_3506 = arith.constant 16 : index
      %swap3A_3507 = tpu.vector_load %arg13[%swap3A_3505, %swap3A_3506] {strides = array<i32>} : memref<80x64xf32, #tpu.memory_space<vmem>>, vector<1x16xf32>,
      %swap3A_3508 = vector.shape_cast %swap3A_3507 : vector<1x16xf32> to vector<16xf32>
      %swap3A_3509 = vector.shape_cast %mul3A_3503 : vector<16xf32> to vector<1x16xf32>
      tpu.vector_store %arg13[%swap3A_3505, %swap3A_3506], %swap3A_3509 {strides = array<i32>} : memref<80x64xf32, #tpu.memory_space<vmem>>, vector<1x16xf32>,
      %get3A_3510 = arith.constant 66 : i32
      %get3A_3511 = arith.index_cast %get3A_3510 : i32 to index
      %get3A_3512 = arith.constant 32 : index
      %get3A_3513 = tpu.vector_load %arg13[%get3A_3511, %get3A_3512] {strides = array<i32>} : memref<80x64xf32, #tpu.memory_space<vmem>>, vector<1x16xf32>,
      %get3A_3514 = vector.shape_cast %get3A_3513 : vector<1x16xf32> to vector<16xf32>
      %mul3A_3515 = arith.mulf %get3A_3514, %gather3A_3485 : vector<16xf32>
      %swap3A_3516 = arith.constant 66 : i32
      %swap3A_3517 = arith.index_cast %swap3A_3516 : i32 to index
      %swap3A_3518 = arith.constant 32 : index
      %swap3A_3519 = tpu.vector_load %arg13[%swap3A_3517, %swap3A_3518] {strides = array<i32>} : memref<80x64xf32, #tpu.memory_space<vmem>>, vector<1x16xf32>,
      %swap3A_3520 = vector.shape_cast %swap3A_3519 : vector<1x16xf32> to vector<16xf32>
      %swap3A_3521 = vector.shape_cast %mul3A_3515 : vector<16xf32> to vector<1x16xf32>
      tpu.vector_store %arg13[%swap3A_3517, %swap3A_3518], %swap3A_3521 {strides = array<i32>} : memref<80x64xf32, #tpu.memory_space<vmem>>, vector<1x16xf32>,
      %get3A_3522 = arith.constant 66 : i32
      %get3A_3523 = arith.index_cast %get3A_3522 : i32 to index
      %get3A_3524 = arith.constant 48 : index
      %get3A_3525 = tpu.vector_load %arg13[%get3A_3523, %get3A_3524] {strides = array<i32>} : memref<80x64xf32, #tpu.memory_space<vmem>>, vector<1x16xf32>,
      %get3A_3526 = vector.shape_cast %get3A_3525 : vector<1x16xf32> to vector<16xf32>
      %mul3A_3527 = arith.mulf %get3A_3526, %gather3A_3485 : vector<16xf32>
      %swap3A_3528 = arith.constant 66 : i32
      %swap3A_3529 = arith.index_cast %swap3A_3528 : i32 to index
      %swap3A_3530 = arith.constant 48 : index
      %swap3A_3531 = tpu.vector_load %arg13[%swap3A_3529, %swap3A_3530] {strides = array<i32>} : memref<80x64xf32, #tpu.memory_space<vmem>>, vector<1x16xf32>,
      %swap3A_3532 = vector.shape_cast %swap3A_3531 : vector<1x16xf32> to vector<16xf32>
      %swap3A_3533 = vector.shape_cast %mul3A_3527 : vector<16xf32> to vector<1x16xf32>
      tpu.vector_store %arg13[%swap3A_3529, %swap3A_3530], %swap3A_3533 {strides = array<i32>} : memref<80x64xf32, #tpu.memory_space<vmem>>, vector<1x16xf32>,
      %broadcast_in_dim3A_3534 = arith.constant 3 : i32
      %broadcast_in_dim3A_3535 = vector.broadcast %broadcast_in_dim3A_3534 : i32 to vector<16x1xi32>
      %gather3A_3536 = vector.shape_cast %broadcast_in_dim3A_3535 : vector<16x1xi32> to vector<16xi32>
      %gather3A_3537 = tpu.dynamic_gather %get3A_3377[%gather3A_3536] in [0] : vector<16xf32>, vector<16xi32> -> vector<16xf32>
      %get3A_3538 = arith.constant 67 : i32
      %get3A_3539 = arith.index_cast %get3A_3538 : i32 to index
      %get3A_3540 = arith.constant 0 : index
      %get3A_3541 = tpu.vector_load %arg13[%get3A_3539, %get3A_3540] {strides = array<i32>} : memref<80x64xf32, #tpu.memory_space<vmem>>, vector<1x16xf32>,
      %get3A_3542 = vector.shape_cast %get3A_3541 : vector<1x16xf32> to vector<16xf32>
      %mul3A_3543 = arith.mulf %get3A_3542, %gather3A_3537 : vector<16xf32>
      %swap3A_3544 = arith.constant 67 : i32
      %swap3A_3545 = arith.index_cast %swap3A_3544 : i32 to index
      %swap3A_3546 = arith.constant 0 : index
      %swap3A_3547 = tpu.vector_load %arg13[%swap3A_3545, %swap3A_3546] {strides = array<i32>} : memref<80x64xf32, #tpu.memory_space<vmem>>, vector<1x16xf32>,
      %swap3A_3548 = vector.shape_cast %swap3A_3547 : vector<1x16xf32> to vector<16xf32>
      %swap3A_3549 = vector.shape_cast %mul3A_3543 : vector<16xf32> to vector<1x16xf32>
      tpu.vector_store %arg13[%swap3A_3545, %swap3A_3546], %swap3A_3549 {strides = array<i32>} : memref<80x64xf32, #tpu.memory_space<vmem>>, vector<1x16xf32>,
      %get3A_3550 = arith.constant 67 : i32
      %get3A_3551 = arith.index_cast %get3A_3550 : i32 to index
      %get3A_3552 = arith.constant 16 : index
      %get3A_3553 = tpu.vector_load %arg13[%get3A_3551, %get3A_3552] {strides = array<i32>} : memref<80x64xf32, #tpu.memory_space<vmem>>, vector<1x16xf32>,
      %get3A_3554 = vector.shape_cast %get3A_3553 : vector<1x16xf32> to vector<16xf32>
      %mul3A_3555 = arith.mulf %get3A_3554, %gather3A_3537 : vector<16xf32>
      %swap3A_3556 = arith.constant 67 : i32
      %swap3A_3557 = arith.index_cast %swap3A_3556 : i32 to index
      %swap3A_3558 = arith.constant 16 : index
      %swap3A_3559 = tpu.vector_load %arg13[%swap3A_3557, %swap3A_3558] {strides = array<i32>} : memref<80x64xf32, #tpu.memory_space<vmem>>, vector<1x16xf32>,
      %swap3A_3560 = vector.shape_cast %swap3A_3559 : vector<1x16xf32> to vector<16xf32>
      %swap3A_3561 = vector.shape_cast %mul3A_3555 : vector<16xf32> to vector<1x16xf32>
      tpu.vector_store %arg13[%swap3A_3557, %swap3A_3558], %swap3A_3561 {strides = array<i32>} : memref<80x64xf32, #tpu.memory_space<vmem>>, vector<1x16xf32>,
      %get3A_3562 = arith.constant 67 : i32
      %get3A_3563 = arith.index_cast %get3A_3562 : i32 to index
      %get3A_3564 = arith.constant 32 : index
      %get3A_3565 = tpu.vector_load %arg13[%get3A_3563, %get3A_3564] {strides = array<i32>} : memref<80x64xf32, #tpu.memory_space<vmem>>, vector<1x16xf32>,
      %get3A_3566 = vector.shape_cast %get3A_3565 : vector<1x16xf32> to vector<16xf32>
      %mul3A_3567 = arith.mulf %get3A_3566, %gather3A_3537 : vector<16xf32>
      %swap3A_3568 = arith.constant 67 : i32
      %swap3A_3569 = arith.index_cast %swap3A_3568 : i32 to index
      %swap3A_3570 = arith.constant 32 : index
      %swap3A_3571 = tpu.vector_load %arg13[%swap3A_3569, %swap3A_3570] {strides = array<i32>} : memref<80x64xf32, #tpu.memory_space<vmem>>, vector<1x16xf32>,
      %swap3A_3572 = vector.shape_cast %swap3A_3571 : vector<1x16xf32> to vector<16xf32>
      %swap3A_3573 = vector.shape_cast %mul3A_3567 : vector<16xf32> to vector<1x16xf32>
      tpu.vector_store %arg13[%swap3A_3569, %swap3A_3570], %swap3A_3573 {strides = array<i32>} : memref<80x64xf32, #tpu.memory_space<vmem>>, vector<1x16xf32>,
      %get3A_3574 = arith.constant 67 : i32
      %get3A_3575 = arith.index_cast %get3A_3574 : i32 to index
      %get3A_3576 = arith.constant 48 : index
      %get3A_3577 = tpu.vector_load %arg13[%get3A_3575, %get3A_3576] {strides = array<i32>} : memref<80x64xf32, #tpu.memory_space<vmem>>, vector<1x16xf32>,
      %get3A_3578 = vector.shape_cast %get3A_3577 : vector<1x16xf32> to vector<16xf32>
      %mul3A_3579 = arith.mulf %get3A_3578, %gather3A_3537 : vector<16xf32>
      %swap3A_3580 = arith.constant 67 : i32
      %swap3A_3581 = arith.index_cast %swap3A_3580 : i32 to index
      %swap3A_3582 = arith.constant 48 : index
      %swap3A_3583 = tpu.vector_load %arg13[%swap3A_3581, %swap3A_3582] {strides = array<i32>} : memref<80x64xf32, #tpu.memory_space<vmem>>, vector<1x16xf32>,
      %swap3A_3584 = vector.shape_cast %swap3A_3583 : vector<1x16xf32> to vector<16xf32>
      %swap3A_3585 = vector.shape_cast %mul3A_3579 : vector<16xf32> to vector<1x16xf32>
      tpu.vector_store %arg13[%swap3A_3581, %swap3A_3582], %swap3A_3585 {strides = array<i32>} : memref<80x64xf32, #tpu.memory_space<vmem>>, vector<1x16xf32>,
      %broadcast_in_dim3A_3586 = arith.constant 4 : i32
      %broadcast_in_dim3A_3587 = vector.broadcast %broadcast_in_dim3A_3586 : i32 to vector<16x1xi32>
      %gather3A_3588 = vector.shape_cast %broadcast_in_dim3A_3587 : vector<16x1xi32> to vector<16xi32>
      %gather3A_3589 = tpu.dynamic_gather %get3A_3377[%gather3A_3588] in [0] : vector<16xf32>, vector<16xi32> -> vector<16xf32>
      %get3A_3590 = arith.constant 68 : i32
      %get3A_3591 = arith.index_cast %get3A_3590 : i32 to index
      %get3A_3592 = arith.constant 0 : index
      %get3A_3593 = tpu.vector_load %arg13[%get3A_3591, %get3A_3592] {strides = array<i32>} : memref<80x64xf32, #tpu.memory_space<vmem>>, vector<1x16xf32>,
      %get3A_3594 = vector.shape_cast %get3A_3593 : vector<1x16xf32> to vector<16xf32>
      %mul3A_3595 = arith.mulf %get3A_3594, %gather3A_3589 : vector<16xf32>
      %swap3A_3596 = arith.constant 68 : i32
      %swap3A_3597 = arith.index_cast %swap3A_3596 : i32 to index
      %swap3A_3598 = arith.constant 0 : index
      %swap3A_3599 = tpu.vector_load %arg13[%swap3A_3597, %swap3A_3598] {strides = array<i32>} : memref<80x64xf32, #tpu.memory_space<vmem>>, vector<1x16xf32>,
      %swap3A_3600 = vector.shape_cast %swap3A_3599 : vector<1x16xf32> to vector<16xf32>
      %swap3A_3601 = vector.shape_cast %mul3A_3595 : vector<16xf32> to vector<1x16xf32>
      tpu.vector_store %arg13[%swap3A_3597, %swap3A_3598], %swap3A_3601 {strides = array<i32>} : memref<80x64xf32, #tpu.memory_space<vmem>>, vector<1x16xf32>,
      %get3A_3602 = arith.constant 68 : i32
      %get3A_3603 = arith.index_cast %get3A_3602 : i32 to index
      %get3A_3604 = arith.constant 16 : index
      %get3A_3605 = tpu.vector_load %arg13[%get3A_3603, %get3A_3604] {strides = array<i32>} : memref<80x64xf32, #tpu.memory_space<vmem>>, vector<1x16xf32>,
      %get3A_3606 = vector.shape_cast %get3A_3605 : vector<1x16xf32> to vector<16xf32>
      %mul3A_3607 = arith.mulf %get3A_3606, %gather3A_3589 : vector<16xf32>
      %swap3A_3608 = arith.constant 68 : i32
      %swap3A_3609 = arith.index_cast %swap3A_3608 : i32 to index
      %swap3A_3610 = arith.constant 16 : index
      %swap3A_3611 = tpu.vector_load %arg13[%swap3A_3609, %swap3A_3610] {strides = array<i32>} : memref<80x64xf32, #tpu.memory_space<vmem>>, vector<1x16xf32>,
      %swap3A_3612 = vector.shape_cast %swap3A_3611 : vector<1x16xf32> to vector<16xf32>
      %swap3A_3613 = vector.shape_cast %mul3A_3607 : vector<16xf32> to vector<1x16xf32>
      tpu.vector_store %arg13[%swap3A_3609, %swap3A_3610], %swap3A_3613 {strides = array<i32>} : memref<80x64xf32, #tpu.memory_space<vmem>>, vector<1x16xf32>,
      %get3A_3614 = arith.constant 68 : i32
      %get3A_3615 = arith.index_cast %get3A_3614 : i32 to index
      %get3A_3616 = arith.constant 32 : index
      %get3A_3617 = tpu.vector_load %arg13[%get3A_3615, %get3A_3616] {strides = array<i32>} : memref<80x64xf32, #tpu.memory_space<vmem>>, vector<1x16xf32>,
      %get3A_3618 = vector.shape_cast %get3A_3617 : vector<1x16xf32> to vector<16xf32>
      %mul3A_3619 = arith.mulf %get3A_3618, %gather3A_3589 : vector<16xf32>
      %swap3A_3620 = arith.constant 68 : i32
      %swap3A_3621 = arith.index_cast %swap3A_3620 : i32 to index
      %swap3A_3622 = arith.constant 32 : index
      %swap3A_3623 = tpu.vector_load %arg13[%swap3A_3621, %swap3A_3622] {strides = array<i32>} : memref<80x64xf32, #tpu.memory_space<vmem>>, vector<1x16xf32>,
      %swap3A_3624 = vector.shape_cast %swap3A_3623 : vector<1x16xf32> to vector<16xf32>
      %swap3A_3625 = vector.shape_cast %mul3A_3619 : vector<16xf32> to vector<1x16xf32>
      tpu.vector_store %arg13[%swap3A_3621, %swap3A_3622], %swap3A_3625 {strides = array<i32>} : memref<80x64xf32, #tpu.memory_space<vmem>>, vector<1x16xf32>,
      %get3A_3626 = arith.constant 68 : i32
      %get3A_3627 = arith.index_cast %get3A_3626 : i32 to index
      %get3A_3628 = arith.constant 48 : index
      %get3A_3629 = tpu.vector_load %arg13[%get3A_3627, %get3A_3628] {strides = array<i32>} : memref<80x64xf32, #tpu.memory_space<vmem>>, vector<1x16xf32>,
      %get3A_3630 = vector.shape_cast %get3A_3629 : vector<1x16xf32> to vector<16xf32>
      %mul3A_3631 = arith.mulf %get3A_3630, %gather3A_3589 : vector<16xf32>
      %swap3A_3632 = arith.constant 68 : i32
      %swap3A_3633 = arith.index_cast %swap3A_3632 : i32 to index
      %swap3A_3634 = arith.constant 48 : index
      %swap3A_3635 = tpu.vector_load %arg13[%swap3A_3633, %swap3A_3634] {strides = array<i32>} : memref<80x64xf32, #tpu.memory_space<vmem>>, vector<1x16xf32>,
      %swap3A_3636 = vector.shape_cast %swap3A_3635 : vector<1x16xf32> to vector<16xf32>
      %swap3A_3637 = vector.shape_cast %mul3A_3631 : vector<16xf32> to vector<1x16xf32>
      tpu.vector_store %arg13[%swap3A_3633, %swap3A_3634], %swap3A_3637 {strides = array<i32>} : memref<80x64xf32, #tpu.memory_space<vmem>>, vector<1x16xf32>,
      %broadcast_in_dim3A_3638 = arith.constant 5 : i32
      %broadcast_in_dim3A_3639 = vector.broadcast %broadcast_in_dim3A_3638 : i32 to vector<16x1xi32>
      %gather3A_3640 = vector.shape_cast %broadcast_in_dim3A_3639 : vector<16x1xi32> to vector<16xi32>
      %gather3A_3641 = tpu.dynamic_gather %get3A_3377[%gather3A_3640] in [0] : vector<16xf32>, vector<16xi32> -> vector<16xf32>
      %get3A_3642 = arith.constant 69 : i32
      %get3A_3643 = arith.index_cast %get3A_3642 : i32 to index
      %get3A_3644 = arith.constant 0 : index
      %get3A_3645 = tpu.vector_load %arg13[%get3A_3643, %get3A_3644] {strides = array<i32>} : memref<80x64xf32, #tpu.memory_space<vmem>>, vector<1x16xf32>,
      %get3A_3646 = vector.shape_cast %get3A_3645 : vector<1x16xf32> to vector<16xf32>
      %mul3A_3647 = arith.mulf %get3A_3646, %gather3A_3641 : vector<16xf32>
      %swap3A_3648 = arith.constant 69 : i32
      %swap3A_3649 = arith.index_cast %swap3A_3648 : i32 to index
      %swap3A_3650 = arith.constant 0 : index
      %swap3A_3651 = tpu.vector_load %arg13[%swap3A_3649, %swap3A_3650] {strides = array<i32>} : memref<80x64xf32, #tpu.memory_space<vmem>>, vector<1x16xf32>,
      %swap3A_3652 = vector.shape_cast %swap3A_3651 : vector<1x16xf32> to vector<16xf32>
      %swap3A_3653 = vector.shape_cast %mul3A_3647 : vector<16xf32> to vector<1x16xf32>
      tpu.vector_store %arg13[%swap3A_3649, %swap3A_3650], %swap3A_3653 {strides = array<i32>} : memref<80x64xf32, #tpu.memory_space<vmem>>, vector<1x16xf32>,
      %get3A_3654 = arith.constant 69 : i32
      %get3A_3655 = arith.index_cast %get3A_3654 : i32 to index
      %get3A_3656 = arith.constant 16 : index
      %get3A_3657 = tpu.vector_load %arg13[%get3A_3655, %get3A_3656] {strides = array<i32>} : memref<80x64xf32, #tpu.memory_space<vmem>>, vector<1x16xf32>,
      %get3A_3658 = vector.shape_cast %get3A_3657 : vector<1x16xf32> to vector<16xf32>
      %mul3A_3659 = arith.mulf %get3A_3658, %gather3A_3641 : vector<16xf32>
      %swap3A_3660 = arith.constant 69 : i32
      %swap3A_3661 = arith.index_cast %swap3A_3660 : i32 to index
      %swap3A_3662 = arith.constant 16 : index
      %swap3A_3663 = tpu.vector_load %arg13[%swap3A_3661, %swap3A_3662] {strides = array<i32>} : memref<80x64xf32, #tpu.memory_space<vmem>>, vector<1x16xf32>,
      %swap3A_3664 = vector.shape_cast %swap3A_3663 : vector<1x16xf32> to vector<16xf32>
      %swap3A_3665 = vector.shape_cast %mul3A_3659 : vector<16xf32> to vector<1x16xf32>
      tpu.vector_store %arg13[%swap3A_3661, %swap3A_3662], %swap3A_3665 {strides = array<i32>} : memref<80x64xf32, #tpu.memory_space<vmem>>, vector<1x16xf32>,
      %get3A_3666 = arith.constant 69 : i32
      %get3A_3667 = arith.index_cast %get3A_3666 : i32 to index
      %get3A_3668 = arith.constant 32 : index
      %get3A_3669 = tpu.vector_load %arg13[%get3A_3667, %get3A_3668] {strides = array<i32>} : memref<80x64xf32, #tpu.memory_space<vmem>>, vector<1x16xf32>,
      %get3A_3670 = vector.shape_cast %get3A_3669 : vector<1x16xf32> to vector<16xf32>
      %mul3A_3671 = arith.mulf %get3A_3670, %gather3A_3641 : vector<16xf32>
      %swap3A_3672 = arith.constant 69 : i32
      %swap3A_3673 = arith.index_cast %swap3A_3672 : i32 to index
      %swap3A_3674 = arith.constant 32 : index
      %swap3A_3675 = tpu.vector_load %arg13[%swap3A_3673, %swap3A_3674] {strides = array<i32>} : memref<80x64xf32, #tpu.memory_space<vmem>>, vector<1x16xf32>,
      %swap3A_3676 = vector.shape_cast %swap3A_3675 : vector<1x16xf32> to vector<16xf32>
      %swap3A_3677 = vector.shape_cast %mul3A_3671 : vector<16xf32> to vector<1x16xf32>
      tpu.vector_store %arg13[%swap3A_3673, %swap3A_3674], %swap3A_3677 {strides = array<i32>} : memref<80x64xf32, #tpu.memory_space<vmem>>, vector<1x16xf32>,
      %get3A_3678 = arith.constant 69 : i32
      %get3A_3679 = arith.index_cast %get3A_3678 : i32 to index
      %get3A_3680 = arith.constant 48 : index
      %get3A_3681 = tpu.vector_load %arg13[%get3A_3679, %get3A_3680] {strides = array<i32>} : memref<80x64xf32, #tpu.memory_space<vmem>>, vector<1x16xf32>,
      %get3A_3682 = vector.shape_cast %get3A_3681 : vector<1x16xf32> to vector<16xf32>
      %mul3A_3683 = arith.mulf %get3A_3682, %gather3A_3641 : vector<16xf32>
      %swap3A_3684 = arith.constant 69 : i32
      %swap3A_3685 = arith.index_cast %swap3A_3684 : i32 to index
      %swap3A_3686 = arith.constant 48 : index
      %swap3A_3687 = tpu.vector_load %arg13[%swap3A_3685, %swap3A_3686] {strides = array<i32>} : memref<80x64xf32, #tpu.memory_space<vmem>>, vector<1x16xf32>,
      %swap3A_3688 = vector.shape_cast %swap3A_3687 : vector<1x16xf32> to vector<16xf32>
      %swap3A_3689 = vector.shape_cast %mul3A_3683 : vector<16xf32> to vector<1x16xf32>
      tpu.vector_store %arg13[%swap3A_3685, %swap3A_3686], %swap3A_3689 {strides = array<i32>} : memref<80x64xf32, #tpu.memory_space<vmem>>, vector<1x16xf32>,
      %broadcast_in_dim3A_3690 = arith.constant 6 : i32
      %broadcast_in_dim3A_3691 = vector.broadcast %broadcast_in_dim3A_3690 : i32 to vector<16x1xi32>
      %gather3A_3692 = vector.shape_cast %broadcast_in_dim3A_3691 : vector<16x1xi32> to vector<16xi32>
      %gather3A_3693 = tpu.dynamic_gather %get3A_3377[%gather3A_3692] in [0] : vector<16xf32>, vector<16xi32> -> vector<16xf32>
      %get3A_3694 = arith.constant 70 : i32
      %get3A_3695 = arith.index_cast %get3A_3694 : i32 to index
      %get3A_3696 = arith.constant 0 : index
      %get3A_3697 = tpu.vector_load %arg13[%get3A_3695, %get3A_3696] {strides = array<i32>} : memref<80x64xf32, #tpu.memory_space<vmem>>, vector<1x16xf32>,
      %get3A_3698 = vector.shape_cast %get3A_3697 : vector<1x16xf32> to vector<16xf32>
      %mul3A_3699 = arith.mulf %get3A_3698, %gather3A_3693 : vector<16xf32>
      %swap3A_3700 = arith.constant 70 : i32
      %swap3A_3701 = arith.index_cast %swap3A_3700 : i32 to index
      %swap3A_3702 = arith.constant 0 : index
      %swap3A_3703 = tpu.vector_load %arg13[%swap3A_3701, %swap3A_3702] {strides = array<i32>} : memref<80x64xf32, #tpu.memory_space<vmem>>, vector<1x16xf32>,
      %swap3A_3704 = vector.shape_cast %swap3A_3703 : vector<1x16xf32> to vector<16xf32>
      %swap3A_3705 = vector.shape_cast %mul3A_3699 : vector<16xf32> to vector<1x16xf32>
      tpu.vector_store %arg13[%swap3A_3701, %swap3A_3702], %swap3A_3705 {strides = array<i32>} : memref<80x64xf32, #tpu.memory_space<vmem>>, vector<1x16xf32>,
      %get3A_3706 = arith.constant 70 : i32
      %get3A_3707 = arith.index_cast %get3A_3706 : i32 to index
      %get3A_3708 = arith.constant 16 : index
      %get3A_3709 = tpu.vector_load %arg13[%get3A_3707, %get3A_3708] {strides = array<i32>} : memref<80x64xf32, #tpu.memory_space<vmem>>, vector<1x16xf32>,
      %get3A_3710 = vector.shape_cast %get3A_3709 : vector<1x16xf32> to vector<16xf32>
      %mul3A_3711 = arith.mulf %get3A_3710, %gather3A_3693 : vector<16xf32>
      %swap3A_3712 = arith.constant 70 : i32
      %swap3A_3713 = arith.index_cast %swap3A_3712 : i32 to index
      %swap3A_3714 = arith.constant 16 : index
      %swap3A_3715 = tpu.vector_load %arg13[%swap3A_3713, %swap3A_3714] {strides = array<i32>} : memref<80x64xf32, #tpu.memory_space<vmem>>, vector<1x16xf32>,
      %swap3A_3716 = vector.shape_cast %swap3A_3715 : vector<1x16xf32> to vector<16xf32>
      %swap3A_3717 = vector.shape_cast %mul3A_3711 : vector<16xf32> to vector<1x16xf32>
      tpu.vector_store %arg13[%swap3A_3713, %swap3A_3714], %swap3A_3717 {strides = array<i32>} : memref<80x64xf32, #tpu.memory_space<vmem>>, vector<1x16xf32>,
      %get3A_3718 = arith.constant 70 : i32
      %get3A_3719 = arith.index_cast %get3A_3718 : i32 to index
      %get3A_3720 = arith.constant 32 : index
      %get3A_3721 = tpu.vector_load %arg13[%get3A_3719, %get3A_3720] {strides = array<i32>} : memref<80x64xf32, #tpu.memory_space<vmem>>, vector<1x16xf32>,
      %get3A_3722 = vector.shape_cast %get3A_3721 : vector<1x16xf32> to vector<16xf32>
      %mul3A_3723 = arith.mulf %get3A_3722, %gather3A_3693 : vector<16xf32>
      %swap3A_3724 = arith.constant 70 : i32
      %swap3A_3725 = arith.index_cast %swap3A_3724 : i32 to index
      %swap3A_3726 = arith.constant 32 : index
      %swap3A_3727 = tpu.vector_load %arg13[%swap3A_3725, %swap3A_3726] {strides = array<i32>} : memref<80x64xf32, #tpu.memory_space<vmem>>, vector<1x16xf32>,
      %swap3A_3728 = vector.shape_cast %swap3A_3727 : vector<1x16xf32> to vector<16xf32>
      %swap3A_3729 = vector.shape_cast %mul3A_3723 : vector<16xf32> to vector<1x16xf32>
      tpu.vector_store %arg13[%swap3A_3725, %swap3A_3726], %swap3A_3729 {strides = array<i32>} : memref<80x64xf32, #tpu.memory_space<vmem>>, vector<1x16xf32>,
      %get3A_3730 = arith.constant 70 : i32
      %get3A_3731 = arith.index_cast %get3A_3730 : i32 to index
      %get3A_3732 = arith.constant 48 : index
      %get3A_3733 = tpu.vector_load %arg13[%get3A_3731, %get3A_3732] {strides = array<i32>} : memref<80x64xf32, #tpu.memory_space<vmem>>, vector<1x16xf32>,
      %get3A_3734 = vector.shape_cast %get3A_3733 : vector<1x16xf32> to vector<16xf32>
      %mul3A_3735 = arith.mulf %get3A_3734, %gather3A_3693 : vector<16xf32>
      %swap3A_3736 = arith.constant 70 : i32
      %swap3A_3737 = arith.index_cast %swap3A_3736 : i32 to index
      %swap3A_3738 = arith.constant 48 : index
      %swap3A_3739 = tpu.vector_load %arg13[%swap3A_3737, %swap3A_3738] {strides = array<i32>} : memref<80x64xf32, #tpu.memory_space<vmem>>, vector<1x16xf32>,
      %swap3A_3740 = vector.shape_cast %swap3A_3739 : vector<1x16xf32> to vector<16xf32>
      %swap3A_3741 = vector.shape_cast %mul3A_3735 : vector<16xf32> to vector<1x16xf32>
      tpu.vector_store %arg13[%swap3A_3737, %swap3A_3738], %swap3A_3741 {strides = array<i32>} : memref<80x64xf32, #tpu.memory_space<vmem>>, vector<1x16xf32>,
      %broadcast_in_dim3A_3742 = arith.constant 7 : i32
      %broadcast_in_dim3A_3743 = vector.broadcast %broadcast_in_dim3A_3742 : i32 to vector<16x1xi32>
      %gather3A_3744 = vector.shape_cast %broadcast_in_dim3A_3743 : vector<16x1xi32> to vector<16xi32>
      %gather3A_3745 = tpu.dynamic_gather %get3A_3377[%gather3A_3744] in [0] : vector<16xf32>, vector<16xi32> -> vector<16xf32>
      %get3A_3746 = arith.constant 71 : i32
      %get3A_3747 = arith.index_cast %get3A_3746 : i32 to index
      %get3A_3748 = arith.constant 0 : index
      %get3A_3749 = tpu.vector_load %arg13[%get3A_3747, %get3A_3748] {strides = array<i32>} : memref<80x64xf32, #tpu.memory_space<vmem>>, vector<1x16xf32>,
      %get3A_3750 = vector.shape_cast %get3A_3749 : vector<1x16xf32> to vector<16xf32>
      %mul3A_3751 = arith.mulf %get3A_3750, %gather3A_3745 : vector<16xf32>
      %swap3A_3752 = arith.constant 71 : i32
      %swap3A_3753 = arith.index_cast %swap3A_3752 : i32 to index
      %swap3A_3754 = arith.constant 0 : index
      %swap3A_3755 = tpu.vector_load %arg13[%swap3A_3753, %swap3A_3754] {strides = array<i32>} : memref<80x64xf32, #tpu.memory_space<vmem>>, vector<1x16xf32>,
      %swap3A_3756 = vector.shape_cast %swap3A_3755 : vector<1x16xf32> to vector<16xf32>
      %swap3A_3757 = vector.shape_cast %mul3A_3751 : vector<16xf32> to vector<1x16xf32>
      tpu.vector_store %arg13[%swap3A_3753, %swap3A_3754], %swap3A_3757 {strides = array<i32>} : memref<80x64xf32, #tpu.memory_space<vmem>>, vector<1x16xf32>,
      %get3A_3758 = arith.constant 71 : i32
      %get3A_3759 = arith.index_cast %get3A_3758 : i32 to index
      %get3A_3760 = arith.constant 16 : index
      %get3A_3761 = tpu.vector_load %arg13[%get3A_3759, %get3A_3760] {strides = array<i32>} : memref<80x64xf32, #tpu.memory_space<vmem>>, vector<1x16xf32>,
      %get3A_3762 = vector.shape_cast %get3A_3761 : vector<1x16xf32> to vector<16xf32>
      %mul3A_3763 = arith.mulf %get3A_3762, %gather3A_3745 : vector<16xf32>
      %swap3A_3764 = arith.constant 71 : i32
      %swap3A_3765 = arith.index_cast %swap3A_3764 : i32 to index
      %swap3A_3766 = arith.constant 16 : index
      %swap3A_3767 = tpu.vector_load %arg13[%swap3A_3765, %swap3A_3766] {strides = array<i32>} : memref<80x64xf32, #tpu.memory_space<vmem>>, vector<1x16xf32>,
      %swap3A_3768 = vector.shape_cast %swap3A_3767 : vector<1x16xf32> to vector<16xf32>
      %swap3A_3769 = vector.shape_cast %mul3A_3763 : vector<16xf32> to vector<1x16xf32>
      tpu.vector_store %arg13[%swap3A_3765, %swap3A_3766], %swap3A_3769 {strides = array<i32>} : memref<80x64xf32, #tpu.memory_space<vmem>>, vector<1x16xf32>,
      %get3A_3770 = arith.constant 71 : i32
      %get3A_3771 = arith.index_cast %get3A_3770 : i32 to index
      %get3A_3772 = arith.constant 32 : index
      %get3A_3773 = tpu.vector_load %arg13[%get3A_3771, %get3A_3772] {strides = array<i32>} : memref<80x64xf32, #tpu.memory_space<vmem>>, vector<1x16xf32>,
      %get3A_3774 = vector.shape_cast %get3A_3773 : vector<1x16xf32> to vector<16xf32>
      %mul3A_3775 = arith.mulf %get3A_3774, %gather3A_3745 : vector<16xf32>
      %swap3A_3776 = arith.constant 71 : i32
      %swap3A_3777 = arith.index_cast %swap3A_3776 : i32 to index
      %swap3A_3778 = arith.constant 32 : index
      %swap3A_3779 = tpu.vector_load %arg13[%swap3A_3777, %swap3A_3778] {strides = array<i32>} : memref<80x64xf32, #tpu.memory_space<vmem>>, vector<1x16xf32>,
      %swap3A_3780 = vector.shape_cast %swap3A_3779 : vector<1x16xf32> to vector<16xf32>
      %swap3A_3781 = vector.shape_cast %mul3A_3775 : vector<16xf32> to vector<1x16xf32>
      tpu.vector_store %arg13[%swap3A_3777, %swap3A_3778], %swap3A_3781 {strides = array<i32>} : memref<80x64xf32, #tpu.memory_space<vmem>>, vector<1x16xf32>,
      %get3A_3782 = arith.constant 71 : i32
      %get3A_3783 = arith.index_cast %get3A_3782 : i32 to index
      %get3A_3784 = arith.constant 48 : index
      %get3A_3785 = tpu.vector_load %arg13[%get3A_3783, %get3A_3784] {strides = array<i32>} : memref<80x64xf32, #tpu.memory_space<vmem>>, vector<1x16xf32>,
      %get3A_3786 = vector.shape_cast %get3A_3785 : vector<1x16xf32> to vector<16xf32>
      %mul3A_3787 = arith.mulf %get3A_3786, %gather3A_3745 : vector<16xf32>
      %swap3A_3788 = arith.constant 71 : i32
      %swap3A_3789 = arith.index_cast %swap3A_3788 : i32 to index
      %swap3A_3790 = arith.constant 48 : index
      %swap3A_3791 = tpu.vector_load %arg13[%swap3A_3789, %swap3A_3790] {strides = array<i32>} : memref<80x64xf32, #tpu.memory_space<vmem>>, vector<1x16xf32>,
      %swap3A_3792 = vector.shape_cast %swap3A_3791 : vector<1x16xf32> to vector<16xf32>
      %swap3A_3793 = vector.shape_cast %mul3A_3787 : vector<16xf32> to vector<1x16xf32>
      tpu.vector_store %arg13[%swap3A_3789, %swap3A_3790], %swap3A_3793 {strides = array<i32>} : memref<80x64xf32, #tpu.memory_space<vmem>>, vector<1x16xf32>,
      %broadcast_in_dim3A_3794 = arith.constant 8 : i32
      %broadcast_in_dim3A_3795 = vector.broadcast %broadcast_in_dim3A_3794 : i32 to vector<16x1xi32>
      %gather3A_3796 = vector.shape_cast %broadcast_in_dim3A_3795 : vector<16x1xi32> to vector<16xi32>
      %gather3A_3797 = tpu.dynamic_gather %get3A_3377[%gather3A_3796] in [0] : vector<16xf32>, vector<16xi32> -> vector<16xf32>
      %get3A_3798 = arith.constant 72 : i32
      %get3A_3799 = arith.index_cast %get3A_3798 : i32 to index
      %get3A_3800 = arith.constant 0 : index
      %get3A_3801 = tpu.vector_load %arg13[%get3A_3799, %get3A_3800] {strides = array<i32>} : memref<80x64xf32, #tpu.memory_space<vmem>>, vector<1x16xf32>,
      %get3A_3802 = vector.shape_cast %get3A_3801 : vector<1x16xf32> to vector<16xf32>
      %mul3A_3803 = arith.mulf %get3A_3802, %gather3A_3797 : vector<16xf32>
      %swap3A_3804 = arith.constant 72 : i32
      %swap3A_3805 = arith.index_cast %swap3A_3804 : i32 to index
      %swap3A_3806 = arith.constant 0 : index
      %swap3A_3807 = tpu.vector_load %arg13[%swap3A_3805, %swap3A_3806] {strides = array<i32>} : memref<80x64xf32, #tpu.memory_space<vmem>>, vector<1x16xf32>,
      %swap3A_3808 = vector.shape_cast %swap3A_3807 : vector<1x16xf32> to vector<16xf32>
      %swap3A_3809 = vector.shape_cast %mul3A_3803 : vector<16xf32> to vector<1x16xf32>
      tpu.vector_store %arg13[%swap3A_3805, %swap3A_3806], %swap3A_3809 {strides = array<i32>} : memref<80x64xf32, #tpu.memory_space<vmem>>, vector<1x16xf32>,
      %get3A_3810 = arith.constant 72 : i32
      %get3A_3811 = arith.index_cast %get3A_3810 : i32 to index
      %get3A_3812 = arith.constant 16 : index
      %get3A_3813 = tpu.vector_load %arg13[%get3A_3811, %get3A_3812] {strides = array<i32>} : memref<80x64xf32, #tpu.memory_space<vmem>>, vector<1x16xf32>,
      %get3A_3814 = vector.shape_cast %get3A_3813 : vector<1x16xf32> to vector<16xf32>
      %mul3A_3815 = arith.mulf %get3A_3814, %gather3A_3797 : vector<16xf32>
      %swap3A_3816 = arith.constant 72 : i32
      %swap3A_3817 = arith.index_cast %swap3A_3816 : i32 to index
      %swap3A_3818 = arith.constant 16 : index
      %swap3A_3819 = tpu.vector_load %arg13[%swap3A_3817, %swap3A_3818] {strides = array<i32>} : memref<80x64xf32, #tpu.memory_space<vmem>>, vector<1x16xf32>,
      %swap3A_3820 = vector.shape_cast %swap3A_3819 : vector<1x16xf32> to vector<16xf32>
      %swap3A_3821 = vector.shape_cast %mul3A_3815 : vector<16xf32> to vector<1x16xf32>
      tpu.vector_store %arg13[%swap3A_3817, %swap3A_3818], %swap3A_3821 {strides = array<i32>} : memref<80x64xf32, #tpu.memory_space<vmem>>, vector<1x16xf32>,
      %get3A_3822 = arith.constant 72 : i32
      %get3A_3823 = arith.index_cast %get3A_3822 : i32 to index
      %get3A_3824 = arith.constant 32 : index
      %get3A_3825 = tpu.vector_load %arg13[%get3A_3823, %get3A_3824] {strides = array<i32>} : memref<80x64xf32, #tpu.memory_space<vmem>>, vector<1x16xf32>,
      %get3A_3826 = vector.shape_cast %get3A_3825 : vector<1x16xf32> to vector<16xf32>
      %mul3A_3827 = arith.mulf %get3A_3826, %gather3A_3797 : vector<16xf32>
      %swap3A_3828 = arith.constant 72 : i32
      %swap3A_3829 = arith.index_cast %swap3A_3828 : i32 to index
      %swap3A_3830 = arith.constant 32 : index
      %swap3A_3831 = tpu.vector_load %arg13[%swap3A_3829, %swap3A_3830] {strides = array<i32>} : memref<80x64xf32, #tpu.memory_space<vmem>>, vector<1x16xf32>,
      %swap3A_3832 = vector.shape_cast %swap3A_3831 : vector<1x16xf32> to vector<16xf32>
      %swap3A_3833 = vector.shape_cast %mul3A_3827 : vector<16xf32> to vector<1x16xf32>
      tpu.vector_store %arg13[%swap3A_3829, %swap3A_3830], %swap3A_3833 {strides = array<i32>} : memref<80x64xf32, #tpu.memory_space<vmem>>, vector<1x16xf32>,
      %get3A_3834 = arith.constant 72 : i32
      %get3A_3835 = arith.index_cast %get3A_3834 : i32 to index
      %get3A_3836 = arith.constant 48 : index
      %get3A_3837 = tpu.vector_load %arg13[%get3A_3835, %get3A_3836] {strides = array<i32>} : memref<80x64xf32, #tpu.memory_space<vmem>>, vector<1x16xf32>,
      %get3A_3838 = vector.shape_cast %get3A_3837 : vector<1x16xf32> to vector<16xf32>
      %mul3A_3839 = arith.mulf %get3A_3838, %gather3A_3797 : vector<16xf32>
      %swap3A_3840 = arith.constant 72 : i32
      %swap3A_3841 = arith.index_cast %swap3A_3840 : i32 to index
      %swap3A_3842 = arith.constant 48 : index
      %swap3A_3843 = tpu.vector_load %arg13[%swap3A_3841, %swap3A_3842] {strides = array<i32>} : memref<80x64xf32, #tpu.memory_space<vmem>>, vector<1x16xf32>,
      %swap3A_3844 = vector.shape_cast %swap3A_3843 : vector<1x16xf32> to vector<16xf32>
      %swap3A_3845 = vector.shape_cast %mul3A_3839 : vector<16xf32> to vector<1x16xf32>
      tpu.vector_store %arg13[%swap3A_3841, %swap3A_3842], %swap3A_3845 {strides = array<i32>} : memref<80x64xf32, #tpu.memory_space<vmem>>, vector<1x16xf32>,
      %broadcast_in_dim3A_3846 = arith.constant 9 : i32
      %broadcast_in_dim3A_3847 = vector.broadcast %broadcast_in_dim3A_3846 : i32 to vector<16x1xi32>
      %gather3A_3848 = vector.shape_cast %broadcast_in_dim3A_3847 : vector<16x1xi32> to vector<16xi32>
      %gather3A_3849 = tpu.dynamic_gather %get3A_3377[%gather3A_3848] in [0] : vector<16xf32>, vector<16xi32> -> vector<16xf32>
      %get3A_3850 = arith.constant 73 : i32
      %get3A_3851 = arith.index_cast %get3A_3850 : i32 to index
      %get3A_3852 = arith.constant 0 : index
      %get3A_3853 = tpu.vector_load %arg13[%get3A_3851, %get3A_3852] {strides = array<i32>} : memref<80x64xf32, #tpu.memory_space<vmem>>, vector<1x16xf32>,
      %get3A_3854 = vector.shape_cast %get3A_3853 : vector<1x16xf32> to vector<16xf32>
      %mul3A_3855 = arith.mulf %get3A_3854, %gather3A_3849 : vector<16xf32>
      %swap3A_3856 = arith.constant 73 : i32
      %swap3A_3857 = arith.index_cast %swap3A_3856 : i32 to index
      %swap3A_3858 = arith.constant 0 : index
      %swap3A_3859 = tpu.vector_load %arg13[%swap3A_3857, %swap3A_3858] {strides = array<i32>} : memref<80x64xf32, #tpu.memory_space<vmem>>, vector<1x16xf32>,
      %swap3A_3860 = vector.shape_cast %swap3A_3859 : vector<1x16xf32> to vector<16xf32>
      %swap3A_3861 = vector.shape_cast %mul3A_3855 : vector<16xf32> to vector<1x16xf32>
      tpu.vector_store %arg13[%swap3A_3857, %swap3A_3858], %swap3A_3861 {strides = array<i32>} : memref<80x64xf32, #tpu.memory_space<vmem>>, vector<1x16xf32>,
      %get3A_3862 = arith.constant 73 : i32
      %get3A_3863 = arith.index_cast %get3A_3862 : i32 to index
      %get3A_3864 = arith.constant 16 : index
      %get3A_3865 = tpu.vector_load %arg13[%get3A_3863, %get3A_3864] {strides = array<i32>} : memref<80x64xf32, #tpu.memory_space<vmem>>, vector<1x16xf32>,
      %get3A_3866 = vector.shape_cast %get3A_3865 : vector<1x16xf32> to vector<16xf32>
      %mul3A_3867 = arith.mulf %get3A_3866, %gather3A_3849 : vector<16xf32>
      %swap3A_3868 = arith.constant 73 : i32
      %swap3A_3869 = arith.index_cast %swap3A_3868 : i32 to index
      %swap3A_3870 = arith.constant 16 : index
      %swap3A_3871 = tpu.vector_load %arg13[%swap3A_3869, %swap3A_3870] {strides = array<i32>} : memref<80x64xf32, #tpu.memory_space<vmem>>, vector<1x16xf32>,
      %swap3A_3872 = vector.shape_cast %swap3A_3871 : vector<1x16xf32> to vector<16xf32>
      %swap3A_3873 = vector.shape_cast %mul3A_3867 : vector<16xf32> to vector<1x16xf32>
      tpu.vector_store %arg13[%swap3A_3869, %swap3A_3870], %swap3A_3873 {strides = array<i32>} : memref<80x64xf32, #tpu.memory_space<vmem>>, vector<1x16xf32>,
      %get3A_3874 = arith.constant 73 : i32
      %get3A_3875 = arith.index_cast %get3A_3874 : i32 to index
      %get3A_3876 = arith.constant 32 : index
      %get3A_3877 = tpu.vector_load %arg13[%get3A_3875, %get3A_3876] {strides = array<i32>} : memref<80x64xf32, #tpu.memory_space<vmem>>, vector<1x16xf32>,
      %get3A_3878 = vector.shape_cast %get3A_3877 : vector<1x16xf32> to vector<16xf32>
      %mul3A_3879 = arith.mulf %get3A_3878, %gather3A_3849 : vector<16xf32>
      %swap3A_3880 = arith.constant 73 : i32
      %swap3A_3881 = arith.index_cast %swap3A_3880 : i32 to index
      %swap3A_3882 = arith.constant 32 : index
      %swap3A_3883 = tpu.vector_load %arg13[%swap3A_3881, %swap3A_3882] {strides = array<i32>} : memref<80x64xf32, #tpu.memory_space<vmem>>, vector<1x16xf32>,
      %swap3A_3884 = vector.shape_cast %swap3A_3883 : vector<1x16xf32> to vector<16xf32>
      %swap3A_3885 = vector.shape_cast %mul3A_3879 : vector<16xf32> to vector<1x16xf32>
      tpu.vector_store %arg13[%swap3A_3881, %swap3A_3882], %swap3A_3885 {strides = array<i32>} : memref<80x64xf32, #tpu.memory_space<vmem>>, vector<1x16xf32>,
      %get3A_3886 = arith.constant 73 : i32
      %get3A_3887 = arith.index_cast %get3A_3886 : i32 to index
      %get3A_3888 = arith.constant 48 : index
      %get3A_3889 = tpu.vector_load %arg13[%get3A_3887, %get3A_3888] {strides = array<i32>} : memref<80x64xf32, #tpu.memory_space<vmem>>, vector<1x16xf32>,
      %get3A_3890 = vector.shape_cast %get3A_3889 : vector<1x16xf32> to vector<16xf32>
      %mul3A_3891 = arith.mulf %get3A_3890, %gather3A_3849 : vector<16xf32>
      %swap3A_3892 = arith.constant 73 : i32
      %swap3A_3893 = arith.index_cast %swap3A_3892 : i32 to index
      %swap3A_3894 = arith.constant 48 : index
      %swap3A_3895 = tpu.vector_load %arg13[%swap3A_3893, %swap3A_3894] {strides = array<i32>} : memref<80x64xf32, #tpu.memory_space<vmem>>, vector<1x16xf32>,
      %swap3A_3896 = vector.shape_cast %swap3A_3895 : vector<1x16xf32> to vector<16xf32>
      %swap3A_3897 = vector.shape_cast %mul3A_3891 : vector<16xf32> to vector<1x16xf32>
      tpu.vector_store %arg13[%swap3A_3893, %swap3A_3894], %swap3A_3897 {strides = array<i32>} : memref<80x64xf32, #tpu.memory_space<vmem>>, vector<1x16xf32>,
      %broadcast_in_dim3A_3898 = arith.constant 10 : i32
      %broadcast_in_dim3A_3899 = vector.broadcast %broadcast_in_dim3A_3898 : i32 to vector<16x1xi32>
      %gather3A_3900 = vector.shape_cast %broadcast_in_dim3A_3899 : vector<16x1xi32> to vector<16xi32>
      %gather3A_3901 = tpu.dynamic_gather %get3A_3377[%gather3A_3900] in [0] : vector<16xf32>, vector<16xi32> -> vector<16xf32>
      %get3A_3902 = arith.constant 74 : i32
      %get3A_3903 = arith.index_cast %get3A_3902 : i32 to index
      %get3A_3904 = arith.constant 0 : index
      %get3A_3905 = tpu.vector_load %arg13[%get3A_3903, %get3A_3904] {strides = array<i32>} : memref<80x64xf32, #tpu.memory_space<vmem>>, vector<1x16xf32>,
      %get3A_3906 = vector.shape_cast %get3A_3905 : vector<1x16xf32> to vector<16xf32>
      %mul3A_3907 = arith.mulf %get3A_3906, %gather3A_3901 : vector<16xf32>
      %swap3A_3908 = arith.constant 74 : i32
      %swap3A_3909 = arith.index_cast %swap3A_3908 : i32 to index
      %swap3A_3910 = arith.constant 0 : index
      %swap3A_3911 = tpu.vector_load %arg13[%swap3A_3909, %swap3A_3910] {strides = array<i32>} : memref<80x64xf32, #tpu.memory_space<vmem>>, vector<1x16xf32>,
      %swap3A_3912 = vector.shape_cast %swap3A_3911 : vector<1x16xf32> to vector<16xf32>
      %swap3A_3913 = vector.shape_cast %mul3A_3907 : vector<16xf32> to vector<1x16xf32>
      tpu.vector_store %arg13[%swap3A_3909, %swap3A_3910], %swap3A_3913 {strides = array<i32>} : memref<80x64xf32, #tpu.memory_space<vmem>>, vector<1x16xf32>,
      %get3A_3914 = arith.constant 74 : i32
      %get3A_3915 = arith.index_cast %get3A_3914 : i32 to index
      %get3A_3916 = arith.constant 16 : index
      %get3A_3917 = tpu.vector_load %arg13[%get3A_3915, %get3A_3916] {strides = array<i32>} : memref<80x64xf32, #tpu.memory_space<vmem>>, vector<1x16xf32>,
      %get3A_3918 = vector.shape_cast %get3A_3917 : vector<1x16xf32> to vector<16xf32>
      %mul3A_3919 = arith.mulf %get3A_3918, %gather3A_3901 : vector<16xf32>
      %swap3A_3920 = arith.constant 74 : i32
      %swap3A_3921 = arith.index_cast %swap3A_3920 : i32 to index
      %swap3A_3922 = arith.constant 16 : index
      %swap3A_3923 = tpu.vector_load %arg13[%swap3A_3921, %swap3A_3922] {strides = array<i32>} : memref<80x64xf32, #tpu.memory_space<vmem>>, vector<1x16xf32>,
      %swap3A_3924 = vector.shape_cast %swap3A_3923 : vector<1x16xf32> to vector<16xf32>
      %swap3A_3925 = vector.shape_cast %mul3A_3919 : vector<16xf32> to vector<1x16xf32>
      tpu.vector_store %arg13[%swap3A_3921, %swap3A_3922], %swap3A_3925 {strides = array<i32>} : memref<80x64xf32, #tpu.memory_space<vmem>>, vector<1x16xf32>,
      %get3A_3926 = arith.constant 74 : i32
      %get3A_3927 = arith.index_cast %get3A_3926 : i32 to index
      %get3A_3928 = arith.constant 32 : index
      %get3A_3929 = tpu.vector_load %arg13[%get3A_3927, %get3A_3928] {strides = array<i32>} : memref<80x64xf32, #tpu.memory_space<vmem>>, vector<1x16xf32>,
      %get3A_3930 = vector.shape_cast %get3A_3929 : vector<1x16xf32> to vector<16xf32>
      %mul3A_3931 = arith.mulf %get3A_3930, %gather3A_3901 : vector<16xf32>
      %swap3A_3932 = arith.constant 74 : i32
      %swap3A_3933 = arith.index_cast %swap3A_3932 : i32 to index
      %swap3A_3934 = arith.constant 32 : index
      %swap3A_3935 = tpu.vector_load %arg13[%swap3A_3933, %swap3A_3934] {strides = array<i32>} : memref<80x64xf32, #tpu.memory_space<vmem>>, vector<1x16xf32>,
      %swap3A_3936 = vector.shape_cast %swap3A_3935 : vector<1x16xf32> to vector<16xf32>
      %swap3A_3937 = vector.shape_cast %mul3A_3931 : vector<16xf32> to vector<1x16xf32>
      tpu.vector_store %arg13[%swap3A_3933, %swap3A_3934], %swap3A_3937 {strides = array<i32>} : memref<80x64xf32, #tpu.memory_space<vmem>>, vector<1x16xf32>,
      %get3A_3938 = arith.constant 74 : i32
      %get3A_3939 = arith.index_cast %get3A_3938 : i32 to index
      %get3A_3940 = arith.constant 48 : index
      %get3A_3941 = tpu.vector_load %arg13[%get3A_3939, %get3A_3940] {strides = array<i32>} : memref<80x64xf32, #tpu.memory_space<vmem>>, vector<1x16xf32>,
      %get3A_3942 = vector.shape_cast %get3A_3941 : vector<1x16xf32> to vector<16xf32>
      %mul3A_3943 = arith.mulf %get3A_3942, %gather3A_3901 : vector<16xf32>
      %swap3A_3944 = arith.constant 74 : i32
      %swap3A_3945 = arith.index_cast %swap3A_3944 : i32 to index
      %swap3A_3946 = arith.constant 48 : index
      %swap3A_3947 = tpu.vector_load %arg13[%swap3A_3945, %swap3A_3946] {strides = array<i32>} : memref<80x64xf32, #tpu.memory_space<vmem>>, vector<1x16xf32>,
      %swap3A_3948 = vector.shape_cast %swap3A_3947 : vector<1x16xf32> to vector<16xf32>
      %swap3A_3949 = vector.shape_cast %mul3A_3943 : vector<16xf32> to vector<1x16xf32>
      tpu.vector_store %arg13[%swap3A_3945, %swap3A_3946], %swap3A_3949 {strides = array<i32>} : memref<80x64xf32, #tpu.memory_space<vmem>>, vector<1x16xf32>,
      %broadcast_in_dim3A_3950 = arith.constant 11 : i32
      %broadcast_in_dim3A_3951 = vector.broadcast %broadcast_in_dim3A_3950 : i32 to vector<16x1xi32>
      %gather3A_3952 = vector.shape_cast %broadcast_in_dim3A_3951 : vector<16x1xi32> to vector<16xi32>
      %gather3A_3953 = tpu.dynamic_gather %get3A_3377[%gather3A_3952] in [0] : vector<16xf32>, vector<16xi32> -> vector<16xf32>
      %get3A_3954 = arith.constant 75 : i32
      %get3A_3955 = arith.index_cast %get3A_3954 : i32 to index
      %get3A_3956 = arith.constant 0 : index
      %get3A_3957 = tpu.vector_load %arg13[%get3A_3955, %get3A_3956] {strides = array<i32>} : memref<80x64xf32, #tpu.memory_space<vmem>>, vector<1x16xf32>,
      %get3A_3958 = vector.shape_cast %get3A_3957 : vector<1x16xf32> to vector<16xf32>
      %mul3A_3959 = arith.mulf %get3A_3958, %gather3A_3953 : vector<16xf32>
      %swap3A_3960 = arith.constant 75 : i32
      %swap3A_3961 = arith.index_cast %swap3A_3960 : i32 to index
      %swap3A_3962 = arith.constant 0 : index
      %swap3A_3963 = tpu.vector_load %arg13[%swap3A_3961, %swap3A_3962] {strides = array<i32>} : memref<80x64xf32, #tpu.memory_space<vmem>>, vector<1x16xf32>,
      %swap3A_3964 = vector.shape_cast %swap3A_3963 : vector<1x16xf32> to vector<16xf32>
      %swap3A_3965 = vector.shape_cast %mul3A_3959 : vector<16xf32> to vector<1x16xf32>
      tpu.vector_store %arg13[%swap3A_3961, %swap3A_3962], %swap3A_3965 {strides = array<i32>} : memref<80x64xf32, #tpu.memory_space<vmem>>, vector<1x16xf32>,
      %get3A_3966 = arith.constant 75 : i32
      %get3A_3967 = arith.index_cast %get3A_3966 : i32 to index
      %get3A_3968 = arith.constant 16 : index
      %get3A_3969 = tpu.vector_load %arg13[%get3A_3967, %get3A_3968] {strides = array<i32>} : memref<80x64xf32, #tpu.memory_space<vmem>>, vector<1x16xf32>,
      %get3A_3970 = vector.shape_cast %get3A_3969 : vector<1x16xf32> to vector<16xf32>
      %mul3A_3971 = arith.mulf %get3A_3970, %gather3A_3953 : vector<16xf32>
      %swap3A_3972 = arith.constant 75 : i32
      %swap3A_3973 = arith.index_cast %swap3A_3972 : i32 to index
      %swap3A_3974 = arith.constant 16 : index
      %swap3A_3975 = tpu.vector_load %arg13[%swap3A_3973, %swap3A_3974] {strides = array<i32>} : memref<80x64xf32, #tpu.memory_space<vmem>>, vector<1x16xf32>,
      %swap3A_3976 = vector.shape_cast %swap3A_3975 : vector<1x16xf32> to vector<16xf32>
      %swap3A_3977 = vector.shape_cast %mul3A_3971 : vector<16xf32> to vector<1x16xf32>
      tpu.vector_store %arg13[%swap3A_3973, %swap3A_3974], %swap3A_3977 {strides = array<i32>} : memref<80x64xf32, #tpu.memory_space<vmem>>, vector<1x16xf32>,
      %get3A_3978 = arith.constant 75 : i32
      %get3A_3979 = arith.index_cast %get3A_3978 : i32 to index
      %get3A_3980 = arith.constant 32 : index
      %get3A_3981 = tpu.vector_load %arg13[%get3A_3979, %get3A_3980] {strides = array<i32>} : memref<80x64xf32, #tpu.memory_space<vmem>>, vector<1x16xf32>,
      %get3A_3982 = vector.shape_cast %get3A_3981 : vector<1x16xf32> to vector<16xf32>
      %mul3A_3983 = arith.mulf %get3A_3982, %gather3A_3953 : vector<16xf32>
      %swap3A_3984 = arith.constant 75 : i32
      %swap3A_3985 = arith.index_cast %swap3A_3984 : i32 to index
      %swap3A_3986 = arith.constant 32 : index
      %swap3A_3987 = tpu.vector_load %arg13[%swap3A_3985, %swap3A_3986] {strides = array<i32>} : memref<80x64xf32, #tpu.memory_space<vmem>>, vector<1x16xf32>,
      %swap3A_3988 = vector.shape_cast %swap3A_3987 : vector<1x16xf32> to vector<16xf32>
      %swap3A_3989 = vector.shape_cast %mul3A_3983 : vector<16xf32> to vector<1x16xf32>
      tpu.vector_store %arg13[%swap3A_3985, %swap3A_3986], %swap3A_3989 {strides = array<i32>} : memref<80x64xf32, #tpu.memory_space<vmem>>, vector<1x16xf32>,
      %get3A_3990 = arith.constant 75 : i32
      %get3A_3991 = arith.index_cast %get3A_3990 : i32 to index
      %get3A_3992 = arith.constant 48 : index
      %get3A_3993 = tpu.vector_load %arg13[%get3A_3991, %get3A_3992] {strides = array<i32>} : memref<80x64xf32, #tpu.memory_space<vmem>>, vector<1x16xf32>,
      %get3A_3994 = vector.shape_cast %get3A_3993 : vector<1x16xf32> to vector<16xf32>
      %mul3A_3995 = arith.mulf %get3A_3994, %gather3A_3953 : vector<16xf32>
      %swap3A_3996 = arith.constant 75 : i32
      %swap3A_3997 = arith.index_cast %swap3A_3996 : i32 to index
      %swap3A_3998 = arith.constant 48 : index
      %swap3A_3999 = tpu.vector_load %arg13[%swap3A_3997, %swap3A_3998] {strides = array<i32>} : memref<80x64xf32, #tpu.memory_space<vmem>>, vector<1x16xf32>,
      %swap3A_4000 = vector.shape_cast %swap3A_3999 : vector<1x16xf32> to vector<16xf32>
      %swap3A_4001 = vector.shape_cast %mul3A_3995 : vector<16xf32> to vector<1x16xf32>
      tpu.vector_store %arg13[%swap3A_3997, %swap3A_3998], %swap3A_4001 {strides = array<i32>} : memref<80x64xf32, #tpu.memory_space<vmem>>, vector<1x16xf32>,
      %broadcast_in_dim3A_4002 = arith.constant 12 : i32
      %broadcast_in_dim3A_4003 = vector.broadcast %broadcast_in_dim3A_4002 : i32 to vector<16x1xi32>
      %gather3A_4004 = vector.shape_cast %broadcast_in_dim3A_4003 : vector<16x1xi32> to vector<16xi32>
      %gather3A_4005 = tpu.dynamic_gather %get3A_3377[%gather3A_4004] in [0] : vector<16xf32>, vector<16xi32> -> vector<16xf32>
      %get3A_4006 = arith.constant 76 : i32
      %get3A_4007 = arith.index_cast %get3A_4006 : i32 to index
      %get3A_4008 = arith.constant 0 : index
      %get3A_4009 = tpu.vector_load %arg13[%get3A_4007, %get3A_4008] {strides = array<i32>} : memref<80x64xf32, #tpu.memory_space<vmem>>, vector<1x16xf32>,
      %get3A_4010 = vector.shape_cast %get3A_4009 : vector<1x16xf32> to vector<16xf32>
      %mul3A_4011 = arith.mulf %get3A_4010, %gather3A_4005 : vector<16xf32>
      %swap3A_4012 = arith.constant 76 : i32
      %swap3A_4013 = arith.index_cast %swap3A_4012 : i32 to index
      %swap3A_4014 = arith.constant 0 : index
      %swap3A_4015 = tpu.vector_load %arg13[%swap3A_4013, %swap3A_4014] {strides = array<i32>} : memref<80x64xf32, #tpu.memory_space<vmem>>, vector<1x16xf32>,
      %swap3A_4016 = vector.shape_cast %swap3A_4015 : vector<1x16xf32> to vector<16xf32>
      %swap3A_4017 = vector.shape_cast %mul3A_4011 : vector<16xf32> to vector<1x16xf32>
      tpu.vector_store %arg13[%swap3A_4013, %swap3A_4014], %swap3A_4017 {strides = array<i32>} : memref<80x64xf32, #tpu.memory_space<vmem>>, vector<1x16xf32>,
      %get3A_4018 = arith.constant 76 : i32
      %get3A_4019 = arith.index_cast %get3A_4018 : i32 to index
      %get3A_4020 = arith.constant 16 : index
      %get3A_4021 = tpu.vector_load %arg13[%get3A_4019, %get3A_4020] {strides = array<i32>} : memref<80x64xf32, #tpu.memory_space<vmem>>, vector<1x16xf32>,
      %get3A_4022 = vector.shape_cast %get3A_4021 : vector<1x16xf32> to vector<16xf32>
      %mul3A_4023 = arith.mulf %get3A_4022, %gather3A_4005 : vector<16xf32>
      %swap3A_4024 = arith.constant 76 : i32
      %swap3A_4025 = arith.index_cast %swap3A_4024 : i32 to index
      %swap3A_4026 = arith.constant 16 : index
      %swap3A_4027 = tpu.vector_load %arg13[%swap3A_4025, %swap3A_4026] {strides = array<i32>} : memref<80x64xf32, #tpu.memory_space<vmem>>, vector<1x16xf32>,
      %swap3A_4028 = vector.shape_cast %swap3A_4027 : vector<1x16xf32> to vector<16xf32>
      %swap3A_4029 = vector.shape_cast %mul3A_4023 : vector<16xf32> to vector<1x16xf32>
      tpu.vector_store %arg13[%swap3A_4025, %swap3A_4026], %swap3A_4029 {strides = array<i32>} : memref<80x64xf32, #tpu.memory_space<vmem>>, vector<1x16xf32>,
      %get3A_4030 = arith.constant 76 : i32
      %get3A_4031 = arith.index_cast %get3A_4030 : i32 to index
      %get3A_4032 = arith.constant 32 : index
      %get3A_4033 = tpu.vector_load %arg13[%get3A_4031, %get3A_4032] {strides = array<i32>} : memref<80x64xf32, #tpu.memory_space<vmem>>, vector<1x16xf32>,
      %get3A_4034 = vector.shape_cast %get3A_4033 : vector<1x16xf32> to vector<16xf32>
      %mul3A_4035 = arith.mulf %get3A_4034, %gather3A_4005 : vector<16xf32>
      %swap3A_4036 = arith.constant 76 : i32
      %swap3A_4037 = arith.index_cast %swap3A_4036 : i32 to index
      %swap3A_4038 = arith.constant 32 : index
      %swap3A_4039 = tpu.vector_load %arg13[%swap3A_4037, %swap3A_4038] {strides = array<i32>} : memref<80x64xf32, #tpu.memory_space<vmem>>, vector<1x16xf32>,
      %swap3A_4040 = vector.shape_cast %swap3A_4039 : vector<1x16xf32> to vector<16xf32>
      %swap3A_4041 = vector.shape_cast %mul3A_4035 : vector<16xf32> to vector<1x16xf32>
      tpu.vector_store %arg13[%swap3A_4037, %swap3A_4038], %swap3A_4041 {strides = array<i32>} : memref<80x64xf32, #tpu.memory_space<vmem>>, vector<1x16xf32>,
      %get3A_4042 = arith.constant 76 : i32
      %get3A_4043 = arith.index_cast %get3A_4042 : i32 to index
      %get3A_4044 = arith.constant 48 : index
      %get3A_4045 = tpu.vector_load %arg13[%get3A_4043, %get3A_4044] {strides = array<i32>} : memref<80x64xf32, #tpu.memory_space<vmem>>, vector<1x16xf32>,
      %get3A_4046 = vector.shape_cast %get3A_4045 : vector<1x16xf32> to vector<16xf32>
      %mul3A_4047 = arith.mulf %get3A_4046, %gather3A_4005 : vector<16xf32>
      %swap3A_4048 = arith.constant 76 : i32
      %swap3A_4049 = arith.index_cast %swap3A_4048 : i32 to index
      %swap3A_4050 = arith.constant 48 : index
      %swap3A_4051 = tpu.vector_load %arg13[%swap3A_4049, %swap3A_4050] {strides = array<i32>} : memref<80x64xf32, #tpu.memory_space<vmem>>, vector<1x16xf32>,
      %swap3A_4052 = vector.shape_cast %swap3A_4051 : vector<1x16xf32> to vector<16xf32>
      %swap3A_4053 = vector.shape_cast %mul3A_4047 : vector<16xf32> to vector<1x16xf32>
      tpu.vector_store %arg13[%swap3A_4049, %swap3A_4050], %swap3A_4053 {strides = array<i32>} : memref<80x64xf32, #tpu.memory_space<vmem>>, vector<1x16xf32>,
      %broadcast_in_dim3A_4054 = arith.constant 13 : i32
      %broadcast_in_dim3A_4055 = vector.broadcast %broadcast_in_dim3A_4054 : i32 to vector<16x1xi32>
      %gather3A_4056 = vector.shape_cast %broadcast_in_dim3A_4055 : vector<16x1xi32> to vector<16xi32>
      %gather3A_4057 = tpu.dynamic_gather %get3A_3377[%gather3A_4056] in [0] : vector<16xf32>, vector<16xi32> -> vector<16xf32>
      %get3A_4058 = arith.constant 77 : i32
      %get3A_4059 = arith.index_cast %get3A_4058 : i32 to index
      %get3A_4060 = arith.constant 0 : index
      %get3A_4061 = tpu.vector_load %arg13[%get3A_4059, %get3A_4060] {strides = array<i32>} : memref<80x64xf32, #tpu.memory_space<vmem>>, vector<1x16xf32>,
      %get3A_4062 = vector.shape_cast %get3A_4061 : vector<1x16xf32> to vector<16xf32>
      %mul3A_4063 = arith.mulf %get3A_4062, %gather3A_4057 : vector<16xf32>
      %swap3A_4064 = arith.constant 77 : i32
      %swap3A_4065 = arith.index_cast %swap3A_4064 : i32 to index
      %swap3A_4066 = arith.constant 0 : index
      %swap3A_4067 = tpu.vector_load %arg13[%swap3A_4065, %swap3A_4066] {strides = array<i32>} : memref<80x64xf32, #tpu.memory_space<vmem>>, vector<1x16xf32>,
      %swap3A_4068 = vector.shape_cast %swap3A_4067 : vector<1x16xf32> to vector<16xf32>
      %swap3A_4069 = vector.shape_cast %mul3A_4063 : vector<16xf32> to vector<1x16xf32>
      tpu.vector_store %arg13[%swap3A_4065, %swap3A_4066], %swap3A_4069 {strides = array<i32>} : memref<80x64xf32, #tpu.memory_space<vmem>>, vector<1x16xf32>,
      %get3A_4070 = arith.constant 77 : i32
      %get3A_4071 = arith.index_cast %get3A_4070 : i32 to index
      %get3A_4072 = arith.constant 16 : index
      %get3A_4073 = tpu.vector_load %arg13[%get3A_4071, %get3A_4072] {strides = array<i32>} : memref<80x64xf32, #tpu.memory_space<vmem>>, vector<1x16xf32>,
      %get3A_4074 = vector.shape_cast %get3A_4073 : vector<1x16xf32> to vector<16xf32>
      %mul3A_4075 = arith.mulf %get3A_4074, %gather3A_4057 : vector<16xf32>
      %swap3A_4076 = arith.constant 77 : i32
      %swap3A_4077 = arith.index_cast %swap3A_4076 : i32 to index
      %swap3A_4078 = arith.constant 16 : index
      %swap3A_4079 = tpu.vector_load %arg13[%swap3A_4077, %swap3A_4078] {strides = array<i32>} : memref<80x64xf32, #tpu.memory_space<vmem>>, vector<1x16xf32>,
      %swap3A_4080 = vector.shape_cast %swap3A_4079 : vector<1x16xf32> to vector<16xf32>
      %swap3A_4081 = vector.shape_cast %mul3A_4075 : vector<16xf32> to vector<1x16xf32>
      tpu.vector_store %arg13[%swap3A_4077, %swap3A_4078], %swap3A_4081 {strides = array<i32>} : memref<80x64xf32, #tpu.memory_space<vmem>>, vector<1x16xf32>,
      %get3A_4082 = arith.constant 77 : i32
      %get3A_4083 = arith.index_cast %get3A_4082 : i32 to index
      %get3A_4084 = arith.constant 32 : index
      %get3A_4085 = tpu.vector_load %arg13[%get3A_4083, %get3A_4084] {strides = array<i32>} : memref<80x64xf32, #tpu.memory_space<vmem>>, vector<1x16xf32>,
      %get3A_4086 = vector.shape_cast %get3A_4085 : vector<1x16xf32> to vector<16xf32>
      %mul3A_4087 = arith.mulf %get3A_4086, %gather3A_4057 : vector<16xf32>
      %swap3A_4088 = arith.constant 77 : i32
      %swap3A_4089 = arith.index_cast %swap3A_4088 : i32 to index
      %swap3A_4090 = arith.constant 32 : index
      %swap3A_4091 = tpu.vector_load %arg13[%swap3A_4089, %swap3A_4090] {strides = array<i32>} : memref<80x64xf32, #tpu.memory_space<vmem>>, vector<1x16xf32>,
      %swap3A_4092 = vector.shape_cast %swap3A_4091 : vector<1x16xf32> to vector<16xf32>
      %swap3A_4093 = vector.shape_cast %mul3A_4087 : vector<16xf32> to vector<1x16xf32>
      tpu.vector_store %arg13[%swap3A_4089, %swap3A_4090], %swap3A_4093 {strides = array<i32>} : memref<80x64xf32, #tpu.memory_space<vmem>>, vector<1x16xf32>,
      %get3A_4094 = arith.constant 77 : i32
      %get3A_4095 = arith.index_cast %get3A_4094 : i32 to index
      %get3A_4096 = arith.constant 48 : index
      %get3A_4097 = tpu.vector_load %arg13[%get3A_4095, %get3A_4096] {strides = array<i32>} : memref<80x64xf32, #tpu.memory_space<vmem>>, vector<1x16xf32>,
      %get3A_4098 = vector.shape_cast %get3A_4097 : vector<1x16xf32> to vector<16xf32>
      %mul3A_4099 = arith.mulf %get3A_4098, %gather3A_4057 : vector<16xf32>
      %swap3A_4100 = arith.constant 77 : i32
      %swap3A_4101 = arith.index_cast %swap3A_4100 : i32 to index
      %swap3A_4102 = arith.constant 48 : index
      %swap3A_4103 = tpu.vector_load %arg13[%swap3A_4101, %swap3A_4102] {strides = array<i32>} : memref<80x64xf32, #tpu.memory_space<vmem>>, vector<1x16xf32>,
      %swap3A_4104 = vector.shape_cast %swap3A_4103 : vector<1x16xf32> to vector<16xf32>
      %swap3A_4105 = vector.shape_cast %mul3A_4099 : vector<16xf32> to vector<1x16xf32>
      tpu.vector_store %arg13[%swap3A_4101, %swap3A_4102], %swap3A_4105 {strides = array<i32>} : memref<80x64xf32, #tpu.memory_space<vmem>>, vector<1x16xf32>,
      %broadcast_in_dim3A_4106 = arith.constant 14 : i32
      %broadcast_in_dim3A_4107 = vector.broadcast %broadcast_in_dim3A_4106 : i32 to vector<16x1xi32>
      %gather3A_4108 = vector.shape_cast %broadcast_in_dim3A_4107 : vector<16x1xi32> to vector<16xi32>
      %gather3A_4109 = tpu.dynamic_gather %get3A_3377[%gather3A_4108] in [0] : vector<16xf32>, vector<16xi32> -> vector<16xf32>
      %get3A_4110 = arith.constant 78 : i32
      %get3A_4111 = arith.index_cast %get3A_4110 : i32 to index
      %get3A_4112 = arith.constant 0 : index
      %get3A_4113 = tpu.vector_load %arg13[%get3A_4111, %get3A_4112] {strides = array<i32>} : memref<80x64xf32, #tpu.memory_space<vmem>>, vector<1x16xf32>,
      %get3A_4114 = vector.shape_cast %get3A_4113 : vector<1x16xf32> to vector<16xf32>
      %mul3A_4115 = arith.mulf %get3A_4114, %gather3A_4109 : vector<16xf32>
      %swap3A_4116 = arith.constant 78 : i32
      %swap3A_4117 = arith.index_cast %swap3A_4116 : i32 to index
      %swap3A_4118 = arith.constant 0 : index
      %swap3A_4119 = tpu.vector_load %arg13[%swap3A_4117, %swap3A_4118] {strides = array<i32>} : memref<80x64xf32, #tpu.memory_space<vmem>>, vector<1x16xf32>,
      %swap3A_4120 = vector.shape_cast %swap3A_4119 : vector<1x16xf32> to vector<16xf32>
      %swap3A_4121 = vector.shape_cast %mul3A_4115 : vector<16xf32> to vector<1x16xf32>
      tpu.vector_store %arg13[%swap3A_4117, %swap3A_4118], %swap3A_4121 {strides = array<i32>} : memref<80x64xf32, #tpu.memory_space<vmem>>, vector<1x16xf32>,
      %get3A_4122 = arith.constant 78 : i32
      %get3A_4123 = arith.index_cast %get3A_4122 : i32 to index
      %get3A_4124 = arith.constant 16 : index
      %get3A_4125 = tpu.vector_load %arg13[%get3A_4123, %get3A_4124] {strides = array<i32>} : memref<80x64xf32, #tpu.memory_space<vmem>>, vector<1x16xf32>,
      %get3A_4126 = vector.shape_cast %get3A_4125 : vector<1x16xf32> to vector<16xf32>
      %mul3A_4127 = arith.mulf %get3A_4126, %gather3A_4109 : vector<16xf32>
      %swap3A_4128 = arith.constant 78 : i32
      %swap3A_4129 = arith.index_cast %swap3A_4128 : i32 to index
      %swap3A_4130 = arith.constant 16 : index
      %swap3A_4131 = tpu.vector_load %arg13[%swap3A_4129, %swap3A_4130] {strides = array<i32>} : memref<80x64xf32, #tpu.memory_space<vmem>>, vector<1x16xf32>,
      %swap3A_4132 = vector.shape_cast %swap3A_4131 : vector<1x16xf32> to vector<16xf32>
      %swap3A_4133 = vector.shape_cast %mul3A_4127 : vector<16xf32> to vector<1x16xf32>
      tpu.vector_store %arg13[%swap3A_4129, %swap3A_4130], %swap3A_4133 {strides = array<i32>} : memref<80x64xf32, #tpu.memory_space<vmem>>, vector<1x16xf32>,
      %get3A_4134 = arith.constant 78 : i32
      %get3A_4135 = arith.index_cast %get3A_4134 : i32 to index
      %get3A_4136 = arith.constant 32 : index
      %get3A_4137 = tpu.vector_load %arg13[%get3A_4135, %get3A_4136] {strides = array<i32>} : memref<80x64xf32, #tpu.memory_space<vmem>>, vector<1x16xf32>,
      %get3A_4138 = vector.shape_cast %get3A_4137 : vector<1x16xf32> to vector<16xf32>
      %mul3A_4139 = arith.mulf %get3A_4138, %gather3A_4109 : vector<16xf32>
      %swap3A_4140 = arith.constant 78 : i32
      %swap3A_4141 = arith.index_cast %swap3A_4140 : i32 to index
      %swap3A_4142 = arith.constant 32 : index
      %swap3A_4143 = tpu.vector_load %arg13[%swap3A_4141, %swap3A_4142] {strides = array<i32>} : memref<80x64xf32, #tpu.memory_space<vmem>>, vector<1x16xf32>,
      %swap3A_4144 = vector.shape_cast %swap3A_4143 : vector<1x16xf32> to vector<16xf32>
      %swap3A_4145 = vector.shape_cast %mul3A_4139 : vector<16xf32> to vector<1x16xf32>
      tpu.vector_store %arg13[%swap3A_4141, %swap3A_4142], %swap3A_4145 {strides = array<i32>} : memref<80x64xf32, #tpu.memory_space<vmem>>, vector<1x16xf32>,
      %get3A_4146 = arith.constant 78 : i32
      %get3A_4147 = arith.index_cast %get3A_4146 : i32 to index
      %get3A_4148 = arith.constant 48 : index
      %get3A_4149 = tpu.vector_load %arg13[%get3A_4147, %get3A_4148] {strides = array<i32>} : memref<80x64xf32, #tpu.memory_space<vmem>>, vector<1x16xf32>,
      %get3A_4150 = vector.shape_cast %get3A_4149 : vector<1x16xf32> to vector<16xf32>
      %mul3A_4151 = arith.mulf %get3A_4150, %gather3A_4109 : vector<16xf32>
      %swap3A_4152 = arith.constant 78 : i32
      %swap3A_4153 = arith.index_cast %swap3A_4152 : i32 to index
      %swap3A_4154 = arith.constant 48 : index
      %swap3A_4155 = tpu.vector_load %arg13[%swap3A_4153, %swap3A_4154] {strides = array<i32>} : memref<80x64xf32, #tpu.memory_space<vmem>>, vector<1x16xf32>,
      %swap3A_4156 = vector.shape_cast %swap3A_4155 : vector<1x16xf32> to vector<16xf32>
      %swap3A_4157 = vector.shape_cast %mul3A_4151 : vector<16xf32> to vector<1x16xf32>
      tpu.vector_store %arg13[%swap3A_4153, %swap3A_4154], %swap3A_4157 {strides = array<i32>} : memref<80x64xf32, #tpu.memory_space<vmem>>, vector<1x16xf32>,
      %broadcast_in_dim3A_4158 = arith.constant 15 : i32
      %broadcast_in_dim3A_4159 = vector.broadcast %broadcast_in_dim3A_4158 : i32 to vector<16x1xi32>
      %gather3A_4160 = vector.shape_cast %broadcast_in_dim3A_4159 : vector<16x1xi32> to vector<16xi32>
      %gather3A_4161 = tpu.dynamic_gather %get3A_3377[%gather3A_4160] in [0] : vector<16xf32>, vector<16xi32> -> vector<16xf32>
      %get3A_4162 = arith.constant 79 : i32
      %get3A_4163 = arith.index_cast %get3A_4162 : i32 to index
      %get3A_4164 = arith.constant 0 : index
      %get3A_4165 = tpu.vector_load %arg13[%get3A_4163, %get3A_4164] {strides = array<i32>} : memref<80x64xf32, #tpu.memory_space<vmem>>, vector<1x16xf32>,
      %get3A_4166 = vector.shape_cast %get3A_4165 : vector<1x16xf32> to vector<16xf32>
      %mul3A_4167 = arith.mulf %get3A_4166, %gather3A_4161 : vector<16xf32>
      %swap3A_4168 = arith.constant 79 : i32
      %swap3A_4169 = arith.index_cast %swap3A_4168 : i32 to index
      %swap3A_4170 = arith.constant 0 : index
      %swap3A_4171 = tpu.vector_load %arg13[%swap3A_4169, %swap3A_4170] {strides = array<i32>} : memref<80x64xf32, #tpu.memory_space<vmem>>, vector<1x16xf32>,
      %swap3A_4172 = vector.shape_cast %swap3A_4171 : vector<1x16xf32> to vector<16xf32>
      %swap3A_4173 = vector.shape_cast %mul3A_4167 : vector<16xf32> to vector<1x16xf32>
      tpu.vector_store %arg13[%swap3A_4169, %swap3A_4170], %swap3A_4173 {strides = array<i32>} : memref<80x64xf32, #tpu.memory_space<vmem>>, vector<1x16xf32>,
      %get3A_4174 = arith.constant 79 : i32
      %get3A_4175 = arith.index_cast %get3A_4174 : i32 to index
      %get3A_4176 = arith.constant 16 : index
      %get3A_4177 = tpu.vector_load %arg13[%get3A_4175, %get3A_4176] {strides = array<i32>} : memref<80x64xf32, #tpu.memory_space<vmem>>, vector<1x16xf32>,
      %get3A_4178 = vector.shape_cast %get3A_4177 : vector<1x16xf32> to vector<16xf32>
      %mul3A_4179 = arith.mulf %get3A_4178, %gather3A_4161 : vector<16xf32>
      %swap3A_4180 = arith.constant 79 : i32
      %swap3A_4181 = arith.index_cast %swap3A_4180 : i32 to index
      %swap3A_4182 = arith.constant 16 : index
      %swap3A_4183 = tpu.vector_load %arg13[%swap3A_4181, %swap3A_4182] {strides = array<i32>} : memref<80x64xf32, #tpu.memory_space<vmem>>, vector<1x16xf32>,
      %swap3A_4184 = vector.shape_cast %swap3A_4183 : vector<1x16xf32> to vector<16xf32>
      %swap3A_4185 = vector.shape_cast %mul3A_4179 : vector<16xf32> to vector<1x16xf32>
      tpu.vector_store %arg13[%swap3A_4181, %swap3A_4182], %swap3A_4185 {strides = array<i32>} : memref<80x64xf32, #tpu.memory_space<vmem>>, vector<1x16xf32>,
      %get3A_4186 = arith.constant 79 : i32
      %get3A_4187 = arith.index_cast %get3A_4186 : i32 to index
      %get3A_4188 = arith.constant 32 : index
      %get3A_4189 = tpu.vector_load %arg13[%get3A_4187, %get3A_4188] {strides = array<i32>} : memref<80x64xf32, #tpu.memory_space<vmem>>, vector<1x16xf32>,
      %get3A_4190 = vector.shape_cast %get3A_4189 : vector<1x16xf32> to vector<16xf32>
      %mul3A_4191 = arith.mulf %get3A_4190, %gather3A_4161 : vector<16xf32>
      %swap3A_4192 = arith.constant 79 : i32
      %swap3A_4193 = arith.index_cast %swap3A_4192 : i32 to index
      %swap3A_4194 = arith.constant 32 : index
      %swap3A_4195 = tpu.vector_load %arg13[%swap3A_4193, %swap3A_4194] {strides = array<i32>} : memref<80x64xf32, #tpu.memory_space<vmem>>, vector<1x16xf32>,
      %swap3A_4196 = vector.shape_cast %swap3A_4195 : vector<1x16xf32> to vector<16xf32>
      %swap3A_4197 = vector.shape_cast %mul3A_4191 : vector<16xf32> to vector<1x16xf32>
      tpu.vector_store %arg13[%swap3A_4193, %swap3A_4194], %swap3A_4197 {strides = array<i32>} : memref<80x64xf32, #tpu.memory_space<vmem>>, vector<1x16xf32>,
      %get3A_4198 = arith.constant 79 : i32
      %get3A_4199 = arith.index_cast %get3A_4198 : i32 to index
      %get3A_4200 = arith.constant 48 : index
      %get3A_4201 = tpu.vector_load %arg13[%get3A_4199, %get3A_4200] {strides = array<i32>} : memref<80x64xf32, #tpu.memory_space<vmem>>, vector<1x16xf32>,
      %get3A_4202 = vector.shape_cast %get3A_4201 : vector<1x16xf32> to vector<16xf32>
      %mul3A_4203 = arith.mulf %get3A_4202, %gather3A_4161 : vector<16xf32>
      %swap3A_4204 = arith.constant 79 : i32
      %swap3A_4205 = arith.index_cast %swap3A_4204 : i32 to index
      %swap3A_4206 = arith.constant 48 : index
      %swap3A_4207 = tpu.vector_load %arg13[%swap3A_4205, %swap3A_4206] {strides = array<i32>} : memref<80x64xf32, #tpu.memory_space<vmem>>, vector<1x16xf32>,
      %swap3A_4208 = vector.shape_cast %swap3A_4207 : vector<1x16xf32> to vector<16xf32>
      %swap3A_4209 = vector.shape_cast %mul3A_4203 : vector<16xf32> to vector<1x16xf32>
      tpu.vector_store %arg13[%swap3A_4205, %swap3A_4206], %swap3A_4209 {strides = array<i32>} : memref<80x64xf32, #tpu.memory_space<vmem>>, vector<1x16xf32>,
      "tpu.region"() ({
        %run_scoped3A = tpu.sem_alloc : memref<!tpu.dma_semaphore, #tpu.memory_space<semaphore_mem>>
        %dma_start3A = arith.constant 0 : i32
        %dma_start3A_4210 = tpu.memref_slice %arg11[%add3A_26, %dma_start3A] : memref<250x80xi32, #tpu.memory_space<vmem>> -> memref<1x80xi32, #tpu.memory_space<vmem>>
        %dma_start3A_4211 = tpu.memref_squeeze %dma_start3A_4210 : memref<1x80xi32, #tpu.memory_space<vmem>> -> memref<80xi32, #tpu.memory_space<vmem>>
        %dma_start3A_4212 = arith.constant 0 : i32
        %dma_start3A_4213 = arith.constant 0 : i32
        %dma_start3A_4214 = tpu.memref_slice %arg14[%dma_start3A_4212, %dma_start3A_4213] : memref<10240x64xf32, #tpu.memory_space<vmem_shared>> -> memref<10240x64xf32, #tpu.memory_space<vmem_shared>>
        tpu.enqueue_indirect_dma source(%arg13 : memref<80x64xf32, #tpu.memory_space<vmem>>) target(%dma_start3A_4214 : memref<10240x64xf32, #tpu.memory_space<vmem_shared>>) offsets(%dma_start3A_4211 : memref<80xi32, #tpu.memory_space<vmem>>) semaphore(%run_scoped3A : memref<!tpu.dma_semaphore, #tpu.memory_space<semaphore_mem>>) {add = true}
        %dma_wait3A = arith.constant 0 : i32
        %dma_wait3A_4215 = tpu.memref_slice %arg11[%add3A_26, %dma_wait3A] : memref<250x80xi32, #tpu.memory_space<vmem>> -> memref<1x80xi32, #tpu.memory_space<vmem>>
        %dma_wait3A_4216 = tpu.memref_squeeze %dma_wait3A_4215 : memref<1x80xi32, #tpu.memory_space<vmem>> -> memref<80xi32, #tpu.memory_space<vmem>>
        %dma_wait3A_4217 = arith.constant 0 : i32
        %dma_wait3A_4218 = arith.constant 0 : i32
        %dma_wait3A_4219 = tpu.memref_slice %arg14[%dma_wait3A_4217, %dma_wait3A_4218] : memref<10240x64xf32, #tpu.memory_space<vmem_shared>> -> memref<10240x64xf32, #tpu.memory_space<vmem_shared>>
        tpu.wait_indirect_dma semaphore(%run_scoped3A : memref<!tpu.dma_semaphore, #tpu.memory_space<semaphore_mem>>) src(%arg13 : memref<80x64xf32, #tpu.memory_space<vmem>>) dst(%dma_wait3A_4219 : memref<10240x64xf32, #tpu.memory_space<vmem_shared>>)
        tpu.yield
      }) : () -> ()
      "tpu.region"() ({
        %run_scoped3A = tpu.sem_alloc : memref<!tpu.dma_semaphore, #tpu.memory_space<semaphore_mem>>
        %dma_start3A = tpu.memref_slice %arg12[%mul3A_28] : memref<20000xf32, #tpu.memory_space<vmem>> -> memref<80xf32, #tpu.memory_space<vmem>>
        %dma_start3A_4210 = arith.constant 0 : i32
        %dma_start3A_4211 = tpu.memref_slice %arg11[%add3A_26, %dma_start3A_4210] : memref<250x80xi32, #tpu.memory_space<vmem>> -> memref<1x80xi32, #tpu.memory_space<vmem>>
        %dma_start3A_4212 = tpu.memref_squeeze %dma_start3A_4211 : memref<1x80xi32, #tpu.memory_space<vmem>> -> memref<80xi32, #tpu.memory_space<vmem>>
        %dma_start3A_4213 = arith.constant 0 : i32
        %dma_start3A_4214 = tpu.memref_slice %arg15[%dma_start3A_4213] : memref<10240xf32, #tpu.memory_space<vmem_shared>> -> memref<10240xf32, #tpu.memory_space<vmem_shared>>
        tpu.enqueue_indirect_dma source(%dma_start3A : memref<80xf32, #tpu.memory_space<vmem>>) target(%dma_start3A_4214 : memref<10240xf32, #tpu.memory_space<vmem_shared>>) offsets(%dma_start3A_4212 : memref<80xi32, #tpu.memory_space<vmem>>) semaphore(%run_scoped3A : memref<!tpu.dma_semaphore, #tpu.memory_space<semaphore_mem>>) {add = true}
        %dma_wait3A = tpu.memref_slice %arg12[%mul3A_28] : memref<20000xf32, #tpu.memory_space<vmem>> -> memref<80xf32, #tpu.memory_space<vmem>>
        %dma_wait3A_4215 = arith.constant 0 : i32
        %dma_wait3A_4216 = tpu.memref_slice %arg11[%add3A_26, %dma_wait3A_4215] : memref<250x80xi32, #tpu.memory_space<vmem>> -> memref<1x80xi32, #tpu.memory_space<vmem>>
        %dma_wait3A_4217 = tpu.memref_squeeze %dma_wait3A_4216 : memref<1x80xi32, #tpu.memory_space<vmem>> -> memref<80xi32, #tpu.memory_space<vmem>>
        %dma_wait3A_4218 = arith.constant 0 : i32
        %dma_wait3A_4219 = tpu.memref_slice %arg15[%dma_wait3A_4218] : memref<10240xf32, #tpu.memory_space<vmem_shared>> -> memref<10240xf32, #tpu.memory_space<vmem_shared>>
        tpu.wait_indirect_dma semaphore(%run_scoped3A : memref<!tpu.dma_semaphore, #tpu.memory_space<semaphore_mem>>) src(%dma_wait3A : memref<80xf32, #tpu.memory_space<vmem>>) dst(%dma_wait3A_4219 : memref<10240xf32, #tpu.memory_space<vmem_shared>>)
        tpu.yield
      }) : () -> ()
    }
    %scan3A_12 = arith.constant 250 : i32
    %barrier3A_13 = arith.constant 0 : index
    tpu.barrier barrier_id(%barrier3A_13)
    %mul3A_14 = arith.constant 640 : i32
    %mul3A_15 = arith.muli %arg1, %mul3A_14 : i32
    %mul3A_16 = arith.constant 640 : i32
    %mul3A_17 = arith.muli %arg1, %mul3A_16 : i32
    "tpu.region"() ({
      %run_scoped3A = tpu.sem_alloc : memref<!tpu.dma_semaphore, #tpu.memory_space<semaphore_mem>>
      %dma_start3A = arith.constant 0 : i32
      %dma_start3A_22 = tpu.memref_slice %arg8[%arg0, %mul3A_17, %dma_start3A] : memref<2x10240x64xf32, #tpu.memory_space<hbm>> -> memref<1x640x64xf32, #tpu.memory_space<hbm>>
      %dma_start3A_23 = tpu.memref_squeeze %dma_start3A_22 : memref<1x640x64xf32, #tpu.memory_space<hbm>> -> memref<640x64xf32, #tpu.memory_space<hbm>>
      %dma_start3A_24 = arith.constant 0 : i32
      %dma_start3A_25 = tpu.memref_slice %arg14[%mul3A_15, %dma_start3A_24] : memref<10240x64xf32, #tpu.memory_space<vmem_shared>> -> memref<640x64xf32, #tpu.memory_space<vmem_shared>>
      tpu.enqueue_dma source(%dma_start3A_25 : memref<640x64xf32, #tpu.memory_space<vmem_shared>>) target(%dma_start3A_23 : memref<640x64xf32, #tpu.memory_space<hbm>>) target_semaphore(%run_scoped3A : memref<!tpu.dma_semaphore, #tpu.memory_space<semaphore_mem>>)
      %dma_wait3A = arith.constant 0 : i32
      %dma_wait3A_26 = tpu.memref_slice %arg8[%arg0, %mul3A_17, %dma_wait3A] : memref<2x10240x64xf32, #tpu.memory_space<hbm>> -> memref<1x640x64xf32, #tpu.memory_space<hbm>>
      %dma_wait3A_27 = tpu.memref_squeeze %dma_wait3A_26 : memref<1x640x64xf32, #tpu.memory_space<hbm>> -> memref<640x64xf32, #tpu.memory_space<hbm>>
      %dma_wait3A_28 = arith.constant 0 : i32
      %dma_wait3A_29 = tpu.memref_slice %arg14[%mul3A_15, %dma_wait3A_28] : memref<10240x64xf32, #tpu.memory_space<vmem_shared>> -> memref<640x64xf32, #tpu.memory_space<vmem_shared>>
      tpu.wait_dma2 semaphore(%run_scoped3A : memref<!tpu.dma_semaphore, #tpu.memory_space<semaphore_mem>>) src(%dma_wait3A_29 : memref<640x64xf32, #tpu.memory_space<vmem_shared>>) dst(%dma_wait3A_27 : memref<640x64xf32, #tpu.memory_space<hbm>>)
      tpu.yield
    }) : () -> ()
    %mul3A_18 = arith.constant 640 : i32
    %mul3A_19 = arith.muli %arg1, %mul3A_18 : i32
    %mul3A_20 = arith.constant 640 : i32
    %mul3A_21 = arith.muli %arg1, %mul3A_20 : i32
    "tpu.region"() ({
      %run_scoped3A = tpu.sem_alloc : memref<!tpu.dma_semaphore, #tpu.memory_space<semaphore_mem>>
      %dma_start3A = tpu.memref_slice %arg9[%arg0, %mul3A_21] : memref<2x10240xf32, #tpu.memory_space<hbm>> -> memref<1x640xf32, #tpu.memory_space<hbm>>
      %dma_start3A_22 = tpu.memref_squeeze %dma_start3A : memref<1x640xf32, #tpu.memory_space<hbm>> -> memref<640xf32, #tpu.memory_space<hbm>>
      %dma_start3A_23 = tpu.memref_slice %arg15[%mul3A_19] : memref<10240xf32, #tpu.memory_space<vmem_shared>> -> memref<640xf32, #tpu.memory_space<vmem_shared>>
      tpu.enqueue_dma source(%dma_start3A_23 : memref<640xf32, #tpu.memory_space<vmem_shared>>) target(%dma_start3A_22 : memref<640xf32, #tpu.memory_space<hbm>>) target_semaphore(%run_scoped3A : memref<!tpu.dma_semaphore, #tpu.memory_space<semaphore_mem>>)
      %dma_wait3A = tpu.memref_slice %arg9[%arg0, %mul3A_21] : memref<2x10240xf32, #tpu.memory_space<hbm>> -> memref<1x640xf32, #tpu.memory_space<hbm>>
      %dma_wait3A_24 = tpu.memref_squeeze %dma_wait3A : memref<1x640xf32, #tpu.memory_space<hbm>> -> memref<640xf32, #tpu.memory_space<hbm>>
      %dma_wait3A_25 = tpu.memref_slice %arg15[%mul3A_19] : memref<10240xf32, #tpu.memory_space<vmem_shared>> -> memref<640xf32, #tpu.memory_space<vmem_shared>>
      tpu.wait_dma2 semaphore(%run_scoped3A : memref<!tpu.dma_semaphore, #tpu.memory_space<semaphore_mem>>) src(%dma_wait3A_25 : memref<640xf32, #tpu.memory_space<vmem_shared>>) dst(%dma_wait3A_24 : memref<640xf32, #tpu.memory_space<hbm>>)
      tpu.yield
    }) : () -> ()
    return
  }
}

</mosaic_0001>

<sc_bundles>
// kernel: _sc_seg.3.cloned.1.call-start
scs
__scs_entry_jumppad:
0x0: {  	(pc) =	sbr.rel $0x88, $3  }
0x1: {  	(tag) =	ssettag $0x0;
	lr =	simm.s32 $0x1  }
0x2: {  	[smem:$0x3F9B] =	sst lr;
	_ =	strace $0xD0000000  }
0x3: {  	_ = 	snop  }
0x4: {  	_ = 	snop  }
0x5: {  	_ = 	snop  }
0x6: {  	_ = 	snop  }
0x7: {  	_ = 	snop  }
__scs_overlays_trampoline_lowered:
0x8: {  	[smem:$0x3FAA] =	sst s0  }
0x9: {  	[smem:$0x3FAB] =	sst s1  }
0xa: {  	[smem:$0x3FAC] =	sst s2  }
0xb: {  	[smem:$0x3FAD] =	sst s3  }
0xc: {  	[smem:$0x3FAE] =	sst s4  }
0xd: {  	[smem:$0x3FAF] =	sst s5  }
0xe: {  	[smem:$0x3FB0] =	sst s6  }
0xf: {  	[smem:$0x3FB1] =	sst s7  }
0x10: {  	[smem:$0x3FB2] =	sst s8  }
0x11: {  	[smem:$0x3FB3] =	sst s9;
	s0 =	simm.s32 @!p0 $0x0  }
0x12: {  	s1 =	sld [smem:$0x3F99];
	s0 =	simm.s32 @p0 $0x1  }
0x13: {  	[smem:$0x3FB4] =	sst s0;
	s0 =	simm.s32 @!p1 $0x0  }
0x14: {  	s2 =	sld [smem:$0x3F98];
	s0 =	simm.s32 @p1 $0x1  }
0x15: {  	[smem:$0x3FB5] =	sst s0;
	s0 =	simm.s32 @!p2 $0x0  }
0x16: {  	s3 =	sld [smem:$0x3FDB];
	s0 =	simm.s32 @p2 $0x1  }
0x17: {  	s4 =	simm.s32 $0x1BF5;
	[smem:$0x3FB7] =	sst s0  }
0x18: {  	s0 =	sld [smem:$0x3F9A];
	_ =	swait.ge [sflag:s4], $0x0  }
0x19: {  	s7 =	sld [smem:$0x3F9B]  }
0x1a: {  	s8 =	sadd.s32 $0xFFFFE003, lr  }
0x1b: {  	s9 =	sadd.s32 $0xFFFFFEF7, lr;
	s5 =	simm.s32 $0xFFFFFFFF;
	p2 =	slt.u32 s8, $0xFFFFF086  }
0x1c: {  	p1 =	slt.u32 s9, $0xF7A;
	s5 =	simm.s32 @!p2 $0x0  }
0x1d: {  	s5 =	simm.s32 @p1 $0x1;
	p0 =	seq.s32 s7, s2  }
0x1e: {  	s7 =	smul.u32 @!p0 $0xF7A, s2;
	p2 =	seq.s32 @!p0 s5, $0x0  }
0x1f: {  	s9 =	smul.u32 $0xF7A, s1;
	s8 =	simm.s32 @!p0 $0x1BF5;
	p2 =	por !p2, p0  }
0x20: {  	[sflag:s8] =	ssyncset.s32 @!p0 $0xFFFFF086;
	s6 =	sadd.s32 @!p0 s3, s7;
	s7 =	simm.s32 @!p0 $0x108  }
0x21: {  	s3 =	sadd.s32 s3, s9;
	s6 =	sadd.s32 @!p0 $0x88, s6;
	s7 =	simm.s32 @p2 $0x1082  }
0x22: {  	[simem:s7], [sflag:s8] =	dma.local @!p0 [hbm:s6], $0xF7A  }
0x23: {  	s9 =	sor.u32 $0xD0000000, s2;
	s6 =	simm.s32 $0x108;
	_ =	swait.ge @!p0 [sflag:s8], $0x0  }
0x24: {  	s3 =	sadd.s32 $0x88, s3;
	s6 =	simm.s32 @!p1 $0x1082;
	[sflag:s4] =	ssyncset.s32 $0xFFFFF086  }
0x25: {  	[simem:s6], [sflag:s4] =	dma.local [hbm:s3], $0xF7A  }
0x26: {  	[smem:$0x3F9B] =	sst s1;
	(tag) =	ssettag s2;
	_ =	strace s9  }
0x27: {  	s1 =	sld [smem:$0x3FAB]  }
0x28: {  	s2 =	sld [smem:$0x3FAC]  }
0x29: {  	s4 =	sld [smem:$0x3FAE]  }
0x2a: {  	p0 =	seq.s32 s5, $0x0;
	s5 =	sld [smem:$0x3FAF]  }
0x2b: {  	s6 =	sld [smem:$0x3FB0]  }
0x2c: {  	s7 =	sld [smem:$0x3FB1]  }
0x2d: {  	s3 =	simm.s32 $0x108;
	s8 =	sld [smem:$0x3FB2]  }
0x2e: {  	s3 =	simm.s32 @!p0 $0x1082;
	s9 =	sld [smem:$0x3FB3]  }
0x2f: {  	lr =	sadd.s32 s0, s3;
	s0 =	sld [smem:$0x3FAA]  }
0x30: {  	s3 =	sld [smem:$0x3FAD]  }
0x31: {  	[smem:$0x3FB6] =	sst s10  }
0x32: {  	s10 =	sld [smem:$0x3FB4];
	_ =	sdelay $0x3  }
0x33: {  	p0 =	seq.s32 s10, $0x1;
	s10 =	sld [smem:$0x3FB6];
	_ =	sdelay $0x3  }
0x34: {  	[smem:$0x3FB6] =	sst s10  }
0x35: {  	s10 =	sld [smem:$0x3FB5];
	_ =	sdelay $0x3  }
0x36: {  	p1 =	seq.s32 s10, $0x1;
	s10 =	sld [smem:$0x3FB6];
	_ =	sdelay $0x3  }
0x37: {  	[smem:$0x3FB6] =	sst s10  }
0x38: {  	s10 =	sld [smem:$0x3FB7]  }
0x39: {  	_ = 	snop;
	(pc) =	sbr.ind lr, $3  }
0x3a: {  	_ = 	snop  }
0x3b: {  	_ = 	snop  }
0x3c: {  	p2 =	seq.s32 s10, $0x1;
	s10 =	sld [smem:$0x3FB6]  }
0x3d: {  	_ =	shalt  }
0x3e: {  	_ =	shalt  }
0x3f: {  	_ =	shalt  }
0x40: {  	_ =	shalt  }
0x41: {  	_ =	shalt  }
0x42: {  	_ =	shalt  }
0x43: {  	_ =	shalt  }
0x44: {  	_ =	shalt  }
0x45: {  	_ =	shalt  }
0x46: {  	_ =	shalt  }
0x47: {  	_ =	shalt  }
0x48: {  	_ =	shalt  }
0x49: {  	_ =	shalt  }
0x4a: {  	_ =	shalt  }
0x4b: {  	_ =	shalt  }
0x4c: {  	_ =	shalt  }
0x4d: {  	_ =	shalt  }
0x4e: {  	_ =	shalt  }
0x4f: {  	_ =	shalt  }
0x50: {  	_ =	shalt  }
0x51: {  	_ =	shalt  }
0x52: {  	_ =	shalt  }
0x53: {  	_ =	shalt  }
0x54: {  	_ =	shalt  }
0x55: {  	_ =	shalt  }
0x56: {  	_ =	shalt  }
0x57: {  	_ =	shalt  }
0x58: {  	_ =	shalt  }
0x59: {  	_ =	shalt  }
0x5a: {  	_ =	shalt  }
0x5b: {  	_ =	shalt  }
0x5c: {  	_ =	shalt  }
0x5d: {  	_ =	shalt  }
0x5e: {  	_ =	shalt  }
0x5f: {  	_ =	shalt  }
0x60: {  	_ =	shalt  }
0x61: {  	_ =	shalt  }
0x62: {  	_ =	shalt  }
0x63: {  	_ =	shalt  }
0x64: {  	_ =	shalt  }
0x65: {  	_ =	shalt  }
0x66: {  	_ =	shalt  }
0x67: {  	_ =	shalt  }
0x68: {  	_ =	shalt  }
0x69: {  	_ =	shalt  }
0x6a: {  	_ =	shalt  }
0x6b: {  	_ =	shalt  }
0x6c: {  	_ =	shalt  }
0x6d: {  	_ =	shalt  }
0x6e: {  	_ =	shalt  }
0x6f: {  	_ =	shalt  }
0x70: {  	_ =	shalt  }
0x71: {  	_ =	shalt  }
0x72: {  	_ =	shalt  }
0x73: {  	_ =	shalt  }
0x74: {  	_ =	shalt  }
0x75: {  	_ =	shalt  }
0x76: {  	_ =	shalt  }
0x77: {  	_ =	shalt  }
0x78: {  	_ =	shalt  }
0x79: {  	_ =	shalt  }
0x7a: {  	_ =	shalt  }
0x7b: {  	_ =	shalt  }
0x7c: {  	_ =	shalt  }
0x7d: {  	_ =	shalt  }
0x7e: {  	_ =	shalt  }
0x7f: {  	_ =	shalt  }
0x80: {  	_ =	shalt  }
0x81: {  	_ =	shalt  }
0x82: {  	_ =	shalt  }
0x83: {  	_ =	shalt  }
0x84: {  	_ =	shalt  }
0x85: {  	_ =	shalt  }
0x86: {  	_ =	shalt  }
0x87: {  	_ =	shalt  }
.Lfunc_end0:
.L_simem_size_0:
called_computation_lowered:
.L_overlay_start_0:
0x88: {  	s2 =	sld [smem:$0x3FD9]  }
0x89: {  	s3 =	sld [smem:$0x3FFE];
	_ =	sdelay $0x1  }
0x8a: {  	s1 =	srdreg.scid  }
0x8b: {  	s0 =	sand.u32 $0x1, s1  }
0x8c: {  	s14 =	sshll.u32 s0, $0xA;
	s2 =	sadd.s32 s3, s2  }
0x8d: {  	s2 =	sadd.s32 s2, s14  }
0x8e: {  	[smem:$0x3FC2] =	sst s2  }
0x8f: {  	_ = 	snop  }
0x90: {  	s2 =	sld [smem:$0x3FD0];
	_ =	sdelay $0x2  }
0x91: {  	s4 =	simm.s32 $0xA;
	s5 =	simm.s32 $0x10;
	s15 =	sld [smem:$0x3FC4]  }
0x92: {  	[smem:s5], [sflag:s4] =	dma.local [hbm:s2], $0x1  }
0x93: {  	_ =	swait.eq [sflag:s4], $0x1  }
0x94: {  	[sflag:s4] =	ssyncset.done $0x0  }
0x95: {  	[sflag:s4] =	ssyncadd.s32 $0xFFFFFFFF  }
0x96: {  	s16 =	sld [smem:$0x10];
	(tm) =	ssettm $0x1  }
0x97: {  	s17 =	sld [smem:$0x3FFB];
	_ =	sdelay $0x3  }
0x98: {  	_ =	strace s17  }
0x99: {  	s4 =	sld [smem:$0x3FFC];
	_ =	sdelay $0x3  }
0x9a: {  	_ =	strace s4  }
0x9b: {  	s4 =	sld [smem:$0x3FFD];
	_ =	sdelay $0x3  }
0x9c: {  	_ =	strace s4  }
0x9d: {  	_ =	strace $0x8FFFFFFF  }
0x9e: {  	s18 =	sld [smem:$0x3FDB];
	_ =	sdelay $0x1  }
0x9f: {  	s19 =	simm.s32 $_scs_section_size  }
0xa0: {  	s6 =	simm.s32 $_size__tile_overlayer_lowered;
	s7 =	simm.s32 $_tile_overlayer_lowered  }
0xa1: {  	s22 =	simm.s32 $0x1BFF;
	s21 =	sshll.u32 s7, $0x1;
	s4 =	sadd.s32 s19, s18  }
0xa2: {  	s8 =	simm.s32 $0x0;
	s20 =	sshll.u32 s6, $0x1;
	s6 =	sadd.s32 s21, s4  }
0xa3: {  	[timem:s8], [sflag:s22] =	dma.local [hbm:s6], s20  }
0xa4: {  	_ =	swait.ge [sflag:s22], s20  }
0xa5: {  	s5 =	ssub.s32 $0x0, s20;
	[sflag:s22] =	ssyncset.done $0x0  }
0xa6: {  	[sflag:s22] =	ssyncadd.s32 s5;
	_ =	sdelay $0x1  }
0xa7: {  	s23 =	simm.s32 $0x1B8B  }
0xa8: {  	_ =	swait.ge [sflag:s23], $0x1  }
0xa9: {  	[sflag:s23] =	ssyncset.done $0x0  }
0xaa: {  	s25 =	simm.s32 $0x1B8E;
	s24 =	sld [smem:$0x3FFE];
	[sflag:s23] =	ssyncadd.s32 $0xFFFFFFFF  }
0xab: {  	s26 =	simm.s32 $execute0_lowered;
	[smem:$0x3FD2] =	sst s25  }
0xac: {  	s6 =	sshll.u32 s26, $0x1;
	_ =	strace $0x80000046;
	[dreg:$0x1] =	wrdreg $0xFFFFFFFF  }
0xad: {  	s28 =	simm.s32 $_size_execute0_lowered;
	s4 =	sadd.s32 s4, s6;
	[dreg:$0x0] =	wrdreg $0x0  }
0xae: {  	s6 =	sshll.u32 s28, $0x1;
	[dreg:$0x2] =	wrdreg s4  }
0xaf: {  	[dreg:$0x3] =	wrdreg s6  }
0xb0: {  	[dreg:$0x4] =	wrdreg $0xC0  }
0xb1: {  	_ =	task [dreg:s8], $0x5FFFF  }
0xb2: {  	[dreg:$0x1] =	wrdreg $0xFFFFFFFF  }
0xb3: {  	[dreg:$0x0] =	wrdreg $0x60  }
0xb4: {  	[dreg:$0x2] =	wrdreg s24  }
0xb5: {  	[dreg:$0x3] =	wrdreg s15  }
0xb6: {  	[dreg:$0x4] =	wrdreg s16  }
0xb7: {  	[dreg:$0x5] =	wrdreg $0xFE600  }
0xb8: {  	[dreg:$0x6] =	wrdreg $0x19E600  }
0xb9: {  	[dreg:$0x7] =	wrdreg $0x9  }
0xba: {  	_ =	task.clear_ibuf [dreg:s8], $0x8FFFF;
	_ =	strace $0x90000046  }
0xbb: {  	s29 =	simm.s32 $0x9;
	_ =	strace $0x80000048  }
0xbc: {  	_ =	swait.ge [sflag:s29], $0x1  }
0xbd: {  	[sflag:s29] =	ssyncadd.s32 $0xFFFFFFFF  }
0xbe: {  	_ =	strace $0x90000048  }
0xbf: {  	_ =	sfence  }
0xc0: {  	s30 =	sld [smem:$0x0];
	_ =	sdelay $0x2  }
0xc1: {  	s31 =	sshll.u32 s1, $0xD;
	s1 =	sshrl.u32 s1, $0x2  }
0xc2: {  	s3 =	sand.u32 $0x4000, s31;
	s1 =	sadd.s32 s1, s30  }
0xc3: {  	s0 =	sor.u32 s3, s0;
	s1 =	sshll.u32 s1, $0x11  }
0xc4: {  	s0 =	sor.u32 s1, s0  }
0xc5: {  	s0 =	sadd.s32 $0x8F2B, s0  }
0xc6: {  	[sflag:s0] =	ssyncadd.remote.s32 $0x1  }
0xc7: {  	_ =	sfence.sel $0xFFFF  }
0xc8: {  	[dreg:$0x0] =	wrdreg $0xFFFFFFFF;
	(pc) =	sbr.abs _section_cstart, $3  }
0xc9: {  	[dreg:$0x1] =	wrdreg $0xFFFFFFFF  }
0xca: {  	_ =	task.clear_ibuf [dreg:s8], $0x2FFFF;
	_ =	strace $0x9FFFFFFF  }
0xcb: {  	(tm) =	ssettm $0x7FFFFFFF  }
tec
execute0_lowered:
.L_overlay_start_1:
0x0: {  	(tag) =	ssettag $0x1  }
0x1: {  	s6 =	rddreg [dreg:$0x0]  }
0x2: {  	s8 =	rddreg [dreg:$0x1]  }
0x3: {  	s12 =	rddreg [dreg:$0x2]  }
0x4: {  	s2 =	rddreg [dreg:$0x3]  }
0x5: {  	s0 =	srdreg.scid;
	s3 =	rddreg [dreg:$0x4];
	s4 =	simm.s32 $0x0  }
0x6: {  	s20 =	simm.s32 $0x50;
	s7 =	sand.u32 $0x1, s0;
	s0 =	stileid.u32  }
0x7: {  	s21 =	simm.s32 $0xEA60;
	s22 =	simm.s32 $0x0;
	s10 =	smul.u32 $0x280, s0  }
0x8: {  	[smem:$0x7FF] =	sst s4;
	s5 =	sadd.s32 $0x3BE00, s6;
	s11 =	smul.u32 $0x2800, s7  }
0x9: {  	s1 =	sshll.u32 s7, $0x4;
	s13 =	smul.u32 $0xA000, s0;
	s28 =	ssub.s32 $0x2, s7  }
0xa: {  	s29 =	sshll.u32 s0, $0x6;
	s30 =	smul.u32 $0xA0000, s7;
	s1 =	sor.u32 s0, s1  }
0xb: {  	s16 =	sshrl.u32 s28, $0x1;
	s7 =	sor.u32 $0x1C01, s29;
	s9 =	smul.u32 $0x9C4, s1  }
0xc: {  	s1 =	rddreg [dreg:$0x5];
	_ =	strace $0x80000047;
	s26 =	sadd.s32 s10, s11  }
0xd: {  	s15 =	sshrl.u32 s13, $0x3;
	s16 =	ssub.s32 s28, s16;
	s18 =	sadd.s32 s13, s2  }
0xe: {  	s31 =	sshrl.u32 s10, $0x3;
	s19 =	sadd.s32 s10, s3;
	s11 =	sadd.s32 s13, s30  }
0xf: {  	v0 =	vimm.s32 $0x0;
	s15 =	sadd.s32 s15, s6;
	s8 =	sadd.s32 s8, s31;
	s13 =	sshrl.u32 s11, $0x3  }
0x10: {  	v1 =	vimm.s32 $0x1;
	v2 =	vimm.s32 $0x2;
	v3 =	vimm.s32 $0x3;
	s14 =	sadd.s32 s9, s6;
	s9 =	sshrl.u32 s26, $0x3;
	s12 =	sadd.s32 s12, s13  }
0x11: {  	v4 =	vimm.s32 $0x4;
	v5 =	vimm.s32 $0x5;
	v6 =	vimm.s32 $0x6;
	s17 =	sadd.s32 s9, s6;
	s6 =	sadd.s32 $0x4FE00, s15;
	s9 =	sadd.s32 $0x14A00, s14  }
0x12: {  	v7 =	vimm.s32 $0x7;
	v8 =	vimm.s32 $0x8;
	v9 =	vimm.s32 $0x9;
	s10 =	sadd.s32 $0x28400, s14;
	s11 =	sadd.s32 $0x1000, s14;
	s14 =	smax.u32 s16, $0x1  }
0x13: {  	v10 =	vimm.s32 $0xA;
	v11 =	vimm.s32 $0xB;
	v12 =	vimm.s32 $0xC;
	s15 =	sshrl.u32 s18, $0x3;
	s16 =	simm.s32 $0x1;
	s18 =	simm.s32 $0x4E20  }
0x14: {  	v13 =	vimm.s32 $0xD;
	v14 =	vimm.s32 $0xE;
	v15 =	vimm.s32 $0xF;
	s13 =	sadd.s32 $0x63E00, s17;
	s17 =	sshrl.u32 s19, $0x3;
	s19 =	simm.s32 $0x9C40  }
.LBB2_1:
0x15: {  	[spmem:s15], [sflag:s7] =	dma.local [hbm:s6], $0x1400  }
0x16: {  	_ =	swait.ge [sflag:s16], $0x1400  }
0x17: {  	[sflag:s16] =	ssyncset.done $0x0  }
0x18: {  	[sflag:s16] =	ssyncadd.s32 $0xFFFFEC00  }
0x19: {  	[spmem:s17], [sflag:s7] =	dma.local [hbm:s8], $0x50  }
0x1a: {  	_ =	swait.ge [sflag:s16], $0x50  }
0x1b: {  	[sflag:s16] =	ssyncset.done $0x0  }
0x1c: {  	[sflag:s16] =	ssyncadd.s32 $0xFFFFFFB0  }
0x1d: {  	[tilespmem:s4], [sflag:$0x1] =	stream.linear.gather [hbm4b:s9+s4], $0x4E20, $0x38;
	[tilespmem:$0x1A0E0] =	vst v63  }
0x1e: {  	_ =	swait.ge [sflag:s16], $0x4E20  }
0x1f: {  	[sflag:s16] =	ssyncset.done $0x0  }
0x20: {  	[sflag:s16] =	ssyncadd.s32 $0xFFFFB1E0  }
0x21: {  	[tilespmem:s18], [sflag:$0x1] =	stream.linear.gather [hbm4b:s10+s4], $0x4E20, $0x38;
	[tilespmem:$0x1A0E0] =	vst v63  }
0x22: {  	_ =	swait.ge [sflag:s16], $0x4E20  }
0x23: {  	[sflag:s16] =	ssyncset.done $0x0  }
0x24: {  	[sflag:s16] =	ssyncadd.s32 $0xFFFFB1E0  }
0x25: {  	[tilespmem:s19], [sflag:$0x1] =	stream.linear.gather [hbm4b:s11+s4], $0x4E20, $0x38;
	[tilespmem:$0x1A0E0] =	vst v63  }
0x26: {  	_ =	swait.ge [sflag:s16], $0x4E20  }
0x27: {  	[sflag:s16] =	ssyncset.done $0x0  }
0x28: {  	[sflag:s16] =	ssyncadd.s32 $0xFFFFB1E0  }
0x29: {  	s23 =	simm.s32 $0x0;
	[bflag:$0x0] =	sbarrier.arrive $0xFFFF  }
.LBB2_2:
0x2a: {  	s24 =	sshra.s32 s23, $0x2  }
0x2b: {  	[tilespmem:s21], [sflag:$0x1] =	stream.indirect.gather [hbm4b:s5+s20], $0x40, s24, s20, $0xb8;
	[tilespmem:$0x1A0E0] =	vst v63  }
0x2c: {  	_ =	swait.ge [sflag:s16], $0x1400  }
0x2d: {  	[sflag:s16] =	ssyncset.done $0x0  }
0x2e: {  	[sflag:s16] =	ssyncadd.s32 $0xFFFFEC00  }
0x2f: {  	v16 =	vld [tilespmem:s24+$0x9C40];
	_ =	sdelay $0x1  }
0x30: {  	v17 =	vld [tilespmem:$0xEA60]  }
0x31: {  	v18 =	vld [tilespmem:$0xEA70]  }
0x32: {  	v19 =	vld [tilespmem:$0xEA80]  }
0x33: {  	v21 =	vld [tilespmem:$0xEA90];
	v20 =	vperm.xlane v16, v0  }
0x34: {  	v22 =	vld [tilespmem:$0xEAA0]  }
0x35: {  	v23 =	vld [tilespmem:$0xEAB0];
	v17 =	vmul.f32 v17, v20  }
0x36: {  	v24 =	vld [tilespmem:$0xEAC0];
	v18 =	vmul.f32 v18, v20  }
0x37: {  	v25 =	vld [tilespmem:$0xEAD0];
	v46 =	vperm.xlane v16, v1;
	[tilespmem:$0xEA60] =	vst v17;
	v17 =	vmul.f32 v19, v20  }
0x38: {  	v48 =	vld [tilespmem:$0xEAE0];
	v47 =	vmul.f32 v21, v20;
	[tilespmem:$0xEA70] =	vst v18  }
0x39: {  	v49 =	vld [tilespmem:$0xEAF0];
	[tilespmem:$0xEA80] =	vst v17;
	v17 =	vmul.f32 v22, v46  }
0x3a: {  	v51 =	vld [tilespmem:$0xEB00];
	v50 =	vmul.f32 v23, v46;
	[tilespmem:$0xEA90] =	vst v47  }
0x3b: {  	v53 =	vld [tilespmem:$0xEB10];
	v52 =	vperm.xlane v16, v2;
	[tilespmem:$0xEAA0] =	vst v17;
	v17 =	vmul.f32 v24, v46  }
0x3c: {  	v55 =	vld [tilespmem:$0xEB20];
	v54 =	vmul.f32 v25, v46;
	[tilespmem:$0xEAB0] =	vst v50  }
0x3d: {  	v56 =	vld [tilespmem:$0xEB30];
	[tilespmem:$0xEAC0] =	vst v17;
	v17 =	vmul.f32 v48, v52  }
0x3e: {  	v58 =	vld [tilespmem:$0xEB40];
	v57 =	vmul.f32 v49, v52;
	[tilespmem:$0xEAD0] =	vst v54  }
0x3f: {  	v60 =	vld [tilespmem:$0xEB50];
	v59 =	vperm.xlane v16, v3;
	[tilespmem:$0xEAE0] =	vst v17;
	v17 =	vmul.f32 v51, v52  }
0x40: {  	v62 =	vld [tilespmem:$0xEB60];
	v61 =	vmul.f32 v53, v52;
	[tilespmem:$0xEAF0] =	vst v57  }
0x41: {  	v63 =	vld [tilespmem:$0xEB70];
	[tilespmem:$0xEB00] =	vst v17;
	v17 =	vmul.f32 v55, v59  }
0x42: {  	v29 =	vld [tilespmem:$0xEB80];
	v28 =	vmul.f32 v56, v59;
	[tilespmem:$0xEB10] =	vst v61  }
0x43: {  	v31 =	vld [tilespmem:$0xEB90];
	v30 =	vperm.xlane v16, v4;
	[tilespmem:$0xEB20] =	vst v17;
	v17 =	vmul.f32 v58, v59  }
0x44: {  	v33 =	vld [tilespmem:$0xEBA0];
	v32 =	vmul.f32 v60, v59;
	[tilespmem:$0xEB30] =	vst v28  }
0x45: {  	v34 =	vld [tilespmem:$0xEBB0];
	[tilespmem:$0xEB40] =	vst v17;
	v17 =	vmul.f32 v62, v30  }
0x46: {  	v36 =	vld [tilespmem:$0xEBC0];
	v35 =	vmul.f32 v63, v30;
	[tilespmem:$0xEB50] =	vst v32  }
0x47: {  	v41 =	vld [tilespmem:$0xEBF0];
	v37 =	vperm.xlane v16, v5;
	[tilespmem:$0xEB60] =	vst v17;
	v17 =	vmul.f32 v29, v30  }
0x48: {  	v40 =	vld [tilespmem:$0xEBE0];
	v39 =	vmul.f32 v31, v30;
	[tilespmem:$0xEB70] =	vst v35  }
0x49: {  	v45 =	vld [tilespmem:$0xEC10];
	[tilespmem:$0xEB80] =	vst v17;
	v17 =	vmul.f32 v33, v37  }
0x4a: {  	v43 =	vld [tilespmem:$0xEC00];
	v44 =	vperm.xlane v16, v6;
	v42 =	vmul.f32 v34, v37;
	[tilespmem:$0xEB90] =	vst v39  }
0x4b: {  	v38 =	vld [tilespmem:$0xEBD0];
	[tilespmem:$0xEBA0] =	vst v17;
	v17 =	vmul.f32 v36, v37  }
0x4c: {  	v49 =	vmul.f32 v41, v44;
	[tilespmem:$0xEBB0] =	vst v42;
	v47 =	vld [tilespmem:$0xEC20]  }
0x4d: {  	v48 =	vld [tilespmem:$0xEC30];
	[tilespmem:$0xEBC0] =	vst v17;
	v17 =	vmul.f32 v40, v44  }
0x4e: {  	v53 =	vmul.f32 v45, v44;
	v50 =	vld [tilespmem:$0xEC40];
	[tilespmem:$0xEBF0] =	vst v49  }
0x4f: {  	v51 =	vperm.xlane v16, v7;
	v52 =	vld [tilespmem:$0xEC50];
	[tilespmem:$0xEBE0] =	vst v17;
	v17 =	vmul.f32 v43, v44  }
0x50: {  	v54 =	vld [tilespmem:$0xEC60];
	[tilespmem:$0xEC10] =	vst v53;
	v46 =	vmul.f32 v38, v37  }
0x51: {  	v55 =	vld [tilespmem:$0xEC70];
	[tilespmem:$0xEC00] =	vst v17;
	v17 =	vmul.f32 v47, v51  }
0x52: {  	v57 =	vld [tilespmem:$0xEC80];
	[tilespmem:$0xEBD0] =	vst v46;
	v56 =	vmul.f32 v48, v51  }
0x53: {  	v58 =	vperm.xlane v16, v8;
	v59 =	vld [tilespmem:$0xEC90];
	[tilespmem:$0xEC20] =	vst v17;
	v17 =	vmul.f32 v50, v51  }
0x54: {  	v61 =	vld [tilespmem:$0xECA0];
	[tilespmem:$0xEC30] =	vst v56;
	v60 =	vmul.f32 v52, v51  }
0x55: {  	v62 =	vld [tilespmem:$0xECB0];
	[tilespmem:$0xEC40] =	vst v17;
	v17 =	vmul.f32 v54, v58  }
0x56: {  	v28 =	vld [tilespmem:$0xECC0];
	[tilespmem:$0xEC50] =	vst v60;
	v63 =	vmul.f32 v55, v58  }
0x57: {  	v29 =	vperm.xlane v16, v9;
	v30 =	vld [tilespmem:$0xECD0];
	[tilespmem:$0xEC60] =	vst v17;
	v17 =	vmul.f32 v57, v58  }
0x58: {  	v32 =	vld [tilespmem:$0xECE0];
	[tilespmem:$0xEC70] =	vst v63;
	v31 =	vmul.f32 v59, v58  }
0x59: {  	v33 =	vld [tilespmem:$0xECF0];
	[tilespmem:$0xEC80] =	vst v17;
	v17 =	vmul.f32 v61, v29  }
0x5a: {  	v35 =	vld [tilespmem:$0xED00];
	[tilespmem:$0xEC90] =	vst v31;
	v34 =	vmul.f32 v62, v29  }
0x5b: {  	v36 =	vperm.xlane v16, v10;
	v37 =	vld [tilespmem:$0xED10];
	[tilespmem:$0xECA0] =	vst v17;
	v17 =	vmul.f32 v28, v29  }
0x5c: {  	v39 =	vld [tilespmem:$0xED20];
	[tilespmem:$0xECB0] =	vst v34;
	v38 =	vmul.f32 v30, v29  }
0x5d: {  	v40 =	vld [tilespmem:$0xED30];
	[tilespmem:$0xECC0] =	vst v17;
	v17 =	vmul.f32 v32, v36  }
0x5e: {  	v42 =	vld [tilespmem:$0xED40];
	[tilespmem:$0xECD0] =	vst v38;
	v41 =	vmul.f32 v33, v36  }
0x5f: {  	v43 =	vperm.xlane v16, v11;
	v44 =	vld [tilespmem:$0xED50];
	[tilespmem:$0xECE0] =	vst v17;
	v17 =	vmul.f32 v35, v36  }
0x60: {  	v46 =	vld [tilespmem:$0xED60];
	[tilespmem:$0xECF0] =	vst v41;
	v45 =	vmul.f32 v37, v36  }
0x61: {  	v47 =	vld [tilespmem:$0xED70];
	[tilespmem:$0xED00] =	vst v17;
	v17 =	vmul.f32 v39, v43  }
0x62: {  	v49 =	vld [tilespmem:$0xED80];
	[tilespmem:$0xED10] =	vst v45;
	v48 =	vmul.f32 v40, v43  }
0x63: {  	v50 =	vperm.xlane v16, v12;
	v51 =	vld [tilespmem:$0xED90];
	[tilespmem:$0xED20] =	vst v17;
	v17 =	vmul.f32 v42, v43  }
0x64: {  	v53 =	vld [tilespmem:$0xEDA0];
	[tilespmem:$0xED30] =	vst v48;
	v52 =	vmul.f32 v44, v43  }
0x65: {  	v54 =	vld [tilespmem:$0xEDB0];
	[tilespmem:$0xED40] =	vst v17;
	v17 =	vmul.f32 v46, v50  }
0x66: {  	v56 =	vld [tilespmem:$0xEDC0];
	[tilespmem:$0xED50] =	vst v52;
	v55 =	vmul.f32 v47, v50  }
0x67: {  	v57 =	vperm.xlane v16, v13;
	v58 =	vld [tilespmem:$0xEDD0];
	[tilespmem:$0xED60] =	vst v17;
	v17 =	vmul.f32 v49, v50  }
0x68: {  	v60 =	vld [tilespmem:$0xEDE0];
	[tilespmem:$0xED70] =	vst v55;
	v59 =	vmul.f32 v51, v50  }
0x69: {  	v61 =	vld [tilespmem:$0xEDF0];
	[tilespmem:$0xED80] =	vst v17;
	v17 =	vmul.f32 v53, v57  }
0x6a: {  	v63 =	vld [tilespmem:$0xEE00];
	[tilespmem:$0xED90] =	vst v59;
	v62 =	vmul.f32 v54, v57  }
0x6b: {  	v28 =	vperm.xlane v16, v14;
	v29 =	vld [tilespmem:$0xEE10];
	[tilespmem:$0xEDA0] =	vst v17;
	v17 =	vmul.f32 v56, v57  }
0x6c: {  	v31 =	vld [tilespmem:$0xEE20];
	[tilespmem:$0xEDB0] =	vst v62;
	v30 =	vmul.f32 v58, v57  }
0x6d: {  	v32 =	vld [tilespmem:$0xEE30];
	[tilespmem:$0xEDC0] =	vst v17;
	v17 =	vmul.f32 v60, v28  }
0x6e: {  	v34 =	vld [tilespmem:$0xEE40];
	[tilespmem:$0xEDD0] =	vst v30;
	v33 =	vmul.f32 v61, v28  }
0x6f: {  	v16 =	vperm.xlane v16, v15;
	v35 =	vld [tilespmem:$0xEE50];
	[tilespmem:$0xEDE0] =	vst v17;
	v17 =	vmul.f32 v63, v28  }
0x70: {  	[tilespmem:$0xEDF0] =	vst v33;
	v36 =	vmul.f32 v29, v28  }
0x71: {  	[tilespmem:$0xEE00] =	vst v17;
	v17 =	vmul.f32 v31, v16  }
0x72: {  	[tilespmem:$0xEE10] =	vst v36;
	v37 =	vmul.f32 v32, v16  }
0x73: {  	[tilespmem:$0xEE20] =	vst v17;
	v17 =	vmul.f32 v34, v16  }
0x74: {  	[tilespmem:$0xEE30] =	vst v37;
	v16 =	vmul.f32 v35, v16  }
0x75: {  	[tilespmem:$0xEE40] =	vst v17  }
0x76: {  	[tilespmem:$0xEE50] =	vst v16  }
0x77: {  	v16 =	vld [tilespmem:s24+$0x9C50];
	_ =	sdelay $0x1  }
0x78: {  	v17 =	vld [tilespmem:$0xEE60]  }
0x79: {  	v38 =	vld [tilespmem:$0xEE70]  }
0x7a: {  	v39 =	vld [tilespmem:$0xEE80]  }
0x7b: {  	v41 =	vld [tilespmem:$0xEE90];
	v40 =	vperm.xlane v16, v0  }
0x7c: {  	v42 =	vld [tilespmem:$0xEEA0]  }
0x7d: {  	v43 =	vld [tilespmem:$0xEEB0];
	v17 =	vmul.f32 v17, v40  }
0x7e: {  	v44 =	vld [tilespmem:$0xEEC0];
	v18 =	vmul.f32 v38, v40  }
0x7f: {  	v46 =	vld [tilespmem:$0xEED0];
	v45 =	vperm.xlane v16, v1;
	[tilespmem:$0xEE60] =	vst v17;
	v17 =	vmul.f32 v39, v40  }
0x80: {  	v48 =	vld [tilespmem:$0xEEE0];
	v47 =	vmul.f32 v41, v40;
	[tilespmem:$0xEE70] =	vst v18  }
0x81: {  	v49 =	vld [tilespmem:$0xEEF0];
	[tilespmem:$0xEE80] =	vst v17;
	v17 =	vmul.f32 v42, v45  }
0x82: {  	v51 =	vld [tilespmem:$0xEF00];
	v50 =	vmul.f32 v43, v45;
	[tilespmem:$0xEE90] =	vst v47  }
0x83: {  	v52 =	vperm.xlane v16, v2;
	[tilespmem:$0xEEA0] =	vst v17;
	v17 =	vmul.f32 v44, v45  }
0x84: {  	v53 =	vmul.f32 v46, v45;
	[tilespmem:$0xEEB0] =	vst v50  }
0x85: {  	[tilespmem:$0xEEC0] =	vst v17;
	v17 =	vmul.f32 v48, v52  }
0x86: {  	v54 =	vmul.f32 v49, v52;
	[tilespmem:$0xEED0] =	vst v53  }
0x87: {  	[tilespmem:$0xEEE0] =	vst v17;
	v17 =	vmul.f32 v51, v52  }
0x88: {  	[tilespmem:$0xEEF0] =	vst v54  }
0x89: {  	[tilespmem:$0xEF00] =	vst v17  }
0x8a: {  	v17 =	vld [tilespmem:$0xEF10]  }
0x8b: {  	v55 =	vld [tilespmem:$0xEF20]  }
0x8c: {  	v57 =	vld [tilespmem:$0xEF40]  }
0x8d: {  	v56 =	vld [tilespmem:$0xEF30]  }
0x8e: {  	v58 =	vperm.xlane v16, v3;
	v60 =	vld [tilespmem:$0xEF60]  }
0x8f: {  	v59 =	vld [tilespmem:$0xEF50];
	v17 =	vmul.f32 v17, v52  }
0x90: {  	v62 =	vld [tilespmem:$0xEF80];
	v18 =	vmul.f32 v55, v58  }
0x91: {  	v28 =	vperm.xlane v16, v4;
	v61 =	vld [tilespmem:$0xEF70];
	v63 =	vmul.f32 v57, v58;
	[tilespmem:$0xEF10] =	vst v17  }
0x92: {  	v30 =	vld [tilespmem:$0xEFA0];
	v17 =	vmul.f32 v56, v58;
	[tilespmem:$0xEF20] =	vst v18  }
0x93: {  	v29 =	vld [tilespmem:$0xEF90];
	v31 =	vmul.f32 v60, v28;
	[tilespmem:$0xEF40] =	vst v63  }
0x94: {  	v33 =	vld [tilespmem:$0xEFC0];
	[tilespmem:$0xEF30] =	vst v17;
	v17 =	vmul.f32 v59, v58  }
0x95: {  	v35 =	vperm.xlane v16, v5;
	v32 =	vld [tilespmem:$0xEFB0];
	v34 =	vmul.f32 v62, v28;
	[tilespmem:$0xEF60] =	vst v31  }
0x96: {  	v37 =	vld [tilespmem:$0xEFE0];
	[tilespmem:$0xEF50] =	vst v17;
	v17 =	vmul.f32 v61, v28  }
0x97: {  	v36 =	vld [tilespmem:$0xEFD0];
	v38 =	vmul.f32 v30, v35;
	[tilespmem:$0xEF80] =	vst v34  }
0x98: {  	v40 =	vld [tilespmem:$0xF000];
	[tilespmem:$0xEF70] =	vst v17;
	v17 =	vmul.f32 v29, v28  }
0x99: {  	v42 =	vperm.xlane v16, v6;
	v39 =	vld [tilespmem:$0xEFF0];
	v41 =	vmul.f32 v33, v35;
	[tilespmem:$0xEFA0] =	vst v38  }
0x9a: {  	v44 =	vld [tilespmem:$0xF020];
	[tilespmem:$0xEF90] =	vst v17;
	v17 =	vmul.f32 v32, v35  }
0x9b: {  	v43 =	vld [tilespmem:$0xF010];
	v45 =	vmul.f32 v37, v42;
	[tilespmem:$0xEFC0] =	vst v41  }
0x9c: {  	v47 =	vld [tilespmem:$0xF040];
	[tilespmem:$0xEFB0] =	vst v17;
	v17 =	vmul.f32 v36, v35  }
0x9d: {  	v49 =	vperm.xlane v16, v7;
	v46 =	vld [tilespmem:$0xF030];
	v48 =	vmul.f32 v40, v42;
	[tilespmem:$0xEFE0] =	vst v45  }
0x9e: {  	v51 =	vld [tilespmem:$0xF060];
	[tilespmem:$0xEFD0] =	vst v17;
	v17 =	vmul.f32 v39, v42  }
0x9f: {  	v50 =	vld [tilespmem:$0xF050];
	v52 =	vmul.f32 v44, v49;
	[tilespmem:$0xF000] =	vst v48  }
0xa0: {  	v54 =	vld [tilespmem:$0xF080];
	[tilespmem:$0xEFF0] =	vst v17;
	v17 =	vmul.f32 v43, v42  }
0xa1: {  	v53 =	vld [tilespmem:$0xF070];
	v55 =	vmul.f32 v47, v49;
	[tilespmem:$0xF020] =	vst v52;
	v56 =	vperm.xlane v16, v8  }
0xa2: {  	v58 =	vld [tilespmem:$0xF0A0];
	[tilespmem:$0xF010] =	vst v17;
	v17 =	vmul.f32 v46, v49  }
0xa3: {  	v57 =	vld [tilespmem:$0xF090];
	[tilespmem:$0xF040] =	vst v55;
	v59 =	vmul.f32 v51, v56  }
0xa4: {  	v61 =	vld [tilespmem:$0xF0C0];
	[tilespmem:$0xF030] =	vst v17;
	v17 =	vmul.f32 v50, v49  }
0xa5: {  	v60 =	vld [tilespmem:$0xF0B0];
	v63 =	vperm.xlane v16, v9;
	v62 =	vmul.f32 v54, v56;
	[tilespmem:$0xF060] =	vst v59  }
0xa6: {  	v34 =	vperm.xlane v16, v10;
	v29 =	vld [tilespmem:$0xF0E0];
	[tilespmem:$0xF050] =	vst v17;
	v17 =	vmul.f32 v53, v56  }
0xa7: {  	v41 =	vperm.xlane v16, v11;
	[tilespmem:$0xF080] =	vst v62;
	v28 =	vld [tilespmem:$0xF0D0];
	v30 =	vmul.f32 v58, v63  }
0xa8: {  	v27 =	vld [tilespmem:$0xF220];
	v48 =	vperm.xlane v16, v12;
	[tilespmem:$0xF070] =	vst v17;
	v17 =	vmul.f32 v57, v56  }
0xa9: {  	v31 =	vld [tilespmem:$0xF0F0];
	v55 =	vperm.xlane v16, v13;
	[tilespmem:$0xF0A0] =	vst v30;
	v33 =	vmul.f32 v61, v63  }
0xaa: {  	v62 =	vperm.xlane v16, v14;
	v32 =	vld [tilespmem:$0xF100];
	[tilespmem:$0xF090] =	vst v17;
	v17 =	vmul.f32 v60, v63  }
0xab: {  	v16 =	vperm.xlane v16, v15;
	v35 =	vld [tilespmem:$0xF110];
	[tilespmem:$0xF0C0] =	vst v33;
	v37 =	vmul.f32 v29, v34  }
0xac: {  	v36 =	vld [tilespmem:$0xF120];
	[tilespmem:$0xF0B0] =	vst v17;
	v17 =	vmul.f32 v28, v63  }
0xad: {  	v38 =	vld [tilespmem:$0xF130];
	v33 =	vmul.f32 v27, v16;
	[tilespmem:$0xF0E0] =	vst v37  }
0xae: {  	v39 =	vld [tilespmem:$0xF140];
	[tilespmem:$0xF0D0] =	vst v17;
	v17 =	vmul.f32 v31, v34  }
0xaf: {  	v40 =	vmul.f32 v32, v34;
	[tilespmem:$0xF220] =	vst v33;
	v42 =	vld [tilespmem:$0xF150]  }
0xb0: {  	v43 =	vld [tilespmem:$0xF160];
	[tilespmem:$0xF0F0] =	vst v17;
	v17 =	vmul.f32 v35, v34  }
0xb1: {  	v45 =	vld [tilespmem:$0xF170];
	[tilespmem:$0xF100] =	vst v40;
	v44 =	vmul.f32 v36, v41  }
0xb2: {  	v46 =	vld [tilespmem:$0xF180];
	[tilespmem:$0xF110] =	vst v17;
	v17 =	vmul.f32 v38, v41  }
0xb3: {  	[tilespmem:$0xF120] =	vst v44;
	v47 =	vmul.f32 v39, v41;
	v49 =	vld [tilespmem:$0xF190]  }
0xb4: {  	v50 =	vld [tilespmem:$0xF1A0];
	[tilespmem:$0xF130] =	vst v17;
	v17 =	vmul.f32 v42, v41  }
0xb5: {  	v52 =	vld [tilespmem:$0xF1B0];
	[tilespmem:$0xF140] =	vst v47;
	v51 =	vmul.f32 v43, v48  }
0xb6: {  	v53 =	vld [tilespmem:$0xF1C0];
	[tilespmem:$0xF150] =	vst v17;
	v17 =	vmul.f32 v45, v48  }
0xb7: {  	[tilespmem:$0xF160] =	vst v51;
	v54 =	vmul.f32 v46, v48;
	v56 =	vld [tilespmem:$0xF1D0]  }
0xb8: {  	v57 =	vld [tilespmem:$0xF1E0];
	[tilespmem:$0xF170] =	vst v17;
	v17 =	vmul.f32 v49, v48  }
0xb9: {  	v59 =	vld [tilespmem:$0xF1F0];
	[tilespmem:$0xF180] =	vst v54;
	v58 =	vmul.f32 v50, v55  }
0xba: {  	v60 =	vld [tilespmem:$0xF200];
	[tilespmem:$0xF190] =	vst v17;
	v17 =	vmul.f32 v52, v55  }
0xbb: {  	[tilespmem:$0xF1A0] =	vst v58;
	v61 =	vmul.f32 v53, v55;
	v63 =	vld [tilespmem:$0xF210]  }
0xbc: {  	v30 =	vld [tilespmem:$0xF240];
	[tilespmem:$0xF1B0] =	vst v17;
	v17 =	vmul.f32 v56, v55  }
0xbd: {  	v29 =	vld [tilespmem:$0xF230];
	[tilespmem:$0xF1C0] =	vst v61;
	v28 =	vmul.f32 v57, v62  }
0xbe: {  	v32 =	vld [tilespmem:$0xF250];
	[tilespmem:$0xF1D0] =	vst v17;
	v17 =	vmul.f32 v59, v62  }
0xbf: {  	[tilespmem:$0xF1E0] =	vst v28;
	v31 =	vmul.f32 v60, v62  }
0xc0: {  	[tilespmem:$0xF1F0] =	vst v17;
	v17 =	vmul.f32 v63, v62  }
0xc1: {  	v34 =	vmul.f32 v30, v16;
	[tilespmem:$0xF200] =	vst v31  }
0xc2: {  	[tilespmem:$0xF210] =	vst v17;
	v17 =	vmul.f32 v29, v16  }
0xc3: {  	[tilespmem:$0xF240] =	vst v34;
	v16 =	vmul.f32 v32, v16  }
0xc4: {  	[tilespmem:$0xF230] =	vst v17  }
0xc5: {  	[tilespmem:$0xF250] =	vst v16  }
0xc6: {  	v16 =	vld [tilespmem:s24+$0x9C60];
	_ =	sdelay $0x1  }
0xc7: {  	v17 =	vld [tilespmem:$0xF260]  }
0xc8: {  	v35 =	vld [tilespmem:$0xF270]  }
0xc9: {  	v36 =	vld [tilespmem:$0xF280]  }
0xca: {  	v38 =	vld [tilespmem:$0xF290];
	v37 =	vperm.xlane v16, v0  }
0xcb: {  	v39 =	vld [tilespmem:$0xF2A0]  }
0xcc: {  	v40 =	vld [tilespmem:$0xF2B0];
	v17 =	vmul.f32 v17, v37  }
0xcd: {  	v41 =	vld [tilespmem:$0xF2C0];
	v18 =	vmul.f32 v35, v37  }
0xce: {  	v43 =	vld [tilespmem:$0xF2D0];
	v42 =	vperm.xlane v16, v1;
	[tilespmem:$0xF260] =	vst v17;
	v17 =	vmul.f32 v36, v37  }
0xcf: {  	v45 =	vld [tilespmem:$0xF2E0];
	v44 =	vmul.f32 v38, v37;
	[tilespmem:$0xF270] =	vst v18  }
0xd0: {  	v46 =	vld [tilespmem:$0xF2F0];
	[tilespmem:$0xF280] =	vst v17;
	v17 =	vmul.f32 v39, v42  }
0xd1: {  	v48 =	vld [tilespmem:$0xF300];
	v47 =	vmul.f32 v40, v42;
	[tilespmem:$0xF290] =	vst v44  }
0xd2: {  	v50 =	vld [tilespmem:$0xF310];
	v49 =	vperm.xlane v16, v2;
	[tilespmem:$0xF2A0] =	vst v17;
	v17 =	vmul.f32 v41, v42  }
0xd3: {  	v52 =	vld [tilespmem:$0xF320];
	v51 =	vmul.f32 v43, v42;
	[tilespmem:$0xF2B0] =	vst v47  }
0xd4: {  	v53 =	vld [tilespmem:$0xF330];
	[tilespmem:$0xF2C0] =	vst v17;
	v17 =	vmul.f32 v45, v49  }
0xd5: {  	v55 =	vld [tilespmem:$0xF340];
	v54 =	vmul.f32 v46, v49;
	[tilespmem:$0xF2D0] =	vst v51  }
0xd6: {  	v57 =	vld [tilespmem:$0xF350];
	v56 =	vperm.xlane v16, v3;
	[tilespmem:$0xF2E0] =	vst v17;
	v17 =	vmul.f32 v48, v49  }
0xd7: {  	v59 =	vld [tilespmem:$0xF360];
	v58 =	vmul.f32 v50, v49;
	[tilespmem:$0xF2F0] =	vst v54  }
0xd8: {  	v60 =	vld [tilespmem:$0xF370];
	[tilespmem:$0xF300] =	vst v17;
	v17 =	vmul.f32 v52, v56  }
0xd9: {  	v62 =	vld [tilespmem:$0xF380];
	v61 =	vmul.f32 v53, v56;
	[tilespmem:$0xF310] =	vst v58  }
0xda: {  	v28 =	vld [tilespmem:$0xF390];
	v63 =	vperm.xlane v16, v4;
	[tilespmem:$0xF320] =	vst v17;
	v17 =	vmul.f32 v55, v56  }
0xdb: {  	v30 =	vld [tilespmem:$0xF3A0];
	v29 =	vmul.f32 v57, v56;
	[tilespmem:$0xF330] =	vst v61  }
0xdc: {  	v31 =	vld [tilespmem:$0xF3B0];
	[tilespmem:$0xF340] =	vst v17;
	v17 =	vmul.f32 v59, v63  }
0xdd: {  	v33 =	vld [tilespmem:$0xF3C0];
	v32 =	vmul.f32 v60, v63;
	[tilespmem:$0xF350] =	vst v29  }
0xde: {  	v34 =	vperm.xlane v16, v5;
	v35 =	vld [tilespmem:$0xF3D0];
	[tilespmem:$0xF360] =	vst v17;
	v17 =	vmul.f32 v62, v63  }
0xdf: {  	[tilespmem:$0xF370] =	vst v32;
	v36 =	vmul.f32 v28, v63;
	v37 =	vld [tilespmem:$0xF3E0]  }
0xe0: {  	v38 =	vld [tilespmem:$0xF3F0];
	[tilespmem:$0xF380] =	vst v17;
	v17 =	vmul.f32 v30, v34  }
0xe1: {  	v40 =	vld [tilespmem:$0xF400];
	[tilespmem:$0xF390] =	vst v36;
	v39 =	vmul.f32 v31, v34  }
0xe2: {  	v41 =	vperm.xlane v16, v6;
	v42 =	vld [tilespmem:$0xF410];
	[tilespmem:$0xF3A0] =	vst v17;
	v17 =	vmul.f32 v33, v34  }
0xe3: {  	v44 =	vld [tilespmem:$0xF420];
	v43 =	vmul.f32 v35, v34;
	[tilespmem:$0xF3B0] =	vst v39  }
0xe4: {  	v45 =	vld [tilespmem:$0xF430];
	[tilespmem:$0xF3C0] =	vst v17;
	v17 =	vmul.f32 v37, v41  }
0xe5: {  	v47 =	vld [tilespmem:$0xF440];
	[tilespmem:$0xF3D0] =	vst v43;
	v46 =	vmul.f32 v38, v41  }
0xe6: {  	v48 =	vperm.xlane v16, v7;
	v49 =	vld [tilespmem:$0xF450];
	[tilespmem:$0xF3E0] =	vst v17;
	v17 =	vmul.f32 v40, v41  }
0xe7: {  	v51 =	vld [tilespmem:$0xF460];
	[tilespmem:$0xF3F0] =	vst v46;
	v50 =	vmul.f32 v42, v41  }
0xe8: {  	v52 =	vld [tilespmem:$0xF470];
	[tilespmem:$0xF400] =	vst v17;
	v17 =	vmul.f32 v44, v48  }
0xe9: {  	v54 =	vld [tilespmem:$0xF480];
	[tilespmem:$0xF410] =	vst v50;
	v53 =	vmul.f32 v45, v48  }
0xea: {  	v55 =	vperm.xlane v16, v8;
	v56 =	vld [tilespmem:$0xF490];
	[tilespmem:$0xF420] =	vst v17;
	v17 =	vmul.f32 v47, v48  }
0xeb: {  	v58 =	vld [tilespmem:$0xF4A0];
	[tilespmem:$0xF430] =	vst v53;
	v57 =	vmul.f32 v49, v48  }
0xec: {  	v59 =	vld [tilespmem:$0xF4B0];
	[tilespmem:$0xF440] =	vst v17;
	v17 =	vmul.f32 v51, v55  }
0xed: {  	v61 =	vld [tilespmem:$0xF4C0];
	[tilespmem:$0xF450] =	vst v57;
	v60 =	vmul.f32 v52, v55  }
0xee: {  	v57 =	vld [tilespmem:$0xF5F0];
	v62 =	vperm.xlane v16, v9;
	[tilespmem:$0xF460] =	vst v17;
	v17 =	vmul.f32 v54, v55  }
0xef: {  	v28 =	vld [tilespmem:$0xF4E0];
	[tilespmem:$0xF470] =	vst v60;
	v27 =	vmul.f32 v56, v55  }
0xf0: {  	v32 =	vperm.xlane v16, v10;
	v63 =	vld [tilespmem:$0xF4D0];
	[tilespmem:$0xF480] =	vst v17;
	v17 =	vmul.f32 v58, v62  }
0xf1: {  	v31 =	vld [tilespmem:$0xF500];
	v60 =	vperm.xlane v16, v14;
	[tilespmem:$0xF490] =	vst v27;
	v30 =	vmul.f32 v59, v62  }
0xf2: {  	v25 =	vld [tilespmem:$0xF630];
	v39 =	vperm.xlane v16, v11;
	[tilespmem:$0xF4A0] =	vst v17;
	v17 =	vmul.f32 v61, v62  }
0xf3: {  	v35 =	vld [tilespmem:$0xF520];
	v46 =	vperm.xlane v16, v12;
	v26 =	vmul.f32 v57, v60;
	[tilespmem:$0xF4B0] =	vst v30  }
0xf4: {  	v29 =	vld [tilespmem:$0xF4F0];
	v53 =	vperm.xlane v16, v13;
	[tilespmem:$0xF4C0] =	vst v17;
	v17 =	vmul.f32 v28, v32  }
0xf5: {  	v38 =	vld [tilespmem:$0xF540];
	v16 =	vperm.xlane v16, v15;
	v34 =	vmul.f32 v63, v62;
	[tilespmem:$0xF5F0] =	vst v26  }
0xf6: {  	v33 =	vld [tilespmem:$0xF510];
	[tilespmem:$0xF4E0] =	vst v17;
	v17 =	vmul.f32 v31, v32  }
0xf7: {  	v42 =	vld [tilespmem:$0xF560];
	v30 =	vmul.f32 v25, v16;
	[tilespmem:$0xF4D0] =	vst v34  }
0xf8: {  	v36 =	vld [tilespmem:$0xF530];
	[tilespmem:$0xF500] =	vst v17;
	v17 =	vmul.f32 v35, v39  }
0xf9: {  	v45 =	vld [tilespmem:$0xF580];
	v37 =	vmul.f32 v29, v32;
	[tilespmem:$0xF630] =	vst v30  }
0xfa: {  	v40 =	vld [tilespmem:$0xF550];
	[tilespmem:$0xF520] =	vst v17;
	v17 =	vmul.f32 v38, v39  }
0xfb: {  	v49 =	vld [tilespmem:$0xF5A0];
	[tilespmem:$0xF4F0] =	vst v37;
	v41 =	vmul.f32 v33, v32  }
0xfc: {  	v43 =	vld [tilespmem:$0xF570];
	[tilespmem:$0xF540] =	vst v17;
	v17 =	vmul.f32 v42, v46  }
0xfd: {  	v52 =	vld [tilespmem:$0xF5C0];
	v44 =	vmul.f32 v36, v39;
	[tilespmem:$0xF510] =	vst v41  }
0xfe: {  	v47 =	vld [tilespmem:$0xF590];
	[tilespmem:$0xF560] =	vst v17;
	v17 =	vmul.f32 v45, v46  }
0xff: {  	v56 =	vld [tilespmem:$0xF5E0];
	[tilespmem:$0xF530] =	vst v44;
	v48 =	vmul.f32 v40, v39  }
0x100: {  	v50 =	vld [tilespmem:$0xF5B0];
	[tilespmem:$0xF580] =	vst v17;
	v17 =	vmul.f32 v49, v53  }
0x101: {  	v59 =	vld [tilespmem:$0xF600];
	v51 =	vmul.f32 v43, v46;
	[tilespmem:$0xF550] =	vst v48  }
0x102: {  	v54 =	vld [tilespmem:$0xF5D0];
	[tilespmem:$0xF5A0] =	vst v17;
	v17 =	vmul.f32 v52, v53  }
0x103: {  	v63 =	vld [tilespmem:$0xF620];
	[tilespmem:$0xF570] =	vst v51;
	v55 =	vmul.f32 v47, v46  }
0x104: {  	v61 =	vld [tilespmem:$0xF610];
	[tilespmem:$0xF5C0] =	vst v17;
	v17 =	vmul.f32 v56, v60  }
0x105: {  	v27 =	vld [tilespmem:$0xF640];
	v58 =	vmul.f32 v50, v53;
	[tilespmem:$0xF590] =	vst v55  }
0x106: {  	v28 =	vld [tilespmem:$0xF650];
	[tilespmem:$0xF5E0] =	vst v17;
	v17 =	vmul.f32 v59, v60  }
0x107: {  	[tilespmem:$0xF5B0] =	vst v58;
	v62 =	vmul.f32 v54, v53  }
0x108: {  	[tilespmem:$0xF600] =	vst v17;
	v17 =	vmul.f32 v63, v16  }
0x109: {  	[tilespmem:$0xF5D0] =	vst v62;
	v29 =	vmul.f32 v61, v60  }
0x10a: {  	[tilespmem:$0xF620] =	vst v17;
	v17 =	vmul.f32 v27, v16  }
0x10b: {  	[tilespmem:$0xF610] =	vst v29;
	v16 =	vmul.f32 v28, v16  }
0x10c: {  	[tilespmem:$0xF640] =	vst v17  }
0x10d: {  	[tilespmem:$0xF650] =	vst v16  }
0x10e: {  	v16 =	vld [tilespmem:s24+$0x9C70];
	_ =	sdelay $0x1  }
0x10f: {  	v17 =	vld [tilespmem:$0xF660]  }
0x110: {  	v31 =	vld [tilespmem:$0xF670]  }
0x111: {  	v32 =	vld [tilespmem:$0xF680]  }
0x112: {  	v34 =	vld [tilespmem:$0xF690];
	v33 =	vperm.xlane v16, v0  }
0x113: {  	v35 =	vld [tilespmem:$0xF6A0]  }
0x114: {  	v36 =	vld [tilespmem:$0xF6B0];
	v17 =	vmul.f32 v17, v33  }
0x115: {  	v37 =	vld [tilespmem:$0xF6C0];
	v18 =	vmul.f32 v31, v33  }
0x116: {  	v39 =	vld [tilespmem:$0xF6D0];
	v38 =	vperm.xlane v16, v1;
	[tilespmem:$0xF660] =	vst v17;
	v17 =	vmul.f32 v32, v33  }
0x117: {  	v41 =	vld [tilespmem:$0xF6E0];
	v40 =	vmul.f32 v34, v33;
	[tilespmem:$0xF670] =	vst v18  }
0x118: {  	v42 =	vld [tilespmem:$0xF6F0];
	[tilespmem:$0xF680] =	vst v17;
	v17 =	vmul.f32 v35, v38  }
0x119: {  	v44 =	vld [tilespmem:$0xF700];
	v43 =	vmul.f32 v36, v38;
	[tilespmem:$0xF690] =	vst v40  }
0x11a: {  	v46 =	vld [tilespmem:$0xF710];
	v45 =	vperm.xlane v16, v2;
	[tilespmem:$0xF6A0] =	vst v17;
	v17 =	vmul.f32 v37, v38  }
0x11b: {  	v48 =	vld [tilespmem:$0xF720];
	v47 =	vmul.f32 v39, v38;
	[tilespmem:$0xF6B0] =	vst v43  }
0x11c: {  	v49 =	vld [tilespmem:$0xF730];
	[tilespmem:$0xF6C0] =	vst v17;
	v17 =	vmul.f32 v41, v45  }
0x11d: {  	v51 =	vld [tilespmem:$0xF740];
	v50 =	vmul.f32 v42, v45;
	[tilespmem:$0xF6D0] =	vst v47  }
0x11e: {  	v53 =	vld [tilespmem:$0xF750];
	v52 =	vperm.xlane v16, v3;
	[tilespmem:$0xF6E0] =	vst v17;
	v17 =	vmul.f32 v44, v45  }
0x11f: {  	v55 =	vld [tilespmem:$0xF760];
	v54 =	vmul.f32 v46, v45;
	[tilespmem:$0xF6F0] =	vst v50  }
0x120: {  	v56 =	vld [tilespmem:$0xF770];
	[tilespmem:$0xF700] =	vst v17;
	v17 =	vmul.f32 v48, v52  }
0x121: {  	v58 =	vld [tilespmem:$0xF780];
	v57 =	vmul.f32 v49, v52;
	[tilespmem:$0xF710] =	vst v54  }
0x122: {  	v60 =	vld [tilespmem:$0xF790];
	v59 =	vperm.xlane v16, v4;
	[tilespmem:$0xF720] =	vst v17;
	v17 =	vmul.f32 v51, v52  }
0x123: {  	v62 =	vld [tilespmem:$0xF7A0];
	v61 =	vmul.f32 v53, v52;
	[tilespmem:$0xF730] =	vst v57  }
0x124: {  	v63 =	vld [tilespmem:$0xF7B0];
	[tilespmem:$0xF740] =	vst v17;
	v17 =	vmul.f32 v55, v59  }
0x125: {  	v29 =	vld [tilespmem:$0xF7C0];
	v28 =	vmul.f32 v56, v59;
	[tilespmem:$0xF750] =	vst v61  }
0x126: {  	v30 =	vperm.xlane v16, v5;
	v31 =	vld [tilespmem:$0xF7D0];
	[tilespmem:$0xF760] =	vst v17;
	v17 =	vmul.f32 v58, v59  }
0x127: {  	[tilespmem:$0xF770] =	vst v28;
	v32 =	vmul.f32 v60, v59;
	v33 =	vld [tilespmem:$0xF7E0]  }
0x128: {  	v34 =	vld [tilespmem:$0xF7F0];
	[tilespmem:$0xF780] =	vst v17;
	v17 =	vmul.f32 v62, v30  }
0x129: {  	v36 =	vld [tilespmem:$0xF800];
	[tilespmem:$0xF790] =	vst v32;
	v35 =	vmul.f32 v63, v30  }
0x12a: {  	v37 =	vperm.xlane v16, v6;
	v38 =	vld [tilespmem:$0xF810];
	[tilespmem:$0xF7A0] =	vst v17;
	v17 =	vmul.f32 v29, v30  }
0x12b: {  	v40 =	vld [tilespmem:$0xF820];
	v39 =	vmul.f32 v31, v30;
	[tilespmem:$0xF7B0] =	vst v35  }
0x12c: {  	v41 =	vld [tilespmem:$0xF830];
	[tilespmem:$0xF7C0] =	vst v17;
	v17 =	vmul.f32 v33, v37  }
0x12d: {  	v43 =	vld [tilespmem:$0xF840];
	[tilespmem:$0xF7D0] =	vst v39;
	v42 =	vmul.f32 v34, v37  }
0x12e: {  	v44 =	vperm.xlane v16, v7;
	v45 =	vld [tilespmem:$0xF850];
	[tilespmem:$0xF7E0] =	vst v17;
	v17 =	vmul.f32 v36, v37  }
0x12f: {  	v47 =	vld [tilespmem:$0xF860];
	[tilespmem:$0xF7F0] =	vst v42;
	v46 =	vmul.f32 v38, v37  }
0x130: {  	v48 =	vld [tilespmem:$0xF870];
	[tilespmem:$0xF800] =	vst v17;
	v17 =	vmul.f32 v40, v44  }
0x131: {  	v50 =	vld [tilespmem:$0xF880];
	[tilespmem:$0xF810] =	vst v46;
	v49 =	vmul.f32 v41, v44  }
0x132: {  	v51 =	vperm.xlane v16, v8;
	v52 =	vld [tilespmem:$0xF890];
	[tilespmem:$0xF820] =	vst v17;
	v17 =	vmul.f32 v43, v44  }
0x133: {  	v54 =	vld [tilespmem:$0xF8A0];
	[tilespmem:$0xF830] =	vst v49;
	v53 =	vmul.f32 v45, v44  }
0x134: {  	v55 =	vld [tilespmem:$0xF8B0];
	[tilespmem:$0xF840] =	vst v17;
	v17 =	vmul.f32 v47, v51  }
0x135: {  	v57 =	vld [tilespmem:$0xF8C0];
	[tilespmem:$0xF850] =	vst v53;
	v56 =	vmul.f32 v48, v51  }
0x136: {  	v58 =	vperm.xlane v16, v9;
	v59 =	vld [tilespmem:$0xF8D0];
	[tilespmem:$0xF860] =	vst v17;
	v17 =	vmul.f32 v50, v51  }
0x137: {  	v61 =	vld [tilespmem:$0xF8E0];
	[tilespmem:$0xF870] =	vst v56;
	v60 =	vmul.f32 v52, v51  }
0x138: {  	v62 =	vld [tilespmem:$0xF8F0];
	[tilespmem:$0xF880] =	vst v17;
	v17 =	vmul.f32 v54, v58  }
0x139: {  	v28 =	vld [tilespmem:$0xF900];
	[tilespmem:$0xF890] =	vst v60;
	v63 =	vmul.f32 v55, v58  }
0x13a: {  	v29 =	vperm.xlane v16, v10;
	v30 =	vld [tilespmem:$0xF910];
	[tilespmem:$0xF8A0] =	vst v17;
	v17 =	vmul.f32 v57, v58  }
0x13b: {  	v32 =	vld [tilespmem:$0xF920];
	[tilespmem:$0xF8B0] =	vst v63;
	v31 =	vmul.f32 v59, v58  }
0x13c: {  	v33 =	vld [tilespmem:$0xF930];
	[tilespmem:$0xF8C0] =	vst v17;
	v17 =	vmul.f32 v61, v29  }
0x13d: {  	v35 =	vld [tilespmem:$0xF940];
	[tilespmem:$0xF8D0] =	vst v31;
	v34 =	vmul.f32 v62, v29  }
0x13e: {  	v36 =	vperm.xlane v16, v11;
	v37 =	vld [tilespmem:$0xF950];
	[tilespmem:$0xF8E0] =	vst v17;
	v17 =	vmul.f32 v28, v29  }
0x13f: {  	v39 =	vld [tilespmem:$0xF960];
	[tilespmem:$0xF8F0] =	vst v34;
	v38 =	vmul.f32 v30, v29  }
0x140: {  	v40 =	vld [tilespmem:$0xF970];
	[tilespmem:$0xF900] =	vst v17;
	v17 =	vmul.f32 v32, v36  }
0x141: {  	v42 =	vld [tilespmem:$0xF980];
	[tilespmem:$0xF910] =	vst v38;
	v41 =	vmul.f32 v33, v36  }
0x142: {  	v43 =	vperm.xlane v16, v12;
	v44 =	vld [tilespmem:$0xF990];
	[tilespmem:$0xF920] =	vst v17;
	v17 =	vmul.f32 v35, v36  }
0x143: {  	v46 =	vld [tilespmem:$0xF9A0];
	[tilespmem:$0xF930] =	vst v41;
	v45 =	vmul.f32 v37, v36  }
0x144: {  	v47 =	vld [tilespmem:$0xF9B0];
	[tilespmem:$0xF940] =	vst v17;
	v17 =	vmul.f32 v39, v43  }
0x145: {  	v49 =	vld [tilespmem:$0xF9C0];
	[tilespmem:$0xF950] =	vst v45;
	v48 =	vmul.f32 v40, v43  }
0x146: {  	v50 =	vperm.xlane v16, v13;
	v51 =	vld [tilespmem:$0xF9D0];
	[tilespmem:$0xF960] =	vst v17;
	v17 =	vmul.f32 v42, v43  }
0x147: {  	v53 =	vld [tilespmem:$0xF9E0];
	[tilespmem:$0xF970] =	vst v48;
	v52 =	vmul.f32 v44, v43  }
0x148: {  	v54 =	vld [tilespmem:$0xF9F0];
	[tilespmem:$0xF980] =	vst v17;
	v17 =	vmul.f32 v46, v50  }
0x149: {  	v56 =	vld [tilespmem:$0xFA00];
	[tilespmem:$0xF990] =	vst v52;
	v55 =	vmul.f32 v47, v50  }
0x14a: {  	v57 =	vperm.xlane v16, v14;
	v58 =	vld [tilespmem:$0xFA10];
	[tilespmem:$0xF9A0] =	vst v17;
	v17 =	vmul.f32 v49, v50  }
0x14b: {  	v60 =	vld [tilespmem:$0xFA20];
	[tilespmem:$0xF9B0] =	vst v55;
	v59 =	vmul.f32 v51, v50  }
0x14c: {  	v61 =	vld [tilespmem:$0xFA30];
	[tilespmem:$0xF9C0] =	vst v17;
	v17 =	vmul.f32 v53, v57  }
0x14d: {  	v63 =	vld [tilespmem:$0xFA40];
	[tilespmem:$0xF9D0] =	vst v59;
	v62 =	vmul.f32 v54, v57  }
0x14e: {  	v25 =	vld [tilespmem:$0xFA50];
	v16 =	vperm.xlane v16, v15;
	[tilespmem:$0xF9E0] =	vst v17;
	v17 =	vmul.f32 v56, v57  }
0x14f: {  	[tilespmem:$0xF9F0] =	vst v62;
	v26 =	vmul.f32 v58, v57  }
0x150: {  	[tilespmem:$0xFA00] =	vst v17;
	v17 =	vmul.f32 v60, v16  }
0x151: {  	[tilespmem:$0xFA10] =	vst v26;
	v27 =	vmul.f32 v61, v16  }
0x152: {  	[tilespmem:$0xFA20] =	vst v17;
	v17 =	vmul.f32 v63, v16  }
0x153: {  	[tilespmem:$0xFA30] =	vst v27;
	v16 =	vmul.f32 v25, v16  }
0x154: {  	[tilespmem:$0xFA40] =	vst v17  }
0x155: {  	[tilespmem:$0xFA50] =	vst v16  }
0x156: {  	v16 =	vld [tilespmem:s24+$0x9C80];
	_ =	sdelay $0x1  }
0x157: {  	v17 =	vld [tilespmem:$0xFA60]  }
0x158: {  	v28 =	vld [tilespmem:$0xFA70]  }
0x159: {  	v29 =	vld [tilespmem:$0xFA80]  }
0x15a: {  	v31 =	vld [tilespmem:$0xFA90];
	v30 =	vperm.xlane v16, v0  }
0x15b: {  	v32 =	vld [tilespmem:$0xFAA0]  }
0x15c: {  	v33 =	vld [tilespmem:$0xFAB0];
	v17 =	vmul.f32 v17, v30  }
0x15d: {  	v34 =	vld [tilespmem:$0xFAC0];
	v18 =	vmul.f32 v28, v30  }
0x15e: {  	v36 =	vld [tilespmem:$0xFAD0];
	v35 =	vperm.xlane v16, v1;
	[tilespmem:$0xFA60] =	vst v17;
	v17 =	vmul.f32 v29, v30  }
0x15f: {  	v38 =	vld [tilespmem:$0xFAE0];
	v37 =	vmul.f32 v31, v30;
	[tilespmem:$0xFA70] =	vst v18  }
0x160: {  	v39 =	vld [tilespmem:$0xFAF0];
	[tilespmem:$0xFA80] =	vst v17;
	v17 =	vmul.f32 v32, v35  }
0x161: {  	v41 =	vld [tilespmem:$0xFB00];
	v40 =	vmul.f32 v33, v35;
	[tilespmem:$0xFA90] =	vst v37  }
0x162: {  	v43 =	vld [tilespmem:$0xFB10];
	v42 =	vperm.xlane v16, v2;
	[tilespmem:$0xFAA0] =	vst v17;
	v17 =	vmul.f32 v34, v35  }
0x163: {  	v45 =	vld [tilespmem:$0xFB20];
	v44 =	vmul.f32 v36, v35;
	[tilespmem:$0xFAB0] =	vst v40  }
0x164: {  	v46 =	vld [tilespmem:$0xFB30];
	[tilespmem:$0xFAC0] =	vst v17;
	v17 =	vmul.f32 v38, v42  }
0x165: {  	v48 =	vld [tilespmem:$0xFB40];
	v47 =	vmul.f32 v39, v42;
	[tilespmem:$0xFAD0] =	vst v44  }
0x166: {  	v50 =	vld [tilespmem:$0xFB50];
	v49 =	vperm.xlane v16, v3;
	[tilespmem:$0xFAE0] =	vst v17;
	v17 =	vmul.f32 v41, v42  }
0x167: {  	v52 =	vld [tilespmem:$0xFB60];
	v51 =	vmul.f32 v43, v42;
	[tilespmem:$0xFAF0] =	vst v47  }
0x168: {  	v53 =	vld [tilespmem:$0xFB70];
	[tilespmem:$0xFB00] =	vst v17;
	v17 =	vmul.f32 v45, v49  }
0x169: {  	v55 =	vld [tilespmem:$0xFB80];
	v54 =	vmul.f32 v46, v49;
	[tilespmem:$0xFB10] =	vst v51  }
0x16a: {  	v57 =	vld [tilespmem:$0xFB90];
	v56 =	vperm.xlane v16, v4;
	[tilespmem:$0xFB20] =	vst v17;
	v17 =	vmul.f32 v48, v49  }
0x16b: {  	v59 =	vld [tilespmem:$0xFBA0];
	v58 =	vmul.f32 v50, v49;
	[tilespmem:$0xFB30] =	vst v54  }
0x16c: {  	v60 =	vld [tilespmem:$0xFBB0];
	[tilespmem:$0xFB40] =	vst v17;
	v17 =	vmul.f32 v52, v56  }
0x16d: {  	v62 =	vld [tilespmem:$0xFBC0];
	v61 =	vmul.f32 v53, v56;
	[tilespmem:$0xFB50] =	vst v58  }
0x16e: {  	v63 =	vperm.xlane v16, v5;
	v28 =	vld [tilespmem:$0xFBD0];
	[tilespmem:$0xFB60] =	vst v17;
	v17 =	vmul.f32 v55, v56  }
0x16f: {  	[tilespmem:$0xFB70] =	vst v61;
	v29 =	vmul.f32 v57, v56;
	v30 =	vld [tilespmem:$0xFBE0]  }
0x170: {  	v31 =	vld [tilespmem:$0xFBF0];
	[tilespmem:$0xFB80] =	vst v17;
	v17 =	vmul.f32 v59, v63  }
0x171: {  	v33 =	vld [tilespmem:$0xFC00];
	[tilespmem:$0xFB90] =	vst v29;
	v32 =	vmul.f32 v60, v63  }
0x172: {  	v34 =	vperm.xlane v16, v6;
	v35 =	vld [tilespmem:$0xFC10];
	[tilespmem:$0xFBA0] =	vst v17;
	v17 =	vmul.f32 v62, v63  }
0x173: {  	v37 =	vld [tilespmem:$0xFC20];
	v36 =	vmul.f32 v28, v63;
	[tilespmem:$0xFBB0] =	vst v32  }
0x174: {  	v38 =	vld [tilespmem:$0xFC30];
	[tilespmem:$0xFBC0] =	vst v17;
	v17 =	vmul.f32 v30, v34  }
0x175: {  	v40 =	vld [tilespmem:$0xFC40];
	[tilespmem:$0xFBD0] =	vst v36;
	v39 =	vmul.f32 v31, v34  }
0x176: {  	v41 =	vperm.xlane v16, v7;
	v42 =	vld [tilespmem:$0xFC50];
	[tilespmem:$0xFBE0] =	vst v17;
	v17 =	vmul.f32 v33, v34  }
0x177: {  	v44 =	vld [tilespmem:$0xFC60];
	[tilespmem:$0xFBF0] =	vst v39;
	v43 =	vmul.f32 v35, v34  }
0x178: {  	v45 =	vld [tilespmem:$0xFC70];
	[tilespmem:$0xFC00] =	vst v17;
	v17 =	vmul.f32 v37, v41  }
0x179: {  	v47 =	vld [tilespmem:$0xFC80];
	[tilespmem:$0xFC10] =	vst v43;
	v46 =	vmul.f32 v38, v41  }
0x17a: {  	v48 =	vperm.xlane v16, v8;
	v49 =	vld [tilespmem:$0xFC90];
	[tilespmem:$0xFC20] =	vst v17;
	v17 =	vmul.f32 v40, v41  }
0x17b: {  	v51 =	vld [tilespmem:$0xFCA0];
	[tilespmem:$0xFC30] =	vst v46;
	v50 =	vmul.f32 v42, v41  }
0x17c: {  	v52 =	vld [tilespmem:$0xFCB0];
	[tilespmem:$0xFC40] =	vst v17;
	v17 =	vmul.f32 v44, v48  }
0x17d: {  	v54 =	vld [tilespmem:$0xFCC0];
	[tilespmem:$0xFC50] =	vst v50;
	v53 =	vmul.f32 v45, v48  }
0x17e: {  	v55 =	vperm.xlane v16, v9;
	v56 =	vld [tilespmem:$0xFCD0];
	[tilespmem:$0xFC60] =	vst v17;
	v17 =	vmul.f32 v47, v48  }
0x17f: {  	v58 =	vld [tilespmem:$0xFCE0];
	[tilespmem:$0xFC70] =	vst v53;
	v57 =	vmul.f32 v49, v48  }
0x180: {  	v59 =	vld [tilespmem:$0xFCF0];
	[tilespmem:$0xFC80] =	vst v17;
	v17 =	vmul.f32 v51, v55  }
0x181: {  	v61 =	vld [tilespmem:$0xFD00];
	[tilespmem:$0xFC90] =	vst v57;
	v60 =	vmul.f32 v52, v55  }
0x182: {  	v62 =	vperm.xlane v16, v10;
	v63 =	vld [tilespmem:$0xFD10];
	[tilespmem:$0xFCA0] =	vst v17;
	v17 =	vmul.f32 v54, v55  }
0x183: {  	v29 =	vld [tilespmem:$0xFD20];
	[tilespmem:$0xFCB0] =	vst v60;
	v28 =	vmul.f32 v56, v55  }
0x184: {  	v30 =	vld [tilespmem:$0xFD30];
	[tilespmem:$0xFCC0] =	vst v17;
	v17 =	vmul.f32 v58, v62  }
0x185: {  	v32 =	vld [tilespmem:$0xFD40];
	[tilespmem:$0xFCD0] =	vst v28;
	v31 =	vmul.f32 v59, v62  }
0x186: {  	v33 =	vperm.xlane v16, v11;
	v34 =	vld [tilespmem:$0xFD50];
	[tilespmem:$0xFCE0] =	vst v17;
	v17 =	vmul.f32 v61, v62  }
0x187: {  	v36 =	vld [tilespmem:$0xFD60];
	[tilespmem:$0xFCF0] =	vst v31;
	v35 =	vmul.f32 v63, v62  }
0x188: {  	v37 =	vld [tilespmem:$0xFD70];
	[tilespmem:$0xFD00] =	vst v17;
	v17 =	vmul.f32 v29, v33  }
0x189: {  	v39 =	vld [tilespmem:$0xFD80];
	[tilespmem:$0xFD10] =	vst v35;
	v38 =	vmul.f32 v30, v33  }
0x18a: {  	v40 =	vperm.xlane v16, v12;
	v41 =	vld [tilespmem:$0xFD90];
	[tilespmem:$0xFD20] =	vst v17;
	v17 =	vmul.f32 v32, v33  }
0x18b: {  	v43 =	vld [tilespmem:$0xFDA0];
	[tilespmem:$0xFD30] =	vst v38;
	v42 =	vmul.f32 v34, v33  }
0x18c: {  	v44 =	vld [tilespmem:$0xFDB0];
	[tilespmem:$0xFD40] =	vst v17;
	v17 =	vmul.f32 v36, v40  }
0x18d: {  	v46 =	vld [tilespmem:$0xFDC0];
	[tilespmem:$0xFD50] =	vst v42;
	v45 =	vmul.f32 v37, v40  }
0x18e: {  	v47 =	vperm.xlane v16, v13;
	v48 =	vld [tilespmem:$0xFDD0];
	[tilespmem:$0xFD60] =	vst v17;
	v17 =	vmul.f32 v39, v40  }
0x18f: {  	v50 =	vld [tilespmem:$0xFDE0];
	[tilespmem:$0xFD70] =	vst v45;
	v49 =	vmul.f32 v41, v40  }
0x190: {  	v51 =	vld [tilespmem:$0xFDF0];
	[tilespmem:$0xFD80] =	vst v17;
	v17 =	vmul.f32 v43, v47  }
0x191: {  	v53 =	vld [tilespmem:$0xFE00];
	[tilespmem:$0xFD90] =	vst v49;
	v52 =	vmul.f32 v44, v47  }
0x192: {  	v54 =	vperm.xlane v16, v14;
	v55 =	vld [tilespmem:$0xFE10];
	[tilespmem:$0xFDA0] =	vst v17;
	v17 =	vmul.f32 v46, v47  }
0x193: {  	v57 =	vld [tilespmem:$0xFE20];
	[tilespmem:$0xFDB0] =	vst v52;
	v56 =	vmul.f32 v48, v47  }
0x194: {  	v58 =	vld [tilespmem:$0xFE30];
	[tilespmem:$0xFDC0] =	vst v17;
	v17 =	vmul.f32 v50, v54  }
0x195: {  	v60 =	vld [tilespmem:$0xFE40];
	[tilespmem:$0xFDD0] =	vst v56;
	v59 =	vmul.f32 v51, v54  }
0x196: {  	v16 =	vperm.xlane v16, v15;
	v61 =	vld [tilespmem:$0xFE50];
	[tilespmem:$0xFDE0] =	vst v17;
	v17 =	vmul.f32 v53, v54  }
0x197: {  	[tilespmem:$0xFDF0] =	vst v59;
	v62 =	vmul.f32 v55, v54  }
0x198: {  	[tilespmem:$0xFE00] =	vst v17;
	v17 =	vmul.f32 v57, v16  }
0x199: {  	[tilespmem:$0xFE10] =	vst v62;
	v63 =	vmul.f32 v58, v16  }
0x19a: {  	[tilespmem:$0xFE20] =	vst v17;
	v17 =	vmul.f32 v60, v16  }
0x19b: {  	[tilespmem:$0xFE30] =	vst v63;
	v16 =	vmul.f32 v61, v16  }
0x19c: {  	[tilespmem:$0xFE40] =	vst v17  }
0x19d: {  	s25 =	sadd.s32 $0x4E20, s24;
	[tilespmem:$0xFE50] =	vst v16  }
0x19e: {  	[spmem:s2] =	stream.indirect.scatter.add.f32 [tilespmem:s21], [sflag:$0x1], $0x40, s25, s20, $0xb8;
	[tilespmem:$0x1A0E0] =	vst v63  }
0x19f: {  	_ =	swait.ge [sflag:s16], $0x1400  }
0x1a0: {  	p0 =	sne.s32 s23, $0x13740;
	[sflag:s16] =	ssyncset.done $0x0  }
.Ltmp0:
0x1a1: {  	s24 =	sadd.s32 $0x9C40, s24;
	[sflag:s16] =	ssyncadd.s32 $0xFFFFEC00;
	(pc) =	sbr.rel @p0 .LBB2_2-.Ltmp0, $4  }
0x1a2: {  	[spmem:s3] =	stream.indirect.scatter.add.f32 [tilespmem:s24], [sflag:$0x1], $0x1, s25, s20, $0xb8;
	[tilespmem:$0x1A0E0] =	vst v63  }
0x1a3: {  	_ =	swait.ge [sflag:s16], $0x50  }
0x1a4: {  	[sflag:s16] =	ssyncset.done $0x0  }
0x1a5: {  	s23 =	sadd.s32 $0x140, s23;
	[sflag:s16] =	ssyncadd.s32 $0xFFFFFFB0  }
0x1a6: {  	[bflag:$0x0] =	sbarrier.arrive $0xFFFF  }
0x1a7: {  	[hbm:s12], [sflag:s7] =	dma.local [spmem:s15], $0x1400  }
0x1a8: {  	s22 =	sadd.s32 $0x1, s22;
	_ =	swait.ge [sflag:s16], $0x1400  }
0x1a9: {  	p0 =	sne.s32 s22, s14;
	[sflag:s16] =	ssyncset.done $0x0  }
.Ltmp1:
0x1aa: {  	[sflag:s16] =	ssyncadd.s32 $0xFFFFEC00;
	(pc) =	sbr.rel @p0 .LBB2_1-.Ltmp1, $4  }
0x1ab: {  	[hbm:s13], [sflag:s7] =	dma.local [spmem:s17], $0x50  }
0x1ac: {  	_ =	swait.ge [sflag:s16], $0x50  }
0x1ad: {  	[sflag:s16] =	ssyncset.done $0x0  }
0x1ae: {  	[sflag:s16] =	ssyncadd.s32 $0xFFFFFFB0  }
0x1af: {  	_ =	sfence.sel $0x180000  }
0x1b0: {  	[bflag:$0x0] =	sbarrier.arrive $0xFFFF  }
0x1b1: {  	p0 =	sne.s32 s0, $0x0;
	_ =	strace $0x90000047  }
0x1b2: {  	s0 =	sadd.s32 @!p0 $0x100000, s1;
	[bflag:$0x2] =	sbarrier.arrive $0xFFFF  }
0x1b3: {  	[sflag:s0] =	ssyncadd.tile.s32 @!p0 $0x1;
	_ =	shalt  }
.Lfunc_end2:
_tile_overlayer_lowered:
.L_overlay_start_2:
0x1b4: {  	(tag) =	ssettag $0x2  }
0x1b5: {  	s0 =	rddreg [dreg:$0x0];
	s2 =	stileid.u32  }
0x1b6: {  	s1 =	rddreg [dreg:$0x1];
	p0 =	sne.s32 s2, $0x0  }
0x1b7: {  	s3 =	rddreg [dreg:$0x2];
	[bflag:$0x3] =	sbarrier.arrive $0xFFFF;
	s2 =	simm.s32 @!p0 $0x1C01  }
0x1b8: {  	[timem:s3], [sflag:s2] =	dma.local @!p0 [hbm:s0], s1  }
0x1b9: {  	s0 =	simm.s32 @!p0 $0x1  }
0x1ba: {  	_ =	swait.ge @!p0 [sflag:s0], s1  }
0x1bb: {  	s1 =	ssub.s32 @!p0 $0x0, s1;
	[sflag:s0] =	ssyncset.done @!p0 $0x0  }
0x1bc: {  	[sflag:s0] =	ssyncadd.s32 @!p0 s1  }
0x1bd: {  	[bflag:$0x3] =	sbarrier.arrive $0xFFFF  }
0x1be: {  	_ =	shalt  }

</sc_bundles>
